<compile_context>
chip_gen: v7x
topology: tpu7x:2x2x1
jax: 0.10.2.dev20260603
libtpu: 0.0.44.dev20260713+nightly
codegen_flags: <defaults>
</compile_context>

<pallas_src>
import functools

import jax
import jax.numpy as jnp
from jax import lax
from jax.experimental import pallas as pl
from jax.experimental.pallas import tpu as pltpu
from jax.experimental.pallas import tpu_sc as plsc

_B, _S, _H = 4, 8192, 2048
_CHUNK = 256
_NSTEPS = _S // _CHUNK
_WPB = 8
_TPW = _S // _WPB
_L = 16


def _take16(a, idx):
    dn = lax.GatherDimensionNumbers(
        offset_dims=(), collapsed_slice_dims=(0,), start_index_map=(0,))
    return lax.gather(a, idx[:, None], dn, slice_sizes=(1,),
                      mode=lax.GatherScatterMode.PROMISE_IN_BOUNDS)


def _norm_kernel(x_ref, norms_ref):
    i = pl.program_id(0)
    x = x_ref[...]
    sumsq = jnp.sum(x * x, axis=-1)
    norms_ref[:, pl.ds(i * _CHUNK, _CHUNK)] = jnp.sqrt(sumsq)


def _tc_norms(hidden_states):
    return pl.pallas_call(
        _norm_kernel,
        grid=(_NSTEPS,),
        in_specs=[pl.BlockSpec((_B, _CHUNK, _H), lambda i: (0, i, 0))],
        out_specs=pl.BlockSpec((_B, _S), lambda i: (0, 0)),
        out_shape=jax.ShapeDtypeStruct((_B, _S), jnp.float32),
        compiler_params=pltpu.CompilerParams(
            dimension_semantics=("arbitrary",),
        ),
    )(hidden_states)


@functools.partial(
    pl.kernel,
    out_type=jax.ShapeDtypeStruct((_B, _S), jnp.int32),
    mesh=plsc.VectorSubcoreMesh(core_axis_name="c", subcore_axis_name="s"),
    scratch_types=[
        pltpu.VMEM((_S,), jnp.float32),
        pltpu.VMEM((_TPW,), jnp.int32),
    ],
)
def _sc_bin_kernel(norms_hbm, out_hbm, row_v, steps_v):
    cid = lax.axis_index("c")
    sid = lax.axis_index("s")
    wid = sid * 2 + cid
    b = wid // _WPB
    j = wid % _WPB
    base = j * _TPW
    pltpu.sync_copy(norms_hbm.at[b], row_v)

    mn = row_v[pl.ds(0, _L)]
    mx = mn
    for k in range(1, _S // _L):
        v = row_v[pl.ds(k * _L, _L)]
        mn = jnp.minimum(mn, v)
        mx = jnp.maximum(mx, v)
    lane = lax.iota(jnp.int32, _L)
    for sh in (8, 4, 2, 1):
        perm = jnp.bitwise_xor(lane, sh)
        mn = jnp.minimum(mn, _take16(mn, perm))
        mx = jnp.maximum(mx, _take16(mx, perm))
    rng = mx - mn + jnp.float32(1e-08)

    for k in range(_TPW // _L):
        v = row_v[pl.ds(base + k * _L, _L)]
        normalized = (v - mn) / rng
        idx = (normalized * jnp.float32(4 - 1e-06)).astype(jnp.int32)
        idx = jnp.clip(idx, 0, 3)
        steps_v[pl.ds(k * _L, _L)] = jnp.left_shift(jnp.int32(1), idx)
    pltpu.sync_copy(steps_v, out_hbm.at[b, pl.ds(base, _TPW)])


@jax.jit
def kernel(hidden_states):
    norms = _tc_norms(hidden_states)
    return _sc_bin_kernel(norms)

# --- scband reference (transcript-rebuilt; emitter-appended) ---
"""Pipeline reference for scband-heuristic-policy-base-11570641895795 (READ-ONLY COPY).

The authoritative reference and input builder live on the scoring server;
editing this copy changes nothing except your own understanding.
"""

import jax, jax.numpy as jnp
import numpy as np

STEP_OPTIONS = jnp.array([1, 2, 4, 8], dtype=jnp.int32)
NUM_OPTIONS = 4


def setup_inputs(seed: int = 0) -> dict:
    key = jax.random.key(seed)
    hidden_states = jax.random.normal(key, (4, 8192, 2048), dtype=jnp.float32)
    return {"hidden_states": hidden_states}


def compute_difficulty(hidden_states):
    # Base class leaves this abstract; standard heuristic used by subclasses:
    # per-token L2 norm of the hidden state as difficulty proxy.
    return jnp.linalg.norm(hidden_states, axis=-1)


def reference(hidden_states):
    # forward(hidden_states, return_probs=False, deterministic=True, pooling='none')
    difficulty = compute_difficulty(hidden_states)  # (batch, seq_len)
    # is_calibrated buffer is False at init -> per-batch min-max normalization branch
    diff_min = jnp.min(difficulty, axis=-1, keepdims=True)
    diff_max = jnp.max(difficulty, axis=-1, keepdims=True)
    diff_range = diff_max - diff_min + 1e-08
    normalized_difficulty = (difficulty - diff_min) / diff_range
    step_indices = (normalized_difficulty * (NUM_OPTIONS - 1e-06)).astype(jnp.int32)
    step_indices = jnp.clip(step_indices, 0, NUM_OPTIONS - 1)
    steps = STEP_OPTIONS[step_indices]  # gather / histogram binning into step buckets
    # pooling == 'none'; original returns (steps, None); we return steps
    return steps

if __name__ == "__main__":
    import jax
    _d = setup_inputs()
    print(jax.jit(kernel)(*tuple(_d.values())))

</pallas_src>

<mosaic_0001>
#map = affine_map<(d0, d1) -> (0, 0)>
module attributes {stable_mosaic.version = 14 : i64} {
  func.func @_sc_bin_kernel(%arg0: i32, %arg1: i32, %arg2: memref<4x8192xf32, #tpu.memory_space<hbm>>, %arg3: memref<4x8192xi32, #tpu.memory_space<hbm>>, %arg4: memref<8192xf32, #tpu.memory_space<vmem>>, %arg5: memref<1024xi32, #tpu.memory_space<vmem>>) attributes {dimension_semantics = [#tpu.dimension_semantics<core_parallel>, #tpu.dimension_semantics<subcore_parallel>], iteration_bounds = array<i64: 2, 16>, scalar_prefetch = 0 : i64, scratch_operands = 2 : i64, tpu.core_type = #tpu.core_type<sc_vector_subcore>, window_params = [{transform_indices = #map}, {transform_indices = #map}]} {
    %mul3A = arith.constant 2 : i32
    %mul3A_0 = arith.muli %arg1, %mul3A : i32
    %add3A = arith.addi %mul3A_0, %arg0 : i32
    %jit3A = arith.constant 8 : i32
    %div3A = arith.divsi %add3A, %jit3A : i32
    %sign3A = arith.constant 0 : i32
    %sign3A_1 = arith.cmpi sgt, %add3A, %sign3A : i32
    %sign3A_2 = arith.extui %sign3A_1 : i1 to i32
    %sign3A_3 = arith.constant 0 : i32
    %sign3A_4 = arith.cmpi slt, %add3A, %sign3A_3 : i32
    %sign3A_5 = arith.extui %sign3A_4 : i1 to i32
    %sign3A_6 = arith.subi %sign3A_2, %sign3A_5 : i32
    %sign3A_7 = arith.constant 0 : i32
    %sign3A_8 = arith.cmpi sgt, %jit3A, %sign3A_7 : i32
    %sign3A_9 = arith.extui %sign3A_8 : i1 to i32
    %sign3A_10 = arith.constant 0 : i32
    %sign3A_11 = arith.cmpi slt, %jit3A, %sign3A_10 : i32
    %sign3A_12 = arith.extui %sign3A_11 : i1 to i32
    %sign3A_13 = arith.subi %sign3A_9, %sign3A_12 : i32
    %ne3A = arith.cmpi ne, %sign3A_6, %sign3A_13 : i32
    %rem3A = arith.remsi %add3A, %jit3A : i32
    %ne3A_14 = arith.constant 0 : i32
    %ne3A_15 = arith.cmpi ne, %rem3A, %ne3A_14 : i32
    %and3A = arith.andi %ne3A, %ne3A_15 : i1
    %sub3A = arith.constant 1 : i32
    %sub3A_16 = arith.subi %div3A, %sub3A : i32
    %select_n3A = arith.select %and3A, %sub3A_16, %div3A : i32
    %jit3A_17 = arith.constant 8 : i32
    %eq3A = arith.constant 0 : i32
    %eq3A_18 = arith.cmpi eq, %jit3A_17, %eq3A : i32
    %jit3A_19 = arith.constant 1 : i32
    %select_n3A_20 = arith.select %eq3A_18, %jit3A_19, %jit3A_17 : i32
    %rem3A_21 = arith.remsi %add3A, %select_n3A_20 : i32
    %ne3A_22 = arith.constant 0 : i32
    %ne3A_23 = arith.cmpi ne, %rem3A_21, %ne3A_22 : i32
    %lt3A = arith.constant 0 : i32
    %lt3A_24 = arith.cmpi slt, %rem3A_21, %lt3A : i32
    %lt3A_25 = arith.constant 0 : i32
    %lt3A_26 = arith.cmpi slt, %select_n3A_20, %lt3A_25 : i32
    %ne3A_27 = arith.xori %lt3A_24, %lt3A_26 : i1
    %and3A_28 = arith.andi %ne3A_27, %ne3A_23 : i1
    %add3A_29 = arith.addi %rem3A_21, %select_n3A_20 : i32
    %select_n3A_30 = arith.select %and3A_28, %add3A_29, %rem3A_21 : i32
    %mul3A_31 = arith.constant 1024 : i32
    %mul3A_32 = arith.muli %select_n3A_30, %mul3A_31 : i32
    "tpu.region"() ({
      %run_scoped3A = tpu.sem_alloc : memref<!tpu.dma_semaphore, #tpu.memory_space<semaphore_mem>>
      %dma_start3A = arith.constant 0 : i32
      %dma_start3A_4166 = tpu.memref_slice %arg2[%select_n3A, %dma_start3A] : memref<4x8192xf32, #tpu.memory_space<hbm>> -> memref<1x8192xf32, #tpu.memory_space<hbm>>
      %dma_start3A_4167 = tpu.memref_squeeze %dma_start3A_4166 : memref<1x8192xf32, #tpu.memory_space<hbm>> -> memref<8192xf32, #tpu.memory_space<hbm>>
      %dma_start3A_4168 = arith.constant 0 : i32
      %dma_start3A_4169 = tpu.memref_slice %arg2[%select_n3A, %dma_start3A_4168] : memref<4x8192xf32, #tpu.memory_space<hbm>> -> memref<1x8192xf32, #tpu.memory_space<hbm>>
      %dma_start3A_4170 = tpu.memref_squeeze %dma_start3A_4169 : memref<1x8192xf32, #tpu.memory_space<hbm>> -> memref<8192xf32, #tpu.memory_space<hbm>>
      tpu.enqueue_dma source(%dma_start3A_4170 : memref<8192xf32, #tpu.memory_space<hbm>>) target(%arg4 : memref<8192xf32, #tpu.memory_space<vmem>>) target_semaphore(%run_scoped3A : memref<!tpu.dma_semaphore, #tpu.memory_space<semaphore_mem>>)
      %dma_wait3A = arith.constant 0 : i32
      %dma_wait3A_4171 = tpu.memref_slice %arg2[%select_n3A, %dma_wait3A] : memref<4x8192xf32, #tpu.memory_space<hbm>> -> memref<1x8192xf32, #tpu.memory_space<hbm>>
      %dma_wait3A_4172 = tpu.memref_squeeze %dma_wait3A_4171 : memref<1x8192xf32, #tpu.memory_space<hbm>> -> memref<8192xf32, #tpu.memory_space<hbm>>
      %dma_wait3A_4173 = arith.constant 0 : i32
      %dma_wait3A_4174 = tpu.memref_slice %arg2[%select_n3A, %dma_wait3A_4173] : memref<4x8192xf32, #tpu.memory_space<hbm>> -> memref<1x8192xf32, #tpu.memory_space<hbm>>
      %dma_wait3A_4175 = tpu.memref_squeeze %dma_wait3A_4174 : memref<1x8192xf32, #tpu.memory_space<hbm>> -> memref<8192xf32, #tpu.memory_space<hbm>>
      tpu.wait_dma2 semaphore(%run_scoped3A : memref<!tpu.dma_semaphore, #tpu.memory_space<semaphore_mem>>) src(%dma_wait3A_4175 : memref<8192xf32, #tpu.memory_space<hbm>>) dst(%arg4 : memref<8192xf32, #tpu.memory_space<vmem>>)
      tpu.yield
    }) : () -> ()
    %get3A = arith.constant 0 : index
    %get3A_33 = tpu.vector_load %arg4[%get3A] {strides = array<i32>} : memref<8192xf32, #tpu.memory_space<vmem>>, vector<16xf32>,
    %get3A_34 = vector.shape_cast %get3A_33 : vector<16xf32> to vector<16xf32>
    %get3A_35 = arith.constant 16 : index
    %get3A_36 = tpu.vector_load %arg4[%get3A_35] {strides = array<i32>} : memref<8192xf32, #tpu.memory_space<vmem>>, vector<16xf32>,
    %get3A_37 = vector.shape_cast %get3A_36 : vector<16xf32> to vector<16xf32>
    %min3A = arith.minimumf %get3A_34, %get3A_37 : vector<16xf32>
    %max3A = arith.maximumf %get3A_34, %get3A_37 : vector<16xf32>
    %get3A_38 = arith.constant 32 : index
    %get3A_39 = tpu.vector_load %arg4[%get3A_38] {strides = array<i32>} : memref<8192xf32, #tpu.memory_space<vmem>>, vector<16xf32>,
    %get3A_40 = vector.shape_cast %get3A_39 : vector<16xf32> to vector<16xf32>
    %min3A_41 = arith.minimumf %min3A, %get3A_40 : vector<16xf32>
    %max3A_42 = arith.maximumf %max3A, %get3A_40 : vector<16xf32>
    %get3A_43 = arith.constant 48 : index
    %get3A_44 = tpu.vector_load %arg4[%get3A_43] {strides = array<i32>} : memref<8192xf32, #tpu.memory_space<vmem>>, vector<16xf32>,
    %get3A_45 = vector.shape_cast %get3A_44 : vector<16xf32> to vector<16xf32>
    %min3A_46 = arith.minimumf %min3A_41, %get3A_45 : vector<16xf32>
    %max3A_47 = arith.maximumf %max3A_42, %get3A_45 : vector<16xf32>
    %get3A_48 = arith.constant 64 : index
    %get3A_49 = tpu.vector_load %arg4[%get3A_48] {strides = array<i32>} : memref<8192xf32, #tpu.memory_space<vmem>>, vector<16xf32>,
    %get3A_50 = vector.shape_cast %get3A_49 : vector<16xf32> to vector<16xf32>
    %min3A_51 = arith.minimumf %min3A_46, %get3A_50 : vector<16xf32>
    %max3A_52 = arith.maximumf %max3A_47, %get3A_50 : vector<16xf32>
    %get3A_53 = arith.constant 80 : index
    %get3A_54 = tpu.vector_load %arg4[%get3A_53] {strides = array<i32>} : memref<8192xf32, #tpu.memory_space<vmem>>, vector<16xf32>,
    %get3A_55 = vector.shape_cast %get3A_54 : vector<16xf32> to vector<16xf32>
    %min3A_56 = arith.minimumf %min3A_51, %get3A_55 : vector<16xf32>
    %max3A_57 = arith.maximumf %max3A_52, %get3A_55 : vector<16xf32>
    %get3A_58 = arith.constant 96 : index
    %get3A_59 = tpu.vector_load %arg4[%get3A_58] {strides = array<i32>} : memref<8192xf32, #tpu.memory_space<vmem>>, vector<16xf32>,
    %get3A_60 = vector.shape_cast %get3A_59 : vector<16xf32> to vector<16xf32>
    %min3A_61 = arith.minimumf %min3A_56, %get3A_60 : vector<16xf32>
    %max3A_62 = arith.maximumf %max3A_57, %get3A_60 : vector<16xf32>
    %get3A_63 = arith.constant 112 : index
    %get3A_64 = tpu.vector_load %arg4[%get3A_63] {strides = array<i32>} : memref<8192xf32, #tpu.memory_space<vmem>>, vector<16xf32>,
    %get3A_65 = vector.shape_cast %get3A_64 : vector<16xf32> to vector<16xf32>
    %min3A_66 = arith.minimumf %min3A_61, %get3A_65 : vector<16xf32>
    %max3A_67 = arith.maximumf %max3A_62, %get3A_65 : vector<16xf32>
    %get3A_68 = arith.constant 128 : index
    %get3A_69 = tpu.vector_load %arg4[%get3A_68] {strides = array<i32>} : memref<8192xf32, #tpu.memory_space<vmem>>, vector<16xf32>,
    %get3A_70 = vector.shape_cast %get3A_69 : vector<16xf32> to vector<16xf32>
    %min3A_71 = arith.minimumf %min3A_66, %get3A_70 : vector<16xf32>
    %max3A_72 = arith.maximumf %max3A_67, %get3A_70 : vector<16xf32>
    %get3A_73 = arith.constant 144 : index
    %get3A_74 = tpu.vector_load %arg4[%get3A_73] {strides = array<i32>} : memref<8192xf32, #tpu.memory_space<vmem>>, vector<16xf32>,
    %get3A_75 = vector.shape_cast %get3A_74 : vector<16xf32> to vector<16xf32>
    %min3A_76 = arith.minimumf %min3A_71, %get3A_75 : vector<16xf32>
    %max3A_77 = arith.maximumf %max3A_72, %get3A_75 : vector<16xf32>
    %get3A_78 = arith.constant 160 : index
    %get3A_79 = tpu.vector_load %arg4[%get3A_78] {strides = array<i32>} : memref<8192xf32, #tpu.memory_space<vmem>>, vector<16xf32>,
    %get3A_80 = vector.shape_cast %get3A_79 : vector<16xf32> to vector<16xf32>
    %min3A_81 = arith.minimumf %min3A_76, %get3A_80 : vector<16xf32>
    %max3A_82 = arith.maximumf %max3A_77, %get3A_80 : vector<16xf32>
    %get3A_83 = arith.constant 176 : index
    %get3A_84 = tpu.vector_load %arg4[%get3A_83] {strides = array<i32>} : memref<8192xf32, #tpu.memory_space<vmem>>, vector<16xf32>,
    %get3A_85 = vector.shape_cast %get3A_84 : vector<16xf32> to vector<16xf32>
    %min3A_86 = arith.minimumf %min3A_81, %get3A_85 : vector<16xf32>
    %max3A_87 = arith.maximumf %max3A_82, %get3A_85 : vector<16xf32>
    %get3A_88 = arith.constant 192 : index
    %get3A_89 = tpu.vector_load %arg4[%get3A_88] {strides = array<i32>} : memref<8192xf32, #tpu.memory_space<vmem>>, vector<16xf32>,
    %get3A_90 = vector.shape_cast %get3A_89 : vector<16xf32> to vector<16xf32>
    %min3A_91 = arith.minimumf %min3A_86, %get3A_90 : vector<16xf32>
    %max3A_92 = arith.maximumf %max3A_87, %get3A_90 : vector<16xf32>
    %get3A_93 = arith.constant 208 : index
    %get3A_94 = tpu.vector_load %arg4[%get3A_93] {strides = array<i32>} : memref<8192xf32, #tpu.memory_space<vmem>>, vector<16xf32>,
    %get3A_95 = vector.shape_cast %get3A_94 : vector<16xf32> to vector<16xf32>
    %min3A_96 = arith.minimumf %min3A_91, %get3A_95 : vector<16xf32>
    %max3A_97 = arith.maximumf %max3A_92, %get3A_95 : vector<16xf32>
    %get3A_98 = arith.constant 224 : index
    %get3A_99 = tpu.vector_load %arg4[%get3A_98] {strides = array<i32>} : memref<8192xf32, #tpu.memory_space<vmem>>, vector<16xf32>,
    %get3A_100 = vector.shape_cast %get3A_99 : vector<16xf32> to vector<16xf32>
    %min3A_101 = arith.minimumf %min3A_96, %get3A_100 : vector<16xf32>
    %max3A_102 = arith.maximumf %max3A_97, %get3A_100 : vector<16xf32>
    %get3A_103 = arith.constant 240 : index
    %get3A_104 = tpu.vector_load %arg4[%get3A_103] {strides = array<i32>} : memref<8192xf32, #tpu.memory_space<vmem>>, vector<16xf32>,
    %get3A_105 = vector.shape_cast %get3A_104 : vector<16xf32> to vector<16xf32>
    %min3A_106 = arith.minimumf %min3A_101, %get3A_105 : vector<16xf32>
    %max3A_107 = arith.maximumf %max3A_102, %get3A_105 : vector<16xf32>
    %get3A_108 = arith.constant 256 : index
    %get3A_109 = tpu.vector_load %arg4[%get3A_108] {strides = array<i32>} : memref<8192xf32, #tpu.memory_space<vmem>>, vector<16xf32>,
    %get3A_110 = vector.shape_cast %get3A_109 : vector<16xf32> to vector<16xf32>
    %min3A_111 = arith.minimumf %min3A_106, %get3A_110 : vector<16xf32>
    %max3A_112 = arith.maximumf %max3A_107, %get3A_110 : vector<16xf32>
    %get3A_113 = arith.constant 272 : index
    %get3A_114 = tpu.vector_load %arg4[%get3A_113] {strides = array<i32>} : memref<8192xf32, #tpu.memory_space<vmem>>, vector<16xf32>,
    %get3A_115 = vector.shape_cast %get3A_114 : vector<16xf32> to vector<16xf32>
    %min3A_116 = arith.minimumf %min3A_111, %get3A_115 : vector<16xf32>
    %max3A_117 = arith.maximumf %max3A_112, %get3A_115 : vector<16xf32>
    %get3A_118 = arith.constant 288 : index
    %get3A_119 = tpu.vector_load %arg4[%get3A_118] {strides = array<i32>} : memref<8192xf32, #tpu.memory_space<vmem>>, vector<16xf32>,
    %get3A_120 = vector.shape_cast %get3A_119 : vector<16xf32> to vector<16xf32>
    %min3A_121 = arith.minimumf %min3A_116, %get3A_120 : vector<16xf32>
    %max3A_122 = arith.maximumf %max3A_117, %get3A_120 : vector<16xf32>
    %get3A_123 = arith.constant 304 : index
    %get3A_124 = tpu.vector_load %arg4[%get3A_123] {strides = array<i32>} : memref<8192xf32, #tpu.memory_space<vmem>>, vector<16xf32>,
    %get3A_125 = vector.shape_cast %get3A_124 : vector<16xf32> to vector<16xf32>
    %min3A_126 = arith.minimumf %min3A_121, %get3A_125 : vector<16xf32>
    %max3A_127 = arith.maximumf %max3A_122, %get3A_125 : vector<16xf32>
    %get3A_128 = arith.constant 320 : index
    %get3A_129 = tpu.vector_load %arg4[%get3A_128] {strides = array<i32>} : memref<8192xf32, #tpu.memory_space<vmem>>, vector<16xf32>,
    %get3A_130 = vector.shape_cast %get3A_129 : vector<16xf32> to vector<16xf32>
    %min3A_131 = arith.minimumf %min3A_126, %get3A_130 : vector<16xf32>
    %max3A_132 = arith.maximumf %max3A_127, %get3A_130 : vector<16xf32>
    %get3A_133 = arith.constant 336 : index
    %get3A_134 = tpu.vector_load %arg4[%get3A_133] {strides = array<i32>} : memref<8192xf32, #tpu.memory_space<vmem>>, vector<16xf32>,
    %get3A_135 = vector.shape_cast %get3A_134 : vector<16xf32> to vector<16xf32>
    %min3A_136 = arith.minimumf %min3A_131, %get3A_135 : vector<16xf32>
    %max3A_137 = arith.maximumf %max3A_132, %get3A_135 : vector<16xf32>
    %get3A_138 = arith.constant 352 : index
    %get3A_139 = tpu.vector_load %arg4[%get3A_138] {strides = array<i32>} : memref<8192xf32, #tpu.memory_space<vmem>>, vector<16xf32>,
    %get3A_140 = vector.shape_cast %get3A_139 : vector<16xf32> to vector<16xf32>
    %min3A_141 = arith.minimumf %min3A_136, %get3A_140 : vector<16xf32>
    %max3A_142 = arith.maximumf %max3A_137, %get3A_140 : vector<16xf32>
    %get3A_143 = arith.constant 368 : index
    %get3A_144 = tpu.vector_load %arg4[%get3A_143] {strides = array<i32>} : memref<8192xf32, #tpu.memory_space<vmem>>, vector<16xf32>,
    %get3A_145 = vector.shape_cast %get3A_144 : vector<16xf32> to vector<16xf32>
    %min3A_146 = arith.minimumf %min3A_141, %get3A_145 : vector<16xf32>
    %max3A_147 = arith.maximumf %max3A_142, %get3A_145 : vector<16xf32>
    %get3A_148 = arith.constant 384 : index
    %get3A_149 = tpu.vector_load %arg4[%get3A_148] {strides = array<i32>} : memref<8192xf32, #tpu.memory_space<vmem>>, vector<16xf32>,
    %get3A_150 = vector.shape_cast %get3A_149 : vector<16xf32> to vector<16xf32>
    %min3A_151 = arith.minimumf %min3A_146, %get3A_150 : vector<16xf32>
    %max3A_152 = arith.maximumf %max3A_147, %get3A_150 : vector<16xf32>
    %get3A_153 = arith.constant 400 : index
    %get3A_154 = tpu.vector_load %arg4[%get3A_153] {strides = array<i32>} : memref<8192xf32, #tpu.memory_space<vmem>>, vector<16xf32>,
    %get3A_155 = vector.shape_cast %get3A_154 : vector<16xf32> to vector<16xf32>
    %min3A_156 = arith.minimumf %min3A_151, %get3A_155 : vector<16xf32>
    %max3A_157 = arith.maximumf %max3A_152, %get3A_155 : vector<16xf32>
    %get3A_158 = arith.constant 416 : index
    %get3A_159 = tpu.vector_load %arg4[%get3A_158] {strides = array<i32>} : memref<8192xf32, #tpu.memory_space<vmem>>, vector<16xf32>,
    %get3A_160 = vector.shape_cast %get3A_159 : vector<16xf32> to vector<16xf32>
    %min3A_161 = arith.minimumf %min3A_156, %get3A_160 : vector<16xf32>
    %max3A_162 = arith.maximumf %max3A_157, %get3A_160 : vector<16xf32>
    %get3A_163 = arith.constant 432 : index
    %get3A_164 = tpu.vector_load %arg4[%get3A_163] {strides = array<i32>} : memref<8192xf32, #tpu.memory_space<vmem>>, vector<16xf32>,
    %get3A_165 = vector.shape_cast %get3A_164 : vector<16xf32> to vector<16xf32>
    %min3A_166 = arith.minimumf %min3A_161, %get3A_165 : vector<16xf32>
    %max3A_167 = arith.maximumf %max3A_162, %get3A_165 : vector<16xf32>
    %get3A_168 = arith.constant 448 : index
    %get3A_169 = tpu.vector_load %arg4[%get3A_168] {strides = array<i32>} : memref<8192xf32, #tpu.memory_space<vmem>>, vector<16xf32>,
    %get3A_170 = vector.shape_cast %get3A_169 : vector<16xf32> to vector<16xf32>
    %min3A_171 = arith.minimumf %min3A_166, %get3A_170 : vector<16xf32>
    %max3A_172 = arith.maximumf %max3A_167, %get3A_170 : vector<16xf32>
    %get3A_173 = arith.constant 464 : index
    %get3A_174 = tpu.vector_load %arg4[%get3A_173] {strides = array<i32>} : memref<8192xf32, #tpu.memory_space<vmem>>, vector<16xf32>,
    %get3A_175 = vector.shape_cast %get3A_174 : vector<16xf32> to vector<16xf32>
    %min3A_176 = arith.minimumf %min3A_171, %get3A_175 : vector<16xf32>
    %max3A_177 = arith.maximumf %max3A_172, %get3A_175 : vector<16xf32>
    %get3A_178 = arith.constant 480 : index
    %get3A_179 = tpu.vector_load %arg4[%get3A_178] {strides = array<i32>} : memref<8192xf32, #tpu.memory_space<vmem>>, vector<16xf32>,
    %get3A_180 = vector.shape_cast %get3A_179 : vector<16xf32> to vector<16xf32>
    %min3A_181 = arith.minimumf %min3A_176, %get3A_180 : vector<16xf32>
    %max3A_182 = arith.maximumf %max3A_177, %get3A_180 : vector<16xf32>
    %get3A_183 = arith.constant 496 : index
    %get3A_184 = tpu.vector_load %arg4[%get3A_183] {strides = array<i32>} : memref<8192xf32, #tpu.memory_space<vmem>>, vector<16xf32>,
    %get3A_185 = vector.shape_cast %get3A_184 : vector<16xf32> to vector<16xf32>
    %min3A_186 = arith.minimumf %min3A_181, %get3A_185 : vector<16xf32>
    %max3A_187 = arith.maximumf %max3A_182, %get3A_185 : vector<16xf32>
    %get3A_188 = arith.constant 512 : index
    %get3A_189 = tpu.vector_load %arg4[%get3A_188] {strides = array<i32>} : memref<8192xf32, #tpu.memory_space<vmem>>, vector<16xf32>,
    %get3A_190 = vector.shape_cast %get3A_189 : vector<16xf32> to vector<16xf32>
    %min3A_191 = arith.minimumf %min3A_186, %get3A_190 : vector<16xf32>
    %max3A_192 = arith.maximumf %max3A_187, %get3A_190 : vector<16xf32>
    %get3A_193 = arith.constant 528 : index
    %get3A_194 = tpu.vector_load %arg4[%get3A_193] {strides = array<i32>} : memref<8192xf32, #tpu.memory_space<vmem>>, vector<16xf32>,
    %get3A_195 = vector.shape_cast %get3A_194 : vector<16xf32> to vector<16xf32>
    %min3A_196 = arith.minimumf %min3A_191, %get3A_195 : vector<16xf32>
    %max3A_197 = arith.maximumf %max3A_192, %get3A_195 : vector<16xf32>
    %get3A_198 = arith.constant 544 : index
    %get3A_199 = tpu.vector_load %arg4[%get3A_198] {strides = array<i32>} : memref<8192xf32, #tpu.memory_space<vmem>>, vector<16xf32>,
    %get3A_200 = vector.shape_cast %get3A_199 : vector<16xf32> to vector<16xf32>
    %min3A_201 = arith.minimumf %min3A_196, %get3A_200 : vector<16xf32>
    %max3A_202 = arith.maximumf %max3A_197, %get3A_200 : vector<16xf32>
    %get3A_203 = arith.constant 560 : index
    %get3A_204 = tpu.vector_load %arg4[%get3A_203] {strides = array<i32>} : memref<8192xf32, #tpu.memory_space<vmem>>, vector<16xf32>,
    %get3A_205 = vector.shape_cast %get3A_204 : vector<16xf32> to vector<16xf32>
    %min3A_206 = arith.minimumf %min3A_201, %get3A_205 : vector<16xf32>
    %max3A_207 = arith.maximumf %max3A_202, %get3A_205 : vector<16xf32>
    %get3A_208 = arith.constant 576 : index
    %get3A_209 = tpu.vector_load %arg4[%get3A_208] {strides = array<i32>} : memref<8192xf32, #tpu.memory_space<vmem>>, vector<16xf32>,
    %get3A_210 = vector.shape_cast %get3A_209 : vector<16xf32> to vector<16xf32>
    %min3A_211 = arith.minimumf %min3A_206, %get3A_210 : vector<16xf32>
    %max3A_212 = arith.maximumf %max3A_207, %get3A_210 : vector<16xf32>
    %get3A_213 = arith.constant 592 : index
    %get3A_214 = tpu.vector_load %arg4[%get3A_213] {strides = array<i32>} : memref<8192xf32, #tpu.memory_space<vmem>>, vector<16xf32>,
    %get3A_215 = vector.shape_cast %get3A_214 : vector<16xf32> to vector<16xf32>
    %min3A_216 = arith.minimumf %min3A_211, %get3A_215 : vector<16xf32>
    %max3A_217 = arith.maximumf %max3A_212, %get3A_215 : vector<16xf32>
    %get3A_218 = arith.constant 608 : index
    %get3A_219 = tpu.vector_load %arg4[%get3A_218] {strides = array<i32>} : memref<8192xf32, #tpu.memory_space<vmem>>, vector<16xf32>,
    %get3A_220 = vector.shape_cast %get3A_219 : vector<16xf32> to vector<16xf32>
    %min3A_221 = arith.minimumf %min3A_216, %get3A_220 : vector<16xf32>
    %max3A_222 = arith.maximumf %max3A_217, %get3A_220 : vector<16xf32>
    %get3A_223 = arith.constant 624 : index
    %get3A_224 = tpu.vector_load %arg4[%get3A_223] {strides = array<i32>} : memref<8192xf32, #tpu.memory_space<vmem>>, vector<16xf32>,
    %get3A_225 = vector.shape_cast %get3A_224 : vector<16xf32> to vector<16xf32>
    %min3A_226 = arith.minimumf %min3A_221, %get3A_225 : vector<16xf32>
    %max3A_227 = arith.maximumf %max3A_222, %get3A_225 : vector<16xf32>
    %get3A_228 = arith.constant 640 : index
    %get3A_229 = tpu.vector_load %arg4[%get3A_228] {strides = array<i32>} : memref<8192xf32, #tpu.memory_space<vmem>>, vector<16xf32>,
    %get3A_230 = vector.shape_cast %get3A_229 : vector<16xf32> to vector<16xf32>
    %min3A_231 = arith.minimumf %min3A_226, %get3A_230 : vector<16xf32>
    %max3A_232 = arith.maximumf %max3A_227, %get3A_230 : vector<16xf32>
    %get3A_233 = arith.constant 656 : index
    %get3A_234 = tpu.vector_load %arg4[%get3A_233] {strides = array<i32>} : memref<8192xf32, #tpu.memory_space<vmem>>, vector<16xf32>,
    %get3A_235 = vector.shape_cast %get3A_234 : vector<16xf32> to vector<16xf32>
    %min3A_236 = arith.minimumf %min3A_231, %get3A_235 : vector<16xf32>
    %max3A_237 = arith.maximumf %max3A_232, %get3A_235 : vector<16xf32>
    %get3A_238 = arith.constant 672 : index
    %get3A_239 = tpu.vector_load %arg4[%get3A_238] {strides = array<i32>} : memref<8192xf32, #tpu.memory_space<vmem>>, vector<16xf32>,
    %get3A_240 = vector.shape_cast %get3A_239 : vector<16xf32> to vector<16xf32>
    %min3A_241 = arith.minimumf %min3A_236, %get3A_240 : vector<16xf32>
    %max3A_242 = arith.maximumf %max3A_237, %get3A_240 : vector<16xf32>
    %get3A_243 = arith.constant 688 : index
    %get3A_244 = tpu.vector_load %arg4[%get3A_243] {strides = array<i32>} : memref<8192xf32, #tpu.memory_space<vmem>>, vector<16xf32>,
    %get3A_245 = vector.shape_cast %get3A_244 : vector<16xf32> to vector<16xf32>
    %min3A_246 = arith.minimumf %min3A_241, %get3A_245 : vector<16xf32>
    %max3A_247 = arith.maximumf %max3A_242, %get3A_245 : vector<16xf32>
    %get3A_248 = arith.constant 704 : index
    %get3A_249 = tpu.vector_load %arg4[%get3A_248] {strides = array<i32>} : memref<8192xf32, #tpu.memory_space<vmem>>, vector<16xf32>,
    %get3A_250 = vector.shape_cast %get3A_249 : vector<16xf32> to vector<16xf32>
    %min3A_251 = arith.minimumf %min3A_246, %get3A_250 : vector<16xf32>
    %max3A_252 = arith.maximumf %max3A_247, %get3A_250 : vector<16xf32>
    %get3A_253 = arith.constant 720 : index
    %get3A_254 = tpu.vector_load %arg4[%get3A_253] {strides = array<i32>} : memref<8192xf32, #tpu.memory_space<vmem>>, vector<16xf32>,
    %get3A_255 = vector.shape_cast %get3A_254 : vector<16xf32> to vector<16xf32>
    %min3A_256 = arith.minimumf %min3A_251, %get3A_255 : vector<16xf32>
    %max3A_257 = arith.maximumf %max3A_252, %get3A_255 : vector<16xf32>
    %get3A_258 = arith.constant 736 : index
    %get3A_259 = tpu.vector_load %arg4[%get3A_258] {strides = array<i32>} : memref<8192xf32, #tpu.memory_space<vmem>>, vector<16xf32>,
    %get3A_260 = vector.shape_cast %get3A_259 : vector<16xf32> to vector<16xf32>
    %min3A_261 = arith.minimumf %min3A_256, %get3A_260 : vector<16xf32>
    %max3A_262 = arith.maximumf %max3A_257, %get3A_260 : vector<16xf32>
    %get3A_263 = arith.constant 752 : index
    %get3A_264 = tpu.vector_load %arg4[%get3A_263] {strides = array<i32>} : memref<8192xf32, #tpu.memory_space<vmem>>, vector<16xf32>,
    %get3A_265 = vector.shape_cast %get3A_264 : vector<16xf32> to vector<16xf32>
    %min3A_266 = arith.minimumf %min3A_261, %get3A_265 : vector<16xf32>
    %max3A_267 = arith.maximumf %max3A_262, %get3A_265 : vector<16xf32>
    %get3A_268 = arith.constant 768 : index
    %get3A_269 = tpu.vector_load %arg4[%get3A_268] {strides = array<i32>} : memref<8192xf32, #tpu.memory_space<vmem>>, vector<16xf32>,
    %get3A_270 = vector.shape_cast %get3A_269 : vector<16xf32> to vector<16xf32>
    %min3A_271 = arith.minimumf %min3A_266, %get3A_270 : vector<16xf32>
    %max3A_272 = arith.maximumf %max3A_267, %get3A_270 : vector<16xf32>
    %get3A_273 = arith.constant 784 : index
    %get3A_274 = tpu.vector_load %arg4[%get3A_273] {strides = array<i32>} : memref<8192xf32, #tpu.memory_space<vmem>>, vector<16xf32>,
    %get3A_275 = vector.shape_cast %get3A_274 : vector<16xf32> to vector<16xf32>
    %min3A_276 = arith.minimumf %min3A_271, %get3A_275 : vector<16xf32>
    %max3A_277 = arith.maximumf %max3A_272, %get3A_275 : vector<16xf32>
    %get3A_278 = arith.constant 800 : index
    %get3A_279 = tpu.vector_load %arg4[%get3A_278] {strides = array<i32>} : memref<8192xf32, #tpu.memory_space<vmem>>, vector<16xf32>,
    %get3A_280 = vector.shape_cast %get3A_279 : vector<16xf32> to vector<16xf32>
    %min3A_281 = arith.minimumf %min3A_276, %get3A_280 : vector<16xf32>
    %max3A_282 = arith.maximumf %max3A_277, %get3A_280 : vector<16xf32>
    %get3A_283 = arith.constant 816 : index
    %get3A_284 = tpu.vector_load %arg4[%get3A_283] {strides = array<i32>} : memref<8192xf32, #tpu.memory_space<vmem>>, vector<16xf32>,
    %get3A_285 = vector.shape_cast %get3A_284 : vector<16xf32> to vector<16xf32>
    %min3A_286 = arith.minimumf %min3A_281, %get3A_285 : vector<16xf32>
    %max3A_287 = arith.maximumf %max3A_282, %get3A_285 : vector<16xf32>
    %get3A_288 = arith.constant 832 : index
    %get3A_289 = tpu.vector_load %arg4[%get3A_288] {strides = array<i32>} : memref<8192xf32, #tpu.memory_space<vmem>>, vector<16xf32>,
    %get3A_290 = vector.shape_cast %get3A_289 : vector<16xf32> to vector<16xf32>
    %min3A_291 = arith.minimumf %min3A_286, %get3A_290 : vector<16xf32>
    %max3A_292 = arith.maximumf %max3A_287, %get3A_290 : vector<16xf32>
    %get3A_293 = arith.constant 848 : index
    %get3A_294 = tpu.vector_load %arg4[%get3A_293] {strides = array<i32>} : memref<8192xf32, #tpu.memory_space<vmem>>, vector<16xf32>,
    %get3A_295 = vector.shape_cast %get3A_294 : vector<16xf32> to vector<16xf32>
    %min3A_296 = arith.minimumf %min3A_291, %get3A_295 : vector<16xf32>
    %max3A_297 = arith.maximumf %max3A_292, %get3A_295 : vector<16xf32>
    %get3A_298 = arith.constant 864 : index
    %get3A_299 = tpu.vector_load %arg4[%get3A_298] {strides = array<i32>} : memref<8192xf32, #tpu.memory_space<vmem>>, vector<16xf32>,
    %get3A_300 = vector.shape_cast %get3A_299 : vector<16xf32> to vector<16xf32>
    %min3A_301 = arith.minimumf %min3A_296, %get3A_300 : vector<16xf32>
    %max3A_302 = arith.maximumf %max3A_297, %get3A_300 : vector<16xf32>
    %get3A_303 = arith.constant 880 : index
    %get3A_304 = tpu.vector_load %arg4[%get3A_303] {strides = array<i32>} : memref<8192xf32, #tpu.memory_space<vmem>>, vector<16xf32>,
    %get3A_305 = vector.shape_cast %get3A_304 : vector<16xf32> to vector<16xf32>
    %min3A_306 = arith.minimumf %min3A_301, %get3A_305 : vector<16xf32>
    %max3A_307 = arith.maximumf %max3A_302, %get3A_305 : vector<16xf32>
    %get3A_308 = arith.constant 896 : index
    %get3A_309 = tpu.vector_load %arg4[%get3A_308] {strides = array<i32>} : memref<8192xf32, #tpu.memory_space<vmem>>, vector<16xf32>,
    %get3A_310 = vector.shape_cast %get3A_309 : vector<16xf32> to vector<16xf32>
    %min3A_311 = arith.minimumf %min3A_306, %get3A_310 : vector<16xf32>
    %max3A_312 = arith.maximumf %max3A_307, %get3A_310 : vector<16xf32>
    %get3A_313 = arith.constant 912 : index
    %get3A_314 = tpu.vector_load %arg4[%get3A_313] {strides = array<i32>} : memref<8192xf32, #tpu.memory_space<vmem>>, vector<16xf32>,
    %get3A_315 = vector.shape_cast %get3A_314 : vector<16xf32> to vector<16xf32>
    %min3A_316 = arith.minimumf %min3A_311, %get3A_315 : vector<16xf32>
    %max3A_317 = arith.maximumf %max3A_312, %get3A_315 : vector<16xf32>
    %get3A_318 = arith.constant 928 : index
    %get3A_319 = tpu.vector_load %arg4[%get3A_318] {strides = array<i32>} : memref<8192xf32, #tpu.memory_space<vmem>>, vector<16xf32>,
    %get3A_320 = vector.shape_cast %get3A_319 : vector<16xf32> to vector<16xf32>
    %min3A_321 = arith.minimumf %min3A_316, %get3A_320 : vector<16xf32>
    %max3A_322 = arith.maximumf %max3A_317, %get3A_320 : vector<16xf32>
    %get3A_323 = arith.constant 944 : index
    %get3A_324 = tpu.vector_load %arg4[%get3A_323] {strides = array<i32>} : memref<8192xf32, #tpu.memory_space<vmem>>, vector<16xf32>,
    %get3A_325 = vector.shape_cast %get3A_324 : vector<16xf32> to vector<16xf32>
    %min3A_326 = arith.minimumf %min3A_321, %get3A_325 : vector<16xf32>
    %max3A_327 = arith.maximumf %max3A_322, %get3A_325 : vector<16xf32>
    %get3A_328 = arith.constant 960 : index
    %get3A_329 = tpu.vector_load %arg4[%get3A_328] {strides = array<i32>} : memref<8192xf32, #tpu.memory_space<vmem>>, vector<16xf32>,
    %get3A_330 = vector.shape_cast %get3A_329 : vector<16xf32> to vector<16xf32>
    %min3A_331 = arith.minimumf %min3A_326, %get3A_330 : vector<16xf32>
    %max3A_332 = arith.maximumf %max3A_327, %get3A_330 : vector<16xf32>
    %get3A_333 = arith.constant 976 : index
    %get3A_334 = tpu.vector_load %arg4[%get3A_333] {strides = array<i32>} : memref<8192xf32, #tpu.memory_space<vmem>>, vector<16xf32>,
    %get3A_335 = vector.shape_cast %get3A_334 : vector<16xf32> to vector<16xf32>
    %min3A_336 = arith.minimumf %min3A_331, %get3A_335 : vector<16xf32>
    %max3A_337 = arith.maximumf %max3A_332, %get3A_335 : vector<16xf32>
    %get3A_338 = arith.constant 992 : index
    %get3A_339 = tpu.vector_load %arg4[%get3A_338] {strides = array<i32>} : memref<8192xf32, #tpu.memory_space<vmem>>, vector<16xf32>,
    %get3A_340 = vector.shape_cast %get3A_339 : vector<16xf32> to vector<16xf32>
    %min3A_341 = arith.minimumf %min3A_336, %get3A_340 : vector<16xf32>
    %max3A_342 = arith.maximumf %max3A_337, %get3A_340 : vector<16xf32>
    %get3A_343 = arith.constant 1008 : index
    %get3A_344 = tpu.vector_load %arg4[%get3A_343] {strides = array<i32>} : memref<8192xf32, #tpu.memory_space<vmem>>, vector<16xf32>,
    %get3A_345 = vector.shape_cast %get3A_344 : vector<16xf32> to vector<16xf32>
    %min3A_346 = arith.minimumf %min3A_341, %get3A_345 : vector<16xf32>
    %max3A_347 = arith.maximumf %max3A_342, %get3A_345 : vector<16xf32>
    %get3A_348 = arith.constant 1024 : index
    %get3A_349 = tpu.vector_load %arg4[%get3A_348] {strides = array<i32>} : memref<8192xf32, #tpu.memory_space<vmem>>, vector<16xf32>,
    %get3A_350 = vector.shape_cast %get3A_349 : vector<16xf32> to vector<16xf32>
    %min3A_351 = arith.minimumf %min3A_346, %get3A_350 : vector<16xf32>
    %max3A_352 = arith.maximumf %max3A_347, %get3A_350 : vector<16xf32>
    %get3A_353 = arith.constant 1040 : index
    %get3A_354 = tpu.vector_load %arg4[%get3A_353] {strides = array<i32>} : memref<8192xf32, #tpu.memory_space<vmem>>, vector<16xf32>,
    %get3A_355 = vector.shape_cast %get3A_354 : vector<16xf32> to vector<16xf32>
    %min3A_356 = arith.minimumf %min3A_351, %get3A_355 : vector<16xf32>
    %max3A_357 = arith.maximumf %max3A_352, %get3A_355 : vector<16xf32>
    %get3A_358 = arith.constant 1056 : index
    %get3A_359 = tpu.vector_load %arg4[%get3A_358] {strides = array<i32>} : memref<8192xf32, #tpu.memory_space<vmem>>, vector<16xf32>,
    %get3A_360 = vector.shape_cast %get3A_359 : vector<16xf32> to vector<16xf32>
    %min3A_361 = arith.minimumf %min3A_356, %get3A_360 : vector<16xf32>
    %max3A_362 = arith.maximumf %max3A_357, %get3A_360 : vector<16xf32>
    %get3A_363 = arith.constant 1072 : index
    %get3A_364 = tpu.vector_load %arg4[%get3A_363] {strides = array<i32>} : memref<8192xf32, #tpu.memory_space<vmem>>, vector<16xf32>,
    %get3A_365 = vector.shape_cast %get3A_364 : vector<16xf32> to vector<16xf32>
    %min3A_366 = arith.minimumf %min3A_361, %get3A_365 : vector<16xf32>
    %max3A_367 = arith.maximumf %max3A_362, %get3A_365 : vector<16xf32>
    %get3A_368 = arith.constant 1088 : index
    %get3A_369 = tpu.vector_load %arg4[%get3A_368] {strides = array<i32>} : memref<8192xf32, #tpu.memory_space<vmem>>, vector<16xf32>,
    %get3A_370 = vector.shape_cast %get3A_369 : vector<16xf32> to vector<16xf32>
    %min3A_371 = arith.minimumf %min3A_366, %get3A_370 : vector<16xf32>
    %max3A_372 = arith.maximumf %max3A_367, %get3A_370 : vector<16xf32>
    %get3A_373 = arith.constant 1104 : index
    %get3A_374 = tpu.vector_load %arg4[%get3A_373] {strides = array<i32>} : memref<8192xf32, #tpu.memory_space<vmem>>, vector<16xf32>,
    %get3A_375 = vector.shape_cast %get3A_374 : vector<16xf32> to vector<16xf32>
    %min3A_376 = arith.minimumf %min3A_371, %get3A_375 : vector<16xf32>
    %max3A_377 = arith.maximumf %max3A_372, %get3A_375 : vector<16xf32>
    %get3A_378 = arith.constant 1120 : index
    %get3A_379 = tpu.vector_load %arg4[%get3A_378] {strides = array<i32>} : memref<8192xf32, #tpu.memory_space<vmem>>, vector<16xf32>,
    %get3A_380 = vector.shape_cast %get3A_379 : vector<16xf32> to vector<16xf32>
    %min3A_381 = arith.minimumf %min3A_376, %get3A_380 : vector<16xf32>
    %max3A_382 = arith.maximumf %max3A_377, %get3A_380 : vector<16xf32>
    %get3A_383 = arith.constant 1136 : index
    %get3A_384 = tpu.vector_load %arg4[%get3A_383] {strides = array<i32>} : memref<8192xf32, #tpu.memory_space<vmem>>, vector<16xf32>,
    %get3A_385 = vector.shape_cast %get3A_384 : vector<16xf32> to vector<16xf32>
    %min3A_386 = arith.minimumf %min3A_381, %get3A_385 : vector<16xf32>
    %max3A_387 = arith.maximumf %max3A_382, %get3A_385 : vector<16xf32>
    %get3A_388 = arith.constant 1152 : index
    %get3A_389 = tpu.vector_load %arg4[%get3A_388] {strides = array<i32>} : memref<8192xf32, #tpu.memory_space<vmem>>, vector<16xf32>,
    %get3A_390 = vector.shape_cast %get3A_389 : vector<16xf32> to vector<16xf32>
    %min3A_391 = arith.minimumf %min3A_386, %get3A_390 : vector<16xf32>
    %max3A_392 = arith.maximumf %max3A_387, %get3A_390 : vector<16xf32>
    %get3A_393 = arith.constant 1168 : index
    %get3A_394 = tpu.vector_load %arg4[%get3A_393] {strides = array<i32>} : memref<8192xf32, #tpu.memory_space<vmem>>, vector<16xf32>,
    %get3A_395 = vector.shape_cast %get3A_394 : vector<16xf32> to vector<16xf32>
    %min3A_396 = arith.minimumf %min3A_391, %get3A_395 : vector<16xf32>
    %max3A_397 = arith.maximumf %max3A_392, %get3A_395 : vector<16xf32>
    %get3A_398 = arith.constant 1184 : index
    %get3A_399 = tpu.vector_load %arg4[%get3A_398] {strides = array<i32>} : memref<8192xf32, #tpu.memory_space<vmem>>, vector<16xf32>,
    %get3A_400 = vector.shape_cast %get3A_399 : vector<16xf32> to vector<16xf32>
    %min3A_401 = arith.minimumf %min3A_396, %get3A_400 : vector<16xf32>
    %max3A_402 = arith.maximumf %max3A_397, %get3A_400 : vector<16xf32>
    %get3A_403 = arith.constant 1200 : index
    %get3A_404 = tpu.vector_load %arg4[%get3A_403] {strides = array<i32>} : memref<8192xf32, #tpu.memory_space<vmem>>, vector<16xf32>,
    %get3A_405 = vector.shape_cast %get3A_404 : vector<16xf32> to vector<16xf32>
    %min3A_406 = arith.minimumf %min3A_401, %get3A_405 : vector<16xf32>
    %max3A_407 = arith.maximumf %max3A_402, %get3A_405 : vector<16xf32>
    %get3A_408 = arith.constant 1216 : index
    %get3A_409 = tpu.vector_load %arg4[%get3A_408] {strides = array<i32>} : memref<8192xf32, #tpu.memory_space<vmem>>, vector<16xf32>,
    %get3A_410 = vector.shape_cast %get3A_409 : vector<16xf32> to vector<16xf32>
    %min3A_411 = arith.minimumf %min3A_406, %get3A_410 : vector<16xf32>
    %max3A_412 = arith.maximumf %max3A_407, %get3A_410 : vector<16xf32>
    %get3A_413 = arith.constant 1232 : index
    %get3A_414 = tpu.vector_load %arg4[%get3A_413] {strides = array<i32>} : memref<8192xf32, #tpu.memory_space<vmem>>, vector<16xf32>,
    %get3A_415 = vector.shape_cast %get3A_414 : vector<16xf32> to vector<16xf32>
    %min3A_416 = arith.minimumf %min3A_411, %get3A_415 : vector<16xf32>
    %max3A_417 = arith.maximumf %max3A_412, %get3A_415 : vector<16xf32>
    %get3A_418 = arith.constant 1248 : index
    %get3A_419 = tpu.vector_load %arg4[%get3A_418] {strides = array<i32>} : memref<8192xf32, #tpu.memory_space<vmem>>, vector<16xf32>,
    %get3A_420 = vector.shape_cast %get3A_419 : vector<16xf32> to vector<16xf32>
    %min3A_421 = arith.minimumf %min3A_416, %get3A_420 : vector<16xf32>
    %max3A_422 = arith.maximumf %max3A_417, %get3A_420 : vector<16xf32>
    %get3A_423 = arith.constant 1264 : index
    %get3A_424 = tpu.vector_load %arg4[%get3A_423] {strides = array<i32>} : memref<8192xf32, #tpu.memory_space<vmem>>, vector<16xf32>,
    %get3A_425 = vector.shape_cast %get3A_424 : vector<16xf32> to vector<16xf32>
    %min3A_426 = arith.minimumf %min3A_421, %get3A_425 : vector<16xf32>
    %max3A_427 = arith.maximumf %max3A_422, %get3A_425 : vector<16xf32>
    %get3A_428 = arith.constant 1280 : index
    %get3A_429 = tpu.vector_load %arg4[%get3A_428] {strides = array<i32>} : memref<8192xf32, #tpu.memory_space<vmem>>, vector<16xf32>,
    %get3A_430 = vector.shape_cast %get3A_429 : vector<16xf32> to vector<16xf32>
    %min3A_431 = arith.minimumf %min3A_426, %get3A_430 : vector<16xf32>
    %max3A_432 = arith.maximumf %max3A_427, %get3A_430 : vector<16xf32>
    %get3A_433 = arith.constant 1296 : index
    %get3A_434 = tpu.vector_load %arg4[%get3A_433] {strides = array<i32>} : memref<8192xf32, #tpu.memory_space<vmem>>, vector<16xf32>,
    %get3A_435 = vector.shape_cast %get3A_434 : vector<16xf32> to vector<16xf32>
    %min3A_436 = arith.minimumf %min3A_431, %get3A_435 : vector<16xf32>
    %max3A_437 = arith.maximumf %max3A_432, %get3A_435 : vector<16xf32>
    %get3A_438 = arith.constant 1312 : index
    %get3A_439 = tpu.vector_load %arg4[%get3A_438] {strides = array<i32>} : memref<8192xf32, #tpu.memory_space<vmem>>, vector<16xf32>,
    %get3A_440 = vector.shape_cast %get3A_439 : vector<16xf32> to vector<16xf32>
    %min3A_441 = arith.minimumf %min3A_436, %get3A_440 : vector<16xf32>
    %max3A_442 = arith.maximumf %max3A_437, %get3A_440 : vector<16xf32>
    %get3A_443 = arith.constant 1328 : index
    %get3A_444 = tpu.vector_load %arg4[%get3A_443] {strides = array<i32>} : memref<8192xf32, #tpu.memory_space<vmem>>, vector<16xf32>,
    %get3A_445 = vector.shape_cast %get3A_444 : vector<16xf32> to vector<16xf32>
    %min3A_446 = arith.minimumf %min3A_441, %get3A_445 : vector<16xf32>
    %max3A_447 = arith.maximumf %max3A_442, %get3A_445 : vector<16xf32>
    %get3A_448 = arith.constant 1344 : index
    %get3A_449 = tpu.vector_load %arg4[%get3A_448] {strides = array<i32>} : memref<8192xf32, #tpu.memory_space<vmem>>, vector<16xf32>,
    %get3A_450 = vector.shape_cast %get3A_449 : vector<16xf32> to vector<16xf32>
    %min3A_451 = arith.minimumf %min3A_446, %get3A_450 : vector<16xf32>
    %max3A_452 = arith.maximumf %max3A_447, %get3A_450 : vector<16xf32>
    %get3A_453 = arith.constant 1360 : index
    %get3A_454 = tpu.vector_load %arg4[%get3A_453] {strides = array<i32>} : memref<8192xf32, #tpu.memory_space<vmem>>, vector<16xf32>,
    %get3A_455 = vector.shape_cast %get3A_454 : vector<16xf32> to vector<16xf32>
    %min3A_456 = arith.minimumf %min3A_451, %get3A_455 : vector<16xf32>
    %max3A_457 = arith.maximumf %max3A_452, %get3A_455 : vector<16xf32>
    %get3A_458 = arith.constant 1376 : index
    %get3A_459 = tpu.vector_load %arg4[%get3A_458] {strides = array<i32>} : memref<8192xf32, #tpu.memory_space<vmem>>, vector<16xf32>,
    %get3A_460 = vector.shape_cast %get3A_459 : vector<16xf32> to vector<16xf32>
    %min3A_461 = arith.minimumf %min3A_456, %get3A_460 : vector<16xf32>
    %max3A_462 = arith.maximumf %max3A_457, %get3A_460 : vector<16xf32>
    %get3A_463 = arith.constant 1392 : index
    %get3A_464 = tpu.vector_load %arg4[%get3A_463] {strides = array<i32>} : memref<8192xf32, #tpu.memory_space<vmem>>, vector<16xf32>,
    %get3A_465 = vector.shape_cast %get3A_464 : vector<16xf32> to vector<16xf32>
    %min3A_466 = arith.minimumf %min3A_461, %get3A_465 : vector<16xf32>
    %max3A_467 = arith.maximumf %max3A_462, %get3A_465 : vector<16xf32>
    %get3A_468 = arith.constant 1408 : index
    %get3A_469 = tpu.vector_load %arg4[%get3A_468] {strides = array<i32>} : memref<8192xf32, #tpu.memory_space<vmem>>, vector<16xf32>,
    %get3A_470 = vector.shape_cast %get3A_469 : vector<16xf32> to vector<16xf32>
    %min3A_471 = arith.minimumf %min3A_466, %get3A_470 : vector<16xf32>
    %max3A_472 = arith.maximumf %max3A_467, %get3A_470 : vector<16xf32>
    %get3A_473 = arith.constant 1424 : index
    %get3A_474 = tpu.vector_load %arg4[%get3A_473] {strides = array<i32>} : memref<8192xf32, #tpu.memory_space<vmem>>, vector<16xf32>,
    %get3A_475 = vector.shape_cast %get3A_474 : vector<16xf32> to vector<16xf32>
    %min3A_476 = arith.minimumf %min3A_471, %get3A_475 : vector<16xf32>
    %max3A_477 = arith.maximumf %max3A_472, %get3A_475 : vector<16xf32>
    %get3A_478 = arith.constant 1440 : index
    %get3A_479 = tpu.vector_load %arg4[%get3A_478] {strides = array<i32>} : memref<8192xf32, #tpu.memory_space<vmem>>, vector<16xf32>,
    %get3A_480 = vector.shape_cast %get3A_479 : vector<16xf32> to vector<16xf32>
    %min3A_481 = arith.minimumf %min3A_476, %get3A_480 : vector<16xf32>
    %max3A_482 = arith.maximumf %max3A_477, %get3A_480 : vector<16xf32>
    %get3A_483 = arith.constant 1456 : index
    %get3A_484 = tpu.vector_load %arg4[%get3A_483] {strides = array<i32>} : memref<8192xf32, #tpu.memory_space<vmem>>, vector<16xf32>,
    %get3A_485 = vector.shape_cast %get3A_484 : vector<16xf32> to vector<16xf32>
    %min3A_486 = arith.minimumf %min3A_481, %get3A_485 : vector<16xf32>
    %max3A_487 = arith.maximumf %max3A_482, %get3A_485 : vector<16xf32>
    %get3A_488 = arith.constant 1472 : index
    %get3A_489 = tpu.vector_load %arg4[%get3A_488] {strides = array<i32>} : memref<8192xf32, #tpu.memory_space<vmem>>, vector<16xf32>,
    %get3A_490 = vector.shape_cast %get3A_489 : vector<16xf32> to vector<16xf32>
    %min3A_491 = arith.minimumf %min3A_486, %get3A_490 : vector<16xf32>
    %max3A_492 = arith.maximumf %max3A_487, %get3A_490 : vector<16xf32>
    %get3A_493 = arith.constant 1488 : index
    %get3A_494 = tpu.vector_load %arg4[%get3A_493] {strides = array<i32>} : memref<8192xf32, #tpu.memory_space<vmem>>, vector<16xf32>,
    %get3A_495 = vector.shape_cast %get3A_494 : vector<16xf32> to vector<16xf32>
    %min3A_496 = arith.minimumf %min3A_491, %get3A_495 : vector<16xf32>
    %max3A_497 = arith.maximumf %max3A_492, %get3A_495 : vector<16xf32>
    %get3A_498 = arith.constant 1504 : index
    %get3A_499 = tpu.vector_load %arg4[%get3A_498] {strides = array<i32>} : memref<8192xf32, #tpu.memory_space<vmem>>, vector<16xf32>,
    %get3A_500 = vector.shape_cast %get3A_499 : vector<16xf32> to vector<16xf32>
    %min3A_501 = arith.minimumf %min3A_496, %get3A_500 : vector<16xf32>
    %max3A_502 = arith.maximumf %max3A_497, %get3A_500 : vector<16xf32>
    %get3A_503 = arith.constant 1520 : index
    %get3A_504 = tpu.vector_load %arg4[%get3A_503] {strides = array<i32>} : memref<8192xf32, #tpu.memory_space<vmem>>, vector<16xf32>,
    %get3A_505 = vector.shape_cast %get3A_504 : vector<16xf32> to vector<16xf32>
    %min3A_506 = arith.minimumf %min3A_501, %get3A_505 : vector<16xf32>
    %max3A_507 = arith.maximumf %max3A_502, %get3A_505 : vector<16xf32>
    %get3A_508 = arith.constant 1536 : index
    %get3A_509 = tpu.vector_load %arg4[%get3A_508] {strides = array<i32>} : memref<8192xf32, #tpu.memory_space<vmem>>, vector<16xf32>,
    %get3A_510 = vector.shape_cast %get3A_509 : vector<16xf32> to vector<16xf32>
    %min3A_511 = arith.minimumf %min3A_506, %get3A_510 : vector<16xf32>
    %max3A_512 = arith.maximumf %max3A_507, %get3A_510 : vector<16xf32>
    %get3A_513 = arith.constant 1552 : index
    %get3A_514 = tpu.vector_load %arg4[%get3A_513] {strides = array<i32>} : memref<8192xf32, #tpu.memory_space<vmem>>, vector<16xf32>,
    %get3A_515 = vector.shape_cast %get3A_514 : vector<16xf32> to vector<16xf32>
    %min3A_516 = arith.minimumf %min3A_511, %get3A_515 : vector<16xf32>
    %max3A_517 = arith.maximumf %max3A_512, %get3A_515 : vector<16xf32>
    %get3A_518 = arith.constant 1568 : index
    %get3A_519 = tpu.vector_load %arg4[%get3A_518] {strides = array<i32>} : memref<8192xf32, #tpu.memory_space<vmem>>, vector<16xf32>,
    %get3A_520 = vector.shape_cast %get3A_519 : vector<16xf32> to vector<16xf32>
    %min3A_521 = arith.minimumf %min3A_516, %get3A_520 : vector<16xf32>
    %max3A_522 = arith.maximumf %max3A_517, %get3A_520 : vector<16xf32>
    %get3A_523 = arith.constant 1584 : index
    %get3A_524 = tpu.vector_load %arg4[%get3A_523] {strides = array<i32>} : memref<8192xf32, #tpu.memory_space<vmem>>, vector<16xf32>,
    %get3A_525 = vector.shape_cast %get3A_524 : vector<16xf32> to vector<16xf32>
    %min3A_526 = arith.minimumf %min3A_521, %get3A_525 : vector<16xf32>
    %max3A_527 = arith.maximumf %max3A_522, %get3A_525 : vector<16xf32>
    %get3A_528 = arith.constant 1600 : index
    %get3A_529 = tpu.vector_load %arg4[%get3A_528] {strides = array<i32>} : memref<8192xf32, #tpu.memory_space<vmem>>, vector<16xf32>,
    %get3A_530 = vector.shape_cast %get3A_529 : vector<16xf32> to vector<16xf32>
    %min3A_531 = arith.minimumf %min3A_526, %get3A_530 : vector<16xf32>
    %max3A_532 = arith.maximumf %max3A_527, %get3A_530 : vector<16xf32>
    %get3A_533 = arith.constant 1616 : index
    %get3A_534 = tpu.vector_load %arg4[%get3A_533] {strides = array<i32>} : memref<8192xf32, #tpu.memory_space<vmem>>, vector<16xf32>,
    %get3A_535 = vector.shape_cast %get3A_534 : vector<16xf32> to vector<16xf32>
    %min3A_536 = arith.minimumf %min3A_531, %get3A_535 : vector<16xf32>
    %max3A_537 = arith.maximumf %max3A_532, %get3A_535 : vector<16xf32>
    %get3A_538 = arith.constant 1632 : index
    %get3A_539 = tpu.vector_load %arg4[%get3A_538] {strides = array<i32>} : memref<8192xf32, #tpu.memory_space<vmem>>, vector<16xf32>,
    %get3A_540 = vector.shape_cast %get3A_539 : vector<16xf32> to vector<16xf32>
    %min3A_541 = arith.minimumf %min3A_536, %get3A_540 : vector<16xf32>
    %max3A_542 = arith.maximumf %max3A_537, %get3A_540 : vector<16xf32>
    %get3A_543 = arith.constant 1648 : index
    %get3A_544 = tpu.vector_load %arg4[%get3A_543] {strides = array<i32>} : memref<8192xf32, #tpu.memory_space<vmem>>, vector<16xf32>,
    %get3A_545 = vector.shape_cast %get3A_544 : vector<16xf32> to vector<16xf32>
    %min3A_546 = arith.minimumf %min3A_541, %get3A_545 : vector<16xf32>
    %max3A_547 = arith.maximumf %max3A_542, %get3A_545 : vector<16xf32>
    %get3A_548 = arith.constant 1664 : index
    %get3A_549 = tpu.vector_load %arg4[%get3A_548] {strides = array<i32>} : memref<8192xf32, #tpu.memory_space<vmem>>, vector<16xf32>,
    %get3A_550 = vector.shape_cast %get3A_549 : vector<16xf32> to vector<16xf32>
    %min3A_551 = arith.minimumf %min3A_546, %get3A_550 : vector<16xf32>
    %max3A_552 = arith.maximumf %max3A_547, %get3A_550 : vector<16xf32>
    %get3A_553 = arith.constant 1680 : index
    %get3A_554 = tpu.vector_load %arg4[%get3A_553] {strides = array<i32>} : memref<8192xf32, #tpu.memory_space<vmem>>, vector<16xf32>,
    %get3A_555 = vector.shape_cast %get3A_554 : vector<16xf32> to vector<16xf32>
    %min3A_556 = arith.minimumf %min3A_551, %get3A_555 : vector<16xf32>
    %max3A_557 = arith.maximumf %max3A_552, %get3A_555 : vector<16xf32>
    %get3A_558 = arith.constant 1696 : index
    %get3A_559 = tpu.vector_load %arg4[%get3A_558] {strides = array<i32>} : memref<8192xf32, #tpu.memory_space<vmem>>, vector<16xf32>,
    %get3A_560 = vector.shape_cast %get3A_559 : vector<16xf32> to vector<16xf32>
    %min3A_561 = arith.minimumf %min3A_556, %get3A_560 : vector<16xf32>
    %max3A_562 = arith.maximumf %max3A_557, %get3A_560 : vector<16xf32>
    %get3A_563 = arith.constant 1712 : index
    %get3A_564 = tpu.vector_load %arg4[%get3A_563] {strides = array<i32>} : memref<8192xf32, #tpu.memory_space<vmem>>, vector<16xf32>,
    %get3A_565 = vector.shape_cast %get3A_564 : vector<16xf32> to vector<16xf32>
    %min3A_566 = arith.minimumf %min3A_561, %get3A_565 : vector<16xf32>
    %max3A_567 = arith.maximumf %max3A_562, %get3A_565 : vector<16xf32>
    %get3A_568 = arith.constant 1728 : index
    %get3A_569 = tpu.vector_load %arg4[%get3A_568] {strides = array<i32>} : memref<8192xf32, #tpu.memory_space<vmem>>, vector<16xf32>,
    %get3A_570 = vector.shape_cast %get3A_569 : vector<16xf32> to vector<16xf32>
    %min3A_571 = arith.minimumf %min3A_566, %get3A_570 : vector<16xf32>
    %max3A_572 = arith.maximumf %max3A_567, %get3A_570 : vector<16xf32>
    %get3A_573 = arith.constant 1744 : index
    %get3A_574 = tpu.vector_load %arg4[%get3A_573] {strides = array<i32>} : memref<8192xf32, #tpu.memory_space<vmem>>, vector<16xf32>,
    %get3A_575 = vector.shape_cast %get3A_574 : vector<16xf32> to vector<16xf32>
    %min3A_576 = arith.minimumf %min3A_571, %get3A_575 : vector<16xf32>
    %max3A_577 = arith.maximumf %max3A_572, %get3A_575 : vector<16xf32>
    %get3A_578 = arith.constant 1760 : index
    %get3A_579 = tpu.vector_load %arg4[%get3A_578] {strides = array<i32>} : memref<8192xf32, #tpu.memory_space<vmem>>, vector<16xf32>,
    %get3A_580 = vector.shape_cast %get3A_579 : vector<16xf32> to vector<16xf32>
    %min3A_581 = arith.minimumf %min3A_576, %get3A_580 : vector<16xf32>
    %max3A_582 = arith.maximumf %max3A_577, %get3A_580 : vector<16xf32>
    %get3A_583 = arith.constant 1776 : index
    %get3A_584 = tpu.vector_load %arg4[%get3A_583] {strides = array<i32>} : memref<8192xf32, #tpu.memory_space<vmem>>, vector<16xf32>,
    %get3A_585 = vector.shape_cast %get3A_584 : vector<16xf32> to vector<16xf32>
    %min3A_586 = arith.minimumf %min3A_581, %get3A_585 : vector<16xf32>
    %max3A_587 = arith.maximumf %max3A_582, %get3A_585 : vector<16xf32>
    %get3A_588 = arith.constant 1792 : index
    %get3A_589 = tpu.vector_load %arg4[%get3A_588] {strides = array<i32>} : memref<8192xf32, #tpu.memory_space<vmem>>, vector<16xf32>,
    %get3A_590 = vector.shape_cast %get3A_589 : vector<16xf32> to vector<16xf32>
    %min3A_591 = arith.minimumf %min3A_586, %get3A_590 : vector<16xf32>
    %max3A_592 = arith.maximumf %max3A_587, %get3A_590 : vector<16xf32>
    %get3A_593 = arith.constant 1808 : index
    %get3A_594 = tpu.vector_load %arg4[%get3A_593] {strides = array<i32>} : memref<8192xf32, #tpu.memory_space<vmem>>, vector<16xf32>,
    %get3A_595 = vector.shape_cast %get3A_594 : vector<16xf32> to vector<16xf32>
    %min3A_596 = arith.minimumf %min3A_591, %get3A_595 : vector<16xf32>
    %max3A_597 = arith.maximumf %max3A_592, %get3A_595 : vector<16xf32>
    %get3A_598 = arith.constant 1824 : index
    %get3A_599 = tpu.vector_load %arg4[%get3A_598] {strides = array<i32>} : memref<8192xf32, #tpu.memory_space<vmem>>, vector<16xf32>,
    %get3A_600 = vector.shape_cast %get3A_599 : vector<16xf32> to vector<16xf32>
    %min3A_601 = arith.minimumf %min3A_596, %get3A_600 : vector<16xf32>
    %max3A_602 = arith.maximumf %max3A_597, %get3A_600 : vector<16xf32>
    %get3A_603 = arith.constant 1840 : index
    %get3A_604 = tpu.vector_load %arg4[%get3A_603] {strides = array<i32>} : memref<8192xf32, #tpu.memory_space<vmem>>, vector<16xf32>,
    %get3A_605 = vector.shape_cast %get3A_604 : vector<16xf32> to vector<16xf32>
    %min3A_606 = arith.minimumf %min3A_601, %get3A_605 : vector<16xf32>
    %max3A_607 = arith.maximumf %max3A_602, %get3A_605 : vector<16xf32>
    %get3A_608 = arith.constant 1856 : index
    %get3A_609 = tpu.vector_load %arg4[%get3A_608] {strides = array<i32>} : memref<8192xf32, #tpu.memory_space<vmem>>, vector<16xf32>,
    %get3A_610 = vector.shape_cast %get3A_609 : vector<16xf32> to vector<16xf32>
    %min3A_611 = arith.minimumf %min3A_606, %get3A_610 : vector<16xf32>
    %max3A_612 = arith.maximumf %max3A_607, %get3A_610 : vector<16xf32>
    %get3A_613 = arith.constant 1872 : index
    %get3A_614 = tpu.vector_load %arg4[%get3A_613] {strides = array<i32>} : memref<8192xf32, #tpu.memory_space<vmem>>, vector<16xf32>,
    %get3A_615 = vector.shape_cast %get3A_614 : vector<16xf32> to vector<16xf32>
    %min3A_616 = arith.minimumf %min3A_611, %get3A_615 : vector<16xf32>
    %max3A_617 = arith.maximumf %max3A_612, %get3A_615 : vector<16xf32>
    %get3A_618 = arith.constant 1888 : index
    %get3A_619 = tpu.vector_load %arg4[%get3A_618] {strides = array<i32>} : memref<8192xf32, #tpu.memory_space<vmem>>, vector<16xf32>,
    %get3A_620 = vector.shape_cast %get3A_619 : vector<16xf32> to vector<16xf32>
    %min3A_621 = arith.minimumf %min3A_616, %get3A_620 : vector<16xf32>
    %max3A_622 = arith.maximumf %max3A_617, %get3A_620 : vector<16xf32>
    %get3A_623 = arith.constant 1904 : index
    %get3A_624 = tpu.vector_load %arg4[%get3A_623] {strides = array<i32>} : memref<8192xf32, #tpu.memory_space<vmem>>, vector<16xf32>,
    %get3A_625 = vector.shape_cast %get3A_624 : vector<16xf32> to vector<16xf32>
    %min3A_626 = arith.minimumf %min3A_621, %get3A_625 : vector<16xf32>
    %max3A_627 = arith.maximumf %max3A_622, %get3A_625 : vector<16xf32>
    %get3A_628 = arith.constant 1920 : index
    %get3A_629 = tpu.vector_load %arg4[%get3A_628] {strides = array<i32>} : memref<8192xf32, #tpu.memory_space<vmem>>, vector<16xf32>,
    %get3A_630 = vector.shape_cast %get3A_629 : vector<16xf32> to vector<16xf32>
    %min3A_631 = arith.minimumf %min3A_626, %get3A_630 : vector<16xf32>
    %max3A_632 = arith.maximumf %max3A_627, %get3A_630 : vector<16xf32>
    %get3A_633 = arith.constant 1936 : index
    %get3A_634 = tpu.vector_load %arg4[%get3A_633] {strides = array<i32>} : memref<8192xf32, #tpu.memory_space<vmem>>, vector<16xf32>,
    %get3A_635 = vector.shape_cast %get3A_634 : vector<16xf32> to vector<16xf32>
    %min3A_636 = arith.minimumf %min3A_631, %get3A_635 : vector<16xf32>
    %max3A_637 = arith.maximumf %max3A_632, %get3A_635 : vector<16xf32>
    %get3A_638 = arith.constant 1952 : index
    %get3A_639 = tpu.vector_load %arg4[%get3A_638] {strides = array<i32>} : memref<8192xf32, #tpu.memory_space<vmem>>, vector<16xf32>,
    %get3A_640 = vector.shape_cast %get3A_639 : vector<16xf32> to vector<16xf32>
    %min3A_641 = arith.minimumf %min3A_636, %get3A_640 : vector<16xf32>
    %max3A_642 = arith.maximumf %max3A_637, %get3A_640 : vector<16xf32>
    %get3A_643 = arith.constant 1968 : index
    %get3A_644 = tpu.vector_load %arg4[%get3A_643] {strides = array<i32>} : memref<8192xf32, #tpu.memory_space<vmem>>, vector<16xf32>,
    %get3A_645 = vector.shape_cast %get3A_644 : vector<16xf32> to vector<16xf32>
    %min3A_646 = arith.minimumf %min3A_641, %get3A_645 : vector<16xf32>
    %max3A_647 = arith.maximumf %max3A_642, %get3A_645 : vector<16xf32>
    %get3A_648 = arith.constant 1984 : index
    %get3A_649 = tpu.vector_load %arg4[%get3A_648] {strides = array<i32>} : memref<8192xf32, #tpu.memory_space<vmem>>, vector<16xf32>,
    %get3A_650 = vector.shape_cast %get3A_649 : vector<16xf32> to vector<16xf32>
    %min3A_651 = arith.minimumf %min3A_646, %get3A_650 : vector<16xf32>
    %max3A_652 = arith.maximumf %max3A_647, %get3A_650 : vector<16xf32>
    %get3A_653 = arith.constant 2000 : index
    %get3A_654 = tpu.vector_load %arg4[%get3A_653] {strides = array<i32>} : memref<8192xf32, #tpu.memory_space<vmem>>, vector<16xf32>,
    %get3A_655 = vector.shape_cast %get3A_654 : vector<16xf32> to vector<16xf32>
    %min3A_656 = arith.minimumf %min3A_651, %get3A_655 : vector<16xf32>
    %max3A_657 = arith.maximumf %max3A_652, %get3A_655 : vector<16xf32>
    %get3A_658 = arith.constant 2016 : index
    %get3A_659 = tpu.vector_load %arg4[%get3A_658] {strides = array<i32>} : memref<8192xf32, #tpu.memory_space<vmem>>, vector<16xf32>,
    %get3A_660 = vector.shape_cast %get3A_659 : vector<16xf32> to vector<16xf32>
    %min3A_661 = arith.minimumf %min3A_656, %get3A_660 : vector<16xf32>
    %max3A_662 = arith.maximumf %max3A_657, %get3A_660 : vector<16xf32>
    %get3A_663 = arith.constant 2032 : index
    %get3A_664 = tpu.vector_load %arg4[%get3A_663] {strides = array<i32>} : memref<8192xf32, #tpu.memory_space<vmem>>, vector<16xf32>,
    %get3A_665 = vector.shape_cast %get3A_664 : vector<16xf32> to vector<16xf32>
    %min3A_666 = arith.minimumf %min3A_661, %get3A_665 : vector<16xf32>
    %max3A_667 = arith.maximumf %max3A_662, %get3A_665 : vector<16xf32>
    %get3A_668 = arith.constant 2048 : index
    %get3A_669 = tpu.vector_load %arg4[%get3A_668] {strides = array<i32>} : memref<8192xf32, #tpu.memory_space<vmem>>, vector<16xf32>,
    %get3A_670 = vector.shape_cast %get3A_669 : vector<16xf32> to vector<16xf32>
    %min3A_671 = arith.minimumf %min3A_666, %get3A_670 : vector<16xf32>
    %max3A_672 = arith.maximumf %max3A_667, %get3A_670 : vector<16xf32>
    %get3A_673 = arith.constant 2064 : index
    %get3A_674 = tpu.vector_load %arg4[%get3A_673] {strides = array<i32>} : memref<8192xf32, #tpu.memory_space<vmem>>, vector<16xf32>,
    %get3A_675 = vector.shape_cast %get3A_674 : vector<16xf32> to vector<16xf32>
    %min3A_676 = arith.minimumf %min3A_671, %get3A_675 : vector<16xf32>
    %max3A_677 = arith.maximumf %max3A_672, %get3A_675 : vector<16xf32>
    %get3A_678 = arith.constant 2080 : index
    %get3A_679 = tpu.vector_load %arg4[%get3A_678] {strides = array<i32>} : memref<8192xf32, #tpu.memory_space<vmem>>, vector<16xf32>,
    %get3A_680 = vector.shape_cast %get3A_679 : vector<16xf32> to vector<16xf32>
    %min3A_681 = arith.minimumf %min3A_676, %get3A_680 : vector<16xf32>
    %max3A_682 = arith.maximumf %max3A_677, %get3A_680 : vector<16xf32>
    %get3A_683 = arith.constant 2096 : index
    %get3A_684 = tpu.vector_load %arg4[%get3A_683] {strides = array<i32>} : memref<8192xf32, #tpu.memory_space<vmem>>, vector<16xf32>,
    %get3A_685 = vector.shape_cast %get3A_684 : vector<16xf32> to vector<16xf32>
    %min3A_686 = arith.minimumf %min3A_681, %get3A_685 : vector<16xf32>
    %max3A_687 = arith.maximumf %max3A_682, %get3A_685 : vector<16xf32>
    %get3A_688 = arith.constant 2112 : index
    %get3A_689 = tpu.vector_load %arg4[%get3A_688] {strides = array<i32>} : memref<8192xf32, #tpu.memory_space<vmem>>, vector<16xf32>,
    %get3A_690 = vector.shape_cast %get3A_689 : vector<16xf32> to vector<16xf32>
    %min3A_691 = arith.minimumf %min3A_686, %get3A_690 : vector<16xf32>
    %max3A_692 = arith.maximumf %max3A_687, %get3A_690 : vector<16xf32>
    %get3A_693 = arith.constant 2128 : index
    %get3A_694 = tpu.vector_load %arg4[%get3A_693] {strides = array<i32>} : memref<8192xf32, #tpu.memory_space<vmem>>, vector<16xf32>,
    %get3A_695 = vector.shape_cast %get3A_694 : vector<16xf32> to vector<16xf32>
    %min3A_696 = arith.minimumf %min3A_691, %get3A_695 : vector<16xf32>
    %max3A_697 = arith.maximumf %max3A_692, %get3A_695 : vector<16xf32>
    %get3A_698 = arith.constant 2144 : index
    %get3A_699 = tpu.vector_load %arg4[%get3A_698] {strides = array<i32>} : memref<8192xf32, #tpu.memory_space<vmem>>, vector<16xf32>,
    %get3A_700 = vector.shape_cast %get3A_699 : vector<16xf32> to vector<16xf32>
    %min3A_701 = arith.minimumf %min3A_696, %get3A_700 : vector<16xf32>
    %max3A_702 = arith.maximumf %max3A_697, %get3A_700 : vector<16xf32>
    %get3A_703 = arith.constant 2160 : index
    %get3A_704 = tpu.vector_load %arg4[%get3A_703] {strides = array<i32>} : memref<8192xf32, #tpu.memory_space<vmem>>, vector<16xf32>,
    %get3A_705 = vector.shape_cast %get3A_704 : vector<16xf32> to vector<16xf32>
    %min3A_706 = arith.minimumf %min3A_701, %get3A_705 : vector<16xf32>
    %max3A_707 = arith.maximumf %max3A_702, %get3A_705 : vector<16xf32>
    %get3A_708 = arith.constant 2176 : index
    %get3A_709 = tpu.vector_load %arg4[%get3A_708] {strides = array<i32>} : memref<8192xf32, #tpu.memory_space<vmem>>, vector<16xf32>,
    %get3A_710 = vector.shape_cast %get3A_709 : vector<16xf32> to vector<16xf32>
    %min3A_711 = arith.minimumf %min3A_706, %get3A_710 : vector<16xf32>
    %max3A_712 = arith.maximumf %max3A_707, %get3A_710 : vector<16xf32>
    %get3A_713 = arith.constant 2192 : index
    %get3A_714 = tpu.vector_load %arg4[%get3A_713] {strides = array<i32>} : memref<8192xf32, #tpu.memory_space<vmem>>, vector<16xf32>,
    %get3A_715 = vector.shape_cast %get3A_714 : vector<16xf32> to vector<16xf32>
    %min3A_716 = arith.minimumf %min3A_711, %get3A_715 : vector<16xf32>
    %max3A_717 = arith.maximumf %max3A_712, %get3A_715 : vector<16xf32>
    %get3A_718 = arith.constant 2208 : index
    %get3A_719 = tpu.vector_load %arg4[%get3A_718] {strides = array<i32>} : memref<8192xf32, #tpu.memory_space<vmem>>, vector<16xf32>,
    %get3A_720 = vector.shape_cast %get3A_719 : vector<16xf32> to vector<16xf32>
    %min3A_721 = arith.minimumf %min3A_716, %get3A_720 : vector<16xf32>
    %max3A_722 = arith.maximumf %max3A_717, %get3A_720 : vector<16xf32>
    %get3A_723 = arith.constant 2224 : index
    %get3A_724 = tpu.vector_load %arg4[%get3A_723] {strides = array<i32>} : memref<8192xf32, #tpu.memory_space<vmem>>, vector<16xf32>,
    %get3A_725 = vector.shape_cast %get3A_724 : vector<16xf32> to vector<16xf32>
    %min3A_726 = arith.minimumf %min3A_721, %get3A_725 : vector<16xf32>
    %max3A_727 = arith.maximumf %max3A_722, %get3A_725 : vector<16xf32>
    %get3A_728 = arith.constant 2240 : index
    %get3A_729 = tpu.vector_load %arg4[%get3A_728] {strides = array<i32>} : memref<8192xf32, #tpu.memory_space<vmem>>, vector<16xf32>,
    %get3A_730 = vector.shape_cast %get3A_729 : vector<16xf32> to vector<16xf32>
    %min3A_731 = arith.minimumf %min3A_726, %get3A_730 : vector<16xf32>
    %max3A_732 = arith.maximumf %max3A_727, %get3A_730 : vector<16xf32>
    %get3A_733 = arith.constant 2256 : index
    %get3A_734 = tpu.vector_load %arg4[%get3A_733] {strides = array<i32>} : memref<8192xf32, #tpu.memory_space<vmem>>, vector<16xf32>,
    %get3A_735 = vector.shape_cast %get3A_734 : vector<16xf32> to vector<16xf32>
    %min3A_736 = arith.minimumf %min3A_731, %get3A_735 : vector<16xf32>
    %max3A_737 = arith.maximumf %max3A_732, %get3A_735 : vector<16xf32>
    %get3A_738 = arith.constant 2272 : index
    %get3A_739 = tpu.vector_load %arg4[%get3A_738] {strides = array<i32>} : memref<8192xf32, #tpu.memory_space<vmem>>, vector<16xf32>,
    %get3A_740 = vector.shape_cast %get3A_739 : vector<16xf32> to vector<16xf32>
    %min3A_741 = arith.minimumf %min3A_736, %get3A_740 : vector<16xf32>
    %max3A_742 = arith.maximumf %max3A_737, %get3A_740 : vector<16xf32>
    %get3A_743 = arith.constant 2288 : index
    %get3A_744 = tpu.vector_load %arg4[%get3A_743] {strides = array<i32>} : memref<8192xf32, #tpu.memory_space<vmem>>, vector<16xf32>,
    %get3A_745 = vector.shape_cast %get3A_744 : vector<16xf32> to vector<16xf32>
    %min3A_746 = arith.minimumf %min3A_741, %get3A_745 : vector<16xf32>
    %max3A_747 = arith.maximumf %max3A_742, %get3A_745 : vector<16xf32>
    %get3A_748 = arith.constant 2304 : index
    %get3A_749 = tpu.vector_load %arg4[%get3A_748] {strides = array<i32>} : memref<8192xf32, #tpu.memory_space<vmem>>, vector<16xf32>,
    %get3A_750 = vector.shape_cast %get3A_749 : vector<16xf32> to vector<16xf32>
    %min3A_751 = arith.minimumf %min3A_746, %get3A_750 : vector<16xf32>
    %max3A_752 = arith.maximumf %max3A_747, %get3A_750 : vector<16xf32>
    %get3A_753 = arith.constant 2320 : index
    %get3A_754 = tpu.vector_load %arg4[%get3A_753] {strides = array<i32>} : memref<8192xf32, #tpu.memory_space<vmem>>, vector<16xf32>,
    %get3A_755 = vector.shape_cast %get3A_754 : vector<16xf32> to vector<16xf32>
    %min3A_756 = arith.minimumf %min3A_751, %get3A_755 : vector<16xf32>
    %max3A_757 = arith.maximumf %max3A_752, %get3A_755 : vector<16xf32>
    %get3A_758 = arith.constant 2336 : index
    %get3A_759 = tpu.vector_load %arg4[%get3A_758] {strides = array<i32>} : memref<8192xf32, #tpu.memory_space<vmem>>, vector<16xf32>,
    %get3A_760 = vector.shape_cast %get3A_759 : vector<16xf32> to vector<16xf32>
    %min3A_761 = arith.minimumf %min3A_756, %get3A_760 : vector<16xf32>
    %max3A_762 = arith.maximumf %max3A_757, %get3A_760 : vector<16xf32>
    %get3A_763 = arith.constant 2352 : index
    %get3A_764 = tpu.vector_load %arg4[%get3A_763] {strides = array<i32>} : memref<8192xf32, #tpu.memory_space<vmem>>, vector<16xf32>,
    %get3A_765 = vector.shape_cast %get3A_764 : vector<16xf32> to vector<16xf32>
    %min3A_766 = arith.minimumf %min3A_761, %get3A_765 : vector<16xf32>
    %max3A_767 = arith.maximumf %max3A_762, %get3A_765 : vector<16xf32>
    %get3A_768 = arith.constant 2368 : index
    %get3A_769 = tpu.vector_load %arg4[%get3A_768] {strides = array<i32>} : memref<8192xf32, #tpu.memory_space<vmem>>, vector<16xf32>,
    %get3A_770 = vector.shape_cast %get3A_769 : vector<16xf32> to vector<16xf32>
    %min3A_771 = arith.minimumf %min3A_766, %get3A_770 : vector<16xf32>
    %max3A_772 = arith.maximumf %max3A_767, %get3A_770 : vector<16xf32>
    %get3A_773 = arith.constant 2384 : index
    %get3A_774 = tpu.vector_load %arg4[%get3A_773] {strides = array<i32>} : memref<8192xf32, #tpu.memory_space<vmem>>, vector<16xf32>,
    %get3A_775 = vector.shape_cast %get3A_774 : vector<16xf32> to vector<16xf32>
    %min3A_776 = arith.minimumf %min3A_771, %get3A_775 : vector<16xf32>
    %max3A_777 = arith.maximumf %max3A_772, %get3A_775 : vector<16xf32>
    %get3A_778 = arith.constant 2400 : index
    %get3A_779 = tpu.vector_load %arg4[%get3A_778] {strides = array<i32>} : memref<8192xf32, #tpu.memory_space<vmem>>, vector<16xf32>,
    %get3A_780 = vector.shape_cast %get3A_779 : vector<16xf32> to vector<16xf32>
    %min3A_781 = arith.minimumf %min3A_776, %get3A_780 : vector<16xf32>
    %max3A_782 = arith.maximumf %max3A_777, %get3A_780 : vector<16xf32>
    %get3A_783 = arith.constant 2416 : index
    %get3A_784 = tpu.vector_load %arg4[%get3A_783] {strides = array<i32>} : memref<8192xf32, #tpu.memory_space<vmem>>, vector<16xf32>,
    %get3A_785 = vector.shape_cast %get3A_784 : vector<16xf32> to vector<16xf32>
    %min3A_786 = arith.minimumf %min3A_781, %get3A_785 : vector<16xf32>
    %max3A_787 = arith.maximumf %max3A_782, %get3A_785 : vector<16xf32>
    %get3A_788 = arith.constant 2432 : index
    %get3A_789 = tpu.vector_load %arg4[%get3A_788] {strides = array<i32>} : memref<8192xf32, #tpu.memory_space<vmem>>, vector<16xf32>,
    %get3A_790 = vector.shape_cast %get3A_789 : vector<16xf32> to vector<16xf32>
    %min3A_791 = arith.minimumf %min3A_786, %get3A_790 : vector<16xf32>
    %max3A_792 = arith.maximumf %max3A_787, %get3A_790 : vector<16xf32>
    %get3A_793 = arith.constant 2448 : index
    %get3A_794 = tpu.vector_load %arg4[%get3A_793] {strides = array<i32>} : memref<8192xf32, #tpu.memory_space<vmem>>, vector<16xf32>,
    %get3A_795 = vector.shape_cast %get3A_794 : vector<16xf32> to vector<16xf32>
    %min3A_796 = arith.minimumf %min3A_791, %get3A_795 : vector<16xf32>
    %max3A_797 = arith.maximumf %max3A_792, %get3A_795 : vector<16xf32>
    %get3A_798 = arith.constant 2464 : index
    %get3A_799 = tpu.vector_load %arg4[%get3A_798] {strides = array<i32>} : memref<8192xf32, #tpu.memory_space<vmem>>, vector<16xf32>,
    %get3A_800 = vector.shape_cast %get3A_799 : vector<16xf32> to vector<16xf32>
    %min3A_801 = arith.minimumf %min3A_796, %get3A_800 : vector<16xf32>
    %max3A_802 = arith.maximumf %max3A_797, %get3A_800 : vector<16xf32>
    %get3A_803 = arith.constant 2480 : index
    %get3A_804 = tpu.vector_load %arg4[%get3A_803] {strides = array<i32>} : memref<8192xf32, #tpu.memory_space<vmem>>, vector<16xf32>,
    %get3A_805 = vector.shape_cast %get3A_804 : vector<16xf32> to vector<16xf32>
    %min3A_806 = arith.minimumf %min3A_801, %get3A_805 : vector<16xf32>
    %max3A_807 = arith.maximumf %max3A_802, %get3A_805 : vector<16xf32>
    %get3A_808 = arith.constant 2496 : index
    %get3A_809 = tpu.vector_load %arg4[%get3A_808] {strides = array<i32>} : memref<8192xf32, #tpu.memory_space<vmem>>, vector<16xf32>,
    %get3A_810 = vector.shape_cast %get3A_809 : vector<16xf32> to vector<16xf32>
    %min3A_811 = arith.minimumf %min3A_806, %get3A_810 : vector<16xf32>
    %max3A_812 = arith.maximumf %max3A_807, %get3A_810 : vector<16xf32>
    %get3A_813 = arith.constant 2512 : index
    %get3A_814 = tpu.vector_load %arg4[%get3A_813] {strides = array<i32>} : memref<8192xf32, #tpu.memory_space<vmem>>, vector<16xf32>,
    %get3A_815 = vector.shape_cast %get3A_814 : vector<16xf32> to vector<16xf32>
    %min3A_816 = arith.minimumf %min3A_811, %get3A_815 : vector<16xf32>
    %max3A_817 = arith.maximumf %max3A_812, %get3A_815 : vector<16xf32>
    %get3A_818 = arith.constant 2528 : index
    %get3A_819 = tpu.vector_load %arg4[%get3A_818] {strides = array<i32>} : memref<8192xf32, #tpu.memory_space<vmem>>, vector<16xf32>,
    %get3A_820 = vector.shape_cast %get3A_819 : vector<16xf32> to vector<16xf32>
    %min3A_821 = arith.minimumf %min3A_816, %get3A_820 : vector<16xf32>
    %max3A_822 = arith.maximumf %max3A_817, %get3A_820 : vector<16xf32>
    %get3A_823 = arith.constant 2544 : index
    %get3A_824 = tpu.vector_load %arg4[%get3A_823] {strides = array<i32>} : memref<8192xf32, #tpu.memory_space<vmem>>, vector<16xf32>,
    %get3A_825 = vector.shape_cast %get3A_824 : vector<16xf32> to vector<16xf32>
    %min3A_826 = arith.minimumf %min3A_821, %get3A_825 : vector<16xf32>
    %max3A_827 = arith.maximumf %max3A_822, %get3A_825 : vector<16xf32>
    %get3A_828 = arith.constant 2560 : index
    %get3A_829 = tpu.vector_load %arg4[%get3A_828] {strides = array<i32>} : memref<8192xf32, #tpu.memory_space<vmem>>, vector<16xf32>,
    %get3A_830 = vector.shape_cast %get3A_829 : vector<16xf32> to vector<16xf32>
    %min3A_831 = arith.minimumf %min3A_826, %get3A_830 : vector<16xf32>
    %max3A_832 = arith.maximumf %max3A_827, %get3A_830 : vector<16xf32>
    %get3A_833 = arith.constant 2576 : index
    %get3A_834 = tpu.vector_load %arg4[%get3A_833] {strides = array<i32>} : memref<8192xf32, #tpu.memory_space<vmem>>, vector<16xf32>,
    %get3A_835 = vector.shape_cast %get3A_834 : vector<16xf32> to vector<16xf32>
    %min3A_836 = arith.minimumf %min3A_831, %get3A_835 : vector<16xf32>
    %max3A_837 = arith.maximumf %max3A_832, %get3A_835 : vector<16xf32>
    %get3A_838 = arith.constant 2592 : index
    %get3A_839 = tpu.vector_load %arg4[%get3A_838] {strides = array<i32>} : memref<8192xf32, #tpu.memory_space<vmem>>, vector<16xf32>,
    %get3A_840 = vector.shape_cast %get3A_839 : vector<16xf32> to vector<16xf32>
    %min3A_841 = arith.minimumf %min3A_836, %get3A_840 : vector<16xf32>
    %max3A_842 = arith.maximumf %max3A_837, %get3A_840 : vector<16xf32>
    %get3A_843 = arith.constant 2608 : index
    %get3A_844 = tpu.vector_load %arg4[%get3A_843] {strides = array<i32>} : memref<8192xf32, #tpu.memory_space<vmem>>, vector<16xf32>,
    %get3A_845 = vector.shape_cast %get3A_844 : vector<16xf32> to vector<16xf32>
    %min3A_846 = arith.minimumf %min3A_841, %get3A_845 : vector<16xf32>
    %max3A_847 = arith.maximumf %max3A_842, %get3A_845 : vector<16xf32>
    %get3A_848 = arith.constant 2624 : index
    %get3A_849 = tpu.vector_load %arg4[%get3A_848] {strides = array<i32>} : memref<8192xf32, #tpu.memory_space<vmem>>, vector<16xf32>,
    %get3A_850 = vector.shape_cast %get3A_849 : vector<16xf32> to vector<16xf32>
    %min3A_851 = arith.minimumf %min3A_846, %get3A_850 : vector<16xf32>
    %max3A_852 = arith.maximumf %max3A_847, %get3A_850 : vector<16xf32>
    %get3A_853 = arith.constant 2640 : index
    %get3A_854 = tpu.vector_load %arg4[%get3A_853] {strides = array<i32>} : memref<8192xf32, #tpu.memory_space<vmem>>, vector<16xf32>,
    %get3A_855 = vector.shape_cast %get3A_854 : vector<16xf32> to vector<16xf32>
    %min3A_856 = arith.minimumf %min3A_851, %get3A_855 : vector<16xf32>
    %max3A_857 = arith.maximumf %max3A_852, %get3A_855 : vector<16xf32>
    %get3A_858 = arith.constant 2656 : index
    %get3A_859 = tpu.vector_load %arg4[%get3A_858] {strides = array<i32>} : memref<8192xf32, #tpu.memory_space<vmem>>, vector<16xf32>,
    %get3A_860 = vector.shape_cast %get3A_859 : vector<16xf32> to vector<16xf32>
    %min3A_861 = arith.minimumf %min3A_856, %get3A_860 : vector<16xf32>
    %max3A_862 = arith.maximumf %max3A_857, %get3A_860 : vector<16xf32>
    %get3A_863 = arith.constant 2672 : index
    %get3A_864 = tpu.vector_load %arg4[%get3A_863] {strides = array<i32>} : memref<8192xf32, #tpu.memory_space<vmem>>, vector<16xf32>,
    %get3A_865 = vector.shape_cast %get3A_864 : vector<16xf32> to vector<16xf32>
    %min3A_866 = arith.minimumf %min3A_861, %get3A_865 : vector<16xf32>
    %max3A_867 = arith.maximumf %max3A_862, %get3A_865 : vector<16xf32>
    %get3A_868 = arith.constant 2688 : index
    %get3A_869 = tpu.vector_load %arg4[%get3A_868] {strides = array<i32>} : memref<8192xf32, #tpu.memory_space<vmem>>, vector<16xf32>,
    %get3A_870 = vector.shape_cast %get3A_869 : vector<16xf32> to vector<16xf32>
    %min3A_871 = arith.minimumf %min3A_866, %get3A_870 : vector<16xf32>
    %max3A_872 = arith.maximumf %max3A_867, %get3A_870 : vector<16xf32>
    %get3A_873 = arith.constant 2704 : index
    %get3A_874 = tpu.vector_load %arg4[%get3A_873] {strides = array<i32>} : memref<8192xf32, #tpu.memory_space<vmem>>, vector<16xf32>,
    %get3A_875 = vector.shape_cast %get3A_874 : vector<16xf32> to vector<16xf32>
    %min3A_876 = arith.minimumf %min3A_871, %get3A_875 : vector<16xf32>
    %max3A_877 = arith.maximumf %max3A_872, %get3A_875 : vector<16xf32>
    %get3A_878 = arith.constant 2720 : index
    %get3A_879 = tpu.vector_load %arg4[%get3A_878] {strides = array<i32>} : memref<8192xf32, #tpu.memory_space<vmem>>, vector<16xf32>,
    %get3A_880 = vector.shape_cast %get3A_879 : vector<16xf32> to vector<16xf32>
    %min3A_881 = arith.minimumf %min3A_876, %get3A_880 : vector<16xf32>
    %max3A_882 = arith.maximumf %max3A_877, %get3A_880 : vector<16xf32>
    %get3A_883 = arith.constant 2736 : index
    %get3A_884 = tpu.vector_load %arg4[%get3A_883] {strides = array<i32>} : memref<8192xf32, #tpu.memory_space<vmem>>, vector<16xf32>,
    %get3A_885 = vector.shape_cast %get3A_884 : vector<16xf32> to vector<16xf32>
    %min3A_886 = arith.minimumf %min3A_881, %get3A_885 : vector<16xf32>
    %max3A_887 = arith.maximumf %max3A_882, %get3A_885 : vector<16xf32>
    %get3A_888 = arith.constant 2752 : index
    %get3A_889 = tpu.vector_load %arg4[%get3A_888] {strides = array<i32>} : memref<8192xf32, #tpu.memory_space<vmem>>, vector<16xf32>,
    %get3A_890 = vector.shape_cast %get3A_889 : vector<16xf32> to vector<16xf32>
    %min3A_891 = arith.minimumf %min3A_886, %get3A_890 : vector<16xf32>
    %max3A_892 = arith.maximumf %max3A_887, %get3A_890 : vector<16xf32>
    %get3A_893 = arith.constant 2768 : index
    %get3A_894 = tpu.vector_load %arg4[%get3A_893] {strides = array<i32>} : memref<8192xf32, #tpu.memory_space<vmem>>, vector<16xf32>,
    %get3A_895 = vector.shape_cast %get3A_894 : vector<16xf32> to vector<16xf32>
    %min3A_896 = arith.minimumf %min3A_891, %get3A_895 : vector<16xf32>
    %max3A_897 = arith.maximumf %max3A_892, %get3A_895 : vector<16xf32>
    %get3A_898 = arith.constant 2784 : index
    %get3A_899 = tpu.vector_load %arg4[%get3A_898] {strides = array<i32>} : memref<8192xf32, #tpu.memory_space<vmem>>, vector<16xf32>,
    %get3A_900 = vector.shape_cast %get3A_899 : vector<16xf32> to vector<16xf32>
    %min3A_901 = arith.minimumf %min3A_896, %get3A_900 : vector<16xf32>
    %max3A_902 = arith.maximumf %max3A_897, %get3A_900 : vector<16xf32>
    %get3A_903 = arith.constant 2800 : index
    %get3A_904 = tpu.vector_load %arg4[%get3A_903] {strides = array<i32>} : memref<8192xf32, #tpu.memory_space<vmem>>, vector<16xf32>,
    %get3A_905 = vector.shape_cast %get3A_904 : vector<16xf32> to vector<16xf32>
    %min3A_906 = arith.minimumf %min3A_901, %get3A_905 : vector<16xf32>
    %max3A_907 = arith.maximumf %max3A_902, %get3A_905 : vector<16xf32>
    %get3A_908 = arith.constant 2816 : index
    %get3A_909 = tpu.vector_load %arg4[%get3A_908] {strides = array<i32>} : memref<8192xf32, #tpu.memory_space<vmem>>, vector<16xf32>,
    %get3A_910 = vector.shape_cast %get3A_909 : vector<16xf32> to vector<16xf32>
    %min3A_911 = arith.minimumf %min3A_906, %get3A_910 : vector<16xf32>
    %max3A_912 = arith.maximumf %max3A_907, %get3A_910 : vector<16xf32>
    %get3A_913 = arith.constant 2832 : index
    %get3A_914 = tpu.vector_load %arg4[%get3A_913] {strides = array<i32>} : memref<8192xf32, #tpu.memory_space<vmem>>, vector<16xf32>,
    %get3A_915 = vector.shape_cast %get3A_914 : vector<16xf32> to vector<16xf32>
    %min3A_916 = arith.minimumf %min3A_911, %get3A_915 : vector<16xf32>
    %max3A_917 = arith.maximumf %max3A_912, %get3A_915 : vector<16xf32>
    %get3A_918 = arith.constant 2848 : index
    %get3A_919 = tpu.vector_load %arg4[%get3A_918] {strides = array<i32>} : memref<8192xf32, #tpu.memory_space<vmem>>, vector<16xf32>,
    %get3A_920 = vector.shape_cast %get3A_919 : vector<16xf32> to vector<16xf32>
    %min3A_921 = arith.minimumf %min3A_916, %get3A_920 : vector<16xf32>
    %max3A_922 = arith.maximumf %max3A_917, %get3A_920 : vector<16xf32>
    %get3A_923 = arith.constant 2864 : index
    %get3A_924 = tpu.vector_load %arg4[%get3A_923] {strides = array<i32>} : memref<8192xf32, #tpu.memory_space<vmem>>, vector<16xf32>,
    %get3A_925 = vector.shape_cast %get3A_924 : vector<16xf32> to vector<16xf32>
    %min3A_926 = arith.minimumf %min3A_921, %get3A_925 : vector<16xf32>
    %max3A_927 = arith.maximumf %max3A_922, %get3A_925 : vector<16xf32>
    %get3A_928 = arith.constant 2880 : index
    %get3A_929 = tpu.vector_load %arg4[%get3A_928] {strides = array<i32>} : memref<8192xf32, #tpu.memory_space<vmem>>, vector<16xf32>,
    %get3A_930 = vector.shape_cast %get3A_929 : vector<16xf32> to vector<16xf32>
    %min3A_931 = arith.minimumf %min3A_926, %get3A_930 : vector<16xf32>
    %max3A_932 = arith.maximumf %max3A_927, %get3A_930 : vector<16xf32>
    %get3A_933 = arith.constant 2896 : index
    %get3A_934 = tpu.vector_load %arg4[%get3A_933] {strides = array<i32>} : memref<8192xf32, #tpu.memory_space<vmem>>, vector<16xf32>,
    %get3A_935 = vector.shape_cast %get3A_934 : vector<16xf32> to vector<16xf32>
    %min3A_936 = arith.minimumf %min3A_931, %get3A_935 : vector<16xf32>
    %max3A_937 = arith.maximumf %max3A_932, %get3A_935 : vector<16xf32>
    %get3A_938 = arith.constant 2912 : index
    %get3A_939 = tpu.vector_load %arg4[%get3A_938] {strides = array<i32>} : memref<8192xf32, #tpu.memory_space<vmem>>, vector<16xf32>,
    %get3A_940 = vector.shape_cast %get3A_939 : vector<16xf32> to vector<16xf32>
    %min3A_941 = arith.minimumf %min3A_936, %get3A_940 : vector<16xf32>
    %max3A_942 = arith.maximumf %max3A_937, %get3A_940 : vector<16xf32>
    %get3A_943 = arith.constant 2928 : index
    %get3A_944 = tpu.vector_load %arg4[%get3A_943] {strides = array<i32>} : memref<8192xf32, #tpu.memory_space<vmem>>, vector<16xf32>,
    %get3A_945 = vector.shape_cast %get3A_944 : vector<16xf32> to vector<16xf32>
    %min3A_946 = arith.minimumf %min3A_941, %get3A_945 : vector<16xf32>
    %max3A_947 = arith.maximumf %max3A_942, %get3A_945 : vector<16xf32>
    %get3A_948 = arith.constant 2944 : index
    %get3A_949 = tpu.vector_load %arg4[%get3A_948] {strides = array<i32>} : memref<8192xf32, #tpu.memory_space<vmem>>, vector<16xf32>,
    %get3A_950 = vector.shape_cast %get3A_949 : vector<16xf32> to vector<16xf32>
    %min3A_951 = arith.minimumf %min3A_946, %get3A_950 : vector<16xf32>
    %max3A_952 = arith.maximumf %max3A_947, %get3A_950 : vector<16xf32>
    %get3A_953 = arith.constant 2960 : index
    %get3A_954 = tpu.vector_load %arg4[%get3A_953] {strides = array<i32>} : memref<8192xf32, #tpu.memory_space<vmem>>, vector<16xf32>,
    %get3A_955 = vector.shape_cast %get3A_954 : vector<16xf32> to vector<16xf32>
    %min3A_956 = arith.minimumf %min3A_951, %get3A_955 : vector<16xf32>
    %max3A_957 = arith.maximumf %max3A_952, %get3A_955 : vector<16xf32>
    %get3A_958 = arith.constant 2976 : index
    %get3A_959 = tpu.vector_load %arg4[%get3A_958] {strides = array<i32>} : memref<8192xf32, #tpu.memory_space<vmem>>, vector<16xf32>,
    %get3A_960 = vector.shape_cast %get3A_959 : vector<16xf32> to vector<16xf32>
    %min3A_961 = arith.minimumf %min3A_956, %get3A_960 : vector<16xf32>
    %max3A_962 = arith.maximumf %max3A_957, %get3A_960 : vector<16xf32>
    %get3A_963 = arith.constant 2992 : index
    %get3A_964 = tpu.vector_load %arg4[%get3A_963] {strides = array<i32>} : memref<8192xf32, #tpu.memory_space<vmem>>, vector<16xf32>,
    %get3A_965 = vector.shape_cast %get3A_964 : vector<16xf32> to vector<16xf32>
    %min3A_966 = arith.minimumf %min3A_961, %get3A_965 : vector<16xf32>
    %max3A_967 = arith.maximumf %max3A_962, %get3A_965 : vector<16xf32>
    %get3A_968 = arith.constant 3008 : index
    %get3A_969 = tpu.vector_load %arg4[%get3A_968] {strides = array<i32>} : memref<8192xf32, #tpu.memory_space<vmem>>, vector<16xf32>,
    %get3A_970 = vector.shape_cast %get3A_969 : vector<16xf32> to vector<16xf32>
    %min3A_971 = arith.minimumf %min3A_966, %get3A_970 : vector<16xf32>
    %max3A_972 = arith.maximumf %max3A_967, %get3A_970 : vector<16xf32>
    %get3A_973 = arith.constant 3024 : index
    %get3A_974 = tpu.vector_load %arg4[%get3A_973] {strides = array<i32>} : memref<8192xf32, #tpu.memory_space<vmem>>, vector<16xf32>,
    %get3A_975 = vector.shape_cast %get3A_974 : vector<16xf32> to vector<16xf32>
    %min3A_976 = arith.minimumf %min3A_971, %get3A_975 : vector<16xf32>
    %max3A_977 = arith.maximumf %max3A_972, %get3A_975 : vector<16xf32>
    %get3A_978 = arith.constant 3040 : index
    %get3A_979 = tpu.vector_load %arg4[%get3A_978] {strides = array<i32>} : memref<8192xf32, #tpu.memory_space<vmem>>, vector<16xf32>,
    %get3A_980 = vector.shape_cast %get3A_979 : vector<16xf32> to vector<16xf32>
    %min3A_981 = arith.minimumf %min3A_976, %get3A_980 : vector<16xf32>
    %max3A_982 = arith.maximumf %max3A_977, %get3A_980 : vector<16xf32>
    %get3A_983 = arith.constant 3056 : index
    %get3A_984 = tpu.vector_load %arg4[%get3A_983] {strides = array<i32>} : memref<8192xf32, #tpu.memory_space<vmem>>, vector<16xf32>,
    %get3A_985 = vector.shape_cast %get3A_984 : vector<16xf32> to vector<16xf32>
    %min3A_986 = arith.minimumf %min3A_981, %get3A_985 : vector<16xf32>
    %max3A_987 = arith.maximumf %max3A_982, %get3A_985 : vector<16xf32>
    %get3A_988 = arith.constant 3072 : index
    %get3A_989 = tpu.vector_load %arg4[%get3A_988] {strides = array<i32>} : memref<8192xf32, #tpu.memory_space<vmem>>, vector<16xf32>,
    %get3A_990 = vector.shape_cast %get3A_989 : vector<16xf32> to vector<16xf32>
    %min3A_991 = arith.minimumf %min3A_986, %get3A_990 : vector<16xf32>
    %max3A_992 = arith.maximumf %max3A_987, %get3A_990 : vector<16xf32>
    %get3A_993 = arith.constant 3088 : index
    %get3A_994 = tpu.vector_load %arg4[%get3A_993] {strides = array<i32>} : memref<8192xf32, #tpu.memory_space<vmem>>, vector<16xf32>,
    %get3A_995 = vector.shape_cast %get3A_994 : vector<16xf32> to vector<16xf32>
    %min3A_996 = arith.minimumf %min3A_991, %get3A_995 : vector<16xf32>
    %max3A_997 = arith.maximumf %max3A_992, %get3A_995 : vector<16xf32>
    %get3A_998 = arith.constant 3104 : index
    %get3A_999 = tpu.vector_load %arg4[%get3A_998] {strides = array<i32>} : memref<8192xf32, #tpu.memory_space<vmem>>, vector<16xf32>,
    %get3A_1000 = vector.shape_cast %get3A_999 : vector<16xf32> to vector<16xf32>
    %min3A_1001 = arith.minimumf %min3A_996, %get3A_1000 : vector<16xf32>
    %max3A_1002 = arith.maximumf %max3A_997, %get3A_1000 : vector<16xf32>
    %get3A_1003 = arith.constant 3120 : index
    %get3A_1004 = tpu.vector_load %arg4[%get3A_1003] {strides = array<i32>} : memref<8192xf32, #tpu.memory_space<vmem>>, vector<16xf32>,
    %get3A_1005 = vector.shape_cast %get3A_1004 : vector<16xf32> to vector<16xf32>
    %min3A_1006 = arith.minimumf %min3A_1001, %get3A_1005 : vector<16xf32>
    %max3A_1007 = arith.maximumf %max3A_1002, %get3A_1005 : vector<16xf32>
    %get3A_1008 = arith.constant 3136 : index
    %get3A_1009 = tpu.vector_load %arg4[%get3A_1008] {strides = array<i32>} : memref<8192xf32, #tpu.memory_space<vmem>>, vector<16xf32>,
    %get3A_1010 = vector.shape_cast %get3A_1009 : vector<16xf32> to vector<16xf32>
    %min3A_1011 = arith.minimumf %min3A_1006, %get3A_1010 : vector<16xf32>
    %max3A_1012 = arith.maximumf %max3A_1007, %get3A_1010 : vector<16xf32>
    %get3A_1013 = arith.constant 3152 : index
    %get3A_1014 = tpu.vector_load %arg4[%get3A_1013] {strides = array<i32>} : memref<8192xf32, #tpu.memory_space<vmem>>, vector<16xf32>,
    %get3A_1015 = vector.shape_cast %get3A_1014 : vector<16xf32> to vector<16xf32>
    %min3A_1016 = arith.minimumf %min3A_1011, %get3A_1015 : vector<16xf32>
    %max3A_1017 = arith.maximumf %max3A_1012, %get3A_1015 : vector<16xf32>
    %get3A_1018 = arith.constant 3168 : index
    %get3A_1019 = tpu.vector_load %arg4[%get3A_1018] {strides = array<i32>} : memref<8192xf32, #tpu.memory_space<vmem>>, vector<16xf32>,
    %get3A_1020 = vector.shape_cast %get3A_1019 : vector<16xf32> to vector<16xf32>
    %min3A_1021 = arith.minimumf %min3A_1016, %get3A_1020 : vector<16xf32>
    %max3A_1022 = arith.maximumf %max3A_1017, %get3A_1020 : vector<16xf32>
    %get3A_1023 = arith.constant 3184 : index
    %get3A_1024 = tpu.vector_load %arg4[%get3A_1023] {strides = array<i32>} : memref<8192xf32, #tpu.memory_space<vmem>>, vector<16xf32>,
    %get3A_1025 = vector.shape_cast %get3A_1024 : vector<16xf32> to vector<16xf32>
    %min3A_1026 = arith.minimumf %min3A_1021, %get3A_1025 : vector<16xf32>
    %max3A_1027 = arith.maximumf %max3A_1022, %get3A_1025 : vector<16xf32>
    %get3A_1028 = arith.constant 3200 : index
    %get3A_1029 = tpu.vector_load %arg4[%get3A_1028] {strides = array<i32>} : memref<8192xf32, #tpu.memory_space<vmem>>, vector<16xf32>,
    %get3A_1030 = vector.shape_cast %get3A_1029 : vector<16xf32> to vector<16xf32>
    %min3A_1031 = arith.minimumf %min3A_1026, %get3A_1030 : vector<16xf32>
    %max3A_1032 = arith.maximumf %max3A_1027, %get3A_1030 : vector<16xf32>
    %get3A_1033 = arith.constant 3216 : index
    %get3A_1034 = tpu.vector_load %arg4[%get3A_1033] {strides = array<i32>} : memref<8192xf32, #tpu.memory_space<vmem>>, vector<16xf32>,
    %get3A_1035 = vector.shape_cast %get3A_1034 : vector<16xf32> to vector<16xf32>
    %min3A_1036 = arith.minimumf %min3A_1031, %get3A_1035 : vector<16xf32>
    %max3A_1037 = arith.maximumf %max3A_1032, %get3A_1035 : vector<16xf32>
    %get3A_1038 = arith.constant 3232 : index
    %get3A_1039 = tpu.vector_load %arg4[%get3A_1038] {strides = array<i32>} : memref<8192xf32, #tpu.memory_space<vmem>>, vector<16xf32>,
    %get3A_1040 = vector.shape_cast %get3A_1039 : vector<16xf32> to vector<16xf32>
    %min3A_1041 = arith.minimumf %min3A_1036, %get3A_1040 : vector<16xf32>
    %max3A_1042 = arith.maximumf %max3A_1037, %get3A_1040 : vector<16xf32>
    %get3A_1043 = arith.constant 3248 : index
    %get3A_1044 = tpu.vector_load %arg4[%get3A_1043] {strides = array<i32>} : memref<8192xf32, #tpu.memory_space<vmem>>, vector<16xf32>,
    %get3A_1045 = vector.shape_cast %get3A_1044 : vector<16xf32> to vector<16xf32>
    %min3A_1046 = arith.minimumf %min3A_1041, %get3A_1045 : vector<16xf32>
    %max3A_1047 = arith.maximumf %max3A_1042, %get3A_1045 : vector<16xf32>
    %get3A_1048 = arith.constant 3264 : index
    %get3A_1049 = tpu.vector_load %arg4[%get3A_1048] {strides = array<i32>} : memref<8192xf32, #tpu.memory_space<vmem>>, vector<16xf32>,
    %get3A_1050 = vector.shape_cast %get3A_1049 : vector<16xf32> to vector<16xf32>
    %min3A_1051 = arith.minimumf %min3A_1046, %get3A_1050 : vector<16xf32>
    %max3A_1052 = arith.maximumf %max3A_1047, %get3A_1050 : vector<16xf32>
    %get3A_1053 = arith.constant 3280 : index
    %get3A_1054 = tpu.vector_load %arg4[%get3A_1053] {strides = array<i32>} : memref<8192xf32, #tpu.memory_space<vmem>>, vector<16xf32>,
    %get3A_1055 = vector.shape_cast %get3A_1054 : vector<16xf32> to vector<16xf32>
    %min3A_1056 = arith.minimumf %min3A_1051, %get3A_1055 : vector<16xf32>
    %max3A_1057 = arith.maximumf %max3A_1052, %get3A_1055 : vector<16xf32>
    %get3A_1058 = arith.constant 3296 : index
    %get3A_1059 = tpu.vector_load %arg4[%get3A_1058] {strides = array<i32>} : memref<8192xf32, #tpu.memory_space<vmem>>, vector<16xf32>,
    %get3A_1060 = vector.shape_cast %get3A_1059 : vector<16xf32> to vector<16xf32>
    %min3A_1061 = arith.minimumf %min3A_1056, %get3A_1060 : vector<16xf32>
    %max3A_1062 = arith.maximumf %max3A_1057, %get3A_1060 : vector<16xf32>
    %get3A_1063 = arith.constant 3312 : index
    %get3A_1064 = tpu.vector_load %arg4[%get3A_1063] {strides = array<i32>} : memref<8192xf32, #tpu.memory_space<vmem>>, vector<16xf32>,
    %get3A_1065 = vector.shape_cast %get3A_1064 : vector<16xf32> to vector<16xf32>
    %min3A_1066 = arith.minimumf %min3A_1061, %get3A_1065 : vector<16xf32>
    %max3A_1067 = arith.maximumf %max3A_1062, %get3A_1065 : vector<16xf32>
    %get3A_1068 = arith.constant 3328 : index
    %get3A_1069 = tpu.vector_load %arg4[%get3A_1068] {strides = array<i32>} : memref<8192xf32, #tpu.memory_space<vmem>>, vector<16xf32>,
    %get3A_1070 = vector.shape_cast %get3A_1069 : vector<16xf32> to vector<16xf32>
    %min3A_1071 = arith.minimumf %min3A_1066, %get3A_1070 : vector<16xf32>
    %max3A_1072 = arith.maximumf %max3A_1067, %get3A_1070 : vector<16xf32>
    %get3A_1073 = arith.constant 3344 : index
    %get3A_1074 = tpu.vector_load %arg4[%get3A_1073] {strides = array<i32>} : memref<8192xf32, #tpu.memory_space<vmem>>, vector<16xf32>,
    %get3A_1075 = vector.shape_cast %get3A_1074 : vector<16xf32> to vector<16xf32>
    %min3A_1076 = arith.minimumf %min3A_1071, %get3A_1075 : vector<16xf32>
    %max3A_1077 = arith.maximumf %max3A_1072, %get3A_1075 : vector<16xf32>
    %get3A_1078 = arith.constant 3360 : index
    %get3A_1079 = tpu.vector_load %arg4[%get3A_1078] {strides = array<i32>} : memref<8192xf32, #tpu.memory_space<vmem>>, vector<16xf32>,
    %get3A_1080 = vector.shape_cast %get3A_1079 : vector<16xf32> to vector<16xf32>
    %min3A_1081 = arith.minimumf %min3A_1076, %get3A_1080 : vector<16xf32>
    %max3A_1082 = arith.maximumf %max3A_1077, %get3A_1080 : vector<16xf32>
    %get3A_1083 = arith.constant 3376 : index
    %get3A_1084 = tpu.vector_load %arg4[%get3A_1083] {strides = array<i32>} : memref<8192xf32, #tpu.memory_space<vmem>>, vector<16xf32>,
    %get3A_1085 = vector.shape_cast %get3A_1084 : vector<16xf32> to vector<16xf32>
    %min3A_1086 = arith.minimumf %min3A_1081, %get3A_1085 : vector<16xf32>
    %max3A_1087 = arith.maximumf %max3A_1082, %get3A_1085 : vector<16xf32>
    %get3A_1088 = arith.constant 3392 : index
    %get3A_1089 = tpu.vector_load %arg4[%get3A_1088] {strides = array<i32>} : memref<8192xf32, #tpu.memory_space<vmem>>, vector<16xf32>,
    %get3A_1090 = vector.shape_cast %get3A_1089 : vector<16xf32> to vector<16xf32>
    %min3A_1091 = arith.minimumf %min3A_1086, %get3A_1090 : vector<16xf32>
    %max3A_1092 = arith.maximumf %max3A_1087, %get3A_1090 : vector<16xf32>
    %get3A_1093 = arith.constant 3408 : index
    %get3A_1094 = tpu.vector_load %arg4[%get3A_1093] {strides = array<i32>} : memref<8192xf32, #tpu.memory_space<vmem>>, vector<16xf32>,
    %get3A_1095 = vector.shape_cast %get3A_1094 : vector<16xf32> to vector<16xf32>
    %min3A_1096 = arith.minimumf %min3A_1091, %get3A_1095 : vector<16xf32>
    %max3A_1097 = arith.maximumf %max3A_1092, %get3A_1095 : vector<16xf32>
    %get3A_1098 = arith.constant 3424 : index
    %get3A_1099 = tpu.vector_load %arg4[%get3A_1098] {strides = array<i32>} : memref<8192xf32, #tpu.memory_space<vmem>>, vector<16xf32>,
    %get3A_1100 = vector.shape_cast %get3A_1099 : vector<16xf32> to vector<16xf32>
    %min3A_1101 = arith.minimumf %min3A_1096, %get3A_1100 : vector<16xf32>
    %max3A_1102 = arith.maximumf %max3A_1097, %get3A_1100 : vector<16xf32>
    %get3A_1103 = arith.constant 3440 : index
    %get3A_1104 = tpu.vector_load %arg4[%get3A_1103] {strides = array<i32>} : memref<8192xf32, #tpu.memory_space<vmem>>, vector<16xf32>,
    %get3A_1105 = vector.shape_cast %get3A_1104 : vector<16xf32> to vector<16xf32>
    %min3A_1106 = arith.minimumf %min3A_1101, %get3A_1105 : vector<16xf32>
    %max3A_1107 = arith.maximumf %max3A_1102, %get3A_1105 : vector<16xf32>
    %get3A_1108 = arith.constant 3456 : index
    %get3A_1109 = tpu.vector_load %arg4[%get3A_1108] {strides = array<i32>} : memref<8192xf32, #tpu.memory_space<vmem>>, vector<16xf32>,
    %get3A_1110 = vector.shape_cast %get3A_1109 : vector<16xf32> to vector<16xf32>
    %min3A_1111 = arith.minimumf %min3A_1106, %get3A_1110 : vector<16xf32>
    %max3A_1112 = arith.maximumf %max3A_1107, %get3A_1110 : vector<16xf32>
    %get3A_1113 = arith.constant 3472 : index
    %get3A_1114 = tpu.vector_load %arg4[%get3A_1113] {strides = array<i32>} : memref<8192xf32, #tpu.memory_space<vmem>>, vector<16xf32>,
    %get3A_1115 = vector.shape_cast %get3A_1114 : vector<16xf32> to vector<16xf32>
    %min3A_1116 = arith.minimumf %min3A_1111, %get3A_1115 : vector<16xf32>
    %max3A_1117 = arith.maximumf %max3A_1112, %get3A_1115 : vector<16xf32>
    %get3A_1118 = arith.constant 3488 : index
    %get3A_1119 = tpu.vector_load %arg4[%get3A_1118] {strides = array<i32>} : memref<8192xf32, #tpu.memory_space<vmem>>, vector<16xf32>,
    %get3A_1120 = vector.shape_cast %get3A_1119 : vector<16xf32> to vector<16xf32>
    %min3A_1121 = arith.minimumf %min3A_1116, %get3A_1120 : vector<16xf32>
    %max3A_1122 = arith.maximumf %max3A_1117, %get3A_1120 : vector<16xf32>
    %get3A_1123 = arith.constant 3504 : index
    %get3A_1124 = tpu.vector_load %arg4[%get3A_1123] {strides = array<i32>} : memref<8192xf32, #tpu.memory_space<vmem>>, vector<16xf32>,
    %get3A_1125 = vector.shape_cast %get3A_1124 : vector<16xf32> to vector<16xf32>
    %min3A_1126 = arith.minimumf %min3A_1121, %get3A_1125 : vector<16xf32>
    %max3A_1127 = arith.maximumf %max3A_1122, %get3A_1125 : vector<16xf32>
    %get3A_1128 = arith.constant 3520 : index
    %get3A_1129 = tpu.vector_load %arg4[%get3A_1128] {strides = array<i32>} : memref<8192xf32, #tpu.memory_space<vmem>>, vector<16xf32>,
    %get3A_1130 = vector.shape_cast %get3A_1129 : vector<16xf32> to vector<16xf32>
    %min3A_1131 = arith.minimumf %min3A_1126, %get3A_1130 : vector<16xf32>
    %max3A_1132 = arith.maximumf %max3A_1127, %get3A_1130 : vector<16xf32>
    %get3A_1133 = arith.constant 3536 : index
    %get3A_1134 = tpu.vector_load %arg4[%get3A_1133] {strides = array<i32>} : memref<8192xf32, #tpu.memory_space<vmem>>, vector<16xf32>,
    %get3A_1135 = vector.shape_cast %get3A_1134 : vector<16xf32> to vector<16xf32>
    %min3A_1136 = arith.minimumf %min3A_1131, %get3A_1135 : vector<16xf32>
    %max3A_1137 = arith.maximumf %max3A_1132, %get3A_1135 : vector<16xf32>
    %get3A_1138 = arith.constant 3552 : index
    %get3A_1139 = tpu.vector_load %arg4[%get3A_1138] {strides = array<i32>} : memref<8192xf32, #tpu.memory_space<vmem>>, vector<16xf32>,
    %get3A_1140 = vector.shape_cast %get3A_1139 : vector<16xf32> to vector<16xf32>
    %min3A_1141 = arith.minimumf %min3A_1136, %get3A_1140 : vector<16xf32>
    %max3A_1142 = arith.maximumf %max3A_1137, %get3A_1140 : vector<16xf32>
    %get3A_1143 = arith.constant 3568 : index
    %get3A_1144 = tpu.vector_load %arg4[%get3A_1143] {strides = array<i32>} : memref<8192xf32, #tpu.memory_space<vmem>>, vector<16xf32>,
    %get3A_1145 = vector.shape_cast %get3A_1144 : vector<16xf32> to vector<16xf32>
    %min3A_1146 = arith.minimumf %min3A_1141, %get3A_1145 : vector<16xf32>
    %max3A_1147 = arith.maximumf %max3A_1142, %get3A_1145 : vector<16xf32>
    %get3A_1148 = arith.constant 3584 : index
    %get3A_1149 = tpu.vector_load %arg4[%get3A_1148] {strides = array<i32>} : memref<8192xf32, #tpu.memory_space<vmem>>, vector<16xf32>,
    %get3A_1150 = vector.shape_cast %get3A_1149 : vector<16xf32> to vector<16xf32>
    %min3A_1151 = arith.minimumf %min3A_1146, %get3A_1150 : vector<16xf32>
    %max3A_1152 = arith.maximumf %max3A_1147, %get3A_1150 : vector<16xf32>
    %get3A_1153 = arith.constant 3600 : index
    %get3A_1154 = tpu.vector_load %arg4[%get3A_1153] {strides = array<i32>} : memref<8192xf32, #tpu.memory_space<vmem>>, vector<16xf32>,
    %get3A_1155 = vector.shape_cast %get3A_1154 : vector<16xf32> to vector<16xf32>
    %min3A_1156 = arith.minimumf %min3A_1151, %get3A_1155 : vector<16xf32>
    %max3A_1157 = arith.maximumf %max3A_1152, %get3A_1155 : vector<16xf32>
    %get3A_1158 = arith.constant 3616 : index
    %get3A_1159 = tpu.vector_load %arg4[%get3A_1158] {strides = array<i32>} : memref<8192xf32, #tpu.memory_space<vmem>>, vector<16xf32>,
    %get3A_1160 = vector.shape_cast %get3A_1159 : vector<16xf32> to vector<16xf32>
    %min3A_1161 = arith.minimumf %min3A_1156, %get3A_1160 : vector<16xf32>
    %max3A_1162 = arith.maximumf %max3A_1157, %get3A_1160 : vector<16xf32>
    %get3A_1163 = arith.constant 3632 : index
    %get3A_1164 = tpu.vector_load %arg4[%get3A_1163] {strides = array<i32>} : memref<8192xf32, #tpu.memory_space<vmem>>, vector<16xf32>,
    %get3A_1165 = vector.shape_cast %get3A_1164 : vector<16xf32> to vector<16xf32>
    %min3A_1166 = arith.minimumf %min3A_1161, %get3A_1165 : vector<16xf32>
    %max3A_1167 = arith.maximumf %max3A_1162, %get3A_1165 : vector<16xf32>
    %get3A_1168 = arith.constant 3648 : index
    %get3A_1169 = tpu.vector_load %arg4[%get3A_1168] {strides = array<i32>} : memref<8192xf32, #tpu.memory_space<vmem>>, vector<16xf32>,
    %get3A_1170 = vector.shape_cast %get3A_1169 : vector<16xf32> to vector<16xf32>
    %min3A_1171 = arith.minimumf %min3A_1166, %get3A_1170 : vector<16xf32>
    %max3A_1172 = arith.maximumf %max3A_1167, %get3A_1170 : vector<16xf32>
    %get3A_1173 = arith.constant 3664 : index
    %get3A_1174 = tpu.vector_load %arg4[%get3A_1173] {strides = array<i32>} : memref<8192xf32, #tpu.memory_space<vmem>>, vector<16xf32>,
    %get3A_1175 = vector.shape_cast %get3A_1174 : vector<16xf32> to vector<16xf32>
    %min3A_1176 = arith.minimumf %min3A_1171, %get3A_1175 : vector<16xf32>
    %max3A_1177 = arith.maximumf %max3A_1172, %get3A_1175 : vector<16xf32>
    %get3A_1178 = arith.constant 3680 : index
    %get3A_1179 = tpu.vector_load %arg4[%get3A_1178] {strides = array<i32>} : memref<8192xf32, #tpu.memory_space<vmem>>, vector<16xf32>,
    %get3A_1180 = vector.shape_cast %get3A_1179 : vector<16xf32> to vector<16xf32>
    %min3A_1181 = arith.minimumf %min3A_1176, %get3A_1180 : vector<16xf32>
    %max3A_1182 = arith.maximumf %max3A_1177, %get3A_1180 : vector<16xf32>
    %get3A_1183 = arith.constant 3696 : index
    %get3A_1184 = tpu.vector_load %arg4[%get3A_1183] {strides = array<i32>} : memref<8192xf32, #tpu.memory_space<vmem>>, vector<16xf32>,
    %get3A_1185 = vector.shape_cast %get3A_1184 : vector<16xf32> to vector<16xf32>
    %min3A_1186 = arith.minimumf %min3A_1181, %get3A_1185 : vector<16xf32>
    %max3A_1187 = arith.maximumf %max3A_1182, %get3A_1185 : vector<16xf32>
    %get3A_1188 = arith.constant 3712 : index
    %get3A_1189 = tpu.vector_load %arg4[%get3A_1188] {strides = array<i32>} : memref<8192xf32, #tpu.memory_space<vmem>>, vector<16xf32>,
    %get3A_1190 = vector.shape_cast %get3A_1189 : vector<16xf32> to vector<16xf32>
    %min3A_1191 = arith.minimumf %min3A_1186, %get3A_1190 : vector<16xf32>
    %max3A_1192 = arith.maximumf %max3A_1187, %get3A_1190 : vector<16xf32>
    %get3A_1193 = arith.constant 3728 : index
    %get3A_1194 = tpu.vector_load %arg4[%get3A_1193] {strides = array<i32>} : memref<8192xf32, #tpu.memory_space<vmem>>, vector<16xf32>,
    %get3A_1195 = vector.shape_cast %get3A_1194 : vector<16xf32> to vector<16xf32>
    %min3A_1196 = arith.minimumf %min3A_1191, %get3A_1195 : vector<16xf32>
    %max3A_1197 = arith.maximumf %max3A_1192, %get3A_1195 : vector<16xf32>
    %get3A_1198 = arith.constant 3744 : index
    %get3A_1199 = tpu.vector_load %arg4[%get3A_1198] {strides = array<i32>} : memref<8192xf32, #tpu.memory_space<vmem>>, vector<16xf32>,
    %get3A_1200 = vector.shape_cast %get3A_1199 : vector<16xf32> to vector<16xf32>
    %min3A_1201 = arith.minimumf %min3A_1196, %get3A_1200 : vector<16xf32>
    %max3A_1202 = arith.maximumf %max3A_1197, %get3A_1200 : vector<16xf32>
    %get3A_1203 = arith.constant 3760 : index
    %get3A_1204 = tpu.vector_load %arg4[%get3A_1203] {strides = array<i32>} : memref<8192xf32, #tpu.memory_space<vmem>>, vector<16xf32>,
    %get3A_1205 = vector.shape_cast %get3A_1204 : vector<16xf32> to vector<16xf32>
    %min3A_1206 = arith.minimumf %min3A_1201, %get3A_1205 : vector<16xf32>
    %max3A_1207 = arith.maximumf %max3A_1202, %get3A_1205 : vector<16xf32>
    %get3A_1208 = arith.constant 3776 : index
    %get3A_1209 = tpu.vector_load %arg4[%get3A_1208] {strides = array<i32>} : memref<8192xf32, #tpu.memory_space<vmem>>, vector<16xf32>,
    %get3A_1210 = vector.shape_cast %get3A_1209 : vector<16xf32> to vector<16xf32>
    %min3A_1211 = arith.minimumf %min3A_1206, %get3A_1210 : vector<16xf32>
    %max3A_1212 = arith.maximumf %max3A_1207, %get3A_1210 : vector<16xf32>
    %get3A_1213 = arith.constant 3792 : index
    %get3A_1214 = tpu.vector_load %arg4[%get3A_1213] {strides = array<i32>} : memref<8192xf32, #tpu.memory_space<vmem>>, vector<16xf32>,
    %get3A_1215 = vector.shape_cast %get3A_1214 : vector<16xf32> to vector<16xf32>
    %min3A_1216 = arith.minimumf %min3A_1211, %get3A_1215 : vector<16xf32>
    %max3A_1217 = arith.maximumf %max3A_1212, %get3A_1215 : vector<16xf32>
    %get3A_1218 = arith.constant 3808 : index
    %get3A_1219 = tpu.vector_load %arg4[%get3A_1218] {strides = array<i32>} : memref<8192xf32, #tpu.memory_space<vmem>>, vector<16xf32>,
    %get3A_1220 = vector.shape_cast %get3A_1219 : vector<16xf32> to vector<16xf32>
    %min3A_1221 = arith.minimumf %min3A_1216, %get3A_1220 : vector<16xf32>
    %max3A_1222 = arith.maximumf %max3A_1217, %get3A_1220 : vector<16xf32>
    %get3A_1223 = arith.constant 3824 : index
    %get3A_1224 = tpu.vector_load %arg4[%get3A_1223] {strides = array<i32>} : memref<8192xf32, #tpu.memory_space<vmem>>, vector<16xf32>,
    %get3A_1225 = vector.shape_cast %get3A_1224 : vector<16xf32> to vector<16xf32>
    %min3A_1226 = arith.minimumf %min3A_1221, %get3A_1225 : vector<16xf32>
    %max3A_1227 = arith.maximumf %max3A_1222, %get3A_1225 : vector<16xf32>
    %get3A_1228 = arith.constant 3840 : index
    %get3A_1229 = tpu.vector_load %arg4[%get3A_1228] {strides = array<i32>} : memref<8192xf32, #tpu.memory_space<vmem>>, vector<16xf32>,
    %get3A_1230 = vector.shape_cast %get3A_1229 : vector<16xf32> to vector<16xf32>
    %min3A_1231 = arith.minimumf %min3A_1226, %get3A_1230 : vector<16xf32>
    %max3A_1232 = arith.maximumf %max3A_1227, %get3A_1230 : vector<16xf32>
    %get3A_1233 = arith.constant 3856 : index
    %get3A_1234 = tpu.vector_load %arg4[%get3A_1233] {strides = array<i32>} : memref<8192xf32, #tpu.memory_space<vmem>>, vector<16xf32>,
    %get3A_1235 = vector.shape_cast %get3A_1234 : vector<16xf32> to vector<16xf32>
    %min3A_1236 = arith.minimumf %min3A_1231, %get3A_1235 : vector<16xf32>
    %max3A_1237 = arith.maximumf %max3A_1232, %get3A_1235 : vector<16xf32>
    %get3A_1238 = arith.constant 3872 : index
    %get3A_1239 = tpu.vector_load %arg4[%get3A_1238] {strides = array<i32>} : memref<8192xf32, #tpu.memory_space<vmem>>, vector<16xf32>,
    %get3A_1240 = vector.shape_cast %get3A_1239 : vector<16xf32> to vector<16xf32>
    %min3A_1241 = arith.minimumf %min3A_1236, %get3A_1240 : vector<16xf32>
    %max3A_1242 = arith.maximumf %max3A_1237, %get3A_1240 : vector<16xf32>
    %get3A_1243 = arith.constant 3888 : index
    %get3A_1244 = tpu.vector_load %arg4[%get3A_1243] {strides = array<i32>} : memref<8192xf32, #tpu.memory_space<vmem>>, vector<16xf32>,
    %get3A_1245 = vector.shape_cast %get3A_1244 : vector<16xf32> to vector<16xf32>
    %min3A_1246 = arith.minimumf %min3A_1241, %get3A_1245 : vector<16xf32>
    %max3A_1247 = arith.maximumf %max3A_1242, %get3A_1245 : vector<16xf32>
    %get3A_1248 = arith.constant 3904 : index
    %get3A_1249 = tpu.vector_load %arg4[%get3A_1248] {strides = array<i32>} : memref<8192xf32, #tpu.memory_space<vmem>>, vector<16xf32>,
    %get3A_1250 = vector.shape_cast %get3A_1249 : vector<16xf32> to vector<16xf32>
    %min3A_1251 = arith.minimumf %min3A_1246, %get3A_1250 : vector<16xf32>
    %max3A_1252 = arith.maximumf %max3A_1247, %get3A_1250 : vector<16xf32>
    %get3A_1253 = arith.constant 3920 : index
    %get3A_1254 = tpu.vector_load %arg4[%get3A_1253] {strides = array<i32>} : memref<8192xf32, #tpu.memory_space<vmem>>, vector<16xf32>,
    %get3A_1255 = vector.shape_cast %get3A_1254 : vector<16xf32> to vector<16xf32>
    %min3A_1256 = arith.minimumf %min3A_1251, %get3A_1255 : vector<16xf32>
    %max3A_1257 = arith.maximumf %max3A_1252, %get3A_1255 : vector<16xf32>
    %get3A_1258 = arith.constant 3936 : index
    %get3A_1259 = tpu.vector_load %arg4[%get3A_1258] {strides = array<i32>} : memref<8192xf32, #tpu.memory_space<vmem>>, vector<16xf32>,
    %get3A_1260 = vector.shape_cast %get3A_1259 : vector<16xf32> to vector<16xf32>
    %min3A_1261 = arith.minimumf %min3A_1256, %get3A_1260 : vector<16xf32>
    %max3A_1262 = arith.maximumf %max3A_1257, %get3A_1260 : vector<16xf32>
    %get3A_1263 = arith.constant 3952 : index
    %get3A_1264 = tpu.vector_load %arg4[%get3A_1263] {strides = array<i32>} : memref<8192xf32, #tpu.memory_space<vmem>>, vector<16xf32>,
    %get3A_1265 = vector.shape_cast %get3A_1264 : vector<16xf32> to vector<16xf32>
    %min3A_1266 = arith.minimumf %min3A_1261, %get3A_1265 : vector<16xf32>
    %max3A_1267 = arith.maximumf %max3A_1262, %get3A_1265 : vector<16xf32>
    %get3A_1268 = arith.constant 3968 : index
    %get3A_1269 = tpu.vector_load %arg4[%get3A_1268] {strides = array<i32>} : memref<8192xf32, #tpu.memory_space<vmem>>, vector<16xf32>,
    %get3A_1270 = vector.shape_cast %get3A_1269 : vector<16xf32> to vector<16xf32>
    %min3A_1271 = arith.minimumf %min3A_1266, %get3A_1270 : vector<16xf32>
    %max3A_1272 = arith.maximumf %max3A_1267, %get3A_1270 : vector<16xf32>
    %get3A_1273 = arith.constant 3984 : index
    %get3A_1274 = tpu.vector_load %arg4[%get3A_1273] {strides = array<i32>} : memref<8192xf32, #tpu.memory_space<vmem>>, vector<16xf32>,
    %get3A_1275 = vector.shape_cast %get3A_1274 : vector<16xf32> to vector<16xf32>
    %min3A_1276 = arith.minimumf %min3A_1271, %get3A_1275 : vector<16xf32>
    %max3A_1277 = arith.maximumf %max3A_1272, %get3A_1275 : vector<16xf32>
    %get3A_1278 = arith.constant 4000 : index
    %get3A_1279 = tpu.vector_load %arg4[%get3A_1278] {strides = array<i32>} : memref<8192xf32, #tpu.memory_space<vmem>>, vector<16xf32>,
    %get3A_1280 = vector.shape_cast %get3A_1279 : vector<16xf32> to vector<16xf32>
    %min3A_1281 = arith.minimumf %min3A_1276, %get3A_1280 : vector<16xf32>
    %max3A_1282 = arith.maximumf %max3A_1277, %get3A_1280 : vector<16xf32>
    %get3A_1283 = arith.constant 4016 : index
    %get3A_1284 = tpu.vector_load %arg4[%get3A_1283] {strides = array<i32>} : memref<8192xf32, #tpu.memory_space<vmem>>, vector<16xf32>,
    %get3A_1285 = vector.shape_cast %get3A_1284 : vector<16xf32> to vector<16xf32>
    %min3A_1286 = arith.minimumf %min3A_1281, %get3A_1285 : vector<16xf32>
    %max3A_1287 = arith.maximumf %max3A_1282, %get3A_1285 : vector<16xf32>
    %get3A_1288 = arith.constant 4032 : index
    %get3A_1289 = tpu.vector_load %arg4[%get3A_1288] {strides = array<i32>} : memref<8192xf32, #tpu.memory_space<vmem>>, vector<16xf32>,
    %get3A_1290 = vector.shape_cast %get3A_1289 : vector<16xf32> to vector<16xf32>
    %min3A_1291 = arith.minimumf %min3A_1286, %get3A_1290 : vector<16xf32>
    %max3A_1292 = arith.maximumf %max3A_1287, %get3A_1290 : vector<16xf32>
    %get3A_1293 = arith.constant 4048 : index
    %get3A_1294 = tpu.vector_load %arg4[%get3A_1293] {strides = array<i32>} : memref<8192xf32, #tpu.memory_space<vmem>>, vector<16xf32>,
    %get3A_1295 = vector.shape_cast %get3A_1294 : vector<16xf32> to vector<16xf32>
    %min3A_1296 = arith.minimumf %min3A_1291, %get3A_1295 : vector<16xf32>
    %max3A_1297 = arith.maximumf %max3A_1292, %get3A_1295 : vector<16xf32>
    %get3A_1298 = arith.constant 4064 : index
    %get3A_1299 = tpu.vector_load %arg4[%get3A_1298] {strides = array<i32>} : memref<8192xf32, #tpu.memory_space<vmem>>, vector<16xf32>,
    %get3A_1300 = vector.shape_cast %get3A_1299 : vector<16xf32> to vector<16xf32>
    %min3A_1301 = arith.minimumf %min3A_1296, %get3A_1300 : vector<16xf32>
    %max3A_1302 = arith.maximumf %max3A_1297, %get3A_1300 : vector<16xf32>
    %get3A_1303 = arith.constant 4080 : index
    %get3A_1304 = tpu.vector_load %arg4[%get3A_1303] {strides = array<i32>} : memref<8192xf32, #tpu.memory_space<vmem>>, vector<16xf32>,
    %get3A_1305 = vector.shape_cast %get3A_1304 : vector<16xf32> to vector<16xf32>
    %min3A_1306 = arith.minimumf %min3A_1301, %get3A_1305 : vector<16xf32>
    %max3A_1307 = arith.maximumf %max3A_1302, %get3A_1305 : vector<16xf32>
    %get3A_1308 = arith.constant 4096 : index
    %get3A_1309 = tpu.vector_load %arg4[%get3A_1308] {strides = array<i32>} : memref<8192xf32, #tpu.memory_space<vmem>>, vector<16xf32>,
    %get3A_1310 = vector.shape_cast %get3A_1309 : vector<16xf32> to vector<16xf32>
    %min3A_1311 = arith.minimumf %min3A_1306, %get3A_1310 : vector<16xf32>
    %max3A_1312 = arith.maximumf %max3A_1307, %get3A_1310 : vector<16xf32>
    %get3A_1313 = arith.constant 4112 : index
    %get3A_1314 = tpu.vector_load %arg4[%get3A_1313] {strides = array<i32>} : memref<8192xf32, #tpu.memory_space<vmem>>, vector<16xf32>,
    %get3A_1315 = vector.shape_cast %get3A_1314 : vector<16xf32> to vector<16xf32>
    %min3A_1316 = arith.minimumf %min3A_1311, %get3A_1315 : vector<16xf32>
    %max3A_1317 = arith.maximumf %max3A_1312, %get3A_1315 : vector<16xf32>
    %get3A_1318 = arith.constant 4128 : index
    %get3A_1319 = tpu.vector_load %arg4[%get3A_1318] {strides = array<i32>} : memref<8192xf32, #tpu.memory_space<vmem>>, vector<16xf32>,
    %get3A_1320 = vector.shape_cast %get3A_1319 : vector<16xf32> to vector<16xf32>
    %min3A_1321 = arith.minimumf %min3A_1316, %get3A_1320 : vector<16xf32>
    %max3A_1322 = arith.maximumf %max3A_1317, %get3A_1320 : vector<16xf32>
    %get3A_1323 = arith.constant 4144 : index
    %get3A_1324 = tpu.vector_load %arg4[%get3A_1323] {strides = array<i32>} : memref<8192xf32, #tpu.memory_space<vmem>>, vector<16xf32>,
    %get3A_1325 = vector.shape_cast %get3A_1324 : vector<16xf32> to vector<16xf32>
    %min3A_1326 = arith.minimumf %min3A_1321, %get3A_1325 : vector<16xf32>
    %max3A_1327 = arith.maximumf %max3A_1322, %get3A_1325 : vector<16xf32>
    %get3A_1328 = arith.constant 4160 : index
    %get3A_1329 = tpu.vector_load %arg4[%get3A_1328] {strides = array<i32>} : memref<8192xf32, #tpu.memory_space<vmem>>, vector<16xf32>,
    %get3A_1330 = vector.shape_cast %get3A_1329 : vector<16xf32> to vector<16xf32>
    %min3A_1331 = arith.minimumf %min3A_1326, %get3A_1330 : vector<16xf32>
    %max3A_1332 = arith.maximumf %max3A_1327, %get3A_1330 : vector<16xf32>
    %get3A_1333 = arith.constant 4176 : index
    %get3A_1334 = tpu.vector_load %arg4[%get3A_1333] {strides = array<i32>} : memref<8192xf32, #tpu.memory_space<vmem>>, vector<16xf32>,
    %get3A_1335 = vector.shape_cast %get3A_1334 : vector<16xf32> to vector<16xf32>
    %min3A_1336 = arith.minimumf %min3A_1331, %get3A_1335 : vector<16xf32>
    %max3A_1337 = arith.maximumf %max3A_1332, %get3A_1335 : vector<16xf32>
    %get3A_1338 = arith.constant 4192 : index
    %get3A_1339 = tpu.vector_load %arg4[%get3A_1338] {strides = array<i32>} : memref<8192xf32, #tpu.memory_space<vmem>>, vector<16xf32>,
    %get3A_1340 = vector.shape_cast %get3A_1339 : vector<16xf32> to vector<16xf32>
    %min3A_1341 = arith.minimumf %min3A_1336, %get3A_1340 : vector<16xf32>
    %max3A_1342 = arith.maximumf %max3A_1337, %get3A_1340 : vector<16xf32>
    %get3A_1343 = arith.constant 4208 : index
    %get3A_1344 = tpu.vector_load %arg4[%get3A_1343] {strides = array<i32>} : memref<8192xf32, #tpu.memory_space<vmem>>, vector<16xf32>,
    %get3A_1345 = vector.shape_cast %get3A_1344 : vector<16xf32> to vector<16xf32>
    %min3A_1346 = arith.minimumf %min3A_1341, %get3A_1345 : vector<16xf32>
    %max3A_1347 = arith.maximumf %max3A_1342, %get3A_1345 : vector<16xf32>
    %get3A_1348 = arith.constant 4224 : index
    %get3A_1349 = tpu.vector_load %arg4[%get3A_1348] {strides = array<i32>} : memref<8192xf32, #tpu.memory_space<vmem>>, vector<16xf32>,
    %get3A_1350 = vector.shape_cast %get3A_1349 : vector<16xf32> to vector<16xf32>
    %min3A_1351 = arith.minimumf %min3A_1346, %get3A_1350 : vector<16xf32>
    %max3A_1352 = arith.maximumf %max3A_1347, %get3A_1350 : vector<16xf32>
    %get3A_1353 = arith.constant 4240 : index
    %get3A_1354 = tpu.vector_load %arg4[%get3A_1353] {strides = array<i32>} : memref<8192xf32, #tpu.memory_space<vmem>>, vector<16xf32>,
    %get3A_1355 = vector.shape_cast %get3A_1354 : vector<16xf32> to vector<16xf32>
    %min3A_1356 = arith.minimumf %min3A_1351, %get3A_1355 : vector<16xf32>
    %max3A_1357 = arith.maximumf %max3A_1352, %get3A_1355 : vector<16xf32>
    %get3A_1358 = arith.constant 4256 : index
    %get3A_1359 = tpu.vector_load %arg4[%get3A_1358] {strides = array<i32>} : memref<8192xf32, #tpu.memory_space<vmem>>, vector<16xf32>,
    %get3A_1360 = vector.shape_cast %get3A_1359 : vector<16xf32> to vector<16xf32>
    %min3A_1361 = arith.minimumf %min3A_1356, %get3A_1360 : vector<16xf32>
    %max3A_1362 = arith.maximumf %max3A_1357, %get3A_1360 : vector<16xf32>
    %get3A_1363 = arith.constant 4272 : index
    %get3A_1364 = tpu.vector_load %arg4[%get3A_1363] {strides = array<i32>} : memref<8192xf32, #tpu.memory_space<vmem>>, vector<16xf32>,
    %get3A_1365 = vector.shape_cast %get3A_1364 : vector<16xf32> to vector<16xf32>
    %min3A_1366 = arith.minimumf %min3A_1361, %get3A_1365 : vector<16xf32>
    %max3A_1367 = arith.maximumf %max3A_1362, %get3A_1365 : vector<16xf32>
    %get3A_1368 = arith.constant 4288 : index
    %get3A_1369 = tpu.vector_load %arg4[%get3A_1368] {strides = array<i32>} : memref<8192xf32, #tpu.memory_space<vmem>>, vector<16xf32>,
    %get3A_1370 = vector.shape_cast %get3A_1369 : vector<16xf32> to vector<16xf32>
    %min3A_1371 = arith.minimumf %min3A_1366, %get3A_1370 : vector<16xf32>
    %max3A_1372 = arith.maximumf %max3A_1367, %get3A_1370 : vector<16xf32>
    %get3A_1373 = arith.constant 4304 : index
    %get3A_1374 = tpu.vector_load %arg4[%get3A_1373] {strides = array<i32>} : memref<8192xf32, #tpu.memory_space<vmem>>, vector<16xf32>,
    %get3A_1375 = vector.shape_cast %get3A_1374 : vector<16xf32> to vector<16xf32>
    %min3A_1376 = arith.minimumf %min3A_1371, %get3A_1375 : vector<16xf32>
    %max3A_1377 = arith.maximumf %max3A_1372, %get3A_1375 : vector<16xf32>
    %get3A_1378 = arith.constant 4320 : index
    %get3A_1379 = tpu.vector_load %arg4[%get3A_1378] {strides = array<i32>} : memref<8192xf32, #tpu.memory_space<vmem>>, vector<16xf32>,
    %get3A_1380 = vector.shape_cast %get3A_1379 : vector<16xf32> to vector<16xf32>
    %min3A_1381 = arith.minimumf %min3A_1376, %get3A_1380 : vector<16xf32>
    %max3A_1382 = arith.maximumf %max3A_1377, %get3A_1380 : vector<16xf32>
    %get3A_1383 = arith.constant 4336 : index
    %get3A_1384 = tpu.vector_load %arg4[%get3A_1383] {strides = array<i32>} : memref<8192xf32, #tpu.memory_space<vmem>>, vector<16xf32>,
    %get3A_1385 = vector.shape_cast %get3A_1384 : vector<16xf32> to vector<16xf32>
    %min3A_1386 = arith.minimumf %min3A_1381, %get3A_1385 : vector<16xf32>
    %max3A_1387 = arith.maximumf %max3A_1382, %get3A_1385 : vector<16xf32>
    %get3A_1388 = arith.constant 4352 : index
    %get3A_1389 = tpu.vector_load %arg4[%get3A_1388] {strides = array<i32>} : memref<8192xf32, #tpu.memory_space<vmem>>, vector<16xf32>,
    %get3A_1390 = vector.shape_cast %get3A_1389 : vector<16xf32> to vector<16xf32>
    %min3A_1391 = arith.minimumf %min3A_1386, %get3A_1390 : vector<16xf32>
    %max3A_1392 = arith.maximumf %max3A_1387, %get3A_1390 : vector<16xf32>
    %get3A_1393 = arith.constant 4368 : index
    %get3A_1394 = tpu.vector_load %arg4[%get3A_1393] {strides = array<i32>} : memref<8192xf32, #tpu.memory_space<vmem>>, vector<16xf32>,
    %get3A_1395 = vector.shape_cast %get3A_1394 : vector<16xf32> to vector<16xf32>
    %min3A_1396 = arith.minimumf %min3A_1391, %get3A_1395 : vector<16xf32>
    %max3A_1397 = arith.maximumf %max3A_1392, %get3A_1395 : vector<16xf32>
    %get3A_1398 = arith.constant 4384 : index
    %get3A_1399 = tpu.vector_load %arg4[%get3A_1398] {strides = array<i32>} : memref<8192xf32, #tpu.memory_space<vmem>>, vector<16xf32>,
    %get3A_1400 = vector.shape_cast %get3A_1399 : vector<16xf32> to vector<16xf32>
    %min3A_1401 = arith.minimumf %min3A_1396, %get3A_1400 : vector<16xf32>
    %max3A_1402 = arith.maximumf %max3A_1397, %get3A_1400 : vector<16xf32>
    %get3A_1403 = arith.constant 4400 : index
    %get3A_1404 = tpu.vector_load %arg4[%get3A_1403] {strides = array<i32>} : memref<8192xf32, #tpu.memory_space<vmem>>, vector<16xf32>,
    %get3A_1405 = vector.shape_cast %get3A_1404 : vector<16xf32> to vector<16xf32>
    %min3A_1406 = arith.minimumf %min3A_1401, %get3A_1405 : vector<16xf32>
    %max3A_1407 = arith.maximumf %max3A_1402, %get3A_1405 : vector<16xf32>
    %get3A_1408 = arith.constant 4416 : index
    %get3A_1409 = tpu.vector_load %arg4[%get3A_1408] {strides = array<i32>} : memref<8192xf32, #tpu.memory_space<vmem>>, vector<16xf32>,
    %get3A_1410 = vector.shape_cast %get3A_1409 : vector<16xf32> to vector<16xf32>
    %min3A_1411 = arith.minimumf %min3A_1406, %get3A_1410 : vector<16xf32>
    %max3A_1412 = arith.maximumf %max3A_1407, %get3A_1410 : vector<16xf32>
    %get3A_1413 = arith.constant 4432 : index
    %get3A_1414 = tpu.vector_load %arg4[%get3A_1413] {strides = array<i32>} : memref<8192xf32, #tpu.memory_space<vmem>>, vector<16xf32>,
    %get3A_1415 = vector.shape_cast %get3A_1414 : vector<16xf32> to vector<16xf32>
    %min3A_1416 = arith.minimumf %min3A_1411, %get3A_1415 : vector<16xf32>
    %max3A_1417 = arith.maximumf %max3A_1412, %get3A_1415 : vector<16xf32>
    %get3A_1418 = arith.constant 4448 : index
    %get3A_1419 = tpu.vector_load %arg4[%get3A_1418] {strides = array<i32>} : memref<8192xf32, #tpu.memory_space<vmem>>, vector<16xf32>,
    %get3A_1420 = vector.shape_cast %get3A_1419 : vector<16xf32> to vector<16xf32>
    %min3A_1421 = arith.minimumf %min3A_1416, %get3A_1420 : vector<16xf32>
    %max3A_1422 = arith.maximumf %max3A_1417, %get3A_1420 : vector<16xf32>
    %get3A_1423 = arith.constant 4464 : index
    %get3A_1424 = tpu.vector_load %arg4[%get3A_1423] {strides = array<i32>} : memref<8192xf32, #tpu.memory_space<vmem>>, vector<16xf32>,
    %get3A_1425 = vector.shape_cast %get3A_1424 : vector<16xf32> to vector<16xf32>
    %min3A_1426 = arith.minimumf %min3A_1421, %get3A_1425 : vector<16xf32>
    %max3A_1427 = arith.maximumf %max3A_1422, %get3A_1425 : vector<16xf32>
    %get3A_1428 = arith.constant 4480 : index
    %get3A_1429 = tpu.vector_load %arg4[%get3A_1428] {strides = array<i32>} : memref<8192xf32, #tpu.memory_space<vmem>>, vector<16xf32>,
    %get3A_1430 = vector.shape_cast %get3A_1429 : vector<16xf32> to vector<16xf32>
    %min3A_1431 = arith.minimumf %min3A_1426, %get3A_1430 : vector<16xf32>
    %max3A_1432 = arith.maximumf %max3A_1427, %get3A_1430 : vector<16xf32>
    %get3A_1433 = arith.constant 4496 : index
    %get3A_1434 = tpu.vector_load %arg4[%get3A_1433] {strides = array<i32>} : memref<8192xf32, #tpu.memory_space<vmem>>, vector<16xf32>,
    %get3A_1435 = vector.shape_cast %get3A_1434 : vector<16xf32> to vector<16xf32>
    %min3A_1436 = arith.minimumf %min3A_1431, %get3A_1435 : vector<16xf32>
    %max3A_1437 = arith.maximumf %max3A_1432, %get3A_1435 : vector<16xf32>
    %get3A_1438 = arith.constant 4512 : index
    %get3A_1439 = tpu.vector_load %arg4[%get3A_1438] {strides = array<i32>} : memref<8192xf32, #tpu.memory_space<vmem>>, vector<16xf32>,
    %get3A_1440 = vector.shape_cast %get3A_1439 : vector<16xf32> to vector<16xf32>
    %min3A_1441 = arith.minimumf %min3A_1436, %get3A_1440 : vector<16xf32>
    %max3A_1442 = arith.maximumf %max3A_1437, %get3A_1440 : vector<16xf32>
    %get3A_1443 = arith.constant 4528 : index
    %get3A_1444 = tpu.vector_load %arg4[%get3A_1443] {strides = array<i32>} : memref<8192xf32, #tpu.memory_space<vmem>>, vector<16xf32>,
    %get3A_1445 = vector.shape_cast %get3A_1444 : vector<16xf32> to vector<16xf32>
    %min3A_1446 = arith.minimumf %min3A_1441, %get3A_1445 : vector<16xf32>
    %max3A_1447 = arith.maximumf %max3A_1442, %get3A_1445 : vector<16xf32>
    %get3A_1448 = arith.constant 4544 : index
    %get3A_1449 = tpu.vector_load %arg4[%get3A_1448] {strides = array<i32>} : memref<8192xf32, #tpu.memory_space<vmem>>, vector<16xf32>,
    %get3A_1450 = vector.shape_cast %get3A_1449 : vector<16xf32> to vector<16xf32>
    %min3A_1451 = arith.minimumf %min3A_1446, %get3A_1450 : vector<16xf32>
    %max3A_1452 = arith.maximumf %max3A_1447, %get3A_1450 : vector<16xf32>
    %get3A_1453 = arith.constant 4560 : index
    %get3A_1454 = tpu.vector_load %arg4[%get3A_1453] {strides = array<i32>} : memref<8192xf32, #tpu.memory_space<vmem>>, vector<16xf32>,
    %get3A_1455 = vector.shape_cast %get3A_1454 : vector<16xf32> to vector<16xf32>
    %min3A_1456 = arith.minimumf %min3A_1451, %get3A_1455 : vector<16xf32>
    %max3A_1457 = arith.maximumf %max3A_1452, %get3A_1455 : vector<16xf32>
    %get3A_1458 = arith.constant 4576 : index
    %get3A_1459 = tpu.vector_load %arg4[%get3A_1458] {strides = array<i32>} : memref<8192xf32, #tpu.memory_space<vmem>>, vector<16xf32>,
    %get3A_1460 = vector.shape_cast %get3A_1459 : vector<16xf32> to vector<16xf32>
    %min3A_1461 = arith.minimumf %min3A_1456, %get3A_1460 : vector<16xf32>
    %max3A_1462 = arith.maximumf %max3A_1457, %get3A_1460 : vector<16xf32>
    %get3A_1463 = arith.constant 4592 : index
    %get3A_1464 = tpu.vector_load %arg4[%get3A_1463] {strides = array<i32>} : memref<8192xf32, #tpu.memory_space<vmem>>, vector<16xf32>,
    %get3A_1465 = vector.shape_cast %get3A_1464 : vector<16xf32> to vector<16xf32>
    %min3A_1466 = arith.minimumf %min3A_1461, %get3A_1465 : vector<16xf32>
    %max3A_1467 = arith.maximumf %max3A_1462, %get3A_1465 : vector<16xf32>
    %get3A_1468 = arith.constant 4608 : index
    %get3A_1469 = tpu.vector_load %arg4[%get3A_1468] {strides = array<i32>} : memref<8192xf32, #tpu.memory_space<vmem>>, vector<16xf32>,
    %get3A_1470 = vector.shape_cast %get3A_1469 : vector<16xf32> to vector<16xf32>
    %min3A_1471 = arith.minimumf %min3A_1466, %get3A_1470 : vector<16xf32>
    %max3A_1472 = arith.maximumf %max3A_1467, %get3A_1470 : vector<16xf32>
    %get3A_1473 = arith.constant 4624 : index
    %get3A_1474 = tpu.vector_load %arg4[%get3A_1473] {strides = array<i32>} : memref<8192xf32, #tpu.memory_space<vmem>>, vector<16xf32>,
    %get3A_1475 = vector.shape_cast %get3A_1474 : vector<16xf32> to vector<16xf32>
    %min3A_1476 = arith.minimumf %min3A_1471, %get3A_1475 : vector<16xf32>
    %max3A_1477 = arith.maximumf %max3A_1472, %get3A_1475 : vector<16xf32>
    %get3A_1478 = arith.constant 4640 : index
    %get3A_1479 = tpu.vector_load %arg4[%get3A_1478] {strides = array<i32>} : memref<8192xf32, #tpu.memory_space<vmem>>, vector<16xf32>,
    %get3A_1480 = vector.shape_cast %get3A_1479 : vector<16xf32> to vector<16xf32>
    %min3A_1481 = arith.minimumf %min3A_1476, %get3A_1480 : vector<16xf32>
    %max3A_1482 = arith.maximumf %max3A_1477, %get3A_1480 : vector<16xf32>
    %get3A_1483 = arith.constant 4656 : index
    %get3A_1484 = tpu.vector_load %arg4[%get3A_1483] {strides = array<i32>} : memref<8192xf32, #tpu.memory_space<vmem>>, vector<16xf32>,
    %get3A_1485 = vector.shape_cast %get3A_1484 : vector<16xf32> to vector<16xf32>
    %min3A_1486 = arith.minimumf %min3A_1481, %get3A_1485 : vector<16xf32>
    %max3A_1487 = arith.maximumf %max3A_1482, %get3A_1485 : vector<16xf32>
    %get3A_1488 = arith.constant 4672 : index
    %get3A_1489 = tpu.vector_load %arg4[%get3A_1488] {strides = array<i32>} : memref<8192xf32, #tpu.memory_space<vmem>>, vector<16xf32>,
    %get3A_1490 = vector.shape_cast %get3A_1489 : vector<16xf32> to vector<16xf32>
    %min3A_1491 = arith.minimumf %min3A_1486, %get3A_1490 : vector<16xf32>
    %max3A_1492 = arith.maximumf %max3A_1487, %get3A_1490 : vector<16xf32>
    %get3A_1493 = arith.constant 4688 : index
    %get3A_1494 = tpu.vector_load %arg4[%get3A_1493] {strides = array<i32>} : memref<8192xf32, #tpu.memory_space<vmem>>, vector<16xf32>,
    %get3A_1495 = vector.shape_cast %get3A_1494 : vector<16xf32> to vector<16xf32>
    %min3A_1496 = arith.minimumf %min3A_1491, %get3A_1495 : vector<16xf32>
    %max3A_1497 = arith.maximumf %max3A_1492, %get3A_1495 : vector<16xf32>
    %get3A_1498 = arith.constant 4704 : index
    %get3A_1499 = tpu.vector_load %arg4[%get3A_1498] {strides = array<i32>} : memref<8192xf32, #tpu.memory_space<vmem>>, vector<16xf32>,
    %get3A_1500 = vector.shape_cast %get3A_1499 : vector<16xf32> to vector<16xf32>
    %min3A_1501 = arith.minimumf %min3A_1496, %get3A_1500 : vector<16xf32>
    %max3A_1502 = arith.maximumf %max3A_1497, %get3A_1500 : vector<16xf32>
    %get3A_1503 = arith.constant 4720 : index
    %get3A_1504 = tpu.vector_load %arg4[%get3A_1503] {strides = array<i32>} : memref<8192xf32, #tpu.memory_space<vmem>>, vector<16xf32>,
    %get3A_1505 = vector.shape_cast %get3A_1504 : vector<16xf32> to vector<16xf32>
    %min3A_1506 = arith.minimumf %min3A_1501, %get3A_1505 : vector<16xf32>
    %max3A_1507 = arith.maximumf %max3A_1502, %get3A_1505 : vector<16xf32>
    %get3A_1508 = arith.constant 4736 : index
    %get3A_1509 = tpu.vector_load %arg4[%get3A_1508] {strides = array<i32>} : memref<8192xf32, #tpu.memory_space<vmem>>, vector<16xf32>,
    %get3A_1510 = vector.shape_cast %get3A_1509 : vector<16xf32> to vector<16xf32>
    %min3A_1511 = arith.minimumf %min3A_1506, %get3A_1510 : vector<16xf32>
    %max3A_1512 = arith.maximumf %max3A_1507, %get3A_1510 : vector<16xf32>
    %get3A_1513 = arith.constant 4752 : index
    %get3A_1514 = tpu.vector_load %arg4[%get3A_1513] {strides = array<i32>} : memref<8192xf32, #tpu.memory_space<vmem>>, vector<16xf32>,
    %get3A_1515 = vector.shape_cast %get3A_1514 : vector<16xf32> to vector<16xf32>
    %min3A_1516 = arith.minimumf %min3A_1511, %get3A_1515 : vector<16xf32>
    %max3A_1517 = arith.maximumf %max3A_1512, %get3A_1515 : vector<16xf32>
    %get3A_1518 = arith.constant 4768 : index
    %get3A_1519 = tpu.vector_load %arg4[%get3A_1518] {strides = array<i32>} : memref<8192xf32, #tpu.memory_space<vmem>>, vector<16xf32>,
    %get3A_1520 = vector.shape_cast %get3A_1519 : vector<16xf32> to vector<16xf32>
    %min3A_1521 = arith.minimumf %min3A_1516, %get3A_1520 : vector<16xf32>
    %max3A_1522 = arith.maximumf %max3A_1517, %get3A_1520 : vector<16xf32>
    %get3A_1523 = arith.constant 4784 : index
    %get3A_1524 = tpu.vector_load %arg4[%get3A_1523] {strides = array<i32>} : memref<8192xf32, #tpu.memory_space<vmem>>, vector<16xf32>,
    %get3A_1525 = vector.shape_cast %get3A_1524 : vector<16xf32> to vector<16xf32>
    %min3A_1526 = arith.minimumf %min3A_1521, %get3A_1525 : vector<16xf32>
    %max3A_1527 = arith.maximumf %max3A_1522, %get3A_1525 : vector<16xf32>
    %get3A_1528 = arith.constant 4800 : index
    %get3A_1529 = tpu.vector_load %arg4[%get3A_1528] {strides = array<i32>} : memref<8192xf32, #tpu.memory_space<vmem>>, vector<16xf32>,
    %get3A_1530 = vector.shape_cast %get3A_1529 : vector<16xf32> to vector<16xf32>
    %min3A_1531 = arith.minimumf %min3A_1526, %get3A_1530 : vector<16xf32>
    %max3A_1532 = arith.maximumf %max3A_1527, %get3A_1530 : vector<16xf32>
    %get3A_1533 = arith.constant 4816 : index
    %get3A_1534 = tpu.vector_load %arg4[%get3A_1533] {strides = array<i32>} : memref<8192xf32, #tpu.memory_space<vmem>>, vector<16xf32>,
    %get3A_1535 = vector.shape_cast %get3A_1534 : vector<16xf32> to vector<16xf32>
    %min3A_1536 = arith.minimumf %min3A_1531, %get3A_1535 : vector<16xf32>
    %max3A_1537 = arith.maximumf %max3A_1532, %get3A_1535 : vector<16xf32>
    %get3A_1538 = arith.constant 4832 : index
    %get3A_1539 = tpu.vector_load %arg4[%get3A_1538] {strides = array<i32>} : memref<8192xf32, #tpu.memory_space<vmem>>, vector<16xf32>,
    %get3A_1540 = vector.shape_cast %get3A_1539 : vector<16xf32> to vector<16xf32>
    %min3A_1541 = arith.minimumf %min3A_1536, %get3A_1540 : vector<16xf32>
    %max3A_1542 = arith.maximumf %max3A_1537, %get3A_1540 : vector<16xf32>
    %get3A_1543 = arith.constant 4848 : index
    %get3A_1544 = tpu.vector_load %arg4[%get3A_1543] {strides = array<i32>} : memref<8192xf32, #tpu.memory_space<vmem>>, vector<16xf32>,
    %get3A_1545 = vector.shape_cast %get3A_1544 : vector<16xf32> to vector<16xf32>
    %min3A_1546 = arith.minimumf %min3A_1541, %get3A_1545 : vector<16xf32>
    %max3A_1547 = arith.maximumf %max3A_1542, %get3A_1545 : vector<16xf32>
    %get3A_1548 = arith.constant 4864 : index
    %get3A_1549 = tpu.vector_load %arg4[%get3A_1548] {strides = array<i32>} : memref<8192xf32, #tpu.memory_space<vmem>>, vector<16xf32>,
    %get3A_1550 = vector.shape_cast %get3A_1549 : vector<16xf32> to vector<16xf32>
    %min3A_1551 = arith.minimumf %min3A_1546, %get3A_1550 : vector<16xf32>
    %max3A_1552 = arith.maximumf %max3A_1547, %get3A_1550 : vector<16xf32>
    %get3A_1553 = arith.constant 4880 : index
    %get3A_1554 = tpu.vector_load %arg4[%get3A_1553] {strides = array<i32>} : memref<8192xf32, #tpu.memory_space<vmem>>, vector<16xf32>,
    %get3A_1555 = vector.shape_cast %get3A_1554 : vector<16xf32> to vector<16xf32>
    %min3A_1556 = arith.minimumf %min3A_1551, %get3A_1555 : vector<16xf32>
    %max3A_1557 = arith.maximumf %max3A_1552, %get3A_1555 : vector<16xf32>
    %get3A_1558 = arith.constant 4896 : index
    %get3A_1559 = tpu.vector_load %arg4[%get3A_1558] {strides = array<i32>} : memref<8192xf32, #tpu.memory_space<vmem>>, vector<16xf32>,
    %get3A_1560 = vector.shape_cast %get3A_1559 : vector<16xf32> to vector<16xf32>
    %min3A_1561 = arith.minimumf %min3A_1556, %get3A_1560 : vector<16xf32>
    %max3A_1562 = arith.maximumf %max3A_1557, %get3A_1560 : vector<16xf32>
    %get3A_1563 = arith.constant 4912 : index
    %get3A_1564 = tpu.vector_load %arg4[%get3A_1563] {strides = array<i32>} : memref<8192xf32, #tpu.memory_space<vmem>>, vector<16xf32>,
    %get3A_1565 = vector.shape_cast %get3A_1564 : vector<16xf32> to vector<16xf32>
    %min3A_1566 = arith.minimumf %min3A_1561, %get3A_1565 : vector<16xf32>
    %max3A_1567 = arith.maximumf %max3A_1562, %get3A_1565 : vector<16xf32>
    %get3A_1568 = arith.constant 4928 : index
    %get3A_1569 = tpu.vector_load %arg4[%get3A_1568] {strides = array<i32>} : memref<8192xf32, #tpu.memory_space<vmem>>, vector<16xf32>,
    %get3A_1570 = vector.shape_cast %get3A_1569 : vector<16xf32> to vector<16xf32>
    %min3A_1571 = arith.minimumf %min3A_1566, %get3A_1570 : vector<16xf32>
    %max3A_1572 = arith.maximumf %max3A_1567, %get3A_1570 : vector<16xf32>
    %get3A_1573 = arith.constant 4944 : index
    %get3A_1574 = tpu.vector_load %arg4[%get3A_1573] {strides = array<i32>} : memref<8192xf32, #tpu.memory_space<vmem>>, vector<16xf32>,
    %get3A_1575 = vector.shape_cast %get3A_1574 : vector<16xf32> to vector<16xf32>
    %min3A_1576 = arith.minimumf %min3A_1571, %get3A_1575 : vector<16xf32>
    %max3A_1577 = arith.maximumf %max3A_1572, %get3A_1575 : vector<16xf32>
    %get3A_1578 = arith.constant 4960 : index
    %get3A_1579 = tpu.vector_load %arg4[%get3A_1578] {strides = array<i32>} : memref<8192xf32, #tpu.memory_space<vmem>>, vector<16xf32>,
    %get3A_1580 = vector.shape_cast %get3A_1579 : vector<16xf32> to vector<16xf32>
    %min3A_1581 = arith.minimumf %min3A_1576, %get3A_1580 : vector<16xf32>
    %max3A_1582 = arith.maximumf %max3A_1577, %get3A_1580 : vector<16xf32>
    %get3A_1583 = arith.constant 4976 : index
    %get3A_1584 = tpu.vector_load %arg4[%get3A_1583] {strides = array<i32>} : memref<8192xf32, #tpu.memory_space<vmem>>, vector<16xf32>,
    %get3A_1585 = vector.shape_cast %get3A_1584 : vector<16xf32> to vector<16xf32>
    %min3A_1586 = arith.minimumf %min3A_1581, %get3A_1585 : vector<16xf32>
    %max3A_1587 = arith.maximumf %max3A_1582, %get3A_1585 : vector<16xf32>
    %get3A_1588 = arith.constant 4992 : index
    %get3A_1589 = tpu.vector_load %arg4[%get3A_1588] {strides = array<i32>} : memref<8192xf32, #tpu.memory_space<vmem>>, vector<16xf32>,
    %get3A_1590 = vector.shape_cast %get3A_1589 : vector<16xf32> to vector<16xf32>
    %min3A_1591 = arith.minimumf %min3A_1586, %get3A_1590 : vector<16xf32>
    %max3A_1592 = arith.maximumf %max3A_1587, %get3A_1590 : vector<16xf32>
    %get3A_1593 = arith.constant 5008 : index
    %get3A_1594 = tpu.vector_load %arg4[%get3A_1593] {strides = array<i32>} : memref<8192xf32, #tpu.memory_space<vmem>>, vector<16xf32>,
    %get3A_1595 = vector.shape_cast %get3A_1594 : vector<16xf32> to vector<16xf32>
    %min3A_1596 = arith.minimumf %min3A_1591, %get3A_1595 : vector<16xf32>
    %max3A_1597 = arith.maximumf %max3A_1592, %get3A_1595 : vector<16xf32>
    %get3A_1598 = arith.constant 5024 : index
    %get3A_1599 = tpu.vector_load %arg4[%get3A_1598] {strides = array<i32>} : memref<8192xf32, #tpu.memory_space<vmem>>, vector<16xf32>,
    %get3A_1600 = vector.shape_cast %get3A_1599 : vector<16xf32> to vector<16xf32>
    %min3A_1601 = arith.minimumf %min3A_1596, %get3A_1600 : vector<16xf32>
    %max3A_1602 = arith.maximumf %max3A_1597, %get3A_1600 : vector<16xf32>
    %get3A_1603 = arith.constant 5040 : index
    %get3A_1604 = tpu.vector_load %arg4[%get3A_1603] {strides = array<i32>} : memref<8192xf32, #tpu.memory_space<vmem>>, vector<16xf32>,
    %get3A_1605 = vector.shape_cast %get3A_1604 : vector<16xf32> to vector<16xf32>
    %min3A_1606 = arith.minimumf %min3A_1601, %get3A_1605 : vector<16xf32>
    %max3A_1607 = arith.maximumf %max3A_1602, %get3A_1605 : vector<16xf32>
    %get3A_1608 = arith.constant 5056 : index
    %get3A_1609 = tpu.vector_load %arg4[%get3A_1608] {strides = array<i32>} : memref<8192xf32, #tpu.memory_space<vmem>>, vector<16xf32>,
    %get3A_1610 = vector.shape_cast %get3A_1609 : vector<16xf32> to vector<16xf32>
    %min3A_1611 = arith.minimumf %min3A_1606, %get3A_1610 : vector<16xf32>
    %max3A_1612 = arith.maximumf %max3A_1607, %get3A_1610 : vector<16xf32>
    %get3A_1613 = arith.constant 5072 : index
    %get3A_1614 = tpu.vector_load %arg4[%get3A_1613] {strides = array<i32>} : memref<8192xf32, #tpu.memory_space<vmem>>, vector<16xf32>,
    %get3A_1615 = vector.shape_cast %get3A_1614 : vector<16xf32> to vector<16xf32>
    %min3A_1616 = arith.minimumf %min3A_1611, %get3A_1615 : vector<16xf32>
    %max3A_1617 = arith.maximumf %max3A_1612, %get3A_1615 : vector<16xf32>
    %get3A_1618 = arith.constant 5088 : index
    %get3A_1619 = tpu.vector_load %arg4[%get3A_1618] {strides = array<i32>} : memref<8192xf32, #tpu.memory_space<vmem>>, vector<16xf32>,
    %get3A_1620 = vector.shape_cast %get3A_1619 : vector<16xf32> to vector<16xf32>
    %min3A_1621 = arith.minimumf %min3A_1616, %get3A_1620 : vector<16xf32>
    %max3A_1622 = arith.maximumf %max3A_1617, %get3A_1620 : vector<16xf32>
    %get3A_1623 = arith.constant 5104 : index
    %get3A_1624 = tpu.vector_load %arg4[%get3A_1623] {strides = array<i32>} : memref<8192xf32, #tpu.memory_space<vmem>>, vector<16xf32>,
    %get3A_1625 = vector.shape_cast %get3A_1624 : vector<16xf32> to vector<16xf32>
    %min3A_1626 = arith.minimumf %min3A_1621, %get3A_1625 : vector<16xf32>
    %max3A_1627 = arith.maximumf %max3A_1622, %get3A_1625 : vector<16xf32>
    %get3A_1628 = arith.constant 5120 : index
    %get3A_1629 = tpu.vector_load %arg4[%get3A_1628] {strides = array<i32>} : memref<8192xf32, #tpu.memory_space<vmem>>, vector<16xf32>,
    %get3A_1630 = vector.shape_cast %get3A_1629 : vector<16xf32> to vector<16xf32>
    %min3A_1631 = arith.minimumf %min3A_1626, %get3A_1630 : vector<16xf32>
    %max3A_1632 = arith.maximumf %max3A_1627, %get3A_1630 : vector<16xf32>
    %get3A_1633 = arith.constant 5136 : index
    %get3A_1634 = tpu.vector_load %arg4[%get3A_1633] {strides = array<i32>} : memref<8192xf32, #tpu.memory_space<vmem>>, vector<16xf32>,
    %get3A_1635 = vector.shape_cast %get3A_1634 : vector<16xf32> to vector<16xf32>
    %min3A_1636 = arith.minimumf %min3A_1631, %get3A_1635 : vector<16xf32>
    %max3A_1637 = arith.maximumf %max3A_1632, %get3A_1635 : vector<16xf32>
    %get3A_1638 = arith.constant 5152 : index
    %get3A_1639 = tpu.vector_load %arg4[%get3A_1638] {strides = array<i32>} : memref<8192xf32, #tpu.memory_space<vmem>>, vector<16xf32>,
    %get3A_1640 = vector.shape_cast %get3A_1639 : vector<16xf32> to vector<16xf32>
    %min3A_1641 = arith.minimumf %min3A_1636, %get3A_1640 : vector<16xf32>
    %max3A_1642 = arith.maximumf %max3A_1637, %get3A_1640 : vector<16xf32>
    %get3A_1643 = arith.constant 5168 : index
    %get3A_1644 = tpu.vector_load %arg4[%get3A_1643] {strides = array<i32>} : memref<8192xf32, #tpu.memory_space<vmem>>, vector<16xf32>,
    %get3A_1645 = vector.shape_cast %get3A_1644 : vector<16xf32> to vector<16xf32>
    %min3A_1646 = arith.minimumf %min3A_1641, %get3A_1645 : vector<16xf32>
    %max3A_1647 = arith.maximumf %max3A_1642, %get3A_1645 : vector<16xf32>
    %get3A_1648 = arith.constant 5184 : index
    %get3A_1649 = tpu.vector_load %arg4[%get3A_1648] {strides = array<i32>} : memref<8192xf32, #tpu.memory_space<vmem>>, vector<16xf32>,
    %get3A_1650 = vector.shape_cast %get3A_1649 : vector<16xf32> to vector<16xf32>
    %min3A_1651 = arith.minimumf %min3A_1646, %get3A_1650 : vector<16xf32>
    %max3A_1652 = arith.maximumf %max3A_1647, %get3A_1650 : vector<16xf32>
    %get3A_1653 = arith.constant 5200 : index
    %get3A_1654 = tpu.vector_load %arg4[%get3A_1653] {strides = array<i32>} : memref<8192xf32, #tpu.memory_space<vmem>>, vector<16xf32>,
    %get3A_1655 = vector.shape_cast %get3A_1654 : vector<16xf32> to vector<16xf32>
    %min3A_1656 = arith.minimumf %min3A_1651, %get3A_1655 : vector<16xf32>
    %max3A_1657 = arith.maximumf %max3A_1652, %get3A_1655 : vector<16xf32>
    %get3A_1658 = arith.constant 5216 : index
    %get3A_1659 = tpu.vector_load %arg4[%get3A_1658] {strides = array<i32>} : memref<8192xf32, #tpu.memory_space<vmem>>, vector<16xf32>,
    %get3A_1660 = vector.shape_cast %get3A_1659 : vector<16xf32> to vector<16xf32>
    %min3A_1661 = arith.minimumf %min3A_1656, %get3A_1660 : vector<16xf32>
    %max3A_1662 = arith.maximumf %max3A_1657, %get3A_1660 : vector<16xf32>
    %get3A_1663 = arith.constant 5232 : index
    %get3A_1664 = tpu.vector_load %arg4[%get3A_1663] {strides = array<i32>} : memref<8192xf32, #tpu.memory_space<vmem>>, vector<16xf32>,
    %get3A_1665 = vector.shape_cast %get3A_1664 : vector<16xf32> to vector<16xf32>
    %min3A_1666 = arith.minimumf %min3A_1661, %get3A_1665 : vector<16xf32>
    %max3A_1667 = arith.maximumf %max3A_1662, %get3A_1665 : vector<16xf32>
    %get3A_1668 = arith.constant 5248 : index
    %get3A_1669 = tpu.vector_load %arg4[%get3A_1668] {strides = array<i32>} : memref<8192xf32, #tpu.memory_space<vmem>>, vector<16xf32>,
    %get3A_1670 = vector.shape_cast %get3A_1669 : vector<16xf32> to vector<16xf32>
    %min3A_1671 = arith.minimumf %min3A_1666, %get3A_1670 : vector<16xf32>
    %max3A_1672 = arith.maximumf %max3A_1667, %get3A_1670 : vector<16xf32>
    %get3A_1673 = arith.constant 5264 : index
    %get3A_1674 = tpu.vector_load %arg4[%get3A_1673] {strides = array<i32>} : memref<8192xf32, #tpu.memory_space<vmem>>, vector<16xf32>,
    %get3A_1675 = vector.shape_cast %get3A_1674 : vector<16xf32> to vector<16xf32>
    %min3A_1676 = arith.minimumf %min3A_1671, %get3A_1675 : vector<16xf32>
    %max3A_1677 = arith.maximumf %max3A_1672, %get3A_1675 : vector<16xf32>
    %get3A_1678 = arith.constant 5280 : index
    %get3A_1679 = tpu.vector_load %arg4[%get3A_1678] {strides = array<i32>} : memref<8192xf32, #tpu.memory_space<vmem>>, vector<16xf32>,
    %get3A_1680 = vector.shape_cast %get3A_1679 : vector<16xf32> to vector<16xf32>
    %min3A_1681 = arith.minimumf %min3A_1676, %get3A_1680 : vector<16xf32>
    %max3A_1682 = arith.maximumf %max3A_1677, %get3A_1680 : vector<16xf32>
    %get3A_1683 = arith.constant 5296 : index
    %get3A_1684 = tpu.vector_load %arg4[%get3A_1683] {strides = array<i32>} : memref<8192xf32, #tpu.memory_space<vmem>>, vector<16xf32>,
    %get3A_1685 = vector.shape_cast %get3A_1684 : vector<16xf32> to vector<16xf32>
    %min3A_1686 = arith.minimumf %min3A_1681, %get3A_1685 : vector<16xf32>
    %max3A_1687 = arith.maximumf %max3A_1682, %get3A_1685 : vector<16xf32>
    %get3A_1688 = arith.constant 5312 : index
    %get3A_1689 = tpu.vector_load %arg4[%get3A_1688] {strides = array<i32>} : memref<8192xf32, #tpu.memory_space<vmem>>, vector<16xf32>,
    %get3A_1690 = vector.shape_cast %get3A_1689 : vector<16xf32> to vector<16xf32>
    %min3A_1691 = arith.minimumf %min3A_1686, %get3A_1690 : vector<16xf32>
    %max3A_1692 = arith.maximumf %max3A_1687, %get3A_1690 : vector<16xf32>
    %get3A_1693 = arith.constant 5328 : index
    %get3A_1694 = tpu.vector_load %arg4[%get3A_1693] {strides = array<i32>} : memref<8192xf32, #tpu.memory_space<vmem>>, vector<16xf32>,
    %get3A_1695 = vector.shape_cast %get3A_1694 : vector<16xf32> to vector<16xf32>
    %min3A_1696 = arith.minimumf %min3A_1691, %get3A_1695 : vector<16xf32>
    %max3A_1697 = arith.maximumf %max3A_1692, %get3A_1695 : vector<16xf32>
    %get3A_1698 = arith.constant 5344 : index
    %get3A_1699 = tpu.vector_load %arg4[%get3A_1698] {strides = array<i32>} : memref<8192xf32, #tpu.memory_space<vmem>>, vector<16xf32>,
    %get3A_1700 = vector.shape_cast %get3A_1699 : vector<16xf32> to vector<16xf32>
    %min3A_1701 = arith.minimumf %min3A_1696, %get3A_1700 : vector<16xf32>
    %max3A_1702 = arith.maximumf %max3A_1697, %get3A_1700 : vector<16xf32>
    %get3A_1703 = arith.constant 5360 : index
    %get3A_1704 = tpu.vector_load %arg4[%get3A_1703] {strides = array<i32>} : memref<8192xf32, #tpu.memory_space<vmem>>, vector<16xf32>,
    %get3A_1705 = vector.shape_cast %get3A_1704 : vector<16xf32> to vector<16xf32>
    %min3A_1706 = arith.minimumf %min3A_1701, %get3A_1705 : vector<16xf32>
    %max3A_1707 = arith.maximumf %max3A_1702, %get3A_1705 : vector<16xf32>
    %get3A_1708 = arith.constant 5376 : index
    %get3A_1709 = tpu.vector_load %arg4[%get3A_1708] {strides = array<i32>} : memref<8192xf32, #tpu.memory_space<vmem>>, vector<16xf32>,
    %get3A_1710 = vector.shape_cast %get3A_1709 : vector<16xf32> to vector<16xf32>
    %min3A_1711 = arith.minimumf %min3A_1706, %get3A_1710 : vector<16xf32>
    %max3A_1712 = arith.maximumf %max3A_1707, %get3A_1710 : vector<16xf32>
    %get3A_1713 = arith.constant 5392 : index
    %get3A_1714 = tpu.vector_load %arg4[%get3A_1713] {strides = array<i32>} : memref<8192xf32, #tpu.memory_space<vmem>>, vector<16xf32>,
    %get3A_1715 = vector.shape_cast %get3A_1714 : vector<16xf32> to vector<16xf32>
    %min3A_1716 = arith.minimumf %min3A_1711, %get3A_1715 : vector<16xf32>
    %max3A_1717 = arith.maximumf %max3A_1712, %get3A_1715 : vector<16xf32>
    %get3A_1718 = arith.constant 5408 : index
    %get3A_1719 = tpu.vector_load %arg4[%get3A_1718] {strides = array<i32>} : memref<8192xf32, #tpu.memory_space<vmem>>, vector<16xf32>,
    %get3A_1720 = vector.shape_cast %get3A_1719 : vector<16xf32> to vector<16xf32>
    %min3A_1721 = arith.minimumf %min3A_1716, %get3A_1720 : vector<16xf32>
    %max3A_1722 = arith.maximumf %max3A_1717, %get3A_1720 : vector<16xf32>
    %get3A_1723 = arith.constant 5424 : index
    %get3A_1724 = tpu.vector_load %arg4[%get3A_1723] {strides = array<i32>} : memref<8192xf32, #tpu.memory_space<vmem>>, vector<16xf32>,
    %get3A_1725 = vector.shape_cast %get3A_1724 : vector<16xf32> to vector<16xf32>
    %min3A_1726 = arith.minimumf %min3A_1721, %get3A_1725 : vector<16xf32>
    %max3A_1727 = arith.maximumf %max3A_1722, %get3A_1725 : vector<16xf32>
    %get3A_1728 = arith.constant 5440 : index
    %get3A_1729 = tpu.vector_load %arg4[%get3A_1728] {strides = array<i32>} : memref<8192xf32, #tpu.memory_space<vmem>>, vector<16xf32>,
    %get3A_1730 = vector.shape_cast %get3A_1729 : vector<16xf32> to vector<16xf32>
    %min3A_1731 = arith.minimumf %min3A_1726, %get3A_1730 : vector<16xf32>
    %max3A_1732 = arith.maximumf %max3A_1727, %get3A_1730 : vector<16xf32>
    %get3A_1733 = arith.constant 5456 : index
    %get3A_1734 = tpu.vector_load %arg4[%get3A_1733] {strides = array<i32>} : memref<8192xf32, #tpu.memory_space<vmem>>, vector<16xf32>,
    %get3A_1735 = vector.shape_cast %get3A_1734 : vector<16xf32> to vector<16xf32>
    %min3A_1736 = arith.minimumf %min3A_1731, %get3A_1735 : vector<16xf32>
    %max3A_1737 = arith.maximumf %max3A_1732, %get3A_1735 : vector<16xf32>
    %get3A_1738 = arith.constant 5472 : index
    %get3A_1739 = tpu.vector_load %arg4[%get3A_1738] {strides = array<i32>} : memref<8192xf32, #tpu.memory_space<vmem>>, vector<16xf32>,
    %get3A_1740 = vector.shape_cast %get3A_1739 : vector<16xf32> to vector<16xf32>
    %min3A_1741 = arith.minimumf %min3A_1736, %get3A_1740 : vector<16xf32>
    %max3A_1742 = arith.maximumf %max3A_1737, %get3A_1740 : vector<16xf32>
    %get3A_1743 = arith.constant 5488 : index
    %get3A_1744 = tpu.vector_load %arg4[%get3A_1743] {strides = array<i32>} : memref<8192xf32, #tpu.memory_space<vmem>>, vector<16xf32>,
    %get3A_1745 = vector.shape_cast %get3A_1744 : vector<16xf32> to vector<16xf32>
    %min3A_1746 = arith.minimumf %min3A_1741, %get3A_1745 : vector<16xf32>
    %max3A_1747 = arith.maximumf %max3A_1742, %get3A_1745 : vector<16xf32>
    %get3A_1748 = arith.constant 5504 : index
    %get3A_1749 = tpu.vector_load %arg4[%get3A_1748] {strides = array<i32>} : memref<8192xf32, #tpu.memory_space<vmem>>, vector<16xf32>,
    %get3A_1750 = vector.shape_cast %get3A_1749 : vector<16xf32> to vector<16xf32>
    %min3A_1751 = arith.minimumf %min3A_1746, %get3A_1750 : vector<16xf32>
    %max3A_1752 = arith.maximumf %max3A_1747, %get3A_1750 : vector<16xf32>
    %get3A_1753 = arith.constant 5520 : index
    %get3A_1754 = tpu.vector_load %arg4[%get3A_1753] {strides = array<i32>} : memref<8192xf32, #tpu.memory_space<vmem>>, vector<16xf32>,
    %get3A_1755 = vector.shape_cast %get3A_1754 : vector<16xf32> to vector<16xf32>
    %min3A_1756 = arith.minimumf %min3A_1751, %get3A_1755 : vector<16xf32>
    %max3A_1757 = arith.maximumf %max3A_1752, %get3A_1755 : vector<16xf32>
    %get3A_1758 = arith.constant 5536 : index
    %get3A_1759 = tpu.vector_load %arg4[%get3A_1758] {strides = array<i32>} : memref<8192xf32, #tpu.memory_space<vmem>>, vector<16xf32>,
    %get3A_1760 = vector.shape_cast %get3A_1759 : vector<16xf32> to vector<16xf32>
    %min3A_1761 = arith.minimumf %min3A_1756, %get3A_1760 : vector<16xf32>
    %max3A_1762 = arith.maximumf %max3A_1757, %get3A_1760 : vector<16xf32>
    %get3A_1763 = arith.constant 5552 : index
    %get3A_1764 = tpu.vector_load %arg4[%get3A_1763] {strides = array<i32>} : memref<8192xf32, #tpu.memory_space<vmem>>, vector<16xf32>,
    %get3A_1765 = vector.shape_cast %get3A_1764 : vector<16xf32> to vector<16xf32>
    %min3A_1766 = arith.minimumf %min3A_1761, %get3A_1765 : vector<16xf32>
    %max3A_1767 = arith.maximumf %max3A_1762, %get3A_1765 : vector<16xf32>
    %get3A_1768 = arith.constant 5568 : index
    %get3A_1769 = tpu.vector_load %arg4[%get3A_1768] {strides = array<i32>} : memref<8192xf32, #tpu.memory_space<vmem>>, vector<16xf32>,
    %get3A_1770 = vector.shape_cast %get3A_1769 : vector<16xf32> to vector<16xf32>
    %min3A_1771 = arith.minimumf %min3A_1766, %get3A_1770 : vector<16xf32>
    %max3A_1772 = arith.maximumf %max3A_1767, %get3A_1770 : vector<16xf32>
    %get3A_1773 = arith.constant 5584 : index
    %get3A_1774 = tpu.vector_load %arg4[%get3A_1773] {strides = array<i32>} : memref<8192xf32, #tpu.memory_space<vmem>>, vector<16xf32>,
    %get3A_1775 = vector.shape_cast %get3A_1774 : vector<16xf32> to vector<16xf32>
    %min3A_1776 = arith.minimumf %min3A_1771, %get3A_1775 : vector<16xf32>
    %max3A_1777 = arith.maximumf %max3A_1772, %get3A_1775 : vector<16xf32>
    %get3A_1778 = arith.constant 5600 : index
    %get3A_1779 = tpu.vector_load %arg4[%get3A_1778] {strides = array<i32>} : memref<8192xf32, #tpu.memory_space<vmem>>, vector<16xf32>,
    %get3A_1780 = vector.shape_cast %get3A_1779 : vector<16xf32> to vector<16xf32>
    %min3A_1781 = arith.minimumf %min3A_1776, %get3A_1780 : vector<16xf32>
    %max3A_1782 = arith.maximumf %max3A_1777, %get3A_1780 : vector<16xf32>
    %get3A_1783 = arith.constant 5616 : index
    %get3A_1784 = tpu.vector_load %arg4[%get3A_1783] {strides = array<i32>} : memref<8192xf32, #tpu.memory_space<vmem>>, vector<16xf32>,
    %get3A_1785 = vector.shape_cast %get3A_1784 : vector<16xf32> to vector<16xf32>
    %min3A_1786 = arith.minimumf %min3A_1781, %get3A_1785 : vector<16xf32>
    %max3A_1787 = arith.maximumf %max3A_1782, %get3A_1785 : vector<16xf32>
    %get3A_1788 = arith.constant 5632 : index
    %get3A_1789 = tpu.vector_load %arg4[%get3A_1788] {strides = array<i32>} : memref<8192xf32, #tpu.memory_space<vmem>>, vector<16xf32>,
    %get3A_1790 = vector.shape_cast %get3A_1789 : vector<16xf32> to vector<16xf32>
    %min3A_1791 = arith.minimumf %min3A_1786, %get3A_1790 : vector<16xf32>
    %max3A_1792 = arith.maximumf %max3A_1787, %get3A_1790 : vector<16xf32>
    %get3A_1793 = arith.constant 5648 : index
    %get3A_1794 = tpu.vector_load %arg4[%get3A_1793] {strides = array<i32>} : memref<8192xf32, #tpu.memory_space<vmem>>, vector<16xf32>,
    %get3A_1795 = vector.shape_cast %get3A_1794 : vector<16xf32> to vector<16xf32>
    %min3A_1796 = arith.minimumf %min3A_1791, %get3A_1795 : vector<16xf32>
    %max3A_1797 = arith.maximumf %max3A_1792, %get3A_1795 : vector<16xf32>
    %get3A_1798 = arith.constant 5664 : index
    %get3A_1799 = tpu.vector_load %arg4[%get3A_1798] {strides = array<i32>} : memref<8192xf32, #tpu.memory_space<vmem>>, vector<16xf32>,
    %get3A_1800 = vector.shape_cast %get3A_1799 : vector<16xf32> to vector<16xf32>
    %min3A_1801 = arith.minimumf %min3A_1796, %get3A_1800 : vector<16xf32>
    %max3A_1802 = arith.maximumf %max3A_1797, %get3A_1800 : vector<16xf32>
    %get3A_1803 = arith.constant 5680 : index
    %get3A_1804 = tpu.vector_load %arg4[%get3A_1803] {strides = array<i32>} : memref<8192xf32, #tpu.memory_space<vmem>>, vector<16xf32>,
    %get3A_1805 = vector.shape_cast %get3A_1804 : vector<16xf32> to vector<16xf32>
    %min3A_1806 = arith.minimumf %min3A_1801, %get3A_1805 : vector<16xf32>
    %max3A_1807 = arith.maximumf %max3A_1802, %get3A_1805 : vector<16xf32>
    %get3A_1808 = arith.constant 5696 : index
    %get3A_1809 = tpu.vector_load %arg4[%get3A_1808] {strides = array<i32>} : memref<8192xf32, #tpu.memory_space<vmem>>, vector<16xf32>,
    %get3A_1810 = vector.shape_cast %get3A_1809 : vector<16xf32> to vector<16xf32>
    %min3A_1811 = arith.minimumf %min3A_1806, %get3A_1810 : vector<16xf32>
    %max3A_1812 = arith.maximumf %max3A_1807, %get3A_1810 : vector<16xf32>
    %get3A_1813 = arith.constant 5712 : index
    %get3A_1814 = tpu.vector_load %arg4[%get3A_1813] {strides = array<i32>} : memref<8192xf32, #tpu.memory_space<vmem>>, vector<16xf32>,
    %get3A_1815 = vector.shape_cast %get3A_1814 : vector<16xf32> to vector<16xf32>
    %min3A_1816 = arith.minimumf %min3A_1811, %get3A_1815 : vector<16xf32>
    %max3A_1817 = arith.maximumf %max3A_1812, %get3A_1815 : vector<16xf32>
    %get3A_1818 = arith.constant 5728 : index
    %get3A_1819 = tpu.vector_load %arg4[%get3A_1818] {strides = array<i32>} : memref<8192xf32, #tpu.memory_space<vmem>>, vector<16xf32>,
    %get3A_1820 = vector.shape_cast %get3A_1819 : vector<16xf32> to vector<16xf32>
    %min3A_1821 = arith.minimumf %min3A_1816, %get3A_1820 : vector<16xf32>
    %max3A_1822 = arith.maximumf %max3A_1817, %get3A_1820 : vector<16xf32>
    %get3A_1823 = arith.constant 5744 : index
    %get3A_1824 = tpu.vector_load %arg4[%get3A_1823] {strides = array<i32>} : memref<8192xf32, #tpu.memory_space<vmem>>, vector<16xf32>,
    %get3A_1825 = vector.shape_cast %get3A_1824 : vector<16xf32> to vector<16xf32>
    %min3A_1826 = arith.minimumf %min3A_1821, %get3A_1825 : vector<16xf32>
    %max3A_1827 = arith.maximumf %max3A_1822, %get3A_1825 : vector<16xf32>
    %get3A_1828 = arith.constant 5760 : index
    %get3A_1829 = tpu.vector_load %arg4[%get3A_1828] {strides = array<i32>} : memref<8192xf32, #tpu.memory_space<vmem>>, vector<16xf32>,
    %get3A_1830 = vector.shape_cast %get3A_1829 : vector<16xf32> to vector<16xf32>
    %min3A_1831 = arith.minimumf %min3A_1826, %get3A_1830 : vector<16xf32>
    %max3A_1832 = arith.maximumf %max3A_1827, %get3A_1830 : vector<16xf32>
    %get3A_1833 = arith.constant 5776 : index
    %get3A_1834 = tpu.vector_load %arg4[%get3A_1833] {strides = array<i32>} : memref<8192xf32, #tpu.memory_space<vmem>>, vector<16xf32>,
    %get3A_1835 = vector.shape_cast %get3A_1834 : vector<16xf32> to vector<16xf32>
    %min3A_1836 = arith.minimumf %min3A_1831, %get3A_1835 : vector<16xf32>
    %max3A_1837 = arith.maximumf %max3A_1832, %get3A_1835 : vector<16xf32>
    %get3A_1838 = arith.constant 5792 : index
    %get3A_1839 = tpu.vector_load %arg4[%get3A_1838] {strides = array<i32>} : memref<8192xf32, #tpu.memory_space<vmem>>, vector<16xf32>,
    %get3A_1840 = vector.shape_cast %get3A_1839 : vector<16xf32> to vector<16xf32>
    %min3A_1841 = arith.minimumf %min3A_1836, %get3A_1840 : vector<16xf32>
    %max3A_1842 = arith.maximumf %max3A_1837, %get3A_1840 : vector<16xf32>
    %get3A_1843 = arith.constant 5808 : index
    %get3A_1844 = tpu.vector_load %arg4[%get3A_1843] {strides = array<i32>} : memref<8192xf32, #tpu.memory_space<vmem>>, vector<16xf32>,
    %get3A_1845 = vector.shape_cast %get3A_1844 : vector<16xf32> to vector<16xf32>
    %min3A_1846 = arith.minimumf %min3A_1841, %get3A_1845 : vector<16xf32>
    %max3A_1847 = arith.maximumf %max3A_1842, %get3A_1845 : vector<16xf32>
    %get3A_1848 = arith.constant 5824 : index
    %get3A_1849 = tpu.vector_load %arg4[%get3A_1848] {strides = array<i32>} : memref<8192xf32, #tpu.memory_space<vmem>>, vector<16xf32>,
    %get3A_1850 = vector.shape_cast %get3A_1849 : vector<16xf32> to vector<16xf32>
    %min3A_1851 = arith.minimumf %min3A_1846, %get3A_1850 : vector<16xf32>
    %max3A_1852 = arith.maximumf %max3A_1847, %get3A_1850 : vector<16xf32>
    %get3A_1853 = arith.constant 5840 : index
    %get3A_1854 = tpu.vector_load %arg4[%get3A_1853] {strides = array<i32>} : memref<8192xf32, #tpu.memory_space<vmem>>, vector<16xf32>,
    %get3A_1855 = vector.shape_cast %get3A_1854 : vector<16xf32> to vector<16xf32>
    %min3A_1856 = arith.minimumf %min3A_1851, %get3A_1855 : vector<16xf32>
    %max3A_1857 = arith.maximumf %max3A_1852, %get3A_1855 : vector<16xf32>
    %get3A_1858 = arith.constant 5856 : index
    %get3A_1859 = tpu.vector_load %arg4[%get3A_1858] {strides = array<i32>} : memref<8192xf32, #tpu.memory_space<vmem>>, vector<16xf32>,
    %get3A_1860 = vector.shape_cast %get3A_1859 : vector<16xf32> to vector<16xf32>
    %min3A_1861 = arith.minimumf %min3A_1856, %get3A_1860 : vector<16xf32>
    %max3A_1862 = arith.maximumf %max3A_1857, %get3A_1860 : vector<16xf32>
    %get3A_1863 = arith.constant 5872 : index
    %get3A_1864 = tpu.vector_load %arg4[%get3A_1863] {strides = array<i32>} : memref<8192xf32, #tpu.memory_space<vmem>>, vector<16xf32>,
    %get3A_1865 = vector.shape_cast %get3A_1864 : vector<16xf32> to vector<16xf32>
    %min3A_1866 = arith.minimumf %min3A_1861, %get3A_1865 : vector<16xf32>
    %max3A_1867 = arith.maximumf %max3A_1862, %get3A_1865 : vector<16xf32>
    %get3A_1868 = arith.constant 5888 : index
    %get3A_1869 = tpu.vector_load %arg4[%get3A_1868] {strides = array<i32>} : memref<8192xf32, #tpu.memory_space<vmem>>, vector<16xf32>,
    %get3A_1870 = vector.shape_cast %get3A_1869 : vector<16xf32> to vector<16xf32>
    %min3A_1871 = arith.minimumf %min3A_1866, %get3A_1870 : vector<16xf32>
    %max3A_1872 = arith.maximumf %max3A_1867, %get3A_1870 : vector<16xf32>
    %get3A_1873 = arith.constant 5904 : index
    %get3A_1874 = tpu.vector_load %arg4[%get3A_1873] {strides = array<i32>} : memref<8192xf32, #tpu.memory_space<vmem>>, vector<16xf32>,
    %get3A_1875 = vector.shape_cast %get3A_1874 : vector<16xf32> to vector<16xf32>
    %min3A_1876 = arith.minimumf %min3A_1871, %get3A_1875 : vector<16xf32>
    %max3A_1877 = arith.maximumf %max3A_1872, %get3A_1875 : vector<16xf32>
    %get3A_1878 = arith.constant 5920 : index
    %get3A_1879 = tpu.vector_load %arg4[%get3A_1878] {strides = array<i32>} : memref<8192xf32, #tpu.memory_space<vmem>>, vector<16xf32>,
    %get3A_1880 = vector.shape_cast %get3A_1879 : vector<16xf32> to vector<16xf32>
    %min3A_1881 = arith.minimumf %min3A_1876, %get3A_1880 : vector<16xf32>
    %max3A_1882 = arith.maximumf %max3A_1877, %get3A_1880 : vector<16xf32>
    %get3A_1883 = arith.constant 5936 : index
    %get3A_1884 = tpu.vector_load %arg4[%get3A_1883] {strides = array<i32>} : memref<8192xf32, #tpu.memory_space<vmem>>, vector<16xf32>,
    %get3A_1885 = vector.shape_cast %get3A_1884 : vector<16xf32> to vector<16xf32>
    %min3A_1886 = arith.minimumf %min3A_1881, %get3A_1885 : vector<16xf32>
    %max3A_1887 = arith.maximumf %max3A_1882, %get3A_1885 : vector<16xf32>
    %get3A_1888 = arith.constant 5952 : index
    %get3A_1889 = tpu.vector_load %arg4[%get3A_1888] {strides = array<i32>} : memref<8192xf32, #tpu.memory_space<vmem>>, vector<16xf32>,
    %get3A_1890 = vector.shape_cast %get3A_1889 : vector<16xf32> to vector<16xf32>
    %min3A_1891 = arith.minimumf %min3A_1886, %get3A_1890 : vector<16xf32>
    %max3A_1892 = arith.maximumf %max3A_1887, %get3A_1890 : vector<16xf32>
    %get3A_1893 = arith.constant 5968 : index
    %get3A_1894 = tpu.vector_load %arg4[%get3A_1893] {strides = array<i32>} : memref<8192xf32, #tpu.memory_space<vmem>>, vector<16xf32>,
    %get3A_1895 = vector.shape_cast %get3A_1894 : vector<16xf32> to vector<16xf32>
    %min3A_1896 = arith.minimumf %min3A_1891, %get3A_1895 : vector<16xf32>
    %max3A_1897 = arith.maximumf %max3A_1892, %get3A_1895 : vector<16xf32>
    %get3A_1898 = arith.constant 5984 : index
    %get3A_1899 = tpu.vector_load %arg4[%get3A_1898] {strides = array<i32>} : memref<8192xf32, #tpu.memory_space<vmem>>, vector<16xf32>,
    %get3A_1900 = vector.shape_cast %get3A_1899 : vector<16xf32> to vector<16xf32>
    %min3A_1901 = arith.minimumf %min3A_1896, %get3A_1900 : vector<16xf32>
    %max3A_1902 = arith.maximumf %max3A_1897, %get3A_1900 : vector<16xf32>
    %get3A_1903 = arith.constant 6000 : index
    %get3A_1904 = tpu.vector_load %arg4[%get3A_1903] {strides = array<i32>} : memref<8192xf32, #tpu.memory_space<vmem>>, vector<16xf32>,
    %get3A_1905 = vector.shape_cast %get3A_1904 : vector<16xf32> to vector<16xf32>
    %min3A_1906 = arith.minimumf %min3A_1901, %get3A_1905 : vector<16xf32>
    %max3A_1907 = arith.maximumf %max3A_1902, %get3A_1905 : vector<16xf32>
    %get3A_1908 = arith.constant 6016 : index
    %get3A_1909 = tpu.vector_load %arg4[%get3A_1908] {strides = array<i32>} : memref<8192xf32, #tpu.memory_space<vmem>>, vector<16xf32>,
    %get3A_1910 = vector.shape_cast %get3A_1909 : vector<16xf32> to vector<16xf32>
    %min3A_1911 = arith.minimumf %min3A_1906, %get3A_1910 : vector<16xf32>
    %max3A_1912 = arith.maximumf %max3A_1907, %get3A_1910 : vector<16xf32>
    %get3A_1913 = arith.constant 6032 : index
    %get3A_1914 = tpu.vector_load %arg4[%get3A_1913] {strides = array<i32>} : memref<8192xf32, #tpu.memory_space<vmem>>, vector<16xf32>,
    %get3A_1915 = vector.shape_cast %get3A_1914 : vector<16xf32> to vector<16xf32>
    %min3A_1916 = arith.minimumf %min3A_1911, %get3A_1915 : vector<16xf32>
    %max3A_1917 = arith.maximumf %max3A_1912, %get3A_1915 : vector<16xf32>
    %get3A_1918 = arith.constant 6048 : index
    %get3A_1919 = tpu.vector_load %arg4[%get3A_1918] {strides = array<i32>} : memref<8192xf32, #tpu.memory_space<vmem>>, vector<16xf32>,
    %get3A_1920 = vector.shape_cast %get3A_1919 : vector<16xf32> to vector<16xf32>
    %min3A_1921 = arith.minimumf %min3A_1916, %get3A_1920 : vector<16xf32>
    %max3A_1922 = arith.maximumf %max3A_1917, %get3A_1920 : vector<16xf32>
    %get3A_1923 = arith.constant 6064 : index
    %get3A_1924 = tpu.vector_load %arg4[%get3A_1923] {strides = array<i32>} : memref<8192xf32, #tpu.memory_space<vmem>>, vector<16xf32>,
    %get3A_1925 = vector.shape_cast %get3A_1924 : vector<16xf32> to vector<16xf32>
    %min3A_1926 = arith.minimumf %min3A_1921, %get3A_1925 : vector<16xf32>
    %max3A_1927 = arith.maximumf %max3A_1922, %get3A_1925 : vector<16xf32>
    %get3A_1928 = arith.constant 6080 : index
    %get3A_1929 = tpu.vector_load %arg4[%get3A_1928] {strides = array<i32>} : memref<8192xf32, #tpu.memory_space<vmem>>, vector<16xf32>,
    %get3A_1930 = vector.shape_cast %get3A_1929 : vector<16xf32> to vector<16xf32>
    %min3A_1931 = arith.minimumf %min3A_1926, %get3A_1930 : vector<16xf32>
    %max3A_1932 = arith.maximumf %max3A_1927, %get3A_1930 : vector<16xf32>
    %get3A_1933 = arith.constant 6096 : index
    %get3A_1934 = tpu.vector_load %arg4[%get3A_1933] {strides = array<i32>} : memref<8192xf32, #tpu.memory_space<vmem>>, vector<16xf32>,
    %get3A_1935 = vector.shape_cast %get3A_1934 : vector<16xf32> to vector<16xf32>
    %min3A_1936 = arith.minimumf %min3A_1931, %get3A_1935 : vector<16xf32>
    %max3A_1937 = arith.maximumf %max3A_1932, %get3A_1935 : vector<16xf32>
    %get3A_1938 = arith.constant 6112 : index
    %get3A_1939 = tpu.vector_load %arg4[%get3A_1938] {strides = array<i32>} : memref<8192xf32, #tpu.memory_space<vmem>>, vector<16xf32>,
    %get3A_1940 = vector.shape_cast %get3A_1939 : vector<16xf32> to vector<16xf32>
    %min3A_1941 = arith.minimumf %min3A_1936, %get3A_1940 : vector<16xf32>
    %max3A_1942 = arith.maximumf %max3A_1937, %get3A_1940 : vector<16xf32>
    %get3A_1943 = arith.constant 6128 : index
    %get3A_1944 = tpu.vector_load %arg4[%get3A_1943] {strides = array<i32>} : memref<8192xf32, #tpu.memory_space<vmem>>, vector<16xf32>,
    %get3A_1945 = vector.shape_cast %get3A_1944 : vector<16xf32> to vector<16xf32>
    %min3A_1946 = arith.minimumf %min3A_1941, %get3A_1945 : vector<16xf32>
    %max3A_1947 = arith.maximumf %max3A_1942, %get3A_1945 : vector<16xf32>
    %get3A_1948 = arith.constant 6144 : index
    %get3A_1949 = tpu.vector_load %arg4[%get3A_1948] {strides = array<i32>} : memref<8192xf32, #tpu.memory_space<vmem>>, vector<16xf32>,
    %get3A_1950 = vector.shape_cast %get3A_1949 : vector<16xf32> to vector<16xf32>
    %min3A_1951 = arith.minimumf %min3A_1946, %get3A_1950 : vector<16xf32>
    %max3A_1952 = arith.maximumf %max3A_1947, %get3A_1950 : vector<16xf32>
    %get3A_1953 = arith.constant 6160 : index
    %get3A_1954 = tpu.vector_load %arg4[%get3A_1953] {strides = array<i32>} : memref<8192xf32, #tpu.memory_space<vmem>>, vector<16xf32>,
    %get3A_1955 = vector.shape_cast %get3A_1954 : vector<16xf32> to vector<16xf32>
    %min3A_1956 = arith.minimumf %min3A_1951, %get3A_1955 : vector<16xf32>
    %max3A_1957 = arith.maximumf %max3A_1952, %get3A_1955 : vector<16xf32>
    %get3A_1958 = arith.constant 6176 : index
    %get3A_1959 = tpu.vector_load %arg4[%get3A_1958] {strides = array<i32>} : memref<8192xf32, #tpu.memory_space<vmem>>, vector<16xf32>,
    %get3A_1960 = vector.shape_cast %get3A_1959 : vector<16xf32> to vector<16xf32>
    %min3A_1961 = arith.minimumf %min3A_1956, %get3A_1960 : vector<16xf32>
    %max3A_1962 = arith.maximumf %max3A_1957, %get3A_1960 : vector<16xf32>
    %get3A_1963 = arith.constant 6192 : index
    %get3A_1964 = tpu.vector_load %arg4[%get3A_1963] {strides = array<i32>} : memref<8192xf32, #tpu.memory_space<vmem>>, vector<16xf32>,
    %get3A_1965 = vector.shape_cast %get3A_1964 : vector<16xf32> to vector<16xf32>
    %min3A_1966 = arith.minimumf %min3A_1961, %get3A_1965 : vector<16xf32>
    %max3A_1967 = arith.maximumf %max3A_1962, %get3A_1965 : vector<16xf32>
    %get3A_1968 = arith.constant 6208 : index
    %get3A_1969 = tpu.vector_load %arg4[%get3A_1968] {strides = array<i32>} : memref<8192xf32, #tpu.memory_space<vmem>>, vector<16xf32>,
    %get3A_1970 = vector.shape_cast %get3A_1969 : vector<16xf32> to vector<16xf32>
    %min3A_1971 = arith.minimumf %min3A_1966, %get3A_1970 : vector<16xf32>
    %max3A_1972 = arith.maximumf %max3A_1967, %get3A_1970 : vector<16xf32>
    %get3A_1973 = arith.constant 6224 : index
    %get3A_1974 = tpu.vector_load %arg4[%get3A_1973] {strides = array<i32>} : memref<8192xf32, #tpu.memory_space<vmem>>, vector<16xf32>,
    %get3A_1975 = vector.shape_cast %get3A_1974 : vector<16xf32> to vector<16xf32>
    %min3A_1976 = arith.minimumf %min3A_1971, %get3A_1975 : vector<16xf32>
    %max3A_1977 = arith.maximumf %max3A_1972, %get3A_1975 : vector<16xf32>
    %get3A_1978 = arith.constant 6240 : index
    %get3A_1979 = tpu.vector_load %arg4[%get3A_1978] {strides = array<i32>} : memref<8192xf32, #tpu.memory_space<vmem>>, vector<16xf32>,
    %get3A_1980 = vector.shape_cast %get3A_1979 : vector<16xf32> to vector<16xf32>
    %min3A_1981 = arith.minimumf %min3A_1976, %get3A_1980 : vector<16xf32>
    %max3A_1982 = arith.maximumf %max3A_1977, %get3A_1980 : vector<16xf32>
    %get3A_1983 = arith.constant 6256 : index
    %get3A_1984 = tpu.vector_load %arg4[%get3A_1983] {strides = array<i32>} : memref<8192xf32, #tpu.memory_space<vmem>>, vector<16xf32>,
    %get3A_1985 = vector.shape_cast %get3A_1984 : vector<16xf32> to vector<16xf32>
    %min3A_1986 = arith.minimumf %min3A_1981, %get3A_1985 : vector<16xf32>
    %max3A_1987 = arith.maximumf %max3A_1982, %get3A_1985 : vector<16xf32>
    %get3A_1988 = arith.constant 6272 : index
    %get3A_1989 = tpu.vector_load %arg4[%get3A_1988] {strides = array<i32>} : memref<8192xf32, #tpu.memory_space<vmem>>, vector<16xf32>,
    %get3A_1990 = vector.shape_cast %get3A_1989 : vector<16xf32> to vector<16xf32>
    %min3A_1991 = arith.minimumf %min3A_1986, %get3A_1990 : vector<16xf32>
    %max3A_1992 = arith.maximumf %max3A_1987, %get3A_1990 : vector<16xf32>
    %get3A_1993 = arith.constant 6288 : index
    %get3A_1994 = tpu.vector_load %arg4[%get3A_1993] {strides = array<i32>} : memref<8192xf32, #tpu.memory_space<vmem>>, vector<16xf32>,
    %get3A_1995 = vector.shape_cast %get3A_1994 : vector<16xf32> to vector<16xf32>
    %min3A_1996 = arith.minimumf %min3A_1991, %get3A_1995 : vector<16xf32>
    %max3A_1997 = arith.maximumf %max3A_1992, %get3A_1995 : vector<16xf32>
    %get3A_1998 = arith.constant 6304 : index
    %get3A_1999 = tpu.vector_load %arg4[%get3A_1998] {strides = array<i32>} : memref<8192xf32, #tpu.memory_space<vmem>>, vector<16xf32>,
    %get3A_2000 = vector.shape_cast %get3A_1999 : vector<16xf32> to vector<16xf32>
    %min3A_2001 = arith.minimumf %min3A_1996, %get3A_2000 : vector<16xf32>
    %max3A_2002 = arith.maximumf %max3A_1997, %get3A_2000 : vector<16xf32>
    %get3A_2003 = arith.constant 6320 : index
    %get3A_2004 = tpu.vector_load %arg4[%get3A_2003] {strides = array<i32>} : memref<8192xf32, #tpu.memory_space<vmem>>, vector<16xf32>,
    %get3A_2005 = vector.shape_cast %get3A_2004 : vector<16xf32> to vector<16xf32>
    %min3A_2006 = arith.minimumf %min3A_2001, %get3A_2005 : vector<16xf32>
    %max3A_2007 = arith.maximumf %max3A_2002, %get3A_2005 : vector<16xf32>
    %get3A_2008 = arith.constant 6336 : index
    %get3A_2009 = tpu.vector_load %arg4[%get3A_2008] {strides = array<i32>} : memref<8192xf32, #tpu.memory_space<vmem>>, vector<16xf32>,
    %get3A_2010 = vector.shape_cast %get3A_2009 : vector<16xf32> to vector<16xf32>
    %min3A_2011 = arith.minimumf %min3A_2006, %get3A_2010 : vector<16xf32>
    %max3A_2012 = arith.maximumf %max3A_2007, %get3A_2010 : vector<16xf32>
    %get3A_2013 = arith.constant 6352 : index
    %get3A_2014 = tpu.vector_load %arg4[%get3A_2013] {strides = array<i32>} : memref<8192xf32, #tpu.memory_space<vmem>>, vector<16xf32>,
    %get3A_2015 = vector.shape_cast %get3A_2014 : vector<16xf32> to vector<16xf32>
    %min3A_2016 = arith.minimumf %min3A_2011, %get3A_2015 : vector<16xf32>
    %max3A_2017 = arith.maximumf %max3A_2012, %get3A_2015 : vector<16xf32>
    %get3A_2018 = arith.constant 6368 : index
    %get3A_2019 = tpu.vector_load %arg4[%get3A_2018] {strides = array<i32>} : memref<8192xf32, #tpu.memory_space<vmem>>, vector<16xf32>,
    %get3A_2020 = vector.shape_cast %get3A_2019 : vector<16xf32> to vector<16xf32>
    %min3A_2021 = arith.minimumf %min3A_2016, %get3A_2020 : vector<16xf32>
    %max3A_2022 = arith.maximumf %max3A_2017, %get3A_2020 : vector<16xf32>
    %get3A_2023 = arith.constant 6384 : index
    %get3A_2024 = tpu.vector_load %arg4[%get3A_2023] {strides = array<i32>} : memref<8192xf32, #tpu.memory_space<vmem>>, vector<16xf32>,
    %get3A_2025 = vector.shape_cast %get3A_2024 : vector<16xf32> to vector<16xf32>
    %min3A_2026 = arith.minimumf %min3A_2021, %get3A_2025 : vector<16xf32>
    %max3A_2027 = arith.maximumf %max3A_2022, %get3A_2025 : vector<16xf32>
    %get3A_2028 = arith.constant 6400 : index
    %get3A_2029 = tpu.vector_load %arg4[%get3A_2028] {strides = array<i32>} : memref<8192xf32, #tpu.memory_space<vmem>>, vector<16xf32>,
    %get3A_2030 = vector.shape_cast %get3A_2029 : vector<16xf32> to vector<16xf32>
    %min3A_2031 = arith.minimumf %min3A_2026, %get3A_2030 : vector<16xf32>
    %max3A_2032 = arith.maximumf %max3A_2027, %get3A_2030 : vector<16xf32>
    %get3A_2033 = arith.constant 6416 : index
    %get3A_2034 = tpu.vector_load %arg4[%get3A_2033] {strides = array<i32>} : memref<8192xf32, #tpu.memory_space<vmem>>, vector<16xf32>,
    %get3A_2035 = vector.shape_cast %get3A_2034 : vector<16xf32> to vector<16xf32>
    %min3A_2036 = arith.minimumf %min3A_2031, %get3A_2035 : vector<16xf32>
    %max3A_2037 = arith.maximumf %max3A_2032, %get3A_2035 : vector<16xf32>
    %get3A_2038 = arith.constant 6432 : index
    %get3A_2039 = tpu.vector_load %arg4[%get3A_2038] {strides = array<i32>} : memref<8192xf32, #tpu.memory_space<vmem>>, vector<16xf32>,
    %get3A_2040 = vector.shape_cast %get3A_2039 : vector<16xf32> to vector<16xf32>
    %min3A_2041 = arith.minimumf %min3A_2036, %get3A_2040 : vector<16xf32>
    %max3A_2042 = arith.maximumf %max3A_2037, %get3A_2040 : vector<16xf32>
    %get3A_2043 = arith.constant 6448 : index
    %get3A_2044 = tpu.vector_load %arg4[%get3A_2043] {strides = array<i32>} : memref<8192xf32, #tpu.memory_space<vmem>>, vector<16xf32>,
    %get3A_2045 = vector.shape_cast %get3A_2044 : vector<16xf32> to vector<16xf32>
    %min3A_2046 = arith.minimumf %min3A_2041, %get3A_2045 : vector<16xf32>
    %max3A_2047 = arith.maximumf %max3A_2042, %get3A_2045 : vector<16xf32>
    %get3A_2048 = arith.constant 6464 : index
    %get3A_2049 = tpu.vector_load %arg4[%get3A_2048] {strides = array<i32>} : memref<8192xf32, #tpu.memory_space<vmem>>, vector<16xf32>,
    %get3A_2050 = vector.shape_cast %get3A_2049 : vector<16xf32> to vector<16xf32>
    %min3A_2051 = arith.minimumf %min3A_2046, %get3A_2050 : vector<16xf32>
    %max3A_2052 = arith.maximumf %max3A_2047, %get3A_2050 : vector<16xf32>
    %get3A_2053 = arith.constant 6480 : index
    %get3A_2054 = tpu.vector_load %arg4[%get3A_2053] {strides = array<i32>} : memref<8192xf32, #tpu.memory_space<vmem>>, vector<16xf32>,
    %get3A_2055 = vector.shape_cast %get3A_2054 : vector<16xf32> to vector<16xf32>
    %min3A_2056 = arith.minimumf %min3A_2051, %get3A_2055 : vector<16xf32>
    %max3A_2057 = arith.maximumf %max3A_2052, %get3A_2055 : vector<16xf32>
    %get3A_2058 = arith.constant 6496 : index
    %get3A_2059 = tpu.vector_load %arg4[%get3A_2058] {strides = array<i32>} : memref<8192xf32, #tpu.memory_space<vmem>>, vector<16xf32>,
    %get3A_2060 = vector.shape_cast %get3A_2059 : vector<16xf32> to vector<16xf32>
    %min3A_2061 = arith.minimumf %min3A_2056, %get3A_2060 : vector<16xf32>
    %max3A_2062 = arith.maximumf %max3A_2057, %get3A_2060 : vector<16xf32>
    %get3A_2063 = arith.constant 6512 : index
    %get3A_2064 = tpu.vector_load %arg4[%get3A_2063] {strides = array<i32>} : memref<8192xf32, #tpu.memory_space<vmem>>, vector<16xf32>,
    %get3A_2065 = vector.shape_cast %get3A_2064 : vector<16xf32> to vector<16xf32>
    %min3A_2066 = arith.minimumf %min3A_2061, %get3A_2065 : vector<16xf32>
    %max3A_2067 = arith.maximumf %max3A_2062, %get3A_2065 : vector<16xf32>
    %get3A_2068 = arith.constant 6528 : index
    %get3A_2069 = tpu.vector_load %arg4[%get3A_2068] {strides = array<i32>} : memref<8192xf32, #tpu.memory_space<vmem>>, vector<16xf32>,
    %get3A_2070 = vector.shape_cast %get3A_2069 : vector<16xf32> to vector<16xf32>
    %min3A_2071 = arith.minimumf %min3A_2066, %get3A_2070 : vector<16xf32>
    %max3A_2072 = arith.maximumf %max3A_2067, %get3A_2070 : vector<16xf32>
    %get3A_2073 = arith.constant 6544 : index
    %get3A_2074 = tpu.vector_load %arg4[%get3A_2073] {strides = array<i32>} : memref<8192xf32, #tpu.memory_space<vmem>>, vector<16xf32>,
    %get3A_2075 = vector.shape_cast %get3A_2074 : vector<16xf32> to vector<16xf32>
    %min3A_2076 = arith.minimumf %min3A_2071, %get3A_2075 : vector<16xf32>
    %max3A_2077 = arith.maximumf %max3A_2072, %get3A_2075 : vector<16xf32>
    %get3A_2078 = arith.constant 6560 : index
    %get3A_2079 = tpu.vector_load %arg4[%get3A_2078] {strides = array<i32>} : memref<8192xf32, #tpu.memory_space<vmem>>, vector<16xf32>,
    %get3A_2080 = vector.shape_cast %get3A_2079 : vector<16xf32> to vector<16xf32>
    %min3A_2081 = arith.minimumf %min3A_2076, %get3A_2080 : vector<16xf32>
    %max3A_2082 = arith.maximumf %max3A_2077, %get3A_2080 : vector<16xf32>
    %get3A_2083 = arith.constant 6576 : index
    %get3A_2084 = tpu.vector_load %arg4[%get3A_2083] {strides = array<i32>} : memref<8192xf32, #tpu.memory_space<vmem>>, vector<16xf32>,
    %get3A_2085 = vector.shape_cast %get3A_2084 : vector<16xf32> to vector<16xf32>
    %min3A_2086 = arith.minimumf %min3A_2081, %get3A_2085 : vector<16xf32>
    %max3A_2087 = arith.maximumf %max3A_2082, %get3A_2085 : vector<16xf32>
    %get3A_2088 = arith.constant 6592 : index
    %get3A_2089 = tpu.vector_load %arg4[%get3A_2088] {strides = array<i32>} : memref<8192xf32, #tpu.memory_space<vmem>>, vector<16xf32>,
    %get3A_2090 = vector.shape_cast %get3A_2089 : vector<16xf32> to vector<16xf32>
    %min3A_2091 = arith.minimumf %min3A_2086, %get3A_2090 : vector<16xf32>
    %max3A_2092 = arith.maximumf %max3A_2087, %get3A_2090 : vector<16xf32>
    %get3A_2093 = arith.constant 6608 : index
    %get3A_2094 = tpu.vector_load %arg4[%get3A_2093] {strides = array<i32>} : memref<8192xf32, #tpu.memory_space<vmem>>, vector<16xf32>,
    %get3A_2095 = vector.shape_cast %get3A_2094 : vector<16xf32> to vector<16xf32>
    %min3A_2096 = arith.minimumf %min3A_2091, %get3A_2095 : vector<16xf32>
    %max3A_2097 = arith.maximumf %max3A_2092, %get3A_2095 : vector<16xf32>
    %get3A_2098 = arith.constant 6624 : index
    %get3A_2099 = tpu.vector_load %arg4[%get3A_2098] {strides = array<i32>} : memref<8192xf32, #tpu.memory_space<vmem>>, vector<16xf32>,
    %get3A_2100 = vector.shape_cast %get3A_2099 : vector<16xf32> to vector<16xf32>
    %min3A_2101 = arith.minimumf %min3A_2096, %get3A_2100 : vector<16xf32>
    %max3A_2102 = arith.maximumf %max3A_2097, %get3A_2100 : vector<16xf32>
    %get3A_2103 = arith.constant 6640 : index
    %get3A_2104 = tpu.vector_load %arg4[%get3A_2103] {strides = array<i32>} : memref<8192xf32, #tpu.memory_space<vmem>>, vector<16xf32>,
    %get3A_2105 = vector.shape_cast %get3A_2104 : vector<16xf32> to vector<16xf32>
    %min3A_2106 = arith.minimumf %min3A_2101, %get3A_2105 : vector<16xf32>
    %max3A_2107 = arith.maximumf %max3A_2102, %get3A_2105 : vector<16xf32>
    %get3A_2108 = arith.constant 6656 : index
    %get3A_2109 = tpu.vector_load %arg4[%get3A_2108] {strides = array<i32>} : memref<8192xf32, #tpu.memory_space<vmem>>, vector<16xf32>,
    %get3A_2110 = vector.shape_cast %get3A_2109 : vector<16xf32> to vector<16xf32>
    %min3A_2111 = arith.minimumf %min3A_2106, %get3A_2110 : vector<16xf32>
    %max3A_2112 = arith.maximumf %max3A_2107, %get3A_2110 : vector<16xf32>
    %get3A_2113 = arith.constant 6672 : index
    %get3A_2114 = tpu.vector_load %arg4[%get3A_2113] {strides = array<i32>} : memref<8192xf32, #tpu.memory_space<vmem>>, vector<16xf32>,
    %get3A_2115 = vector.shape_cast %get3A_2114 : vector<16xf32> to vector<16xf32>
    %min3A_2116 = arith.minimumf %min3A_2111, %get3A_2115 : vector<16xf32>
    %max3A_2117 = arith.maximumf %max3A_2112, %get3A_2115 : vector<16xf32>
    %get3A_2118 = arith.constant 6688 : index
    %get3A_2119 = tpu.vector_load %arg4[%get3A_2118] {strides = array<i32>} : memref<8192xf32, #tpu.memory_space<vmem>>, vector<16xf32>,
    %get3A_2120 = vector.shape_cast %get3A_2119 : vector<16xf32> to vector<16xf32>
    %min3A_2121 = arith.minimumf %min3A_2116, %get3A_2120 : vector<16xf32>
    %max3A_2122 = arith.maximumf %max3A_2117, %get3A_2120 : vector<16xf32>
    %get3A_2123 = arith.constant 6704 : index
    %get3A_2124 = tpu.vector_load %arg4[%get3A_2123] {strides = array<i32>} : memref<8192xf32, #tpu.memory_space<vmem>>, vector<16xf32>,
    %get3A_2125 = vector.shape_cast %get3A_2124 : vector<16xf32> to vector<16xf32>
    %min3A_2126 = arith.minimumf %min3A_2121, %get3A_2125 : vector<16xf32>
    %max3A_2127 = arith.maximumf %max3A_2122, %get3A_2125 : vector<16xf32>
    %get3A_2128 = arith.constant 6720 : index
    %get3A_2129 = tpu.vector_load %arg4[%get3A_2128] {strides = array<i32>} : memref<8192xf32, #tpu.memory_space<vmem>>, vector<16xf32>,
    %get3A_2130 = vector.shape_cast %get3A_2129 : vector<16xf32> to vector<16xf32>
    %min3A_2131 = arith.minimumf %min3A_2126, %get3A_2130 : vector<16xf32>
    %max3A_2132 = arith.maximumf %max3A_2127, %get3A_2130 : vector<16xf32>
    %get3A_2133 = arith.constant 6736 : index
    %get3A_2134 = tpu.vector_load %arg4[%get3A_2133] {strides = array<i32>} : memref<8192xf32, #tpu.memory_space<vmem>>, vector<16xf32>,
    %get3A_2135 = vector.shape_cast %get3A_2134 : vector<16xf32> to vector<16xf32>
    %min3A_2136 = arith.minimumf %min3A_2131, %get3A_2135 : vector<16xf32>
    %max3A_2137 = arith.maximumf %max3A_2132, %get3A_2135 : vector<16xf32>
    %get3A_2138 = arith.constant 6752 : index
    %get3A_2139 = tpu.vector_load %arg4[%get3A_2138] {strides = array<i32>} : memref<8192xf32, #tpu.memory_space<vmem>>, vector<16xf32>,
    %get3A_2140 = vector.shape_cast %get3A_2139 : vector<16xf32> to vector<16xf32>
    %min3A_2141 = arith.minimumf %min3A_2136, %get3A_2140 : vector<16xf32>
    %max3A_2142 = arith.maximumf %max3A_2137, %get3A_2140 : vector<16xf32>
    %get3A_2143 = arith.constant 6768 : index
    %get3A_2144 = tpu.vector_load %arg4[%get3A_2143] {strides = array<i32>} : memref<8192xf32, #tpu.memory_space<vmem>>, vector<16xf32>,
    %get3A_2145 = vector.shape_cast %get3A_2144 : vector<16xf32> to vector<16xf32>
    %min3A_2146 = arith.minimumf %min3A_2141, %get3A_2145 : vector<16xf32>
    %max3A_2147 = arith.maximumf %max3A_2142, %get3A_2145 : vector<16xf32>
    %get3A_2148 = arith.constant 6784 : index
    %get3A_2149 = tpu.vector_load %arg4[%get3A_2148] {strides = array<i32>} : memref<8192xf32, #tpu.memory_space<vmem>>, vector<16xf32>,
    %get3A_2150 = vector.shape_cast %get3A_2149 : vector<16xf32> to vector<16xf32>
    %min3A_2151 = arith.minimumf %min3A_2146, %get3A_2150 : vector<16xf32>
    %max3A_2152 = arith.maximumf %max3A_2147, %get3A_2150 : vector<16xf32>
    %get3A_2153 = arith.constant 6800 : index
    %get3A_2154 = tpu.vector_load %arg4[%get3A_2153] {strides = array<i32>} : memref<8192xf32, #tpu.memory_space<vmem>>, vector<16xf32>,
    %get3A_2155 = vector.shape_cast %get3A_2154 : vector<16xf32> to vector<16xf32>
    %min3A_2156 = arith.minimumf %min3A_2151, %get3A_2155 : vector<16xf32>
    %max3A_2157 = arith.maximumf %max3A_2152, %get3A_2155 : vector<16xf32>
    %get3A_2158 = arith.constant 6816 : index
    %get3A_2159 = tpu.vector_load %arg4[%get3A_2158] {strides = array<i32>} : memref<8192xf32, #tpu.memory_space<vmem>>, vector<16xf32>,
    %get3A_2160 = vector.shape_cast %get3A_2159 : vector<16xf32> to vector<16xf32>
    %min3A_2161 = arith.minimumf %min3A_2156, %get3A_2160 : vector<16xf32>
    %max3A_2162 = arith.maximumf %max3A_2157, %get3A_2160 : vector<16xf32>
    %get3A_2163 = arith.constant 6832 : index
    %get3A_2164 = tpu.vector_load %arg4[%get3A_2163] {strides = array<i32>} : memref<8192xf32, #tpu.memory_space<vmem>>, vector<16xf32>,
    %get3A_2165 = vector.shape_cast %get3A_2164 : vector<16xf32> to vector<16xf32>
    %min3A_2166 = arith.minimumf %min3A_2161, %get3A_2165 : vector<16xf32>
    %max3A_2167 = arith.maximumf %max3A_2162, %get3A_2165 : vector<16xf32>
    %get3A_2168 = arith.constant 6848 : index
    %get3A_2169 = tpu.vector_load %arg4[%get3A_2168] {strides = array<i32>} : memref<8192xf32, #tpu.memory_space<vmem>>, vector<16xf32>,
    %get3A_2170 = vector.shape_cast %get3A_2169 : vector<16xf32> to vector<16xf32>
    %min3A_2171 = arith.minimumf %min3A_2166, %get3A_2170 : vector<16xf32>
    %max3A_2172 = arith.maximumf %max3A_2167, %get3A_2170 : vector<16xf32>
    %get3A_2173 = arith.constant 6864 : index
    %get3A_2174 = tpu.vector_load %arg4[%get3A_2173] {strides = array<i32>} : memref<8192xf32, #tpu.memory_space<vmem>>, vector<16xf32>,
    %get3A_2175 = vector.shape_cast %get3A_2174 : vector<16xf32> to vector<16xf32>
    %min3A_2176 = arith.minimumf %min3A_2171, %get3A_2175 : vector<16xf32>
    %max3A_2177 = arith.maximumf %max3A_2172, %get3A_2175 : vector<16xf32>
    %get3A_2178 = arith.constant 6880 : index
    %get3A_2179 = tpu.vector_load %arg4[%get3A_2178] {strides = array<i32>} : memref<8192xf32, #tpu.memory_space<vmem>>, vector<16xf32>,
    %get3A_2180 = vector.shape_cast %get3A_2179 : vector<16xf32> to vector<16xf32>
    %min3A_2181 = arith.minimumf %min3A_2176, %get3A_2180 : vector<16xf32>
    %max3A_2182 = arith.maximumf %max3A_2177, %get3A_2180 : vector<16xf32>
    %get3A_2183 = arith.constant 6896 : index
    %get3A_2184 = tpu.vector_load %arg4[%get3A_2183] {strides = array<i32>} : memref<8192xf32, #tpu.memory_space<vmem>>, vector<16xf32>,
    %get3A_2185 = vector.shape_cast %get3A_2184 : vector<16xf32> to vector<16xf32>
    %min3A_2186 = arith.minimumf %min3A_2181, %get3A_2185 : vector<16xf32>
    %max3A_2187 = arith.maximumf %max3A_2182, %get3A_2185 : vector<16xf32>
    %get3A_2188 = arith.constant 6912 : index
    %get3A_2189 = tpu.vector_load %arg4[%get3A_2188] {strides = array<i32>} : memref<8192xf32, #tpu.memory_space<vmem>>, vector<16xf32>,
    %get3A_2190 = vector.shape_cast %get3A_2189 : vector<16xf32> to vector<16xf32>
    %min3A_2191 = arith.minimumf %min3A_2186, %get3A_2190 : vector<16xf32>
    %max3A_2192 = arith.maximumf %max3A_2187, %get3A_2190 : vector<16xf32>
    %get3A_2193 = arith.constant 6928 : index
    %get3A_2194 = tpu.vector_load %arg4[%get3A_2193] {strides = array<i32>} : memref<8192xf32, #tpu.memory_space<vmem>>, vector<16xf32>,
    %get3A_2195 = vector.shape_cast %get3A_2194 : vector<16xf32> to vector<16xf32>
    %min3A_2196 = arith.minimumf %min3A_2191, %get3A_2195 : vector<16xf32>
    %max3A_2197 = arith.maximumf %max3A_2192, %get3A_2195 : vector<16xf32>
    %get3A_2198 = arith.constant 6944 : index
    %get3A_2199 = tpu.vector_load %arg4[%get3A_2198] {strides = array<i32>} : memref<8192xf32, #tpu.memory_space<vmem>>, vector<16xf32>,
    %get3A_2200 = vector.shape_cast %get3A_2199 : vector<16xf32> to vector<16xf32>
    %min3A_2201 = arith.minimumf %min3A_2196, %get3A_2200 : vector<16xf32>
    %max3A_2202 = arith.maximumf %max3A_2197, %get3A_2200 : vector<16xf32>
    %get3A_2203 = arith.constant 6960 : index
    %get3A_2204 = tpu.vector_load %arg4[%get3A_2203] {strides = array<i32>} : memref<8192xf32, #tpu.memory_space<vmem>>, vector<16xf32>,
    %get3A_2205 = vector.shape_cast %get3A_2204 : vector<16xf32> to vector<16xf32>
    %min3A_2206 = arith.minimumf %min3A_2201, %get3A_2205 : vector<16xf32>
    %max3A_2207 = arith.maximumf %max3A_2202, %get3A_2205 : vector<16xf32>
    %get3A_2208 = arith.constant 6976 : index
    %get3A_2209 = tpu.vector_load %arg4[%get3A_2208] {strides = array<i32>} : memref<8192xf32, #tpu.memory_space<vmem>>, vector<16xf32>,
    %get3A_2210 = vector.shape_cast %get3A_2209 : vector<16xf32> to vector<16xf32>
    %min3A_2211 = arith.minimumf %min3A_2206, %get3A_2210 : vector<16xf32>
    %max3A_2212 = arith.maximumf %max3A_2207, %get3A_2210 : vector<16xf32>
    %get3A_2213 = arith.constant 6992 : index
    %get3A_2214 = tpu.vector_load %arg4[%get3A_2213] {strides = array<i32>} : memref<8192xf32, #tpu.memory_space<vmem>>, vector<16xf32>,
    %get3A_2215 = vector.shape_cast %get3A_2214 : vector<16xf32> to vector<16xf32>
    %min3A_2216 = arith.minimumf %min3A_2211, %get3A_2215 : vector<16xf32>
    %max3A_2217 = arith.maximumf %max3A_2212, %get3A_2215 : vector<16xf32>
    %get3A_2218 = arith.constant 7008 : index
    %get3A_2219 = tpu.vector_load %arg4[%get3A_2218] {strides = array<i32>} : memref<8192xf32, #tpu.memory_space<vmem>>, vector<16xf32>,
    %get3A_2220 = vector.shape_cast %get3A_2219 : vector<16xf32> to vector<16xf32>
    %min3A_2221 = arith.minimumf %min3A_2216, %get3A_2220 : vector<16xf32>
    %max3A_2222 = arith.maximumf %max3A_2217, %get3A_2220 : vector<16xf32>
    %get3A_2223 = arith.constant 7024 : index
    %get3A_2224 = tpu.vector_load %arg4[%get3A_2223] {strides = array<i32>} : memref<8192xf32, #tpu.memory_space<vmem>>, vector<16xf32>,
    %get3A_2225 = vector.shape_cast %get3A_2224 : vector<16xf32> to vector<16xf32>
    %min3A_2226 = arith.minimumf %min3A_2221, %get3A_2225 : vector<16xf32>
    %max3A_2227 = arith.maximumf %max3A_2222, %get3A_2225 : vector<16xf32>
    %get3A_2228 = arith.constant 7040 : index
    %get3A_2229 = tpu.vector_load %arg4[%get3A_2228] {strides = array<i32>} : memref<8192xf32, #tpu.memory_space<vmem>>, vector<16xf32>,
    %get3A_2230 = vector.shape_cast %get3A_2229 : vector<16xf32> to vector<16xf32>
    %min3A_2231 = arith.minimumf %min3A_2226, %get3A_2230 : vector<16xf32>
    %max3A_2232 = arith.maximumf %max3A_2227, %get3A_2230 : vector<16xf32>
    %get3A_2233 = arith.constant 7056 : index
    %get3A_2234 = tpu.vector_load %arg4[%get3A_2233] {strides = array<i32>} : memref<8192xf32, #tpu.memory_space<vmem>>, vector<16xf32>,
    %get3A_2235 = vector.shape_cast %get3A_2234 : vector<16xf32> to vector<16xf32>
    %min3A_2236 = arith.minimumf %min3A_2231, %get3A_2235 : vector<16xf32>
    %max3A_2237 = arith.maximumf %max3A_2232, %get3A_2235 : vector<16xf32>
    %get3A_2238 = arith.constant 7072 : index
    %get3A_2239 = tpu.vector_load %arg4[%get3A_2238] {strides = array<i32>} : memref<8192xf32, #tpu.memory_space<vmem>>, vector<16xf32>,
    %get3A_2240 = vector.shape_cast %get3A_2239 : vector<16xf32> to vector<16xf32>
    %min3A_2241 = arith.minimumf %min3A_2236, %get3A_2240 : vector<16xf32>
    %max3A_2242 = arith.maximumf %max3A_2237, %get3A_2240 : vector<16xf32>
    %get3A_2243 = arith.constant 7088 : index
    %get3A_2244 = tpu.vector_load %arg4[%get3A_2243] {strides = array<i32>} : memref<8192xf32, #tpu.memory_space<vmem>>, vector<16xf32>,
    %get3A_2245 = vector.shape_cast %get3A_2244 : vector<16xf32> to vector<16xf32>
    %min3A_2246 = arith.minimumf %min3A_2241, %get3A_2245 : vector<16xf32>
    %max3A_2247 = arith.maximumf %max3A_2242, %get3A_2245 : vector<16xf32>
    %get3A_2248 = arith.constant 7104 : index
    %get3A_2249 = tpu.vector_load %arg4[%get3A_2248] {strides = array<i32>} : memref<8192xf32, #tpu.memory_space<vmem>>, vector<16xf32>,
    %get3A_2250 = vector.shape_cast %get3A_2249 : vector<16xf32> to vector<16xf32>
    %min3A_2251 = arith.minimumf %min3A_2246, %get3A_2250 : vector<16xf32>
    %max3A_2252 = arith.maximumf %max3A_2247, %get3A_2250 : vector<16xf32>
    %get3A_2253 = arith.constant 7120 : index
    %get3A_2254 = tpu.vector_load %arg4[%get3A_2253] {strides = array<i32>} : memref<8192xf32, #tpu.memory_space<vmem>>, vector<16xf32>,
    %get3A_2255 = vector.shape_cast %get3A_2254 : vector<16xf32> to vector<16xf32>
    %min3A_2256 = arith.minimumf %min3A_2251, %get3A_2255 : vector<16xf32>
    %max3A_2257 = arith.maximumf %max3A_2252, %get3A_2255 : vector<16xf32>
    %get3A_2258 = arith.constant 7136 : index
    %get3A_2259 = tpu.vector_load %arg4[%get3A_2258] {strides = array<i32>} : memref<8192xf32, #tpu.memory_space<vmem>>, vector<16xf32>,
    %get3A_2260 = vector.shape_cast %get3A_2259 : vector<16xf32> to vector<16xf32>
    %min3A_2261 = arith.minimumf %min3A_2256, %get3A_2260 : vector<16xf32>
    %max3A_2262 = arith.maximumf %max3A_2257, %get3A_2260 : vector<16xf32>
    %get3A_2263 = arith.constant 7152 : index
    %get3A_2264 = tpu.vector_load %arg4[%get3A_2263] {strides = array<i32>} : memref<8192xf32, #tpu.memory_space<vmem>>, vector<16xf32>,
    %get3A_2265 = vector.shape_cast %get3A_2264 : vector<16xf32> to vector<16xf32>
    %min3A_2266 = arith.minimumf %min3A_2261, %get3A_2265 : vector<16xf32>
    %max3A_2267 = arith.maximumf %max3A_2262, %get3A_2265 : vector<16xf32>
    %get3A_2268 = arith.constant 7168 : index
    %get3A_2269 = tpu.vector_load %arg4[%get3A_2268] {strides = array<i32>} : memref<8192xf32, #tpu.memory_space<vmem>>, vector<16xf32>,
    %get3A_2270 = vector.shape_cast %get3A_2269 : vector<16xf32> to vector<16xf32>
    %min3A_2271 = arith.minimumf %min3A_2266, %get3A_2270 : vector<16xf32>
    %max3A_2272 = arith.maximumf %max3A_2267, %get3A_2270 : vector<16xf32>
    %get3A_2273 = arith.constant 7184 : index
    %get3A_2274 = tpu.vector_load %arg4[%get3A_2273] {strides = array<i32>} : memref<8192xf32, #tpu.memory_space<vmem>>, vector<16xf32>,
    %get3A_2275 = vector.shape_cast %get3A_2274 : vector<16xf32> to vector<16xf32>
    %min3A_2276 = arith.minimumf %min3A_2271, %get3A_2275 : vector<16xf32>
    %max3A_2277 = arith.maximumf %max3A_2272, %get3A_2275 : vector<16xf32>
    %get3A_2278 = arith.constant 7200 : index
    %get3A_2279 = tpu.vector_load %arg4[%get3A_2278] {strides = array<i32>} : memref<8192xf32, #tpu.memory_space<vmem>>, vector<16xf32>,
    %get3A_2280 = vector.shape_cast %get3A_2279 : vector<16xf32> to vector<16xf32>
    %min3A_2281 = arith.minimumf %min3A_2276, %get3A_2280 : vector<16xf32>
    %max3A_2282 = arith.maximumf %max3A_2277, %get3A_2280 : vector<16xf32>
    %get3A_2283 = arith.constant 7216 : index
    %get3A_2284 = tpu.vector_load %arg4[%get3A_2283] {strides = array<i32>} : memref<8192xf32, #tpu.memory_space<vmem>>, vector<16xf32>,
    %get3A_2285 = vector.shape_cast %get3A_2284 : vector<16xf32> to vector<16xf32>
    %min3A_2286 = arith.minimumf %min3A_2281, %get3A_2285 : vector<16xf32>
    %max3A_2287 = arith.maximumf %max3A_2282, %get3A_2285 : vector<16xf32>
    %get3A_2288 = arith.constant 7232 : index
    %get3A_2289 = tpu.vector_load %arg4[%get3A_2288] {strides = array<i32>} : memref<8192xf32, #tpu.memory_space<vmem>>, vector<16xf32>,
    %get3A_2290 = vector.shape_cast %get3A_2289 : vector<16xf32> to vector<16xf32>
    %min3A_2291 = arith.minimumf %min3A_2286, %get3A_2290 : vector<16xf32>
    %max3A_2292 = arith.maximumf %max3A_2287, %get3A_2290 : vector<16xf32>
    %get3A_2293 = arith.constant 7248 : index
    %get3A_2294 = tpu.vector_load %arg4[%get3A_2293] {strides = array<i32>} : memref<8192xf32, #tpu.memory_space<vmem>>, vector<16xf32>,
    %get3A_2295 = vector.shape_cast %get3A_2294 : vector<16xf32> to vector<16xf32>
    %min3A_2296 = arith.minimumf %min3A_2291, %get3A_2295 : vector<16xf32>
    %max3A_2297 = arith.maximumf %max3A_2292, %get3A_2295 : vector<16xf32>
    %get3A_2298 = arith.constant 7264 : index
    %get3A_2299 = tpu.vector_load %arg4[%get3A_2298] {strides = array<i32>} : memref<8192xf32, #tpu.memory_space<vmem>>, vector<16xf32>,
    %get3A_2300 = vector.shape_cast %get3A_2299 : vector<16xf32> to vector<16xf32>
    %min3A_2301 = arith.minimumf %min3A_2296, %get3A_2300 : vector<16xf32>
    %max3A_2302 = arith.maximumf %max3A_2297, %get3A_2300 : vector<16xf32>
    %get3A_2303 = arith.constant 7280 : index
    %get3A_2304 = tpu.vector_load %arg4[%get3A_2303] {strides = array<i32>} : memref<8192xf32, #tpu.memory_space<vmem>>, vector<16xf32>,
    %get3A_2305 = vector.shape_cast %get3A_2304 : vector<16xf32> to vector<16xf32>
    %min3A_2306 = arith.minimumf %min3A_2301, %get3A_2305 : vector<16xf32>
    %max3A_2307 = arith.maximumf %max3A_2302, %get3A_2305 : vector<16xf32>
    %get3A_2308 = arith.constant 7296 : index
    %get3A_2309 = tpu.vector_load %arg4[%get3A_2308] {strides = array<i32>} : memref<8192xf32, #tpu.memory_space<vmem>>, vector<16xf32>,
    %get3A_2310 = vector.shape_cast %get3A_2309 : vector<16xf32> to vector<16xf32>
    %min3A_2311 = arith.minimumf %min3A_2306, %get3A_2310 : vector<16xf32>
    %max3A_2312 = arith.maximumf %max3A_2307, %get3A_2310 : vector<16xf32>
    %get3A_2313 = arith.constant 7312 : index
    %get3A_2314 = tpu.vector_load %arg4[%get3A_2313] {strides = array<i32>} : memref<8192xf32, #tpu.memory_space<vmem>>, vector<16xf32>,
    %get3A_2315 = vector.shape_cast %get3A_2314 : vector<16xf32> to vector<16xf32>
    %min3A_2316 = arith.minimumf %min3A_2311, %get3A_2315 : vector<16xf32>
    %max3A_2317 = arith.maximumf %max3A_2312, %get3A_2315 : vector<16xf32>
    %get3A_2318 = arith.constant 7328 : index
    %get3A_2319 = tpu.vector_load %arg4[%get3A_2318] {strides = array<i32>} : memref<8192xf32, #tpu.memory_space<vmem>>, vector<16xf32>,
    %get3A_2320 = vector.shape_cast %get3A_2319 : vector<16xf32> to vector<16xf32>
    %min3A_2321 = arith.minimumf %min3A_2316, %get3A_2320 : vector<16xf32>
    %max3A_2322 = arith.maximumf %max3A_2317, %get3A_2320 : vector<16xf32>
    %get3A_2323 = arith.constant 7344 : index
    %get3A_2324 = tpu.vector_load %arg4[%get3A_2323] {strides = array<i32>} : memref<8192xf32, #tpu.memory_space<vmem>>, vector<16xf32>,
    %get3A_2325 = vector.shape_cast %get3A_2324 : vector<16xf32> to vector<16xf32>
    %min3A_2326 = arith.minimumf %min3A_2321, %get3A_2325 : vector<16xf32>
    %max3A_2327 = arith.maximumf %max3A_2322, %get3A_2325 : vector<16xf32>
    %get3A_2328 = arith.constant 7360 : index
    %get3A_2329 = tpu.vector_load %arg4[%get3A_2328] {strides = array<i32>} : memref<8192xf32, #tpu.memory_space<vmem>>, vector<16xf32>,
    %get3A_2330 = vector.shape_cast %get3A_2329 : vector<16xf32> to vector<16xf32>
    %min3A_2331 = arith.minimumf %min3A_2326, %get3A_2330 : vector<16xf32>
    %max3A_2332 = arith.maximumf %max3A_2327, %get3A_2330 : vector<16xf32>
    %get3A_2333 = arith.constant 7376 : index
    %get3A_2334 = tpu.vector_load %arg4[%get3A_2333] {strides = array<i32>} : memref<8192xf32, #tpu.memory_space<vmem>>, vector<16xf32>,
    %get3A_2335 = vector.shape_cast %get3A_2334 : vector<16xf32> to vector<16xf32>
    %min3A_2336 = arith.minimumf %min3A_2331, %get3A_2335 : vector<16xf32>
    %max3A_2337 = arith.maximumf %max3A_2332, %get3A_2335 : vector<16xf32>
    %get3A_2338 = arith.constant 7392 : index
    %get3A_2339 = tpu.vector_load %arg4[%get3A_2338] {strides = array<i32>} : memref<8192xf32, #tpu.memory_space<vmem>>, vector<16xf32>,
    %get3A_2340 = vector.shape_cast %get3A_2339 : vector<16xf32> to vector<16xf32>
    %min3A_2341 = arith.minimumf %min3A_2336, %get3A_2340 : vector<16xf32>
    %max3A_2342 = arith.maximumf %max3A_2337, %get3A_2340 : vector<16xf32>
    %get3A_2343 = arith.constant 7408 : index
    %get3A_2344 = tpu.vector_load %arg4[%get3A_2343] {strides = array<i32>} : memref<8192xf32, #tpu.memory_space<vmem>>, vector<16xf32>,
    %get3A_2345 = vector.shape_cast %get3A_2344 : vector<16xf32> to vector<16xf32>
    %min3A_2346 = arith.minimumf %min3A_2341, %get3A_2345 : vector<16xf32>
    %max3A_2347 = arith.maximumf %max3A_2342, %get3A_2345 : vector<16xf32>
    %get3A_2348 = arith.constant 7424 : index
    %get3A_2349 = tpu.vector_load %arg4[%get3A_2348] {strides = array<i32>} : memref<8192xf32, #tpu.memory_space<vmem>>, vector<16xf32>,
    %get3A_2350 = vector.shape_cast %get3A_2349 : vector<16xf32> to vector<16xf32>
    %min3A_2351 = arith.minimumf %min3A_2346, %get3A_2350 : vector<16xf32>
    %max3A_2352 = arith.maximumf %max3A_2347, %get3A_2350 : vector<16xf32>
    %get3A_2353 = arith.constant 7440 : index
    %get3A_2354 = tpu.vector_load %arg4[%get3A_2353] {strides = array<i32>} : memref<8192xf32, #tpu.memory_space<vmem>>, vector<16xf32>,
    %get3A_2355 = vector.shape_cast %get3A_2354 : vector<16xf32> to vector<16xf32>
    %min3A_2356 = arith.minimumf %min3A_2351, %get3A_2355 : vector<16xf32>
    %max3A_2357 = arith.maximumf %max3A_2352, %get3A_2355 : vector<16xf32>
    %get3A_2358 = arith.constant 7456 : index
    %get3A_2359 = tpu.vector_load %arg4[%get3A_2358] {strides = array<i32>} : memref<8192xf32, #tpu.memory_space<vmem>>, vector<16xf32>,
    %get3A_2360 = vector.shape_cast %get3A_2359 : vector<16xf32> to vector<16xf32>
    %min3A_2361 = arith.minimumf %min3A_2356, %get3A_2360 : vector<16xf32>
    %max3A_2362 = arith.maximumf %max3A_2357, %get3A_2360 : vector<16xf32>
    %get3A_2363 = arith.constant 7472 : index
    %get3A_2364 = tpu.vector_load %arg4[%get3A_2363] {strides = array<i32>} : memref<8192xf32, #tpu.memory_space<vmem>>, vector<16xf32>,
    %get3A_2365 = vector.shape_cast %get3A_2364 : vector<16xf32> to vector<16xf32>
    %min3A_2366 = arith.minimumf %min3A_2361, %get3A_2365 : vector<16xf32>
    %max3A_2367 = arith.maximumf %max3A_2362, %get3A_2365 : vector<16xf32>
    %get3A_2368 = arith.constant 7488 : index
    %get3A_2369 = tpu.vector_load %arg4[%get3A_2368] {strides = array<i32>} : memref<8192xf32, #tpu.memory_space<vmem>>, vector<16xf32>,
    %get3A_2370 = vector.shape_cast %get3A_2369 : vector<16xf32> to vector<16xf32>
    %min3A_2371 = arith.minimumf %min3A_2366, %get3A_2370 : vector<16xf32>
    %max3A_2372 = arith.maximumf %max3A_2367, %get3A_2370 : vector<16xf32>
    %get3A_2373 = arith.constant 7504 : index
    %get3A_2374 = tpu.vector_load %arg4[%get3A_2373] {strides = array<i32>} : memref<8192xf32, #tpu.memory_space<vmem>>, vector<16xf32>,
    %get3A_2375 = vector.shape_cast %get3A_2374 : vector<16xf32> to vector<16xf32>
    %min3A_2376 = arith.minimumf %min3A_2371, %get3A_2375 : vector<16xf32>
    %max3A_2377 = arith.maximumf %max3A_2372, %get3A_2375 : vector<16xf32>
    %get3A_2378 = arith.constant 7520 : index
    %get3A_2379 = tpu.vector_load %arg4[%get3A_2378] {strides = array<i32>} : memref<8192xf32, #tpu.memory_space<vmem>>, vector<16xf32>,
    %get3A_2380 = vector.shape_cast %get3A_2379 : vector<16xf32> to vector<16xf32>
    %min3A_2381 = arith.minimumf %min3A_2376, %get3A_2380 : vector<16xf32>
    %max3A_2382 = arith.maximumf %max3A_2377, %get3A_2380 : vector<16xf32>
    %get3A_2383 = arith.constant 7536 : index
    %get3A_2384 = tpu.vector_load %arg4[%get3A_2383] {strides = array<i32>} : memref<8192xf32, #tpu.memory_space<vmem>>, vector<16xf32>,
    %get3A_2385 = vector.shape_cast %get3A_2384 : vector<16xf32> to vector<16xf32>
    %min3A_2386 = arith.minimumf %min3A_2381, %get3A_2385 : vector<16xf32>
    %max3A_2387 = arith.maximumf %max3A_2382, %get3A_2385 : vector<16xf32>
    %get3A_2388 = arith.constant 7552 : index
    %get3A_2389 = tpu.vector_load %arg4[%get3A_2388] {strides = array<i32>} : memref<8192xf32, #tpu.memory_space<vmem>>, vector<16xf32>,
    %get3A_2390 = vector.shape_cast %get3A_2389 : vector<16xf32> to vector<16xf32>
    %min3A_2391 = arith.minimumf %min3A_2386, %get3A_2390 : vector<16xf32>
    %max3A_2392 = arith.maximumf %max3A_2387, %get3A_2390 : vector<16xf32>
    %get3A_2393 = arith.constant 7568 : index
    %get3A_2394 = tpu.vector_load %arg4[%get3A_2393] {strides = array<i32>} : memref<8192xf32, #tpu.memory_space<vmem>>, vector<16xf32>,
    %get3A_2395 = vector.shape_cast %get3A_2394 : vector<16xf32> to vector<16xf32>
    %min3A_2396 = arith.minimumf %min3A_2391, %get3A_2395 : vector<16xf32>
    %max3A_2397 = arith.maximumf %max3A_2392, %get3A_2395 : vector<16xf32>
    %get3A_2398 = arith.constant 7584 : index
    %get3A_2399 = tpu.vector_load %arg4[%get3A_2398] {strides = array<i32>} : memref<8192xf32, #tpu.memory_space<vmem>>, vector<16xf32>,
    %get3A_2400 = vector.shape_cast %get3A_2399 : vector<16xf32> to vector<16xf32>
    %min3A_2401 = arith.minimumf %min3A_2396, %get3A_2400 : vector<16xf32>
    %max3A_2402 = arith.maximumf %max3A_2397, %get3A_2400 : vector<16xf32>
    %get3A_2403 = arith.constant 7600 : index
    %get3A_2404 = tpu.vector_load %arg4[%get3A_2403] {strides = array<i32>} : memref<8192xf32, #tpu.memory_space<vmem>>, vector<16xf32>,
    %get3A_2405 = vector.shape_cast %get3A_2404 : vector<16xf32> to vector<16xf32>
    %min3A_2406 = arith.minimumf %min3A_2401, %get3A_2405 : vector<16xf32>
    %max3A_2407 = arith.maximumf %max3A_2402, %get3A_2405 : vector<16xf32>
    %get3A_2408 = arith.constant 7616 : index
    %get3A_2409 = tpu.vector_load %arg4[%get3A_2408] {strides = array<i32>} : memref<8192xf32, #tpu.memory_space<vmem>>, vector<16xf32>,
    %get3A_2410 = vector.shape_cast %get3A_2409 : vector<16xf32> to vector<16xf32>
    %min3A_2411 = arith.minimumf %min3A_2406, %get3A_2410 : vector<16xf32>
    %max3A_2412 = arith.maximumf %max3A_2407, %get3A_2410 : vector<16xf32>
    %get3A_2413 = arith.constant 7632 : index
    %get3A_2414 = tpu.vector_load %arg4[%get3A_2413] {strides = array<i32>} : memref<8192xf32, #tpu.memory_space<vmem>>, vector<16xf32>,
    %get3A_2415 = vector.shape_cast %get3A_2414 : vector<16xf32> to vector<16xf32>
    %min3A_2416 = arith.minimumf %min3A_2411, %get3A_2415 : vector<16xf32>
    %max3A_2417 = arith.maximumf %max3A_2412, %get3A_2415 : vector<16xf32>
    %get3A_2418 = arith.constant 7648 : index
    %get3A_2419 = tpu.vector_load %arg4[%get3A_2418] {strides = array<i32>} : memref<8192xf32, #tpu.memory_space<vmem>>, vector<16xf32>,
    %get3A_2420 = vector.shape_cast %get3A_2419 : vector<16xf32> to vector<16xf32>
    %min3A_2421 = arith.minimumf %min3A_2416, %get3A_2420 : vector<16xf32>
    %max3A_2422 = arith.maximumf %max3A_2417, %get3A_2420 : vector<16xf32>
    %get3A_2423 = arith.constant 7664 : index
    %get3A_2424 = tpu.vector_load %arg4[%get3A_2423] {strides = array<i32>} : memref<8192xf32, #tpu.memory_space<vmem>>, vector<16xf32>,
    %get3A_2425 = vector.shape_cast %get3A_2424 : vector<16xf32> to vector<16xf32>
    %min3A_2426 = arith.minimumf %min3A_2421, %get3A_2425 : vector<16xf32>
    %max3A_2427 = arith.maximumf %max3A_2422, %get3A_2425 : vector<16xf32>
    %get3A_2428 = arith.constant 7680 : index
    %get3A_2429 = tpu.vector_load %arg4[%get3A_2428] {strides = array<i32>} : memref<8192xf32, #tpu.memory_space<vmem>>, vector<16xf32>,
    %get3A_2430 = vector.shape_cast %get3A_2429 : vector<16xf32> to vector<16xf32>
    %min3A_2431 = arith.minimumf %min3A_2426, %get3A_2430 : vector<16xf32>
    %max3A_2432 = arith.maximumf %max3A_2427, %get3A_2430 : vector<16xf32>
    %get3A_2433 = arith.constant 7696 : index
    %get3A_2434 = tpu.vector_load %arg4[%get3A_2433] {strides = array<i32>} : memref<8192xf32, #tpu.memory_space<vmem>>, vector<16xf32>,
    %get3A_2435 = vector.shape_cast %get3A_2434 : vector<16xf32> to vector<16xf32>
    %min3A_2436 = arith.minimumf %min3A_2431, %get3A_2435 : vector<16xf32>
    %max3A_2437 = arith.maximumf %max3A_2432, %get3A_2435 : vector<16xf32>
    %get3A_2438 = arith.constant 7712 : index
    %get3A_2439 = tpu.vector_load %arg4[%get3A_2438] {strides = array<i32>} : memref<8192xf32, #tpu.memory_space<vmem>>, vector<16xf32>,
    %get3A_2440 = vector.shape_cast %get3A_2439 : vector<16xf32> to vector<16xf32>
    %min3A_2441 = arith.minimumf %min3A_2436, %get3A_2440 : vector<16xf32>
    %max3A_2442 = arith.maximumf %max3A_2437, %get3A_2440 : vector<16xf32>
    %get3A_2443 = arith.constant 7728 : index
    %get3A_2444 = tpu.vector_load %arg4[%get3A_2443] {strides = array<i32>} : memref<8192xf32, #tpu.memory_space<vmem>>, vector<16xf32>,
    %get3A_2445 = vector.shape_cast %get3A_2444 : vector<16xf32> to vector<16xf32>
    %min3A_2446 = arith.minimumf %min3A_2441, %get3A_2445 : vector<16xf32>
    %max3A_2447 = arith.maximumf %max3A_2442, %get3A_2445 : vector<16xf32>
    %get3A_2448 = arith.constant 7744 : index
    %get3A_2449 = tpu.vector_load %arg4[%get3A_2448] {strides = array<i32>} : memref<8192xf32, #tpu.memory_space<vmem>>, vector<16xf32>,
    %get3A_2450 = vector.shape_cast %get3A_2449 : vector<16xf32> to vector<16xf32>
    %min3A_2451 = arith.minimumf %min3A_2446, %get3A_2450 : vector<16xf32>
    %max3A_2452 = arith.maximumf %max3A_2447, %get3A_2450 : vector<16xf32>
    %get3A_2453 = arith.constant 7760 : index
    %get3A_2454 = tpu.vector_load %arg4[%get3A_2453] {strides = array<i32>} : memref<8192xf32, #tpu.memory_space<vmem>>, vector<16xf32>,
    %get3A_2455 = vector.shape_cast %get3A_2454 : vector<16xf32> to vector<16xf32>
    %min3A_2456 = arith.minimumf %min3A_2451, %get3A_2455 : vector<16xf32>
    %max3A_2457 = arith.maximumf %max3A_2452, %get3A_2455 : vector<16xf32>
    %get3A_2458 = arith.constant 7776 : index
    %get3A_2459 = tpu.vector_load %arg4[%get3A_2458] {strides = array<i32>} : memref<8192xf32, #tpu.memory_space<vmem>>, vector<16xf32>,
    %get3A_2460 = vector.shape_cast %get3A_2459 : vector<16xf32> to vector<16xf32>
    %min3A_2461 = arith.minimumf %min3A_2456, %get3A_2460 : vector<16xf32>
    %max3A_2462 = arith.maximumf %max3A_2457, %get3A_2460 : vector<16xf32>
    %get3A_2463 = arith.constant 7792 : index
    %get3A_2464 = tpu.vector_load %arg4[%get3A_2463] {strides = array<i32>} : memref<8192xf32, #tpu.memory_space<vmem>>, vector<16xf32>,
    %get3A_2465 = vector.shape_cast %get3A_2464 : vector<16xf32> to vector<16xf32>
    %min3A_2466 = arith.minimumf %min3A_2461, %get3A_2465 : vector<16xf32>
    %max3A_2467 = arith.maximumf %max3A_2462, %get3A_2465 : vector<16xf32>
    %get3A_2468 = arith.constant 7808 : index
    %get3A_2469 = tpu.vector_load %arg4[%get3A_2468] {strides = array<i32>} : memref<8192xf32, #tpu.memory_space<vmem>>, vector<16xf32>,
    %get3A_2470 = vector.shape_cast %get3A_2469 : vector<16xf32> to vector<16xf32>
    %min3A_2471 = arith.minimumf %min3A_2466, %get3A_2470 : vector<16xf32>
    %max3A_2472 = arith.maximumf %max3A_2467, %get3A_2470 : vector<16xf32>
    %get3A_2473 = arith.constant 7824 : index
    %get3A_2474 = tpu.vector_load %arg4[%get3A_2473] {strides = array<i32>} : memref<8192xf32, #tpu.memory_space<vmem>>, vector<16xf32>,
    %get3A_2475 = vector.shape_cast %get3A_2474 : vector<16xf32> to vector<16xf32>
    %min3A_2476 = arith.minimumf %min3A_2471, %get3A_2475 : vector<16xf32>
    %max3A_2477 = arith.maximumf %max3A_2472, %get3A_2475 : vector<16xf32>
    %get3A_2478 = arith.constant 7840 : index
    %get3A_2479 = tpu.vector_load %arg4[%get3A_2478] {strides = array<i32>} : memref<8192xf32, #tpu.memory_space<vmem>>, vector<16xf32>,
    %get3A_2480 = vector.shape_cast %get3A_2479 : vector<16xf32> to vector<16xf32>
    %min3A_2481 = arith.minimumf %min3A_2476, %get3A_2480 : vector<16xf32>
    %max3A_2482 = arith.maximumf %max3A_2477, %get3A_2480 : vector<16xf32>
    %get3A_2483 = arith.constant 7856 : index
    %get3A_2484 = tpu.vector_load %arg4[%get3A_2483] {strides = array<i32>} : memref<8192xf32, #tpu.memory_space<vmem>>, vector<16xf32>,
    %get3A_2485 = vector.shape_cast %get3A_2484 : vector<16xf32> to vector<16xf32>
    %min3A_2486 = arith.minimumf %min3A_2481, %get3A_2485 : vector<16xf32>
    %max3A_2487 = arith.maximumf %max3A_2482, %get3A_2485 : vector<16xf32>
    %get3A_2488 = arith.constant 7872 : index
    %get3A_2489 = tpu.vector_load %arg4[%get3A_2488] {strides = array<i32>} : memref<8192xf32, #tpu.memory_space<vmem>>, vector<16xf32>,
    %get3A_2490 = vector.shape_cast %get3A_2489 : vector<16xf32> to vector<16xf32>
    %min3A_2491 = arith.minimumf %min3A_2486, %get3A_2490 : vector<16xf32>
    %max3A_2492 = arith.maximumf %max3A_2487, %get3A_2490 : vector<16xf32>
    %get3A_2493 = arith.constant 7888 : index
    %get3A_2494 = tpu.vector_load %arg4[%get3A_2493] {strides = array<i32>} : memref<8192xf32, #tpu.memory_space<vmem>>, vector<16xf32>,
    %get3A_2495 = vector.shape_cast %get3A_2494 : vector<16xf32> to vector<16xf32>
    %min3A_2496 = arith.minimumf %min3A_2491, %get3A_2495 : vector<16xf32>
    %max3A_2497 = arith.maximumf %max3A_2492, %get3A_2495 : vector<16xf32>
    %get3A_2498 = arith.constant 7904 : index
    %get3A_2499 = tpu.vector_load %arg4[%get3A_2498] {strides = array<i32>} : memref<8192xf32, #tpu.memory_space<vmem>>, vector<16xf32>,
    %get3A_2500 = vector.shape_cast %get3A_2499 : vector<16xf32> to vector<16xf32>
    %min3A_2501 = arith.minimumf %min3A_2496, %get3A_2500 : vector<16xf32>
    %max3A_2502 = arith.maximumf %max3A_2497, %get3A_2500 : vector<16xf32>
    %get3A_2503 = arith.constant 7920 : index
    %get3A_2504 = tpu.vector_load %arg4[%get3A_2503] {strides = array<i32>} : memref<8192xf32, #tpu.memory_space<vmem>>, vector<16xf32>,
    %get3A_2505 = vector.shape_cast %get3A_2504 : vector<16xf32> to vector<16xf32>
    %min3A_2506 = arith.minimumf %min3A_2501, %get3A_2505 : vector<16xf32>
    %max3A_2507 = arith.maximumf %max3A_2502, %get3A_2505 : vector<16xf32>
    %get3A_2508 = arith.constant 7936 : index
    %get3A_2509 = tpu.vector_load %arg4[%get3A_2508] {strides = array<i32>} : memref<8192xf32, #tpu.memory_space<vmem>>, vector<16xf32>,
    %get3A_2510 = vector.shape_cast %get3A_2509 : vector<16xf32> to vector<16xf32>
    %min3A_2511 = arith.minimumf %min3A_2506, %get3A_2510 : vector<16xf32>
    %max3A_2512 = arith.maximumf %max3A_2507, %get3A_2510 : vector<16xf32>
    %get3A_2513 = arith.constant 7952 : index
    %get3A_2514 = tpu.vector_load %arg4[%get3A_2513] {strides = array<i32>} : memref<8192xf32, #tpu.memory_space<vmem>>, vector<16xf32>,
    %get3A_2515 = vector.shape_cast %get3A_2514 : vector<16xf32> to vector<16xf32>
    %min3A_2516 = arith.minimumf %min3A_2511, %get3A_2515 : vector<16xf32>
    %max3A_2517 = arith.maximumf %max3A_2512, %get3A_2515 : vector<16xf32>
    %get3A_2518 = arith.constant 7968 : index
    %get3A_2519 = tpu.vector_load %arg4[%get3A_2518] {strides = array<i32>} : memref<8192xf32, #tpu.memory_space<vmem>>, vector<16xf32>,
    %get3A_2520 = vector.shape_cast %get3A_2519 : vector<16xf32> to vector<16xf32>
    %min3A_2521 = arith.minimumf %min3A_2516, %get3A_2520 : vector<16xf32>
    %max3A_2522 = arith.maximumf %max3A_2517, %get3A_2520 : vector<16xf32>
    %get3A_2523 = arith.constant 7984 : index
    %get3A_2524 = tpu.vector_load %arg4[%get3A_2523] {strides = array<i32>} : memref<8192xf32, #tpu.memory_space<vmem>>, vector<16xf32>,
    %get3A_2525 = vector.shape_cast %get3A_2524 : vector<16xf32> to vector<16xf32>
    %min3A_2526 = arith.minimumf %min3A_2521, %get3A_2525 : vector<16xf32>
    %max3A_2527 = arith.maximumf %max3A_2522, %get3A_2525 : vector<16xf32>
    %get3A_2528 = arith.constant 8000 : index
    %get3A_2529 = tpu.vector_load %arg4[%get3A_2528] {strides = array<i32>} : memref<8192xf32, #tpu.memory_space<vmem>>, vector<16xf32>,
    %get3A_2530 = vector.shape_cast %get3A_2529 : vector<16xf32> to vector<16xf32>
    %min3A_2531 = arith.minimumf %min3A_2526, %get3A_2530 : vector<16xf32>
    %max3A_2532 = arith.maximumf %max3A_2527, %get3A_2530 : vector<16xf32>
    %get3A_2533 = arith.constant 8016 : index
    %get3A_2534 = tpu.vector_load %arg4[%get3A_2533] {strides = array<i32>} : memref<8192xf32, #tpu.memory_space<vmem>>, vector<16xf32>,
    %get3A_2535 = vector.shape_cast %get3A_2534 : vector<16xf32> to vector<16xf32>
    %min3A_2536 = arith.minimumf %min3A_2531, %get3A_2535 : vector<16xf32>
    %max3A_2537 = arith.maximumf %max3A_2532, %get3A_2535 : vector<16xf32>
    %get3A_2538 = arith.constant 8032 : index
    %get3A_2539 = tpu.vector_load %arg4[%get3A_2538] {strides = array<i32>} : memref<8192xf32, #tpu.memory_space<vmem>>, vector<16xf32>,
    %get3A_2540 = vector.shape_cast %get3A_2539 : vector<16xf32> to vector<16xf32>
    %min3A_2541 = arith.minimumf %min3A_2536, %get3A_2540 : vector<16xf32>
    %max3A_2542 = arith.maximumf %max3A_2537, %get3A_2540 : vector<16xf32>
    %get3A_2543 = arith.constant 8048 : index
    %get3A_2544 = tpu.vector_load %arg4[%get3A_2543] {strides = array<i32>} : memref<8192xf32, #tpu.memory_space<vmem>>, vector<16xf32>,
    %get3A_2545 = vector.shape_cast %get3A_2544 : vector<16xf32> to vector<16xf32>
    %min3A_2546 = arith.minimumf %min3A_2541, %get3A_2545 : vector<16xf32>
    %max3A_2547 = arith.maximumf %max3A_2542, %get3A_2545 : vector<16xf32>
    %get3A_2548 = arith.constant 8064 : index
    %get3A_2549 = tpu.vector_load %arg4[%get3A_2548] {strides = array<i32>} : memref<8192xf32, #tpu.memory_space<vmem>>, vector<16xf32>,
    %get3A_2550 = vector.shape_cast %get3A_2549 : vector<16xf32> to vector<16xf32>
    %min3A_2551 = arith.minimumf %min3A_2546, %get3A_2550 : vector<16xf32>
    %max3A_2552 = arith.maximumf %max3A_2547, %get3A_2550 : vector<16xf32>
    %get3A_2553 = arith.constant 8080 : index
    %get3A_2554 = tpu.vector_load %arg4[%get3A_2553] {strides = array<i32>} : memref<8192xf32, #tpu.memory_space<vmem>>, vector<16xf32>,
    %get3A_2555 = vector.shape_cast %get3A_2554 : vector<16xf32> to vector<16xf32>
    %min3A_2556 = arith.minimumf %min3A_2551, %get3A_2555 : vector<16xf32>
    %max3A_2557 = arith.maximumf %max3A_2552, %get3A_2555 : vector<16xf32>
    %get3A_2558 = arith.constant 8096 : index
    %get3A_2559 = tpu.vector_load %arg4[%get3A_2558] {strides = array<i32>} : memref<8192xf32, #tpu.memory_space<vmem>>, vector<16xf32>,
    %get3A_2560 = vector.shape_cast %get3A_2559 : vector<16xf32> to vector<16xf32>
    %min3A_2561 = arith.minimumf %min3A_2556, %get3A_2560 : vector<16xf32>
    %max3A_2562 = arith.maximumf %max3A_2557, %get3A_2560 : vector<16xf32>
    %get3A_2563 = arith.constant 8112 : index
    %get3A_2564 = tpu.vector_load %arg4[%get3A_2563] {strides = array<i32>} : memref<8192xf32, #tpu.memory_space<vmem>>, vector<16xf32>,
    %get3A_2565 = vector.shape_cast %get3A_2564 : vector<16xf32> to vector<16xf32>
    %min3A_2566 = arith.minimumf %min3A_2561, %get3A_2565 : vector<16xf32>
    %max3A_2567 = arith.maximumf %max3A_2562, %get3A_2565 : vector<16xf32>
    %get3A_2568 = arith.constant 8128 : index
    %get3A_2569 = tpu.vector_load %arg4[%get3A_2568] {strides = array<i32>} : memref<8192xf32, #tpu.memory_space<vmem>>, vector<16xf32>,
    %get3A_2570 = vector.shape_cast %get3A_2569 : vector<16xf32> to vector<16xf32>
    %min3A_2571 = arith.minimumf %min3A_2566, %get3A_2570 : vector<16xf32>
    %max3A_2572 = arith.maximumf %max3A_2567, %get3A_2570 : vector<16xf32>
    %get3A_2573 = arith.constant 8144 : index
    %get3A_2574 = tpu.vector_load %arg4[%get3A_2573] {strides = array<i32>} : memref<8192xf32, #tpu.memory_space<vmem>>, vector<16xf32>,
    %get3A_2575 = vector.shape_cast %get3A_2574 : vector<16xf32> to vector<16xf32>
    %min3A_2576 = arith.minimumf %min3A_2571, %get3A_2575 : vector<16xf32>
    %max3A_2577 = arith.maximumf %max3A_2572, %get3A_2575 : vector<16xf32>
    %get3A_2578 = arith.constant 8160 : index
    %get3A_2579 = tpu.vector_load %arg4[%get3A_2578] {strides = array<i32>} : memref<8192xf32, #tpu.memory_space<vmem>>, vector<16xf32>,
    %get3A_2580 = vector.shape_cast %get3A_2579 : vector<16xf32> to vector<16xf32>
    %min3A_2581 = arith.minimumf %min3A_2576, %get3A_2580 : vector<16xf32>
    %max3A_2582 = arith.maximumf %max3A_2577, %get3A_2580 : vector<16xf32>
    %get3A_2583 = arith.constant 8176 : index
    %get3A_2584 = tpu.vector_load %arg4[%get3A_2583] {strides = array<i32>} : memref<8192xf32, #tpu.memory_space<vmem>>, vector<16xf32>,
    %get3A_2585 = vector.shape_cast %get3A_2584 : vector<16xf32> to vector<16xf32>
    %min3A_2586 = arith.minimumf %min3A_2581, %get3A_2585 : vector<16xf32>
    %max3A_2587 = arith.maximumf %max3A_2582, %get3A_2585 : vector<16xf32>
    %iota3A = tpu.iota {dimensions = array<i32: 0>} : vector<16xi32>
    %xor3A = arith.constant 8 : i32
    %xor3A_2588 = vector.broadcast %xor3A : i32 to vector<16xi32>
    %xor3A_2589 = arith.xori %iota3A, %xor3A_2588 : vector<16xi32>
    %broadcast_in_dim3A = vector.shape_cast %xor3A_2589 : vector<16xi32> to vector<16x1xi32>
    %gather3A = vector.shape_cast %broadcast_in_dim3A : vector<16x1xi32> to vector<16xi32>
    %gather3A_2590 = tpu.dynamic_gather %min3A_2586[%gather3A] in [0] : vector<16xf32>, vector<16xi32> -> vector<16xf32>
    %min3A_2591 = arith.minimumf %min3A_2586, %gather3A_2590 : vector<16xf32>
    %broadcast_in_dim3A_2592 = vector.shape_cast %xor3A_2589 : vector<16xi32> to vector<16x1xi32>
    %gather3A_2593 = vector.shape_cast %broadcast_in_dim3A_2592 : vector<16x1xi32> to vector<16xi32>
    %gather3A_2594 = tpu.dynamic_gather %max3A_2587[%gather3A_2593] in [0] : vector<16xf32>, vector<16xi32> -> vector<16xf32>
    %max3A_2595 = arith.maximumf %max3A_2587, %gather3A_2594 : vector<16xf32>
    %xor3A_2596 = arith.constant 4 : i32
    %xor3A_2597 = vector.broadcast %xor3A_2596 : i32 to vector<16xi32>
    %xor3A_2598 = arith.xori %iota3A, %xor3A_2597 : vector<16xi32>
    %broadcast_in_dim3A_2599 = vector.shape_cast %xor3A_2598 : vector<16xi32> to vector<16x1xi32>
    %gather3A_2600 = vector.shape_cast %broadcast_in_dim3A_2599 : vector<16x1xi32> to vector<16xi32>
    %gather3A_2601 = tpu.dynamic_gather %min3A_2591[%gather3A_2600] in [0] : vector<16xf32>, vector<16xi32> -> vector<16xf32>
    %min3A_2602 = arith.minimumf %min3A_2591, %gather3A_2601 : vector<16xf32>
    %broadcast_in_dim3A_2603 = vector.shape_cast %xor3A_2598 : vector<16xi32> to vector<16x1xi32>
    %gather3A_2604 = vector.shape_cast %broadcast_in_dim3A_2603 : vector<16x1xi32> to vector<16xi32>
    %gather3A_2605 = tpu.dynamic_gather %max3A_2595[%gather3A_2604] in [0] : vector<16xf32>, vector<16xi32> -> vector<16xf32>
    %max3A_2606 = arith.maximumf %max3A_2595, %gather3A_2605 : vector<16xf32>
    %xor3A_2607 = arith.constant 2 : i32
    %xor3A_2608 = vector.broadcast %xor3A_2607 : i32 to vector<16xi32>
    %xor3A_2609 = arith.xori %iota3A, %xor3A_2608 : vector<16xi32>
    %broadcast_in_dim3A_2610 = vector.shape_cast %xor3A_2609 : vector<16xi32> to vector<16x1xi32>
    %gather3A_2611 = vector.shape_cast %broadcast_in_dim3A_2610 : vector<16x1xi32> to vector<16xi32>
    %gather3A_2612 = tpu.dynamic_gather %min3A_2602[%gather3A_2611] in [0] : vector<16xf32>, vector<16xi32> -> vector<16xf32>
    %min3A_2613 = arith.minimumf %min3A_2602, %gather3A_2612 : vector<16xf32>
    %broadcast_in_dim3A_2614 = vector.shape_cast %xor3A_2609 : vector<16xi32> to vector<16x1xi32>
    %gather3A_2615 = vector.shape_cast %broadcast_in_dim3A_2614 : vector<16x1xi32> to vector<16xi32>
    %gather3A_2616 = tpu.dynamic_gather %max3A_2606[%gather3A_2615] in [0] : vector<16xf32>, vector<16xi32> -> vector<16xf32>
    %max3A_2617 = arith.maximumf %max3A_2606, %gather3A_2616 : vector<16xf32>
    %xor3A_2618 = arith.constant 1 : i32
    %xor3A_2619 = vector.broadcast %xor3A_2618 : i32 to vector<16xi32>
    %xor3A_2620 = arith.xori %iota3A, %xor3A_2619 : vector<16xi32>
    %broadcast_in_dim3A_2621 = vector.shape_cast %xor3A_2620 : vector<16xi32> to vector<16x1xi32>
    %gather3A_2622 = vector.shape_cast %broadcast_in_dim3A_2621 : vector<16x1xi32> to vector<16xi32>
    %gather3A_2623 = tpu.dynamic_gather %min3A_2613[%gather3A_2622] in [0] : vector<16xf32>, vector<16xi32> -> vector<16xf32>
    %min3A_2624 = arith.minimumf %min3A_2613, %gather3A_2623 : vector<16xf32>
    %broadcast_in_dim3A_2625 = vector.shape_cast %xor3A_2620 : vector<16xi32> to vector<16x1xi32>
    %gather3A_2626 = vector.shape_cast %broadcast_in_dim3A_2625 : vector<16x1xi32> to vector<16xi32>
    %gather3A_2627 = tpu.dynamic_gather %max3A_2617[%gather3A_2626] in [0] : vector<16xf32>, vector<16xi32> -> vector<16xf32>
    %max3A_2628 = arith.maximumf %max3A_2617, %gather3A_2627 : vector<16xf32>
    %sub3A_2629 = arith.subf %max3A_2628, %min3A_2624 : vector<16xf32>
    %add3A_2630 = arith.constant 9.99999993E-9 : f32
    %add3A_2631 = vector.broadcast %add3A_2630 : f32 to vector<16xf32>
    %add3A_2632 = arith.addf %sub3A_2629, %add3A_2631 : vector<16xf32>
    %add3A_2633 = arith.constant 0 : i32
    %add3A_2634 = arith.addi %mul3A_32, %add3A_2633 : i32
    %get3A_2635 = arith.index_cast %add3A_2634 : i32 to index
    %get3A_2636 = tpu.vector_load %arg4[%get3A_2635] {strides = array<i32>} : memref<8192xf32, #tpu.memory_space<vmem>>, vector<16xf32>,
    %get3A_2637 = vector.shape_cast %get3A_2636 : vector<16xf32> to vector<16xf32>
    %sub3A_2638 = arith.subf %get3A_2637, %min3A_2624 : vector<16xf32>
    %div3A_2639 = arith.divf %sub3A_2638, %add3A_2632 : vector<16xf32>
    %mul3A_2640 = arith.constant 3.99999905 : f32
    %mul3A_2641 = vector.broadcast %mul3A_2640 : f32 to vector<16xf32>
    %mul3A_2642 = arith.mulf %div3A_2639, %mul3A_2641 : vector<16xf32>
    %convert_element_type3A = arith.fptosi %mul3A_2642 : vector<16xf32> to vector<16xi32>
    %jit3A_2643 = arith.constant 0 : i32
    %jit3A_2644 = arith.constant 3 : i32
    %max3A_2645 = vector.broadcast %jit3A_2643 : i32 to vector<16xi32>
    %max3A_2646 = arith.maxsi %max3A_2645, %convert_element_type3A : vector<16xi32>
    %min3A_2647 = vector.broadcast %jit3A_2644 : i32 to vector<16xi32>
    %min3A_2648 = arith.minsi %min3A_2647, %max3A_2646 : vector<16xi32>
    %shift_left3A = arith.constant 1 : i32
    %shift_left3A_2649 = vector.broadcast %shift_left3A : i32 to vector<16xi32>
    %shift_left3A_2650 = arith.shli %shift_left3A_2649, %min3A_2648 : vector<16xi32>
    %swap3A = arith.constant 0 : index
    %swap3A_2651 = tpu.vector_load %arg5[%swap3A] {strides = array<i32>} : memref<1024xi32, #tpu.memory_space<vmem>>, vector<16xi32>,
    %swap3A_2652 = vector.shape_cast %swap3A_2651 : vector<16xi32> to vector<16xi32>
    %swap3A_2653 = vector.shape_cast %shift_left3A_2650 : vector<16xi32> to vector<16xi32>
    tpu.vector_store %arg5[%swap3A], %swap3A_2653 {strides = array<i32>} : memref<1024xi32, #tpu.memory_space<vmem>>, vector<16xi32>,
    %add3A_2654 = arith.constant 16 : i32
    %add3A_2655 = arith.addi %mul3A_32, %add3A_2654 : i32
    %get3A_2656 = arith.index_cast %add3A_2655 : i32 to index
    %get3A_2657 = tpu.vector_load %arg4[%get3A_2656] {strides = array<i32>} : memref<8192xf32, #tpu.memory_space<vmem>>, vector<16xf32>,
    %get3A_2658 = vector.shape_cast %get3A_2657 : vector<16xf32> to vector<16xf32>
    %sub3A_2659 = arith.subf %get3A_2658, %min3A_2624 : vector<16xf32>
    %div3A_2660 = arith.divf %sub3A_2659, %add3A_2632 : vector<16xf32>
    %mul3A_2661 = arith.constant 3.99999905 : f32
    %mul3A_2662 = vector.broadcast %mul3A_2661 : f32 to vector<16xf32>
    %mul3A_2663 = arith.mulf %div3A_2660, %mul3A_2662 : vector<16xf32>
    %convert_element_type3A_2664 = arith.fptosi %mul3A_2663 : vector<16xf32> to vector<16xi32>
    %jit3A_2665 = arith.constant 0 : i32
    %jit3A_2666 = arith.constant 3 : i32
    %max3A_2667 = vector.broadcast %jit3A_2665 : i32 to vector<16xi32>
    %max3A_2668 = arith.maxsi %max3A_2667, %convert_element_type3A_2664 : vector<16xi32>
    %min3A_2669 = vector.broadcast %jit3A_2666 : i32 to vector<16xi32>
    %min3A_2670 = arith.minsi %min3A_2669, %max3A_2668 : vector<16xi32>
    %shift_left3A_2671 = arith.constant 1 : i32
    %shift_left3A_2672 = vector.broadcast %shift_left3A_2671 : i32 to vector<16xi32>
    %shift_left3A_2673 = arith.shli %shift_left3A_2672, %min3A_2670 : vector<16xi32>
    %swap3A_2674 = arith.constant 16 : index
    %swap3A_2675 = tpu.vector_load %arg5[%swap3A_2674] {strides = array<i32>} : memref<1024xi32, #tpu.memory_space<vmem>>, vector<16xi32>,
    %swap3A_2676 = vector.shape_cast %swap3A_2675 : vector<16xi32> to vector<16xi32>
    %swap3A_2677 = vector.shape_cast %shift_left3A_2673 : vector<16xi32> to vector<16xi32>
    tpu.vector_store %arg5[%swap3A_2674], %swap3A_2677 {strides = array<i32>} : memref<1024xi32, #tpu.memory_space<vmem>>, vector<16xi32>,
    %add3A_2678 = arith.constant 32 : i32
    %add3A_2679 = arith.addi %mul3A_32, %add3A_2678 : i32
    %get3A_2680 = arith.index_cast %add3A_2679 : i32 to index
    %get3A_2681 = tpu.vector_load %arg4[%get3A_2680] {strides = array<i32>} : memref<8192xf32, #tpu.memory_space<vmem>>, vector<16xf32>,
    %get3A_2682 = vector.shape_cast %get3A_2681 : vector<16xf32> to vector<16xf32>
    %sub3A_2683 = arith.subf %get3A_2682, %min3A_2624 : vector<16xf32>
    %div3A_2684 = arith.divf %sub3A_2683, %add3A_2632 : vector<16xf32>
    %mul3A_2685 = arith.constant 3.99999905 : f32
    %mul3A_2686 = vector.broadcast %mul3A_2685 : f32 to vector<16xf32>
    %mul3A_2687 = arith.mulf %div3A_2684, %mul3A_2686 : vector<16xf32>
    %convert_element_type3A_2688 = arith.fptosi %mul3A_2687 : vector<16xf32> to vector<16xi32>
    %jit3A_2689 = arith.constant 0 : i32
    %jit3A_2690 = arith.constant 3 : i32
    %max3A_2691 = vector.broadcast %jit3A_2689 : i32 to vector<16xi32>
    %max3A_2692 = arith.maxsi %max3A_2691, %convert_element_type3A_2688 : vector<16xi32>
    %min3A_2693 = vector.broadcast %jit3A_2690 : i32 to vector<16xi32>
    %min3A_2694 = arith.minsi %min3A_2693, %max3A_2692 : vector<16xi32>
    %shift_left3A_2695 = arith.constant 1 : i32
    %shift_left3A_2696 = vector.broadcast %shift_left3A_2695 : i32 to vector<16xi32>
    %shift_left3A_2697 = arith.shli %shift_left3A_2696, %min3A_2694 : vector<16xi32>
    %swap3A_2698 = arith.constant 32 : index
    %swap3A_2699 = tpu.vector_load %arg5[%swap3A_2698] {strides = array<i32>} : memref<1024xi32, #tpu.memory_space<vmem>>, vector<16xi32>,
    %swap3A_2700 = vector.shape_cast %swap3A_2699 : vector<16xi32> to vector<16xi32>
    %swap3A_2701 = vector.shape_cast %shift_left3A_2697 : vector<16xi32> to vector<16xi32>
    tpu.vector_store %arg5[%swap3A_2698], %swap3A_2701 {strides = array<i32>} : memref<1024xi32, #tpu.memory_space<vmem>>, vector<16xi32>,
    %add3A_2702 = arith.constant 48 : i32
    %add3A_2703 = arith.addi %mul3A_32, %add3A_2702 : i32
    %get3A_2704 = arith.index_cast %add3A_2703 : i32 to index
    %get3A_2705 = tpu.vector_load %arg4[%get3A_2704] {strides = array<i32>} : memref<8192xf32, #tpu.memory_space<vmem>>, vector<16xf32>,
    %get3A_2706 = vector.shape_cast %get3A_2705 : vector<16xf32> to vector<16xf32>
    %sub3A_2707 = arith.subf %get3A_2706, %min3A_2624 : vector<16xf32>
    %div3A_2708 = arith.divf %sub3A_2707, %add3A_2632 : vector<16xf32>
    %mul3A_2709 = arith.constant 3.99999905 : f32
    %mul3A_2710 = vector.broadcast %mul3A_2709 : f32 to vector<16xf32>
    %mul3A_2711 = arith.mulf %div3A_2708, %mul3A_2710 : vector<16xf32>
    %convert_element_type3A_2712 = arith.fptosi %mul3A_2711 : vector<16xf32> to vector<16xi32>
    %jit3A_2713 = arith.constant 0 : i32
    %jit3A_2714 = arith.constant 3 : i32
    %max3A_2715 = vector.broadcast %jit3A_2713 : i32 to vector<16xi32>
    %max3A_2716 = arith.maxsi %max3A_2715, %convert_element_type3A_2712 : vector<16xi32>
    %min3A_2717 = vector.broadcast %jit3A_2714 : i32 to vector<16xi32>
    %min3A_2718 = arith.minsi %min3A_2717, %max3A_2716 : vector<16xi32>
    %shift_left3A_2719 = arith.constant 1 : i32
    %shift_left3A_2720 = vector.broadcast %shift_left3A_2719 : i32 to vector<16xi32>
    %shift_left3A_2721 = arith.shli %shift_left3A_2720, %min3A_2718 : vector<16xi32>
    %swap3A_2722 = arith.constant 48 : index
    %swap3A_2723 = tpu.vector_load %arg5[%swap3A_2722] {strides = array<i32>} : memref<1024xi32, #tpu.memory_space<vmem>>, vector<16xi32>,
    %swap3A_2724 = vector.shape_cast %swap3A_2723 : vector<16xi32> to vector<16xi32>
    %swap3A_2725 = vector.shape_cast %shift_left3A_2721 : vector<16xi32> to vector<16xi32>
    tpu.vector_store %arg5[%swap3A_2722], %swap3A_2725 {strides = array<i32>} : memref<1024xi32, #tpu.memory_space<vmem>>, vector<16xi32>,
    %add3A_2726 = arith.constant 64 : i32
    %add3A_2727 = arith.addi %mul3A_32, %add3A_2726 : i32
    %get3A_2728 = arith.index_cast %add3A_2727 : i32 to index
    %get3A_2729 = tpu.vector_load %arg4[%get3A_2728] {strides = array<i32>} : memref<8192xf32, #tpu.memory_space<vmem>>, vector<16xf32>,
    %get3A_2730 = vector.shape_cast %get3A_2729 : vector<16xf32> to vector<16xf32>
    %sub3A_2731 = arith.subf %get3A_2730, %min3A_2624 : vector<16xf32>
    %div3A_2732 = arith.divf %sub3A_2731, %add3A_2632 : vector<16xf32>
    %mul3A_2733 = arith.constant 3.99999905 : f32
    %mul3A_2734 = vector.broadcast %mul3A_2733 : f32 to vector<16xf32>
    %mul3A_2735 = arith.mulf %div3A_2732, %mul3A_2734 : vector<16xf32>
    %convert_element_type3A_2736 = arith.fptosi %mul3A_2735 : vector<16xf32> to vector<16xi32>
    %jit3A_2737 = arith.constant 0 : i32
    %jit3A_2738 = arith.constant 3 : i32
    %max3A_2739 = vector.broadcast %jit3A_2737 : i32 to vector<16xi32>
    %max3A_2740 = arith.maxsi %max3A_2739, %convert_element_type3A_2736 : vector<16xi32>
    %min3A_2741 = vector.broadcast %jit3A_2738 : i32 to vector<16xi32>
    %min3A_2742 = arith.minsi %min3A_2741, %max3A_2740 : vector<16xi32>
    %shift_left3A_2743 = arith.constant 1 : i32
    %shift_left3A_2744 = vector.broadcast %shift_left3A_2743 : i32 to vector<16xi32>
    %shift_left3A_2745 = arith.shli %shift_left3A_2744, %min3A_2742 : vector<16xi32>
    %swap3A_2746 = arith.constant 64 : index
    %swap3A_2747 = tpu.vector_load %arg5[%swap3A_2746] {strides = array<i32>} : memref<1024xi32, #tpu.memory_space<vmem>>, vector<16xi32>,
    %swap3A_2748 = vector.shape_cast %swap3A_2747 : vector<16xi32> to vector<16xi32>
    %swap3A_2749 = vector.shape_cast %shift_left3A_2745 : vector<16xi32> to vector<16xi32>
    tpu.vector_store %arg5[%swap3A_2746], %swap3A_2749 {strides = array<i32>} : memref<1024xi32, #tpu.memory_space<vmem>>, vector<16xi32>,
    %add3A_2750 = arith.constant 80 : i32
    %add3A_2751 = arith.addi %mul3A_32, %add3A_2750 : i32
    %get3A_2752 = arith.index_cast %add3A_2751 : i32 to index
    %get3A_2753 = tpu.vector_load %arg4[%get3A_2752] {strides = array<i32>} : memref<8192xf32, #tpu.memory_space<vmem>>, vector<16xf32>,
    %get3A_2754 = vector.shape_cast %get3A_2753 : vector<16xf32> to vector<16xf32>
    %sub3A_2755 = arith.subf %get3A_2754, %min3A_2624 : vector<16xf32>
    %div3A_2756 = arith.divf %sub3A_2755, %add3A_2632 : vector<16xf32>
    %mul3A_2757 = arith.constant 3.99999905 : f32
    %mul3A_2758 = vector.broadcast %mul3A_2757 : f32 to vector<16xf32>
    %mul3A_2759 = arith.mulf %div3A_2756, %mul3A_2758 : vector<16xf32>
    %convert_element_type3A_2760 = arith.fptosi %mul3A_2759 : vector<16xf32> to vector<16xi32>
    %jit3A_2761 = arith.constant 0 : i32
    %jit3A_2762 = arith.constant 3 : i32
    %max3A_2763 = vector.broadcast %jit3A_2761 : i32 to vector<16xi32>
    %max3A_2764 = arith.maxsi %max3A_2763, %convert_element_type3A_2760 : vector<16xi32>
    %min3A_2765 = vector.broadcast %jit3A_2762 : i32 to vector<16xi32>
    %min3A_2766 = arith.minsi %min3A_2765, %max3A_2764 : vector<16xi32>
    %shift_left3A_2767 = arith.constant 1 : i32
    %shift_left3A_2768 = vector.broadcast %shift_left3A_2767 : i32 to vector<16xi32>
    %shift_left3A_2769 = arith.shli %shift_left3A_2768, %min3A_2766 : vector<16xi32>
    %swap3A_2770 = arith.constant 80 : index
    %swap3A_2771 = tpu.vector_load %arg5[%swap3A_2770] {strides = array<i32>} : memref<1024xi32, #tpu.memory_space<vmem>>, vector<16xi32>,
    %swap3A_2772 = vector.shape_cast %swap3A_2771 : vector<16xi32> to vector<16xi32>
    %swap3A_2773 = vector.shape_cast %shift_left3A_2769 : vector<16xi32> to vector<16xi32>
    tpu.vector_store %arg5[%swap3A_2770], %swap3A_2773 {strides = array<i32>} : memref<1024xi32, #tpu.memory_space<vmem>>, vector<16xi32>,
    %add3A_2774 = arith.constant 96 : i32
    %add3A_2775 = arith.addi %mul3A_32, %add3A_2774 : i32
    %get3A_2776 = arith.index_cast %add3A_2775 : i32 to index
    %get3A_2777 = tpu.vector_load %arg4[%get3A_2776] {strides = array<i32>} : memref<8192xf32, #tpu.memory_space<vmem>>, vector<16xf32>,
    %get3A_2778 = vector.shape_cast %get3A_2777 : vector<16xf32> to vector<16xf32>
    %sub3A_2779 = arith.subf %get3A_2778, %min3A_2624 : vector<16xf32>
    %div3A_2780 = arith.divf %sub3A_2779, %add3A_2632 : vector<16xf32>
    %mul3A_2781 = arith.constant 3.99999905 : f32
    %mul3A_2782 = vector.broadcast %mul3A_2781 : f32 to vector<16xf32>
    %mul3A_2783 = arith.mulf %div3A_2780, %mul3A_2782 : vector<16xf32>
    %convert_element_type3A_2784 = arith.fptosi %mul3A_2783 : vector<16xf32> to vector<16xi32>
    %jit3A_2785 = arith.constant 0 : i32
    %jit3A_2786 = arith.constant 3 : i32
    %max3A_2787 = vector.broadcast %jit3A_2785 : i32 to vector<16xi32>
    %max3A_2788 = arith.maxsi %max3A_2787, %convert_element_type3A_2784 : vector<16xi32>
    %min3A_2789 = vector.broadcast %jit3A_2786 : i32 to vector<16xi32>
    %min3A_2790 = arith.minsi %min3A_2789, %max3A_2788 : vector<16xi32>
    %shift_left3A_2791 = arith.constant 1 : i32
    %shift_left3A_2792 = vector.broadcast %shift_left3A_2791 : i32 to vector<16xi32>
    %shift_left3A_2793 = arith.shli %shift_left3A_2792, %min3A_2790 : vector<16xi32>
    %swap3A_2794 = arith.constant 96 : index
    %swap3A_2795 = tpu.vector_load %arg5[%swap3A_2794] {strides = array<i32>} : memref<1024xi32, #tpu.memory_space<vmem>>, vector<16xi32>,
    %swap3A_2796 = vector.shape_cast %swap3A_2795 : vector<16xi32> to vector<16xi32>
    %swap3A_2797 = vector.shape_cast %shift_left3A_2793 : vector<16xi32> to vector<16xi32>
    tpu.vector_store %arg5[%swap3A_2794], %swap3A_2797 {strides = array<i32>} : memref<1024xi32, #tpu.memory_space<vmem>>, vector<16xi32>,
    %add3A_2798 = arith.constant 112 : i32
    %add3A_2799 = arith.addi %mul3A_32, %add3A_2798 : i32
    %get3A_2800 = arith.index_cast %add3A_2799 : i32 to index
    %get3A_2801 = tpu.vector_load %arg4[%get3A_2800] {strides = array<i32>} : memref<8192xf32, #tpu.memory_space<vmem>>, vector<16xf32>,
    %get3A_2802 = vector.shape_cast %get3A_2801 : vector<16xf32> to vector<16xf32>
    %sub3A_2803 = arith.subf %get3A_2802, %min3A_2624 : vector<16xf32>
    %div3A_2804 = arith.divf %sub3A_2803, %add3A_2632 : vector<16xf32>
    %mul3A_2805 = arith.constant 3.99999905 : f32
    %mul3A_2806 = vector.broadcast %mul3A_2805 : f32 to vector<16xf32>
    %mul3A_2807 = arith.mulf %div3A_2804, %mul3A_2806 : vector<16xf32>
    %convert_element_type3A_2808 = arith.fptosi %mul3A_2807 : vector<16xf32> to vector<16xi32>
    %jit3A_2809 = arith.constant 0 : i32
    %jit3A_2810 = arith.constant 3 : i32
    %max3A_2811 = vector.broadcast %jit3A_2809 : i32 to vector<16xi32>
    %max3A_2812 = arith.maxsi %max3A_2811, %convert_element_type3A_2808 : vector<16xi32>
    %min3A_2813 = vector.broadcast %jit3A_2810 : i32 to vector<16xi32>
    %min3A_2814 = arith.minsi %min3A_2813, %max3A_2812 : vector<16xi32>
    %shift_left3A_2815 = arith.constant 1 : i32
    %shift_left3A_2816 = vector.broadcast %shift_left3A_2815 : i32 to vector<16xi32>
    %shift_left3A_2817 = arith.shli %shift_left3A_2816, %min3A_2814 : vector<16xi32>
    %swap3A_2818 = arith.constant 112 : index
    %swap3A_2819 = tpu.vector_load %arg5[%swap3A_2818] {strides = array<i32>} : memref<1024xi32, #tpu.memory_space<vmem>>, vector<16xi32>,
    %swap3A_2820 = vector.shape_cast %swap3A_2819 : vector<16xi32> to vector<16xi32>
    %swap3A_2821 = vector.shape_cast %shift_left3A_2817 : vector<16xi32> to vector<16xi32>
    tpu.vector_store %arg5[%swap3A_2818], %swap3A_2821 {strides = array<i32>} : memref<1024xi32, #tpu.memory_space<vmem>>, vector<16xi32>,
    %add3A_2822 = arith.constant 128 : i32
    %add3A_2823 = arith.addi %mul3A_32, %add3A_2822 : i32
    %get3A_2824 = arith.index_cast %add3A_2823 : i32 to index
    %get3A_2825 = tpu.vector_load %arg4[%get3A_2824] {strides = array<i32>} : memref<8192xf32, #tpu.memory_space<vmem>>, vector<16xf32>,
    %get3A_2826 = vector.shape_cast %get3A_2825 : vector<16xf32> to vector<16xf32>
    %sub3A_2827 = arith.subf %get3A_2826, %min3A_2624 : vector<16xf32>
    %div3A_2828 = arith.divf %sub3A_2827, %add3A_2632 : vector<16xf32>
    %mul3A_2829 = arith.constant 3.99999905 : f32
    %mul3A_2830 = vector.broadcast %mul3A_2829 : f32 to vector<16xf32>
    %mul3A_2831 = arith.mulf %div3A_2828, %mul3A_2830 : vector<16xf32>
    %convert_element_type3A_2832 = arith.fptosi %mul3A_2831 : vector<16xf32> to vector<16xi32>
    %jit3A_2833 = arith.constant 0 : i32
    %jit3A_2834 = arith.constant 3 : i32
    %max3A_2835 = vector.broadcast %jit3A_2833 : i32 to vector<16xi32>
    %max3A_2836 = arith.maxsi %max3A_2835, %convert_element_type3A_2832 : vector<16xi32>
    %min3A_2837 = vector.broadcast %jit3A_2834 : i32 to vector<16xi32>
    %min3A_2838 = arith.minsi %min3A_2837, %max3A_2836 : vector<16xi32>
    %shift_left3A_2839 = arith.constant 1 : i32
    %shift_left3A_2840 = vector.broadcast %shift_left3A_2839 : i32 to vector<16xi32>
    %shift_left3A_2841 = arith.shli %shift_left3A_2840, %min3A_2838 : vector<16xi32>
    %swap3A_2842 = arith.constant 128 : index
    %swap3A_2843 = tpu.vector_load %arg5[%swap3A_2842] {strides = array<i32>} : memref<1024xi32, #tpu.memory_space<vmem>>, vector<16xi32>,
    %swap3A_2844 = vector.shape_cast %swap3A_2843 : vector<16xi32> to vector<16xi32>
    %swap3A_2845 = vector.shape_cast %shift_left3A_2841 : vector<16xi32> to vector<16xi32>
    tpu.vector_store %arg5[%swap3A_2842], %swap3A_2845 {strides = array<i32>} : memref<1024xi32, #tpu.memory_space<vmem>>, vector<16xi32>,
    %add3A_2846 = arith.constant 144 : i32
    %add3A_2847 = arith.addi %mul3A_32, %add3A_2846 : i32
    %get3A_2848 = arith.index_cast %add3A_2847 : i32 to index
    %get3A_2849 = tpu.vector_load %arg4[%get3A_2848] {strides = array<i32>} : memref<8192xf32, #tpu.memory_space<vmem>>, vector<16xf32>,
    %get3A_2850 = vector.shape_cast %get3A_2849 : vector<16xf32> to vector<16xf32>
    %sub3A_2851 = arith.subf %get3A_2850, %min3A_2624 : vector<16xf32>
    %div3A_2852 = arith.divf %sub3A_2851, %add3A_2632 : vector<16xf32>
    %mul3A_2853 = arith.constant 3.99999905 : f32
    %mul3A_2854 = vector.broadcast %mul3A_2853 : f32 to vector<16xf32>
    %mul3A_2855 = arith.mulf %div3A_2852, %mul3A_2854 : vector<16xf32>
    %convert_element_type3A_2856 = arith.fptosi %mul3A_2855 : vector<16xf32> to vector<16xi32>
    %jit3A_2857 = arith.constant 0 : i32
    %jit3A_2858 = arith.constant 3 : i32
    %max3A_2859 = vector.broadcast %jit3A_2857 : i32 to vector<16xi32>
    %max3A_2860 = arith.maxsi %max3A_2859, %convert_element_type3A_2856 : vector<16xi32>
    %min3A_2861 = vector.broadcast %jit3A_2858 : i32 to vector<16xi32>
    %min3A_2862 = arith.minsi %min3A_2861, %max3A_2860 : vector<16xi32>
    %shift_left3A_2863 = arith.constant 1 : i32
    %shift_left3A_2864 = vector.broadcast %shift_left3A_2863 : i32 to vector<16xi32>
    %shift_left3A_2865 = arith.shli %shift_left3A_2864, %min3A_2862 : vector<16xi32>
    %swap3A_2866 = arith.constant 144 : index
    %swap3A_2867 = tpu.vector_load %arg5[%swap3A_2866] {strides = array<i32>} : memref<1024xi32, #tpu.memory_space<vmem>>, vector<16xi32>,
    %swap3A_2868 = vector.shape_cast %swap3A_2867 : vector<16xi32> to vector<16xi32>
    %swap3A_2869 = vector.shape_cast %shift_left3A_2865 : vector<16xi32> to vector<16xi32>
    tpu.vector_store %arg5[%swap3A_2866], %swap3A_2869 {strides = array<i32>} : memref<1024xi32, #tpu.memory_space<vmem>>, vector<16xi32>,
    %add3A_2870 = arith.constant 160 : i32
    %add3A_2871 = arith.addi %mul3A_32, %add3A_2870 : i32
    %get3A_2872 = arith.index_cast %add3A_2871 : i32 to index
    %get3A_2873 = tpu.vector_load %arg4[%get3A_2872] {strides = array<i32>} : memref<8192xf32, #tpu.memory_space<vmem>>, vector<16xf32>,
    %get3A_2874 = vector.shape_cast %get3A_2873 : vector<16xf32> to vector<16xf32>
    %sub3A_2875 = arith.subf %get3A_2874, %min3A_2624 : vector<16xf32>
    %div3A_2876 = arith.divf %sub3A_2875, %add3A_2632 : vector<16xf32>
    %mul3A_2877 = arith.constant 3.99999905 : f32
    %mul3A_2878 = vector.broadcast %mul3A_2877 : f32 to vector<16xf32>
    %mul3A_2879 = arith.mulf %div3A_2876, %mul3A_2878 : vector<16xf32>
    %convert_element_type3A_2880 = arith.fptosi %mul3A_2879 : vector<16xf32> to vector<16xi32>
    %jit3A_2881 = arith.constant 0 : i32
    %jit3A_2882 = arith.constant 3 : i32
    %max3A_2883 = vector.broadcast %jit3A_2881 : i32 to vector<16xi32>
    %max3A_2884 = arith.maxsi %max3A_2883, %convert_element_type3A_2880 : vector<16xi32>
    %min3A_2885 = vector.broadcast %jit3A_2882 : i32 to vector<16xi32>
    %min3A_2886 = arith.minsi %min3A_2885, %max3A_2884 : vector<16xi32>
    %shift_left3A_2887 = arith.constant 1 : i32
    %shift_left3A_2888 = vector.broadcast %shift_left3A_2887 : i32 to vector<16xi32>
    %shift_left3A_2889 = arith.shli %shift_left3A_2888, %min3A_2886 : vector<16xi32>
    %swap3A_2890 = arith.constant 160 : index
    %swap3A_2891 = tpu.vector_load %arg5[%swap3A_2890] {strides = array<i32>} : memref<1024xi32, #tpu.memory_space<vmem>>, vector<16xi32>,
    %swap3A_2892 = vector.shape_cast %swap3A_2891 : vector<16xi32> to vector<16xi32>
    %swap3A_2893 = vector.shape_cast %shift_left3A_2889 : vector<16xi32> to vector<16xi32>
    tpu.vector_store %arg5[%swap3A_2890], %swap3A_2893 {strides = array<i32>} : memref<1024xi32, #tpu.memory_space<vmem>>, vector<16xi32>,
    %add3A_2894 = arith.constant 176 : i32
    %add3A_2895 = arith.addi %mul3A_32, %add3A_2894 : i32
    %get3A_2896 = arith.index_cast %add3A_2895 : i32 to index
    %get3A_2897 = tpu.vector_load %arg4[%get3A_2896] {strides = array<i32>} : memref<8192xf32, #tpu.memory_space<vmem>>, vector<16xf32>,
    %get3A_2898 = vector.shape_cast %get3A_2897 : vector<16xf32> to vector<16xf32>
    %sub3A_2899 = arith.subf %get3A_2898, %min3A_2624 : vector<16xf32>
    %div3A_2900 = arith.divf %sub3A_2899, %add3A_2632 : vector<16xf32>
    %mul3A_2901 = arith.constant 3.99999905 : f32
    %mul3A_2902 = vector.broadcast %mul3A_2901 : f32 to vector<16xf32>
    %mul3A_2903 = arith.mulf %div3A_2900, %mul3A_2902 : vector<16xf32>
    %convert_element_type3A_2904 = arith.fptosi %mul3A_2903 : vector<16xf32> to vector<16xi32>
    %jit3A_2905 = arith.constant 0 : i32
    %jit3A_2906 = arith.constant 3 : i32
    %max3A_2907 = vector.broadcast %jit3A_2905 : i32 to vector<16xi32>
    %max3A_2908 = arith.maxsi %max3A_2907, %convert_element_type3A_2904 : vector<16xi32>
    %min3A_2909 = vector.broadcast %jit3A_2906 : i32 to vector<16xi32>
    %min3A_2910 = arith.minsi %min3A_2909, %max3A_2908 : vector<16xi32>
    %shift_left3A_2911 = arith.constant 1 : i32
    %shift_left3A_2912 = vector.broadcast %shift_left3A_2911 : i32 to vector<16xi32>
    %shift_left3A_2913 = arith.shli %shift_left3A_2912, %min3A_2910 : vector<16xi32>
    %swap3A_2914 = arith.constant 176 : index
    %swap3A_2915 = tpu.vector_load %arg5[%swap3A_2914] {strides = array<i32>} : memref<1024xi32, #tpu.memory_space<vmem>>, vector<16xi32>,
    %swap3A_2916 = vector.shape_cast %swap3A_2915 : vector<16xi32> to vector<16xi32>
    %swap3A_2917 = vector.shape_cast %shift_left3A_2913 : vector<16xi32> to vector<16xi32>
    tpu.vector_store %arg5[%swap3A_2914], %swap3A_2917 {strides = array<i32>} : memref<1024xi32, #tpu.memory_space<vmem>>, vector<16xi32>,
    %add3A_2918 = arith.constant 192 : i32
    %add3A_2919 = arith.addi %mul3A_32, %add3A_2918 : i32
    %get3A_2920 = arith.index_cast %add3A_2919 : i32 to index
    %get3A_2921 = tpu.vector_load %arg4[%get3A_2920] {strides = array<i32>} : memref<8192xf32, #tpu.memory_space<vmem>>, vector<16xf32>,
    %get3A_2922 = vector.shape_cast %get3A_2921 : vector<16xf32> to vector<16xf32>
    %sub3A_2923 = arith.subf %get3A_2922, %min3A_2624 : vector<16xf32>
    %div3A_2924 = arith.divf %sub3A_2923, %add3A_2632 : vector<16xf32>
    %mul3A_2925 = arith.constant 3.99999905 : f32
    %mul3A_2926 = vector.broadcast %mul3A_2925 : f32 to vector<16xf32>
    %mul3A_2927 = arith.mulf %div3A_2924, %mul3A_2926 : vector<16xf32>
    %convert_element_type3A_2928 = arith.fptosi %mul3A_2927 : vector<16xf32> to vector<16xi32>
    %jit3A_2929 = arith.constant 0 : i32
    %jit3A_2930 = arith.constant 3 : i32
    %max3A_2931 = vector.broadcast %jit3A_2929 : i32 to vector<16xi32>
    %max3A_2932 = arith.maxsi %max3A_2931, %convert_element_type3A_2928 : vector<16xi32>
    %min3A_2933 = vector.broadcast %jit3A_2930 : i32 to vector<16xi32>
    %min3A_2934 = arith.minsi %min3A_2933, %max3A_2932 : vector<16xi32>
    %shift_left3A_2935 = arith.constant 1 : i32
    %shift_left3A_2936 = vector.broadcast %shift_left3A_2935 : i32 to vector<16xi32>
    %shift_left3A_2937 = arith.shli %shift_left3A_2936, %min3A_2934 : vector<16xi32>
    %swap3A_2938 = arith.constant 192 : index
    %swap3A_2939 = tpu.vector_load %arg5[%swap3A_2938] {strides = array<i32>} : memref<1024xi32, #tpu.memory_space<vmem>>, vector<16xi32>,
    %swap3A_2940 = vector.shape_cast %swap3A_2939 : vector<16xi32> to vector<16xi32>
    %swap3A_2941 = vector.shape_cast %shift_left3A_2937 : vector<16xi32> to vector<16xi32>
    tpu.vector_store %arg5[%swap3A_2938], %swap3A_2941 {strides = array<i32>} : memref<1024xi32, #tpu.memory_space<vmem>>, vector<16xi32>,
    %add3A_2942 = arith.constant 208 : i32
    %add3A_2943 = arith.addi %mul3A_32, %add3A_2942 : i32
    %get3A_2944 = arith.index_cast %add3A_2943 : i32 to index
    %get3A_2945 = tpu.vector_load %arg4[%get3A_2944] {strides = array<i32>} : memref<8192xf32, #tpu.memory_space<vmem>>, vector<16xf32>,
    %get3A_2946 = vector.shape_cast %get3A_2945 : vector<16xf32> to vector<16xf32>
    %sub3A_2947 = arith.subf %get3A_2946, %min3A_2624 : vector<16xf32>
    %div3A_2948 = arith.divf %sub3A_2947, %add3A_2632 : vector<16xf32>
    %mul3A_2949 = arith.constant 3.99999905 : f32
    %mul3A_2950 = vector.broadcast %mul3A_2949 : f32 to vector<16xf32>
    %mul3A_2951 = arith.mulf %div3A_2948, %mul3A_2950 : vector<16xf32>
    %convert_element_type3A_2952 = arith.fptosi %mul3A_2951 : vector<16xf32> to vector<16xi32>
    %jit3A_2953 = arith.constant 0 : i32
    %jit3A_2954 = arith.constant 3 : i32
    %max3A_2955 = vector.broadcast %jit3A_2953 : i32 to vector<16xi32>
    %max3A_2956 = arith.maxsi %max3A_2955, %convert_element_type3A_2952 : vector<16xi32>
    %min3A_2957 = vector.broadcast %jit3A_2954 : i32 to vector<16xi32>
    %min3A_2958 = arith.minsi %min3A_2957, %max3A_2956 : vector<16xi32>
    %shift_left3A_2959 = arith.constant 1 : i32
    %shift_left3A_2960 = vector.broadcast %shift_left3A_2959 : i32 to vector<16xi32>
    %shift_left3A_2961 = arith.shli %shift_left3A_2960, %min3A_2958 : vector<16xi32>
    %swap3A_2962 = arith.constant 208 : index
    %swap3A_2963 = tpu.vector_load %arg5[%swap3A_2962] {strides = array<i32>} : memref<1024xi32, #tpu.memory_space<vmem>>, vector<16xi32>,
    %swap3A_2964 = vector.shape_cast %swap3A_2963 : vector<16xi32> to vector<16xi32>
    %swap3A_2965 = vector.shape_cast %shift_left3A_2961 : vector<16xi32> to vector<16xi32>
    tpu.vector_store %arg5[%swap3A_2962], %swap3A_2965 {strides = array<i32>} : memref<1024xi32, #tpu.memory_space<vmem>>, vector<16xi32>,
    %add3A_2966 = arith.constant 224 : i32
    %add3A_2967 = arith.addi %mul3A_32, %add3A_2966 : i32
    %get3A_2968 = arith.index_cast %add3A_2967 : i32 to index
    %get3A_2969 = tpu.vector_load %arg4[%get3A_2968] {strides = array<i32>} : memref<8192xf32, #tpu.memory_space<vmem>>, vector<16xf32>,
    %get3A_2970 = vector.shape_cast %get3A_2969 : vector<16xf32> to vector<16xf32>
    %sub3A_2971 = arith.subf %get3A_2970, %min3A_2624 : vector<16xf32>
    %div3A_2972 = arith.divf %sub3A_2971, %add3A_2632 : vector<16xf32>
    %mul3A_2973 = arith.constant 3.99999905 : f32
    %mul3A_2974 = vector.broadcast %mul3A_2973 : f32 to vector<16xf32>
    %mul3A_2975 = arith.mulf %div3A_2972, %mul3A_2974 : vector<16xf32>
    %convert_element_type3A_2976 = arith.fptosi %mul3A_2975 : vector<16xf32> to vector<16xi32>
    %jit3A_2977 = arith.constant 0 : i32
    %jit3A_2978 = arith.constant 3 : i32
    %max3A_2979 = vector.broadcast %jit3A_2977 : i32 to vector<16xi32>
    %max3A_2980 = arith.maxsi %max3A_2979, %convert_element_type3A_2976 : vector<16xi32>
    %min3A_2981 = vector.broadcast %jit3A_2978 : i32 to vector<16xi32>
    %min3A_2982 = arith.minsi %min3A_2981, %max3A_2980 : vector<16xi32>
    %shift_left3A_2983 = arith.constant 1 : i32
    %shift_left3A_2984 = vector.broadcast %shift_left3A_2983 : i32 to vector<16xi32>
    %shift_left3A_2985 = arith.shli %shift_left3A_2984, %min3A_2982 : vector<16xi32>
    %swap3A_2986 = arith.constant 224 : index
    %swap3A_2987 = tpu.vector_load %arg5[%swap3A_2986] {strides = array<i32>} : memref<1024xi32, #tpu.memory_space<vmem>>, vector<16xi32>,
    %swap3A_2988 = vector.shape_cast %swap3A_2987 : vector<16xi32> to vector<16xi32>
    %swap3A_2989 = vector.shape_cast %shift_left3A_2985 : vector<16xi32> to vector<16xi32>
    tpu.vector_store %arg5[%swap3A_2986], %swap3A_2989 {strides = array<i32>} : memref<1024xi32, #tpu.memory_space<vmem>>, vector<16xi32>,
    %add3A_2990 = arith.constant 240 : i32
    %add3A_2991 = arith.addi %mul3A_32, %add3A_2990 : i32
    %get3A_2992 = arith.index_cast %add3A_2991 : i32 to index
    %get3A_2993 = tpu.vector_load %arg4[%get3A_2992] {strides = array<i32>} : memref<8192xf32, #tpu.memory_space<vmem>>, vector<16xf32>,
    %get3A_2994 = vector.shape_cast %get3A_2993 : vector<16xf32> to vector<16xf32>
    %sub3A_2995 = arith.subf %get3A_2994, %min3A_2624 : vector<16xf32>
    %div3A_2996 = arith.divf %sub3A_2995, %add3A_2632 : vector<16xf32>
    %mul3A_2997 = arith.constant 3.99999905 : f32
    %mul3A_2998 = vector.broadcast %mul3A_2997 : f32 to vector<16xf32>
    %mul3A_2999 = arith.mulf %div3A_2996, %mul3A_2998 : vector<16xf32>
    %convert_element_type3A_3000 = arith.fptosi %mul3A_2999 : vector<16xf32> to vector<16xi32>
    %jit3A_3001 = arith.constant 0 : i32
    %jit3A_3002 = arith.constant 3 : i32
    %max3A_3003 = vector.broadcast %jit3A_3001 : i32 to vector<16xi32>
    %max3A_3004 = arith.maxsi %max3A_3003, %convert_element_type3A_3000 : vector<16xi32>
    %min3A_3005 = vector.broadcast %jit3A_3002 : i32 to vector<16xi32>
    %min3A_3006 = arith.minsi %min3A_3005, %max3A_3004 : vector<16xi32>
    %shift_left3A_3007 = arith.constant 1 : i32
    %shift_left3A_3008 = vector.broadcast %shift_left3A_3007 : i32 to vector<16xi32>
    %shift_left3A_3009 = arith.shli %shift_left3A_3008, %min3A_3006 : vector<16xi32>
    %swap3A_3010 = arith.constant 240 : index
    %swap3A_3011 = tpu.vector_load %arg5[%swap3A_3010] {strides = array<i32>} : memref<1024xi32, #tpu.memory_space<vmem>>, vector<16xi32>,
    %swap3A_3012 = vector.shape_cast %swap3A_3011 : vector<16xi32> to vector<16xi32>
    %swap3A_3013 = vector.shape_cast %shift_left3A_3009 : vector<16xi32> to vector<16xi32>
    tpu.vector_store %arg5[%swap3A_3010], %swap3A_3013 {strides = array<i32>} : memref<1024xi32, #tpu.memory_space<vmem>>, vector<16xi32>,
    %add3A_3014 = arith.constant 256 : i32
    %add3A_3015 = arith.addi %mul3A_32, %add3A_3014 : i32
    %get3A_3016 = arith.index_cast %add3A_3015 : i32 to index
    %get3A_3017 = tpu.vector_load %arg4[%get3A_3016] {strides = array<i32>} : memref<8192xf32, #tpu.memory_space<vmem>>, vector<16xf32>,
    %get3A_3018 = vector.shape_cast %get3A_3017 : vector<16xf32> to vector<16xf32>
    %sub3A_3019 = arith.subf %get3A_3018, %min3A_2624 : vector<16xf32>
    %div3A_3020 = arith.divf %sub3A_3019, %add3A_2632 : vector<16xf32>
    %mul3A_3021 = arith.constant 3.99999905 : f32
    %mul3A_3022 = vector.broadcast %mul3A_3021 : f32 to vector<16xf32>
    %mul3A_3023 = arith.mulf %div3A_3020, %mul3A_3022 : vector<16xf32>
    %convert_element_type3A_3024 = arith.fptosi %mul3A_3023 : vector<16xf32> to vector<16xi32>
    %jit3A_3025 = arith.constant 0 : i32
    %jit3A_3026 = arith.constant 3 : i32
    %max3A_3027 = vector.broadcast %jit3A_3025 : i32 to vector<16xi32>
    %max3A_3028 = arith.maxsi %max3A_3027, %convert_element_type3A_3024 : vector<16xi32>
    %min3A_3029 = vector.broadcast %jit3A_3026 : i32 to vector<16xi32>
    %min3A_3030 = arith.minsi %min3A_3029, %max3A_3028 : vector<16xi32>
    %shift_left3A_3031 = arith.constant 1 : i32
    %shift_left3A_3032 = vector.broadcast %shift_left3A_3031 : i32 to vector<16xi32>
    %shift_left3A_3033 = arith.shli %shift_left3A_3032, %min3A_3030 : vector<16xi32>
    %swap3A_3034 = arith.constant 256 : index
    %swap3A_3035 = tpu.vector_load %arg5[%swap3A_3034] {strides = array<i32>} : memref<1024xi32, #tpu.memory_space<vmem>>, vector<16xi32>,
    %swap3A_3036 = vector.shape_cast %swap3A_3035 : vector<16xi32> to vector<16xi32>
    %swap3A_3037 = vector.shape_cast %shift_left3A_3033 : vector<16xi32> to vector<16xi32>
    tpu.vector_store %arg5[%swap3A_3034], %swap3A_3037 {strides = array<i32>} : memref<1024xi32, #tpu.memory_space<vmem>>, vector<16xi32>,
    %add3A_3038 = arith.constant 272 : i32
    %add3A_3039 = arith.addi %mul3A_32, %add3A_3038 : i32
    %get3A_3040 = arith.index_cast %add3A_3039 : i32 to index
    %get3A_3041 = tpu.vector_load %arg4[%get3A_3040] {strides = array<i32>} : memref<8192xf32, #tpu.memory_space<vmem>>, vector<16xf32>,
    %get3A_3042 = vector.shape_cast %get3A_3041 : vector<16xf32> to vector<16xf32>
    %sub3A_3043 = arith.subf %get3A_3042, %min3A_2624 : vector<16xf32>
    %div3A_3044 = arith.divf %sub3A_3043, %add3A_2632 : vector<16xf32>
    %mul3A_3045 = arith.constant 3.99999905 : f32
    %mul3A_3046 = vector.broadcast %mul3A_3045 : f32 to vector<16xf32>
    %mul3A_3047 = arith.mulf %div3A_3044, %mul3A_3046 : vector<16xf32>
    %convert_element_type3A_3048 = arith.fptosi %mul3A_3047 : vector<16xf32> to vector<16xi32>
    %jit3A_3049 = arith.constant 0 : i32
    %jit3A_3050 = arith.constant 3 : i32
    %max3A_3051 = vector.broadcast %jit3A_3049 : i32 to vector<16xi32>
    %max3A_3052 = arith.maxsi %max3A_3051, %convert_element_type3A_3048 : vector<16xi32>
    %min3A_3053 = vector.broadcast %jit3A_3050 : i32 to vector<16xi32>
    %min3A_3054 = arith.minsi %min3A_3053, %max3A_3052 : vector<16xi32>
    %shift_left3A_3055 = arith.constant 1 : i32
    %shift_left3A_3056 = vector.broadcast %shift_left3A_3055 : i32 to vector<16xi32>
    %shift_left3A_3057 = arith.shli %shift_left3A_3056, %min3A_3054 : vector<16xi32>
    %swap3A_3058 = arith.constant 272 : index
    %swap3A_3059 = tpu.vector_load %arg5[%swap3A_3058] {strides = array<i32>} : memref<1024xi32, #tpu.memory_space<vmem>>, vector<16xi32>,
    %swap3A_3060 = vector.shape_cast %swap3A_3059 : vector<16xi32> to vector<16xi32>
    %swap3A_3061 = vector.shape_cast %shift_left3A_3057 : vector<16xi32> to vector<16xi32>
    tpu.vector_store %arg5[%swap3A_3058], %swap3A_3061 {strides = array<i32>} : memref<1024xi32, #tpu.memory_space<vmem>>, vector<16xi32>,
    %add3A_3062 = arith.constant 288 : i32
    %add3A_3063 = arith.addi %mul3A_32, %add3A_3062 : i32
    %get3A_3064 = arith.index_cast %add3A_3063 : i32 to index
    %get3A_3065 = tpu.vector_load %arg4[%get3A_3064] {strides = array<i32>} : memref<8192xf32, #tpu.memory_space<vmem>>, vector<16xf32>,
    %get3A_3066 = vector.shape_cast %get3A_3065 : vector<16xf32> to vector<16xf32>
    %sub3A_3067 = arith.subf %get3A_3066, %min3A_2624 : vector<16xf32>
    %div3A_3068 = arith.divf %sub3A_3067, %add3A_2632 : vector<16xf32>
    %mul3A_3069 = arith.constant 3.99999905 : f32
    %mul3A_3070 = vector.broadcast %mul3A_3069 : f32 to vector<16xf32>
    %mul3A_3071 = arith.mulf %div3A_3068, %mul3A_3070 : vector<16xf32>
    %convert_element_type3A_3072 = arith.fptosi %mul3A_3071 : vector<16xf32> to vector<16xi32>
    %jit3A_3073 = arith.constant 0 : i32
    %jit3A_3074 = arith.constant 3 : i32
    %max3A_3075 = vector.broadcast %jit3A_3073 : i32 to vector<16xi32>
    %max3A_3076 = arith.maxsi %max3A_3075, %convert_element_type3A_3072 : vector<16xi32>
    %min3A_3077 = vector.broadcast %jit3A_3074 : i32 to vector<16xi32>
    %min3A_3078 = arith.minsi %min3A_3077, %max3A_3076 : vector<16xi32>
    %shift_left3A_3079 = arith.constant 1 : i32
    %shift_left3A_3080 = vector.broadcast %shift_left3A_3079 : i32 to vector<16xi32>
    %shift_left3A_3081 = arith.shli %shift_left3A_3080, %min3A_3078 : vector<16xi32>
    %swap3A_3082 = arith.constant 288 : index
    %swap3A_3083 = tpu.vector_load %arg5[%swap3A_3082] {strides = array<i32>} : memref<1024xi32, #tpu.memory_space<vmem>>, vector<16xi32>,
    %swap3A_3084 = vector.shape_cast %swap3A_3083 : vector<16xi32> to vector<16xi32>
    %swap3A_3085 = vector.shape_cast %shift_left3A_3081 : vector<16xi32> to vector<16xi32>
    tpu.vector_store %arg5[%swap3A_3082], %swap3A_3085 {strides = array<i32>} : memref<1024xi32, #tpu.memory_space<vmem>>, vector<16xi32>,
    %add3A_3086 = arith.constant 304 : i32
    %add3A_3087 = arith.addi %mul3A_32, %add3A_3086 : i32
    %get3A_3088 = arith.index_cast %add3A_3087 : i32 to index
    %get3A_3089 = tpu.vector_load %arg4[%get3A_3088] {strides = array<i32>} : memref<8192xf32, #tpu.memory_space<vmem>>, vector<16xf32>,
    %get3A_3090 = vector.shape_cast %get3A_3089 : vector<16xf32> to vector<16xf32>
    %sub3A_3091 = arith.subf %get3A_3090, %min3A_2624 : vector<16xf32>
    %div3A_3092 = arith.divf %sub3A_3091, %add3A_2632 : vector<16xf32>
    %mul3A_3093 = arith.constant 3.99999905 : f32
    %mul3A_3094 = vector.broadcast %mul3A_3093 : f32 to vector<16xf32>
    %mul3A_3095 = arith.mulf %div3A_3092, %mul3A_3094 : vector<16xf32>
    %convert_element_type3A_3096 = arith.fptosi %mul3A_3095 : vector<16xf32> to vector<16xi32>
    %jit3A_3097 = arith.constant 0 : i32
    %jit3A_3098 = arith.constant 3 : i32
    %max3A_3099 = vector.broadcast %jit3A_3097 : i32 to vector<16xi32>
    %max3A_3100 = arith.maxsi %max3A_3099, %convert_element_type3A_3096 : vector<16xi32>
    %min3A_3101 = vector.broadcast %jit3A_3098 : i32 to vector<16xi32>
    %min3A_3102 = arith.minsi %min3A_3101, %max3A_3100 : vector<16xi32>
    %shift_left3A_3103 = arith.constant 1 : i32
    %shift_left3A_3104 = vector.broadcast %shift_left3A_3103 : i32 to vector<16xi32>
    %shift_left3A_3105 = arith.shli %shift_left3A_3104, %min3A_3102 : vector<16xi32>
    %swap3A_3106 = arith.constant 304 : index
    %swap3A_3107 = tpu.vector_load %arg5[%swap3A_3106] {strides = array<i32>} : memref<1024xi32, #tpu.memory_space<vmem>>, vector<16xi32>,
    %swap3A_3108 = vector.shape_cast %swap3A_3107 : vector<16xi32> to vector<16xi32>
    %swap3A_3109 = vector.shape_cast %shift_left3A_3105 : vector<16xi32> to vector<16xi32>
    tpu.vector_store %arg5[%swap3A_3106], %swap3A_3109 {strides = array<i32>} : memref<1024xi32, #tpu.memory_space<vmem>>, vector<16xi32>,
    %add3A_3110 = arith.constant 320 : i32
    %add3A_3111 = arith.addi %mul3A_32, %add3A_3110 : i32
    %get3A_3112 = arith.index_cast %add3A_3111 : i32 to index
    %get3A_3113 = tpu.vector_load %arg4[%get3A_3112] {strides = array<i32>} : memref<8192xf32, #tpu.memory_space<vmem>>, vector<16xf32>,
    %get3A_3114 = vector.shape_cast %get3A_3113 : vector<16xf32> to vector<16xf32>
    %sub3A_3115 = arith.subf %get3A_3114, %min3A_2624 : vector<16xf32>
    %div3A_3116 = arith.divf %sub3A_3115, %add3A_2632 : vector<16xf32>
    %mul3A_3117 = arith.constant 3.99999905 : f32
    %mul3A_3118 = vector.broadcast %mul3A_3117 : f32 to vector<16xf32>
    %mul3A_3119 = arith.mulf %div3A_3116, %mul3A_3118 : vector<16xf32>
    %convert_element_type3A_3120 = arith.fptosi %mul3A_3119 : vector<16xf32> to vector<16xi32>
    %jit3A_3121 = arith.constant 0 : i32
    %jit3A_3122 = arith.constant 3 : i32
    %max3A_3123 = vector.broadcast %jit3A_3121 : i32 to vector<16xi32>
    %max3A_3124 = arith.maxsi %max3A_3123, %convert_element_type3A_3120 : vector<16xi32>
    %min3A_3125 = vector.broadcast %jit3A_3122 : i32 to vector<16xi32>
    %min3A_3126 = arith.minsi %min3A_3125, %max3A_3124 : vector<16xi32>
    %shift_left3A_3127 = arith.constant 1 : i32
    %shift_left3A_3128 = vector.broadcast %shift_left3A_3127 : i32 to vector<16xi32>
    %shift_left3A_3129 = arith.shli %shift_left3A_3128, %min3A_3126 : vector<16xi32>
    %swap3A_3130 = arith.constant 320 : index
    %swap3A_3131 = tpu.vector_load %arg5[%swap3A_3130] {strides = array<i32>} : memref<1024xi32, #tpu.memory_space<vmem>>, vector<16xi32>,
    %swap3A_3132 = vector.shape_cast %swap3A_3131 : vector<16xi32> to vector<16xi32>
    %swap3A_3133 = vector.shape_cast %shift_left3A_3129 : vector<16xi32> to vector<16xi32>
    tpu.vector_store %arg5[%swap3A_3130], %swap3A_3133 {strides = array<i32>} : memref<1024xi32, #tpu.memory_space<vmem>>, vector<16xi32>,
    %add3A_3134 = arith.constant 336 : i32
    %add3A_3135 = arith.addi %mul3A_32, %add3A_3134 : i32
    %get3A_3136 = arith.index_cast %add3A_3135 : i32 to index
    %get3A_3137 = tpu.vector_load %arg4[%get3A_3136] {strides = array<i32>} : memref<8192xf32, #tpu.memory_space<vmem>>, vector<16xf32>,
    %get3A_3138 = vector.shape_cast %get3A_3137 : vector<16xf32> to vector<16xf32>
    %sub3A_3139 = arith.subf %get3A_3138, %min3A_2624 : vector<16xf32>
    %div3A_3140 = arith.divf %sub3A_3139, %add3A_2632 : vector<16xf32>
    %mul3A_3141 = arith.constant 3.99999905 : f32
    %mul3A_3142 = vector.broadcast %mul3A_3141 : f32 to vector<16xf32>
    %mul3A_3143 = arith.mulf %div3A_3140, %mul3A_3142 : vector<16xf32>
    %convert_element_type3A_3144 = arith.fptosi %mul3A_3143 : vector<16xf32> to vector<16xi32>
    %jit3A_3145 = arith.constant 0 : i32
    %jit3A_3146 = arith.constant 3 : i32
    %max3A_3147 = vector.broadcast %jit3A_3145 : i32 to vector<16xi32>
    %max3A_3148 = arith.maxsi %max3A_3147, %convert_element_type3A_3144 : vector<16xi32>
    %min3A_3149 = vector.broadcast %jit3A_3146 : i32 to vector<16xi32>
    %min3A_3150 = arith.minsi %min3A_3149, %max3A_3148 : vector<16xi32>
    %shift_left3A_3151 = arith.constant 1 : i32
    %shift_left3A_3152 = vector.broadcast %shift_left3A_3151 : i32 to vector<16xi32>
    %shift_left3A_3153 = arith.shli %shift_left3A_3152, %min3A_3150 : vector<16xi32>
    %swap3A_3154 = arith.constant 336 : index
    %swap3A_3155 = tpu.vector_load %arg5[%swap3A_3154] {strides = array<i32>} : memref<1024xi32, #tpu.memory_space<vmem>>, vector<16xi32>,
    %swap3A_3156 = vector.shape_cast %swap3A_3155 : vector<16xi32> to vector<16xi32>
    %swap3A_3157 = vector.shape_cast %shift_left3A_3153 : vector<16xi32> to vector<16xi32>
    tpu.vector_store %arg5[%swap3A_3154], %swap3A_3157 {strides = array<i32>} : memref<1024xi32, #tpu.memory_space<vmem>>, vector<16xi32>,
    %add3A_3158 = arith.constant 352 : i32
    %add3A_3159 = arith.addi %mul3A_32, %add3A_3158 : i32
    %get3A_3160 = arith.index_cast %add3A_3159 : i32 to index
    %get3A_3161 = tpu.vector_load %arg4[%get3A_3160] {strides = array<i32>} : memref<8192xf32, #tpu.memory_space<vmem>>, vector<16xf32>,
    %get3A_3162 = vector.shape_cast %get3A_3161 : vector<16xf32> to vector<16xf32>
    %sub3A_3163 = arith.subf %get3A_3162, %min3A_2624 : vector<16xf32>
    %div3A_3164 = arith.divf %sub3A_3163, %add3A_2632 : vector<16xf32>
    %mul3A_3165 = arith.constant 3.99999905 : f32
    %mul3A_3166 = vector.broadcast %mul3A_3165 : f32 to vector<16xf32>
    %mul3A_3167 = arith.mulf %div3A_3164, %mul3A_3166 : vector<16xf32>
    %convert_element_type3A_3168 = arith.fptosi %mul3A_3167 : vector<16xf32> to vector<16xi32>
    %jit3A_3169 = arith.constant 0 : i32
    %jit3A_3170 = arith.constant 3 : i32
    %max3A_3171 = vector.broadcast %jit3A_3169 : i32 to vector<16xi32>
    %max3A_3172 = arith.maxsi %max3A_3171, %convert_element_type3A_3168 : vector<16xi32>
    %min3A_3173 = vector.broadcast %jit3A_3170 : i32 to vector<16xi32>
    %min3A_3174 = arith.minsi %min3A_3173, %max3A_3172 : vector<16xi32>
    %shift_left3A_3175 = arith.constant 1 : i32
    %shift_left3A_3176 = vector.broadcast %shift_left3A_3175 : i32 to vector<16xi32>
    %shift_left3A_3177 = arith.shli %shift_left3A_3176, %min3A_3174 : vector<16xi32>
    %swap3A_3178 = arith.constant 352 : index
    %swap3A_3179 = tpu.vector_load %arg5[%swap3A_3178] {strides = array<i32>} : memref<1024xi32, #tpu.memory_space<vmem>>, vector<16xi32>,
    %swap3A_3180 = vector.shape_cast %swap3A_3179 : vector<16xi32> to vector<16xi32>
    %swap3A_3181 = vector.shape_cast %shift_left3A_3177 : vector<16xi32> to vector<16xi32>
    tpu.vector_store %arg5[%swap3A_3178], %swap3A_3181 {strides = array<i32>} : memref<1024xi32, #tpu.memory_space<vmem>>, vector<16xi32>,
    %add3A_3182 = arith.constant 368 : i32
    %add3A_3183 = arith.addi %mul3A_32, %add3A_3182 : i32
    %get3A_3184 = arith.index_cast %add3A_3183 : i32 to index
    %get3A_3185 = tpu.vector_load %arg4[%get3A_3184] {strides = array<i32>} : memref<8192xf32, #tpu.memory_space<vmem>>, vector<16xf32>,
    %get3A_3186 = vector.shape_cast %get3A_3185 : vector<16xf32> to vector<16xf32>
    %sub3A_3187 = arith.subf %get3A_3186, %min3A_2624 : vector<16xf32>
    %div3A_3188 = arith.divf %sub3A_3187, %add3A_2632 : vector<16xf32>
    %mul3A_3189 = arith.constant 3.99999905 : f32
    %mul3A_3190 = vector.broadcast %mul3A_3189 : f32 to vector<16xf32>
    %mul3A_3191 = arith.mulf %div3A_3188, %mul3A_3190 : vector<16xf32>
    %convert_element_type3A_3192 = arith.fptosi %mul3A_3191 : vector<16xf32> to vector<16xi32>
    %jit3A_3193 = arith.constant 0 : i32
    %jit3A_3194 = arith.constant 3 : i32
    %max3A_3195 = vector.broadcast %jit3A_3193 : i32 to vector<16xi32>
    %max3A_3196 = arith.maxsi %max3A_3195, %convert_element_type3A_3192 : vector<16xi32>
    %min3A_3197 = vector.broadcast %jit3A_3194 : i32 to vector<16xi32>
    %min3A_3198 = arith.minsi %min3A_3197, %max3A_3196 : vector<16xi32>
    %shift_left3A_3199 = arith.constant 1 : i32
    %shift_left3A_3200 = vector.broadcast %shift_left3A_3199 : i32 to vector<16xi32>
    %shift_left3A_3201 = arith.shli %shift_left3A_3200, %min3A_3198 : vector<16xi32>
    %swap3A_3202 = arith.constant 368 : index
    %swap3A_3203 = tpu.vector_load %arg5[%swap3A_3202] {strides = array<i32>} : memref<1024xi32, #tpu.memory_space<vmem>>, vector<16xi32>,
    %swap3A_3204 = vector.shape_cast %swap3A_3203 : vector<16xi32> to vector<16xi32>
    %swap3A_3205 = vector.shape_cast %shift_left3A_3201 : vector<16xi32> to vector<16xi32>
    tpu.vector_store %arg5[%swap3A_3202], %swap3A_3205 {strides = array<i32>} : memref<1024xi32, #tpu.memory_space<vmem>>, vector<16xi32>,
    %add3A_3206 = arith.constant 384 : i32
    %add3A_3207 = arith.addi %mul3A_32, %add3A_3206 : i32
    %get3A_3208 = arith.index_cast %add3A_3207 : i32 to index
    %get3A_3209 = tpu.vector_load %arg4[%get3A_3208] {strides = array<i32>} : memref<8192xf32, #tpu.memory_space<vmem>>, vector<16xf32>,
    %get3A_3210 = vector.shape_cast %get3A_3209 : vector<16xf32> to vector<16xf32>
    %sub3A_3211 = arith.subf %get3A_3210, %min3A_2624 : vector<16xf32>
    %div3A_3212 = arith.divf %sub3A_3211, %add3A_2632 : vector<16xf32>
    %mul3A_3213 = arith.constant 3.99999905 : f32
    %mul3A_3214 = vector.broadcast %mul3A_3213 : f32 to vector<16xf32>
    %mul3A_3215 = arith.mulf %div3A_3212, %mul3A_3214 : vector<16xf32>
    %convert_element_type3A_3216 = arith.fptosi %mul3A_3215 : vector<16xf32> to vector<16xi32>
    %jit3A_3217 = arith.constant 0 : i32
    %jit3A_3218 = arith.constant 3 : i32
    %max3A_3219 = vector.broadcast %jit3A_3217 : i32 to vector<16xi32>
    %max3A_3220 = arith.maxsi %max3A_3219, %convert_element_type3A_3216 : vector<16xi32>
    %min3A_3221 = vector.broadcast %jit3A_3218 : i32 to vector<16xi32>
    %min3A_3222 = arith.minsi %min3A_3221, %max3A_3220 : vector<16xi32>
    %shift_left3A_3223 = arith.constant 1 : i32
    %shift_left3A_3224 = vector.broadcast %shift_left3A_3223 : i32 to vector<16xi32>
    %shift_left3A_3225 = arith.shli %shift_left3A_3224, %min3A_3222 : vector<16xi32>
    %swap3A_3226 = arith.constant 384 : index
    %swap3A_3227 = tpu.vector_load %arg5[%swap3A_3226] {strides = array<i32>} : memref<1024xi32, #tpu.memory_space<vmem>>, vector<16xi32>,
    %swap3A_3228 = vector.shape_cast %swap3A_3227 : vector<16xi32> to vector<16xi32>
    %swap3A_3229 = vector.shape_cast %shift_left3A_3225 : vector<16xi32> to vector<16xi32>
    tpu.vector_store %arg5[%swap3A_3226], %swap3A_3229 {strides = array<i32>} : memref<1024xi32, #tpu.memory_space<vmem>>, vector<16xi32>,
    %add3A_3230 = arith.constant 400 : i32
    %add3A_3231 = arith.addi %mul3A_32, %add3A_3230 : i32
    %get3A_3232 = arith.index_cast %add3A_3231 : i32 to index
    %get3A_3233 = tpu.vector_load %arg4[%get3A_3232] {strides = array<i32>} : memref<8192xf32, #tpu.memory_space<vmem>>, vector<16xf32>,
    %get3A_3234 = vector.shape_cast %get3A_3233 : vector<16xf32> to vector<16xf32>
    %sub3A_3235 = arith.subf %get3A_3234, %min3A_2624 : vector<16xf32>
    %div3A_3236 = arith.divf %sub3A_3235, %add3A_2632 : vector<16xf32>
    %mul3A_3237 = arith.constant 3.99999905 : f32
    %mul3A_3238 = vector.broadcast %mul3A_3237 : f32 to vector<16xf32>
    %mul3A_3239 = arith.mulf %div3A_3236, %mul3A_3238 : vector<16xf32>
    %convert_element_type3A_3240 = arith.fptosi %mul3A_3239 : vector<16xf32> to vector<16xi32>
    %jit3A_3241 = arith.constant 0 : i32
    %jit3A_3242 = arith.constant 3 : i32
    %max3A_3243 = vector.broadcast %jit3A_3241 : i32 to vector<16xi32>
    %max3A_3244 = arith.maxsi %max3A_3243, %convert_element_type3A_3240 : vector<16xi32>
    %min3A_3245 = vector.broadcast %jit3A_3242 : i32 to vector<16xi32>
    %min3A_3246 = arith.minsi %min3A_3245, %max3A_3244 : vector<16xi32>
    %shift_left3A_3247 = arith.constant 1 : i32
    %shift_left3A_3248 = vector.broadcast %shift_left3A_3247 : i32 to vector<16xi32>
    %shift_left3A_3249 = arith.shli %shift_left3A_3248, %min3A_3246 : vector<16xi32>
    %swap3A_3250 = arith.constant 400 : index
    %swap3A_3251 = tpu.vector_load %arg5[%swap3A_3250] {strides = array<i32>} : memref<1024xi32, #tpu.memory_space<vmem>>, vector<16xi32>,
    %swap3A_3252 = vector.shape_cast %swap3A_3251 : vector<16xi32> to vector<16xi32>
    %swap3A_3253 = vector.shape_cast %shift_left3A_3249 : vector<16xi32> to vector<16xi32>
    tpu.vector_store %arg5[%swap3A_3250], %swap3A_3253 {strides = array<i32>} : memref<1024xi32, #tpu.memory_space<vmem>>, vector<16xi32>,
    %add3A_3254 = arith.constant 416 : i32
    %add3A_3255 = arith.addi %mul3A_32, %add3A_3254 : i32
    %get3A_3256 = arith.index_cast %add3A_3255 : i32 to index
    %get3A_3257 = tpu.vector_load %arg4[%get3A_3256] {strides = array<i32>} : memref<8192xf32, #tpu.memory_space<vmem>>, vector<16xf32>,
    %get3A_3258 = vector.shape_cast %get3A_3257 : vector<16xf32> to vector<16xf32>
    %sub3A_3259 = arith.subf %get3A_3258, %min3A_2624 : vector<16xf32>
    %div3A_3260 = arith.divf %sub3A_3259, %add3A_2632 : vector<16xf32>
    %mul3A_3261 = arith.constant 3.99999905 : f32
    %mul3A_3262 = vector.broadcast %mul3A_3261 : f32 to vector<16xf32>
    %mul3A_3263 = arith.mulf %div3A_3260, %mul3A_3262 : vector<16xf32>
    %convert_element_type3A_3264 = arith.fptosi %mul3A_3263 : vector<16xf32> to vector<16xi32>
    %jit3A_3265 = arith.constant 0 : i32
    %jit3A_3266 = arith.constant 3 : i32
    %max3A_3267 = vector.broadcast %jit3A_3265 : i32 to vector<16xi32>
    %max3A_3268 = arith.maxsi %max3A_3267, %convert_element_type3A_3264 : vector<16xi32>
    %min3A_3269 = vector.broadcast %jit3A_3266 : i32 to vector<16xi32>
    %min3A_3270 = arith.minsi %min3A_3269, %max3A_3268 : vector<16xi32>
    %shift_left3A_3271 = arith.constant 1 : i32
    %shift_left3A_3272 = vector.broadcast %shift_left3A_3271 : i32 to vector<16xi32>
    %shift_left3A_3273 = arith.shli %shift_left3A_3272, %min3A_3270 : vector<16xi32>
    %swap3A_3274 = arith.constant 416 : index
    %swap3A_3275 = tpu.vector_load %arg5[%swap3A_3274] {strides = array<i32>} : memref<1024xi32, #tpu.memory_space<vmem>>, vector<16xi32>,
    %swap3A_3276 = vector.shape_cast %swap3A_3275 : vector<16xi32> to vector<16xi32>
    %swap3A_3277 = vector.shape_cast %shift_left3A_3273 : vector<16xi32> to vector<16xi32>
    tpu.vector_store %arg5[%swap3A_3274], %swap3A_3277 {strides = array<i32>} : memref<1024xi32, #tpu.memory_space<vmem>>, vector<16xi32>,
    %add3A_3278 = arith.constant 432 : i32
    %add3A_3279 = arith.addi %mul3A_32, %add3A_3278 : i32
    %get3A_3280 = arith.index_cast %add3A_3279 : i32 to index
    %get3A_3281 = tpu.vector_load %arg4[%get3A_3280] {strides = array<i32>} : memref<8192xf32, #tpu.memory_space<vmem>>, vector<16xf32>,
    %get3A_3282 = vector.shape_cast %get3A_3281 : vector<16xf32> to vector<16xf32>
    %sub3A_3283 = arith.subf %get3A_3282, %min3A_2624 : vector<16xf32>
    %div3A_3284 = arith.divf %sub3A_3283, %add3A_2632 : vector<16xf32>
    %mul3A_3285 = arith.constant 3.99999905 : f32
    %mul3A_3286 = vector.broadcast %mul3A_3285 : f32 to vector<16xf32>
    %mul3A_3287 = arith.mulf %div3A_3284, %mul3A_3286 : vector<16xf32>
    %convert_element_type3A_3288 = arith.fptosi %mul3A_3287 : vector<16xf32> to vector<16xi32>
    %jit3A_3289 = arith.constant 0 : i32
    %jit3A_3290 = arith.constant 3 : i32
    %max3A_3291 = vector.broadcast %jit3A_3289 : i32 to vector<16xi32>
    %max3A_3292 = arith.maxsi %max3A_3291, %convert_element_type3A_3288 : vector<16xi32>
    %min3A_3293 = vector.broadcast %jit3A_3290 : i32 to vector<16xi32>
    %min3A_3294 = arith.minsi %min3A_3293, %max3A_3292 : vector<16xi32>
    %shift_left3A_3295 = arith.constant 1 : i32
    %shift_left3A_3296 = vector.broadcast %shift_left3A_3295 : i32 to vector<16xi32>
    %shift_left3A_3297 = arith.shli %shift_left3A_3296, %min3A_3294 : vector<16xi32>
    %swap3A_3298 = arith.constant 432 : index
    %swap3A_3299 = tpu.vector_load %arg5[%swap3A_3298] {strides = array<i32>} : memref<1024xi32, #tpu.memory_space<vmem>>, vector<16xi32>,
    %swap3A_3300 = vector.shape_cast %swap3A_3299 : vector<16xi32> to vector<16xi32>
    %swap3A_3301 = vector.shape_cast %shift_left3A_3297 : vector<16xi32> to vector<16xi32>
    tpu.vector_store %arg5[%swap3A_3298], %swap3A_3301 {strides = array<i32>} : memref<1024xi32, #tpu.memory_space<vmem>>, vector<16xi32>,
    %add3A_3302 = arith.constant 448 : i32
    %add3A_3303 = arith.addi %mul3A_32, %add3A_3302 : i32
    %get3A_3304 = arith.index_cast %add3A_3303 : i32 to index
    %get3A_3305 = tpu.vector_load %arg4[%get3A_3304] {strides = array<i32>} : memref<8192xf32, #tpu.memory_space<vmem>>, vector<16xf32>,
    %get3A_3306 = vector.shape_cast %get3A_3305 : vector<16xf32> to vector<16xf32>
    %sub3A_3307 = arith.subf %get3A_3306, %min3A_2624 : vector<16xf32>
    %div3A_3308 = arith.divf %sub3A_3307, %add3A_2632 : vector<16xf32>
    %mul3A_3309 = arith.constant 3.99999905 : f32
    %mul3A_3310 = vector.broadcast %mul3A_3309 : f32 to vector<16xf32>
    %mul3A_3311 = arith.mulf %div3A_3308, %mul3A_3310 : vector<16xf32>
    %convert_element_type3A_3312 = arith.fptosi %mul3A_3311 : vector<16xf32> to vector<16xi32>
    %jit3A_3313 = arith.constant 0 : i32
    %jit3A_3314 = arith.constant 3 : i32
    %max3A_3315 = vector.broadcast %jit3A_3313 : i32 to vector<16xi32>
    %max3A_3316 = arith.maxsi %max3A_3315, %convert_element_type3A_3312 : vector<16xi32>
    %min3A_3317 = vector.broadcast %jit3A_3314 : i32 to vector<16xi32>
    %min3A_3318 = arith.minsi %min3A_3317, %max3A_3316 : vector<16xi32>
    %shift_left3A_3319 = arith.constant 1 : i32
    %shift_left3A_3320 = vector.broadcast %shift_left3A_3319 : i32 to vector<16xi32>
    %shift_left3A_3321 = arith.shli %shift_left3A_3320, %min3A_3318 : vector<16xi32>
    %swap3A_3322 = arith.constant 448 : index
    %swap3A_3323 = tpu.vector_load %arg5[%swap3A_3322] {strides = array<i32>} : memref<1024xi32, #tpu.memory_space<vmem>>, vector<16xi32>,
    %swap3A_3324 = vector.shape_cast %swap3A_3323 : vector<16xi32> to vector<16xi32>
    %swap3A_3325 = vector.shape_cast %shift_left3A_3321 : vector<16xi32> to vector<16xi32>
    tpu.vector_store %arg5[%swap3A_3322], %swap3A_3325 {strides = array<i32>} : memref<1024xi32, #tpu.memory_space<vmem>>, vector<16xi32>,
    %add3A_3326 = arith.constant 464 : i32
    %add3A_3327 = arith.addi %mul3A_32, %add3A_3326 : i32
    %get3A_3328 = arith.index_cast %add3A_3327 : i32 to index
    %get3A_3329 = tpu.vector_load %arg4[%get3A_3328] {strides = array<i32>} : memref<8192xf32, #tpu.memory_space<vmem>>, vector<16xf32>,
    %get3A_3330 = vector.shape_cast %get3A_3329 : vector<16xf32> to vector<16xf32>
    %sub3A_3331 = arith.subf %get3A_3330, %min3A_2624 : vector<16xf32>
    %div3A_3332 = arith.divf %sub3A_3331, %add3A_2632 : vector<16xf32>
    %mul3A_3333 = arith.constant 3.99999905 : f32
    %mul3A_3334 = vector.broadcast %mul3A_3333 : f32 to vector<16xf32>
    %mul3A_3335 = arith.mulf %div3A_3332, %mul3A_3334 : vector<16xf32>
    %convert_element_type3A_3336 = arith.fptosi %mul3A_3335 : vector<16xf32> to vector<16xi32>
    %jit3A_3337 = arith.constant 0 : i32
    %jit3A_3338 = arith.constant 3 : i32
    %max3A_3339 = vector.broadcast %jit3A_3337 : i32 to vector<16xi32>
    %max3A_3340 = arith.maxsi %max3A_3339, %convert_element_type3A_3336 : vector<16xi32>
    %min3A_3341 = vector.broadcast %jit3A_3338 : i32 to vector<16xi32>
    %min3A_3342 = arith.minsi %min3A_3341, %max3A_3340 : vector<16xi32>
    %shift_left3A_3343 = arith.constant 1 : i32
    %shift_left3A_3344 = vector.broadcast %shift_left3A_3343 : i32 to vector<16xi32>
    %shift_left3A_3345 = arith.shli %shift_left3A_3344, %min3A_3342 : vector<16xi32>
    %swap3A_3346 = arith.constant 464 : index
    %swap3A_3347 = tpu.vector_load %arg5[%swap3A_3346] {strides = array<i32>} : memref<1024xi32, #tpu.memory_space<vmem>>, vector<16xi32>,
    %swap3A_3348 = vector.shape_cast %swap3A_3347 : vector<16xi32> to vector<16xi32>
    %swap3A_3349 = vector.shape_cast %shift_left3A_3345 : vector<16xi32> to vector<16xi32>
    tpu.vector_store %arg5[%swap3A_3346], %swap3A_3349 {strides = array<i32>} : memref<1024xi32, #tpu.memory_space<vmem>>, vector<16xi32>,
    %add3A_3350 = arith.constant 480 : i32
    %add3A_3351 = arith.addi %mul3A_32, %add3A_3350 : i32
    %get3A_3352 = arith.index_cast %add3A_3351 : i32 to index
    %get3A_3353 = tpu.vector_load %arg4[%get3A_3352] {strides = array<i32>} : memref<8192xf32, #tpu.memory_space<vmem>>, vector<16xf32>,
    %get3A_3354 = vector.shape_cast %get3A_3353 : vector<16xf32> to vector<16xf32>
    %sub3A_3355 = arith.subf %get3A_3354, %min3A_2624 : vector<16xf32>
    %div3A_3356 = arith.divf %sub3A_3355, %add3A_2632 : vector<16xf32>
    %mul3A_3357 = arith.constant 3.99999905 : f32
    %mul3A_3358 = vector.broadcast %mul3A_3357 : f32 to vector<16xf32>
    %mul3A_3359 = arith.mulf %div3A_3356, %mul3A_3358 : vector<16xf32>
    %convert_element_type3A_3360 = arith.fptosi %mul3A_3359 : vector<16xf32> to vector<16xi32>
    %jit3A_3361 = arith.constant 0 : i32
    %jit3A_3362 = arith.constant 3 : i32
    %max3A_3363 = vector.broadcast %jit3A_3361 : i32 to vector<16xi32>
    %max3A_3364 = arith.maxsi %max3A_3363, %convert_element_type3A_3360 : vector<16xi32>
    %min3A_3365 = vector.broadcast %jit3A_3362 : i32 to vector<16xi32>
    %min3A_3366 = arith.minsi %min3A_3365, %max3A_3364 : vector<16xi32>
    %shift_left3A_3367 = arith.constant 1 : i32
    %shift_left3A_3368 = vector.broadcast %shift_left3A_3367 : i32 to vector<16xi32>
    %shift_left3A_3369 = arith.shli %shift_left3A_3368, %min3A_3366 : vector<16xi32>
    %swap3A_3370 = arith.constant 480 : index
    %swap3A_3371 = tpu.vector_load %arg5[%swap3A_3370] {strides = array<i32>} : memref<1024xi32, #tpu.memory_space<vmem>>, vector<16xi32>,
    %swap3A_3372 = vector.shape_cast %swap3A_3371 : vector<16xi32> to vector<16xi32>
    %swap3A_3373 = vector.shape_cast %shift_left3A_3369 : vector<16xi32> to vector<16xi32>
    tpu.vector_store %arg5[%swap3A_3370], %swap3A_3373 {strides = array<i32>} : memref<1024xi32, #tpu.memory_space<vmem>>, vector<16xi32>,
    %add3A_3374 = arith.constant 496 : i32
    %add3A_3375 = arith.addi %mul3A_32, %add3A_3374 : i32
    %get3A_3376 = arith.index_cast %add3A_3375 : i32 to index
    %get3A_3377 = tpu.vector_load %arg4[%get3A_3376] {strides = array<i32>} : memref<8192xf32, #tpu.memory_space<vmem>>, vector<16xf32>,
    %get3A_3378 = vector.shape_cast %get3A_3377 : vector<16xf32> to vector<16xf32>
    %sub3A_3379 = arith.subf %get3A_3378, %min3A_2624 : vector<16xf32>
    %div3A_3380 = arith.divf %sub3A_3379, %add3A_2632 : vector<16xf32>
    %mul3A_3381 = arith.constant 3.99999905 : f32
    %mul3A_3382 = vector.broadcast %mul3A_3381 : f32 to vector<16xf32>
    %mul3A_3383 = arith.mulf %div3A_3380, %mul3A_3382 : vector<16xf32>
    %convert_element_type3A_3384 = arith.fptosi %mul3A_3383 : vector<16xf32> to vector<16xi32>
    %jit3A_3385 = arith.constant 0 : i32
    %jit3A_3386 = arith.constant 3 : i32
    %max3A_3387 = vector.broadcast %jit3A_3385 : i32 to vector<16xi32>
    %max3A_3388 = arith.maxsi %max3A_3387, %convert_element_type3A_3384 : vector<16xi32>
    %min3A_3389 = vector.broadcast %jit3A_3386 : i32 to vector<16xi32>
    %min3A_3390 = arith.minsi %min3A_3389, %max3A_3388 : vector<16xi32>
    %shift_left3A_3391 = arith.constant 1 : i32
    %shift_left3A_3392 = vector.broadcast %shift_left3A_3391 : i32 to vector<16xi32>
    %shift_left3A_3393 = arith.shli %shift_left3A_3392, %min3A_3390 : vector<16xi32>
    %swap3A_3394 = arith.constant 496 : index
    %swap3A_3395 = tpu.vector_load %arg5[%swap3A_3394] {strides = array<i32>} : memref<1024xi32, #tpu.memory_space<vmem>>, vector<16xi32>,
    %swap3A_3396 = vector.shape_cast %swap3A_3395 : vector<16xi32> to vector<16xi32>
    %swap3A_3397 = vector.shape_cast %shift_left3A_3393 : vector<16xi32> to vector<16xi32>
    tpu.vector_store %arg5[%swap3A_3394], %swap3A_3397 {strides = array<i32>} : memref<1024xi32, #tpu.memory_space<vmem>>, vector<16xi32>,
    %add3A_3398 = arith.constant 512 : i32
    %add3A_3399 = arith.addi %mul3A_32, %add3A_3398 : i32
    %get3A_3400 = arith.index_cast %add3A_3399 : i32 to index
    %get3A_3401 = tpu.vector_load %arg4[%get3A_3400] {strides = array<i32>} : memref<8192xf32, #tpu.memory_space<vmem>>, vector<16xf32>,
    %get3A_3402 = vector.shape_cast %get3A_3401 : vector<16xf32> to vector<16xf32>
    %sub3A_3403 = arith.subf %get3A_3402, %min3A_2624 : vector<16xf32>
    %div3A_3404 = arith.divf %sub3A_3403, %add3A_2632 : vector<16xf32>
    %mul3A_3405 = arith.constant 3.99999905 : f32
    %mul3A_3406 = vector.broadcast %mul3A_3405 : f32 to vector<16xf32>
    %mul3A_3407 = arith.mulf %div3A_3404, %mul3A_3406 : vector<16xf32>
    %convert_element_type3A_3408 = arith.fptosi %mul3A_3407 : vector<16xf32> to vector<16xi32>
    %jit3A_3409 = arith.constant 0 : i32
    %jit3A_3410 = arith.constant 3 : i32
    %max3A_3411 = vector.broadcast %jit3A_3409 : i32 to vector<16xi32>
    %max3A_3412 = arith.maxsi %max3A_3411, %convert_element_type3A_3408 : vector<16xi32>
    %min3A_3413 = vector.broadcast %jit3A_3410 : i32 to vector<16xi32>
    %min3A_3414 = arith.minsi %min3A_3413, %max3A_3412 : vector<16xi32>
    %shift_left3A_3415 = arith.constant 1 : i32
    %shift_left3A_3416 = vector.broadcast %shift_left3A_3415 : i32 to vector<16xi32>
    %shift_left3A_3417 = arith.shli %shift_left3A_3416, %min3A_3414 : vector<16xi32>
    %swap3A_3418 = arith.constant 512 : index
    %swap3A_3419 = tpu.vector_load %arg5[%swap3A_3418] {strides = array<i32>} : memref<1024xi32, #tpu.memory_space<vmem>>, vector<16xi32>,
    %swap3A_3420 = vector.shape_cast %swap3A_3419 : vector<16xi32> to vector<16xi32>
    %swap3A_3421 = vector.shape_cast %shift_left3A_3417 : vector<16xi32> to vector<16xi32>
    tpu.vector_store %arg5[%swap3A_3418], %swap3A_3421 {strides = array<i32>} : memref<1024xi32, #tpu.memory_space<vmem>>, vector<16xi32>,
    %add3A_3422 = arith.constant 528 : i32
    %add3A_3423 = arith.addi %mul3A_32, %add3A_3422 : i32
    %get3A_3424 = arith.index_cast %add3A_3423 : i32 to index
    %get3A_3425 = tpu.vector_load %arg4[%get3A_3424] {strides = array<i32>} : memref<8192xf32, #tpu.memory_space<vmem>>, vector<16xf32>,
    %get3A_3426 = vector.shape_cast %get3A_3425 : vector<16xf32> to vector<16xf32>
    %sub3A_3427 = arith.subf %get3A_3426, %min3A_2624 : vector<16xf32>
    %div3A_3428 = arith.divf %sub3A_3427, %add3A_2632 : vector<16xf32>
    %mul3A_3429 = arith.constant 3.99999905 : f32
    %mul3A_3430 = vector.broadcast %mul3A_3429 : f32 to vector<16xf32>
    %mul3A_3431 = arith.mulf %div3A_3428, %mul3A_3430 : vector<16xf32>
    %convert_element_type3A_3432 = arith.fptosi %mul3A_3431 : vector<16xf32> to vector<16xi32>
    %jit3A_3433 = arith.constant 0 : i32
    %jit3A_3434 = arith.constant 3 : i32
    %max3A_3435 = vector.broadcast %jit3A_3433 : i32 to vector<16xi32>
    %max3A_3436 = arith.maxsi %max3A_3435, %convert_element_type3A_3432 : vector<16xi32>
    %min3A_3437 = vector.broadcast %jit3A_3434 : i32 to vector<16xi32>
    %min3A_3438 = arith.minsi %min3A_3437, %max3A_3436 : vector<16xi32>
    %shift_left3A_3439 = arith.constant 1 : i32
    %shift_left3A_3440 = vector.broadcast %shift_left3A_3439 : i32 to vector<16xi32>
    %shift_left3A_3441 = arith.shli %shift_left3A_3440, %min3A_3438 : vector<16xi32>
    %swap3A_3442 = arith.constant 528 : index
    %swap3A_3443 = tpu.vector_load %arg5[%swap3A_3442] {strides = array<i32>} : memref<1024xi32, #tpu.memory_space<vmem>>, vector<16xi32>,
    %swap3A_3444 = vector.shape_cast %swap3A_3443 : vector<16xi32> to vector<16xi32>
    %swap3A_3445 = vector.shape_cast %shift_left3A_3441 : vector<16xi32> to vector<16xi32>
    tpu.vector_store %arg5[%swap3A_3442], %swap3A_3445 {strides = array<i32>} : memref<1024xi32, #tpu.memory_space<vmem>>, vector<16xi32>,
    %add3A_3446 = arith.constant 544 : i32
    %add3A_3447 = arith.addi %mul3A_32, %add3A_3446 : i32
    %get3A_3448 = arith.index_cast %add3A_3447 : i32 to index
    %get3A_3449 = tpu.vector_load %arg4[%get3A_3448] {strides = array<i32>} : memref<8192xf32, #tpu.memory_space<vmem>>, vector<16xf32>,
    %get3A_3450 = vector.shape_cast %get3A_3449 : vector<16xf32> to vector<16xf32>
    %sub3A_3451 = arith.subf %get3A_3450, %min3A_2624 : vector<16xf32>
    %div3A_3452 = arith.divf %sub3A_3451, %add3A_2632 : vector<16xf32>
    %mul3A_3453 = arith.constant 3.99999905 : f32
    %mul3A_3454 = vector.broadcast %mul3A_3453 : f32 to vector<16xf32>
    %mul3A_3455 = arith.mulf %div3A_3452, %mul3A_3454 : vector<16xf32>
    %convert_element_type3A_3456 = arith.fptosi %mul3A_3455 : vector<16xf32> to vector<16xi32>
    %jit3A_3457 = arith.constant 0 : i32
    %jit3A_3458 = arith.constant 3 : i32
    %max3A_3459 = vector.broadcast %jit3A_3457 : i32 to vector<16xi32>
    %max3A_3460 = arith.maxsi %max3A_3459, %convert_element_type3A_3456 : vector<16xi32>
    %min3A_3461 = vector.broadcast %jit3A_3458 : i32 to vector<16xi32>
    %min3A_3462 = arith.minsi %min3A_3461, %max3A_3460 : vector<16xi32>
    %shift_left3A_3463 = arith.constant 1 : i32
    %shift_left3A_3464 = vector.broadcast %shift_left3A_3463 : i32 to vector<16xi32>
    %shift_left3A_3465 = arith.shli %shift_left3A_3464, %min3A_3462 : vector<16xi32>
    %swap3A_3466 = arith.constant 544 : index
    %swap3A_3467 = tpu.vector_load %arg5[%swap3A_3466] {strides = array<i32>} : memref<1024xi32, #tpu.memory_space<vmem>>, vector<16xi32>,
    %swap3A_3468 = vector.shape_cast %swap3A_3467 : vector<16xi32> to vector<16xi32>
    %swap3A_3469 = vector.shape_cast %shift_left3A_3465 : vector<16xi32> to vector<16xi32>
    tpu.vector_store %arg5[%swap3A_3466], %swap3A_3469 {strides = array<i32>} : memref<1024xi32, #tpu.memory_space<vmem>>, vector<16xi32>,
    %add3A_3470 = arith.constant 560 : i32
    %add3A_3471 = arith.addi %mul3A_32, %add3A_3470 : i32
    %get3A_3472 = arith.index_cast %add3A_3471 : i32 to index
    %get3A_3473 = tpu.vector_load %arg4[%get3A_3472] {strides = array<i32>} : memref<8192xf32, #tpu.memory_space<vmem>>, vector<16xf32>,
    %get3A_3474 = vector.shape_cast %get3A_3473 : vector<16xf32> to vector<16xf32>
    %sub3A_3475 = arith.subf %get3A_3474, %min3A_2624 : vector<16xf32>
    %div3A_3476 = arith.divf %sub3A_3475, %add3A_2632 : vector<16xf32>
    %mul3A_3477 = arith.constant 3.99999905 : f32
    %mul3A_3478 = vector.broadcast %mul3A_3477 : f32 to vector<16xf32>
    %mul3A_3479 = arith.mulf %div3A_3476, %mul3A_3478 : vector<16xf32>
    %convert_element_type3A_3480 = arith.fptosi %mul3A_3479 : vector<16xf32> to vector<16xi32>
    %jit3A_3481 = arith.constant 0 : i32
    %jit3A_3482 = arith.constant 3 : i32
    %max3A_3483 = vector.broadcast %jit3A_3481 : i32 to vector<16xi32>
    %max3A_3484 = arith.maxsi %max3A_3483, %convert_element_type3A_3480 : vector<16xi32>
    %min3A_3485 = vector.broadcast %jit3A_3482 : i32 to vector<16xi32>
    %min3A_3486 = arith.minsi %min3A_3485, %max3A_3484 : vector<16xi32>
    %shift_left3A_3487 = arith.constant 1 : i32
    %shift_left3A_3488 = vector.broadcast %shift_left3A_3487 : i32 to vector<16xi32>
    %shift_left3A_3489 = arith.shli %shift_left3A_3488, %min3A_3486 : vector<16xi32>
    %swap3A_3490 = arith.constant 560 : index
    %swap3A_3491 = tpu.vector_load %arg5[%swap3A_3490] {strides = array<i32>} : memref<1024xi32, #tpu.memory_space<vmem>>, vector<16xi32>,
    %swap3A_3492 = vector.shape_cast %swap3A_3491 : vector<16xi32> to vector<16xi32>
    %swap3A_3493 = vector.shape_cast %shift_left3A_3489 : vector<16xi32> to vector<16xi32>
    tpu.vector_store %arg5[%swap3A_3490], %swap3A_3493 {strides = array<i32>} : memref<1024xi32, #tpu.memory_space<vmem>>, vector<16xi32>,
    %add3A_3494 = arith.constant 576 : i32
    %add3A_3495 = arith.addi %mul3A_32, %add3A_3494 : i32
    %get3A_3496 = arith.index_cast %add3A_3495 : i32 to index
    %get3A_3497 = tpu.vector_load %arg4[%get3A_3496] {strides = array<i32>} : memref<8192xf32, #tpu.memory_space<vmem>>, vector<16xf32>,
    %get3A_3498 = vector.shape_cast %get3A_3497 : vector<16xf32> to vector<16xf32>
    %sub3A_3499 = arith.subf %get3A_3498, %min3A_2624 : vector<16xf32>
    %div3A_3500 = arith.divf %sub3A_3499, %add3A_2632 : vector<16xf32>
    %mul3A_3501 = arith.constant 3.99999905 : f32
    %mul3A_3502 = vector.broadcast %mul3A_3501 : f32 to vector<16xf32>
    %mul3A_3503 = arith.mulf %div3A_3500, %mul3A_3502 : vector<16xf32>
    %convert_element_type3A_3504 = arith.fptosi %mul3A_3503 : vector<16xf32> to vector<16xi32>
    %jit3A_3505 = arith.constant 0 : i32
    %jit3A_3506 = arith.constant 3 : i32
    %max3A_3507 = vector.broadcast %jit3A_3505 : i32 to vector<16xi32>
    %max3A_3508 = arith.maxsi %max3A_3507, %convert_element_type3A_3504 : vector<16xi32>
    %min3A_3509 = vector.broadcast %jit3A_3506 : i32 to vector<16xi32>
    %min3A_3510 = arith.minsi %min3A_3509, %max3A_3508 : vector<16xi32>
    %shift_left3A_3511 = arith.constant 1 : i32
    %shift_left3A_3512 = vector.broadcast %shift_left3A_3511 : i32 to vector<16xi32>
    %shift_left3A_3513 = arith.shli %shift_left3A_3512, %min3A_3510 : vector<16xi32>
    %swap3A_3514 = arith.constant 576 : index
    %swap3A_3515 = tpu.vector_load %arg5[%swap3A_3514] {strides = array<i32>} : memref<1024xi32, #tpu.memory_space<vmem>>, vector<16xi32>,
    %swap3A_3516 = vector.shape_cast %swap3A_3515 : vector<16xi32> to vector<16xi32>
    %swap3A_3517 = vector.shape_cast %shift_left3A_3513 : vector<16xi32> to vector<16xi32>
    tpu.vector_store %arg5[%swap3A_3514], %swap3A_3517 {strides = array<i32>} : memref<1024xi32, #tpu.memory_space<vmem>>, vector<16xi32>,
    %add3A_3518 = arith.constant 592 : i32
    %add3A_3519 = arith.addi %mul3A_32, %add3A_3518 : i32
    %get3A_3520 = arith.index_cast %add3A_3519 : i32 to index
    %get3A_3521 = tpu.vector_load %arg4[%get3A_3520] {strides = array<i32>} : memref<8192xf32, #tpu.memory_space<vmem>>, vector<16xf32>,
    %get3A_3522 = vector.shape_cast %get3A_3521 : vector<16xf32> to vector<16xf32>
    %sub3A_3523 = arith.subf %get3A_3522, %min3A_2624 : vector<16xf32>
    %div3A_3524 = arith.divf %sub3A_3523, %add3A_2632 : vector<16xf32>
    %mul3A_3525 = arith.constant 3.99999905 : f32
    %mul3A_3526 = vector.broadcast %mul3A_3525 : f32 to vector<16xf32>
    %mul3A_3527 = arith.mulf %div3A_3524, %mul3A_3526 : vector<16xf32>
    %convert_element_type3A_3528 = arith.fptosi %mul3A_3527 : vector<16xf32> to vector<16xi32>
    %jit3A_3529 = arith.constant 0 : i32
    %jit3A_3530 = arith.constant 3 : i32
    %max3A_3531 = vector.broadcast %jit3A_3529 : i32 to vector<16xi32>
    %max3A_3532 = arith.maxsi %max3A_3531, %convert_element_type3A_3528 : vector<16xi32>
    %min3A_3533 = vector.broadcast %jit3A_3530 : i32 to vector<16xi32>
    %min3A_3534 = arith.minsi %min3A_3533, %max3A_3532 : vector<16xi32>
    %shift_left3A_3535 = arith.constant 1 : i32
    %shift_left3A_3536 = vector.broadcast %shift_left3A_3535 : i32 to vector<16xi32>
    %shift_left3A_3537 = arith.shli %shift_left3A_3536, %min3A_3534 : vector<16xi32>
    %swap3A_3538 = arith.constant 592 : index
    %swap3A_3539 = tpu.vector_load %arg5[%swap3A_3538] {strides = array<i32>} : memref<1024xi32, #tpu.memory_space<vmem>>, vector<16xi32>,
    %swap3A_3540 = vector.shape_cast %swap3A_3539 : vector<16xi32> to vector<16xi32>
    %swap3A_3541 = vector.shape_cast %shift_left3A_3537 : vector<16xi32> to vector<16xi32>
    tpu.vector_store %arg5[%swap3A_3538], %swap3A_3541 {strides = array<i32>} : memref<1024xi32, #tpu.memory_space<vmem>>, vector<16xi32>,
    %add3A_3542 = arith.constant 608 : i32
    %add3A_3543 = arith.addi %mul3A_32, %add3A_3542 : i32
    %get3A_3544 = arith.index_cast %add3A_3543 : i32 to index
    %get3A_3545 = tpu.vector_load %arg4[%get3A_3544] {strides = array<i32>} : memref<8192xf32, #tpu.memory_space<vmem>>, vector<16xf32>,
    %get3A_3546 = vector.shape_cast %get3A_3545 : vector<16xf32> to vector<16xf32>
    %sub3A_3547 = arith.subf %get3A_3546, %min3A_2624 : vector<16xf32>
    %div3A_3548 = arith.divf %sub3A_3547, %add3A_2632 : vector<16xf32>
    %mul3A_3549 = arith.constant 3.99999905 : f32
    %mul3A_3550 = vector.broadcast %mul3A_3549 : f32 to vector<16xf32>
    %mul3A_3551 = arith.mulf %div3A_3548, %mul3A_3550 : vector<16xf32>
    %convert_element_type3A_3552 = arith.fptosi %mul3A_3551 : vector<16xf32> to vector<16xi32>
    %jit3A_3553 = arith.constant 0 : i32
    %jit3A_3554 = arith.constant 3 : i32
    %max3A_3555 = vector.broadcast %jit3A_3553 : i32 to vector<16xi32>
    %max3A_3556 = arith.maxsi %max3A_3555, %convert_element_type3A_3552 : vector<16xi32>
    %min3A_3557 = vector.broadcast %jit3A_3554 : i32 to vector<16xi32>
    %min3A_3558 = arith.minsi %min3A_3557, %max3A_3556 : vector<16xi32>
    %shift_left3A_3559 = arith.constant 1 : i32
    %shift_left3A_3560 = vector.broadcast %shift_left3A_3559 : i32 to vector<16xi32>
    %shift_left3A_3561 = arith.shli %shift_left3A_3560, %min3A_3558 : vector<16xi32>
    %swap3A_3562 = arith.constant 608 : index
    %swap3A_3563 = tpu.vector_load %arg5[%swap3A_3562] {strides = array<i32>} : memref<1024xi32, #tpu.memory_space<vmem>>, vector<16xi32>,
    %swap3A_3564 = vector.shape_cast %swap3A_3563 : vector<16xi32> to vector<16xi32>
    %swap3A_3565 = vector.shape_cast %shift_left3A_3561 : vector<16xi32> to vector<16xi32>
    tpu.vector_store %arg5[%swap3A_3562], %swap3A_3565 {strides = array<i32>} : memref<1024xi32, #tpu.memory_space<vmem>>, vector<16xi32>,
    %add3A_3566 = arith.constant 624 : i32
    %add3A_3567 = arith.addi %mul3A_32, %add3A_3566 : i32
    %get3A_3568 = arith.index_cast %add3A_3567 : i32 to index
    %get3A_3569 = tpu.vector_load %arg4[%get3A_3568] {strides = array<i32>} : memref<8192xf32, #tpu.memory_space<vmem>>, vector<16xf32>,
    %get3A_3570 = vector.shape_cast %get3A_3569 : vector<16xf32> to vector<16xf32>
    %sub3A_3571 = arith.subf %get3A_3570, %min3A_2624 : vector<16xf32>
    %div3A_3572 = arith.divf %sub3A_3571, %add3A_2632 : vector<16xf32>
    %mul3A_3573 = arith.constant 3.99999905 : f32
    %mul3A_3574 = vector.broadcast %mul3A_3573 : f32 to vector<16xf32>
    %mul3A_3575 = arith.mulf %div3A_3572, %mul3A_3574 : vector<16xf32>
    %convert_element_type3A_3576 = arith.fptosi %mul3A_3575 : vector<16xf32> to vector<16xi32>
    %jit3A_3577 = arith.constant 0 : i32
    %jit3A_3578 = arith.constant 3 : i32
    %max3A_3579 = vector.broadcast %jit3A_3577 : i32 to vector<16xi32>
    %max3A_3580 = arith.maxsi %max3A_3579, %convert_element_type3A_3576 : vector<16xi32>
    %min3A_3581 = vector.broadcast %jit3A_3578 : i32 to vector<16xi32>
    %min3A_3582 = arith.minsi %min3A_3581, %max3A_3580 : vector<16xi32>
    %shift_left3A_3583 = arith.constant 1 : i32
    %shift_left3A_3584 = vector.broadcast %shift_left3A_3583 : i32 to vector<16xi32>
    %shift_left3A_3585 = arith.shli %shift_left3A_3584, %min3A_3582 : vector<16xi32>
    %swap3A_3586 = arith.constant 624 : index
    %swap3A_3587 = tpu.vector_load %arg5[%swap3A_3586] {strides = array<i32>} : memref<1024xi32, #tpu.memory_space<vmem>>, vector<16xi32>,
    %swap3A_3588 = vector.shape_cast %swap3A_3587 : vector<16xi32> to vector<16xi32>
    %swap3A_3589 = vector.shape_cast %shift_left3A_3585 : vector<16xi32> to vector<16xi32>
    tpu.vector_store %arg5[%swap3A_3586], %swap3A_3589 {strides = array<i32>} : memref<1024xi32, #tpu.memory_space<vmem>>, vector<16xi32>,
    %add3A_3590 = arith.constant 640 : i32
    %add3A_3591 = arith.addi %mul3A_32, %add3A_3590 : i32
    %get3A_3592 = arith.index_cast %add3A_3591 : i32 to index
    %get3A_3593 = tpu.vector_load %arg4[%get3A_3592] {strides = array<i32>} : memref<8192xf32, #tpu.memory_space<vmem>>, vector<16xf32>,
    %get3A_3594 = vector.shape_cast %get3A_3593 : vector<16xf32> to vector<16xf32>
    %sub3A_3595 = arith.subf %get3A_3594, %min3A_2624 : vector<16xf32>
    %div3A_3596 = arith.divf %sub3A_3595, %add3A_2632 : vector<16xf32>
    %mul3A_3597 = arith.constant 3.99999905 : f32
    %mul3A_3598 = vector.broadcast %mul3A_3597 : f32 to vector<16xf32>
    %mul3A_3599 = arith.mulf %div3A_3596, %mul3A_3598 : vector<16xf32>
    %convert_element_type3A_3600 = arith.fptosi %mul3A_3599 : vector<16xf32> to vector<16xi32>
    %jit3A_3601 = arith.constant 0 : i32
    %jit3A_3602 = arith.constant 3 : i32
    %max3A_3603 = vector.broadcast %jit3A_3601 : i32 to vector<16xi32>
    %max3A_3604 = arith.maxsi %max3A_3603, %convert_element_type3A_3600 : vector<16xi32>
    %min3A_3605 = vector.broadcast %jit3A_3602 : i32 to vector<16xi32>
    %min3A_3606 = arith.minsi %min3A_3605, %max3A_3604 : vector<16xi32>
    %shift_left3A_3607 = arith.constant 1 : i32
    %shift_left3A_3608 = vector.broadcast %shift_left3A_3607 : i32 to vector<16xi32>
    %shift_left3A_3609 = arith.shli %shift_left3A_3608, %min3A_3606 : vector<16xi32>
    %swap3A_3610 = arith.constant 640 : index
    %swap3A_3611 = tpu.vector_load %arg5[%swap3A_3610] {strides = array<i32>} : memref<1024xi32, #tpu.memory_space<vmem>>, vector<16xi32>,
    %swap3A_3612 = vector.shape_cast %swap3A_3611 : vector<16xi32> to vector<16xi32>
    %swap3A_3613 = vector.shape_cast %shift_left3A_3609 : vector<16xi32> to vector<16xi32>
    tpu.vector_store %arg5[%swap3A_3610], %swap3A_3613 {strides = array<i32>} : memref<1024xi32, #tpu.memory_space<vmem>>, vector<16xi32>,
    %add3A_3614 = arith.constant 656 : i32
    %add3A_3615 = arith.addi %mul3A_32, %add3A_3614 : i32
    %get3A_3616 = arith.index_cast %add3A_3615 : i32 to index
    %get3A_3617 = tpu.vector_load %arg4[%get3A_3616] {strides = array<i32>} : memref<8192xf32, #tpu.memory_space<vmem>>, vector<16xf32>,
    %get3A_3618 = vector.shape_cast %get3A_3617 : vector<16xf32> to vector<16xf32>
    %sub3A_3619 = arith.subf %get3A_3618, %min3A_2624 : vector<16xf32>
    %div3A_3620 = arith.divf %sub3A_3619, %add3A_2632 : vector<16xf32>
    %mul3A_3621 = arith.constant 3.99999905 : f32
    %mul3A_3622 = vector.broadcast %mul3A_3621 : f32 to vector<16xf32>
    %mul3A_3623 = arith.mulf %div3A_3620, %mul3A_3622 : vector<16xf32>
    %convert_element_type3A_3624 = arith.fptosi %mul3A_3623 : vector<16xf32> to vector<16xi32>
    %jit3A_3625 = arith.constant 0 : i32
    %jit3A_3626 = arith.constant 3 : i32
    %max3A_3627 = vector.broadcast %jit3A_3625 : i32 to vector<16xi32>
    %max3A_3628 = arith.maxsi %max3A_3627, %convert_element_type3A_3624 : vector<16xi32>
    %min3A_3629 = vector.broadcast %jit3A_3626 : i32 to vector<16xi32>
    %min3A_3630 = arith.minsi %min3A_3629, %max3A_3628 : vector<16xi32>
    %shift_left3A_3631 = arith.constant 1 : i32
    %shift_left3A_3632 = vector.broadcast %shift_left3A_3631 : i32 to vector<16xi32>
    %shift_left3A_3633 = arith.shli %shift_left3A_3632, %min3A_3630 : vector<16xi32>
    %swap3A_3634 = arith.constant 656 : index
    %swap3A_3635 = tpu.vector_load %arg5[%swap3A_3634] {strides = array<i32>} : memref<1024xi32, #tpu.memory_space<vmem>>, vector<16xi32>,
    %swap3A_3636 = vector.shape_cast %swap3A_3635 : vector<16xi32> to vector<16xi32>
    %swap3A_3637 = vector.shape_cast %shift_left3A_3633 : vector<16xi32> to vector<16xi32>
    tpu.vector_store %arg5[%swap3A_3634], %swap3A_3637 {strides = array<i32>} : memref<1024xi32, #tpu.memory_space<vmem>>, vector<16xi32>,
    %add3A_3638 = arith.constant 672 : i32
    %add3A_3639 = arith.addi %mul3A_32, %add3A_3638 : i32
    %get3A_3640 = arith.index_cast %add3A_3639 : i32 to index
    %get3A_3641 = tpu.vector_load %arg4[%get3A_3640] {strides = array<i32>} : memref<8192xf32, #tpu.memory_space<vmem>>, vector<16xf32>,
    %get3A_3642 = vector.shape_cast %get3A_3641 : vector<16xf32> to vector<16xf32>
    %sub3A_3643 = arith.subf %get3A_3642, %min3A_2624 : vector<16xf32>
    %div3A_3644 = arith.divf %sub3A_3643, %add3A_2632 : vector<16xf32>
    %mul3A_3645 = arith.constant 3.99999905 : f32
    %mul3A_3646 = vector.broadcast %mul3A_3645 : f32 to vector<16xf32>
    %mul3A_3647 = arith.mulf %div3A_3644, %mul3A_3646 : vector<16xf32>
    %convert_element_type3A_3648 = arith.fptosi %mul3A_3647 : vector<16xf32> to vector<16xi32>
    %jit3A_3649 = arith.constant 0 : i32
    %jit3A_3650 = arith.constant 3 : i32
    %max3A_3651 = vector.broadcast %jit3A_3649 : i32 to vector<16xi32>
    %max3A_3652 = arith.maxsi %max3A_3651, %convert_element_type3A_3648 : vector<16xi32>
    %min3A_3653 = vector.broadcast %jit3A_3650 : i32 to vector<16xi32>
    %min3A_3654 = arith.minsi %min3A_3653, %max3A_3652 : vector<16xi32>
    %shift_left3A_3655 = arith.constant 1 : i32
    %shift_left3A_3656 = vector.broadcast %shift_left3A_3655 : i32 to vector<16xi32>
    %shift_left3A_3657 = arith.shli %shift_left3A_3656, %min3A_3654 : vector<16xi32>
    %swap3A_3658 = arith.constant 672 : index
    %swap3A_3659 = tpu.vector_load %arg5[%swap3A_3658] {strides = array<i32>} : memref<1024xi32, #tpu.memory_space<vmem>>, vector<16xi32>,
    %swap3A_3660 = vector.shape_cast %swap3A_3659 : vector<16xi32> to vector<16xi32>
    %swap3A_3661 = vector.shape_cast %shift_left3A_3657 : vector<16xi32> to vector<16xi32>
    tpu.vector_store %arg5[%swap3A_3658], %swap3A_3661 {strides = array<i32>} : memref<1024xi32, #tpu.memory_space<vmem>>, vector<16xi32>,
    %add3A_3662 = arith.constant 688 : i32
    %add3A_3663 = arith.addi %mul3A_32, %add3A_3662 : i32
    %get3A_3664 = arith.index_cast %add3A_3663 : i32 to index
    %get3A_3665 = tpu.vector_load %arg4[%get3A_3664] {strides = array<i32>} : memref<8192xf32, #tpu.memory_space<vmem>>, vector<16xf32>,
    %get3A_3666 = vector.shape_cast %get3A_3665 : vector<16xf32> to vector<16xf32>
    %sub3A_3667 = arith.subf %get3A_3666, %min3A_2624 : vector<16xf32>
    %div3A_3668 = arith.divf %sub3A_3667, %add3A_2632 : vector<16xf32>
    %mul3A_3669 = arith.constant 3.99999905 : f32
    %mul3A_3670 = vector.broadcast %mul3A_3669 : f32 to vector<16xf32>
    %mul3A_3671 = arith.mulf %div3A_3668, %mul3A_3670 : vector<16xf32>
    %convert_element_type3A_3672 = arith.fptosi %mul3A_3671 : vector<16xf32> to vector<16xi32>
    %jit3A_3673 = arith.constant 0 : i32
    %jit3A_3674 = arith.constant 3 : i32
    %max3A_3675 = vector.broadcast %jit3A_3673 : i32 to vector<16xi32>
    %max3A_3676 = arith.maxsi %max3A_3675, %convert_element_type3A_3672 : vector<16xi32>
    %min3A_3677 = vector.broadcast %jit3A_3674 : i32 to vector<16xi32>
    %min3A_3678 = arith.minsi %min3A_3677, %max3A_3676 : vector<16xi32>
    %shift_left3A_3679 = arith.constant 1 : i32
    %shift_left3A_3680 = vector.broadcast %shift_left3A_3679 : i32 to vector<16xi32>
    %shift_left3A_3681 = arith.shli %shift_left3A_3680, %min3A_3678 : vector<16xi32>
    %swap3A_3682 = arith.constant 688 : index
    %swap3A_3683 = tpu.vector_load %arg5[%swap3A_3682] {strides = array<i32>} : memref<1024xi32, #tpu.memory_space<vmem>>, vector<16xi32>,
    %swap3A_3684 = vector.shape_cast %swap3A_3683 : vector<16xi32> to vector<16xi32>
    %swap3A_3685 = vector.shape_cast %shift_left3A_3681 : vector<16xi32> to vector<16xi32>
    tpu.vector_store %arg5[%swap3A_3682], %swap3A_3685 {strides = array<i32>} : memref<1024xi32, #tpu.memory_space<vmem>>, vector<16xi32>,
    %add3A_3686 = arith.constant 704 : i32
    %add3A_3687 = arith.addi %mul3A_32, %add3A_3686 : i32
    %get3A_3688 = arith.index_cast %add3A_3687 : i32 to index
    %get3A_3689 = tpu.vector_load %arg4[%get3A_3688] {strides = array<i32>} : memref<8192xf32, #tpu.memory_space<vmem>>, vector<16xf32>,
    %get3A_3690 = vector.shape_cast %get3A_3689 : vector<16xf32> to vector<16xf32>
    %sub3A_3691 = arith.subf %get3A_3690, %min3A_2624 : vector<16xf32>
    %div3A_3692 = arith.divf %sub3A_3691, %add3A_2632 : vector<16xf32>
    %mul3A_3693 = arith.constant 3.99999905 : f32
    %mul3A_3694 = vector.broadcast %mul3A_3693 : f32 to vector<16xf32>
    %mul3A_3695 = arith.mulf %div3A_3692, %mul3A_3694 : vector<16xf32>
    %convert_element_type3A_3696 = arith.fptosi %mul3A_3695 : vector<16xf32> to vector<16xi32>
    %jit3A_3697 = arith.constant 0 : i32
    %jit3A_3698 = arith.constant 3 : i32
    %max3A_3699 = vector.broadcast %jit3A_3697 : i32 to vector<16xi32>
    %max3A_3700 = arith.maxsi %max3A_3699, %convert_element_type3A_3696 : vector<16xi32>
    %min3A_3701 = vector.broadcast %jit3A_3698 : i32 to vector<16xi32>
    %min3A_3702 = arith.minsi %min3A_3701, %max3A_3700 : vector<16xi32>
    %shift_left3A_3703 = arith.constant 1 : i32
    %shift_left3A_3704 = vector.broadcast %shift_left3A_3703 : i32 to vector<16xi32>
    %shift_left3A_3705 = arith.shli %shift_left3A_3704, %min3A_3702 : vector<16xi32>
    %swap3A_3706 = arith.constant 704 : index
    %swap3A_3707 = tpu.vector_load %arg5[%swap3A_3706] {strides = array<i32>} : memref<1024xi32, #tpu.memory_space<vmem>>, vector<16xi32>,
    %swap3A_3708 = vector.shape_cast %swap3A_3707 : vector<16xi32> to vector<16xi32>
    %swap3A_3709 = vector.shape_cast %shift_left3A_3705 : vector<16xi32> to vector<16xi32>
    tpu.vector_store %arg5[%swap3A_3706], %swap3A_3709 {strides = array<i32>} : memref<1024xi32, #tpu.memory_space<vmem>>, vector<16xi32>,
    %add3A_3710 = arith.constant 720 : i32
    %add3A_3711 = arith.addi %mul3A_32, %add3A_3710 : i32
    %get3A_3712 = arith.index_cast %add3A_3711 : i32 to index
    %get3A_3713 = tpu.vector_load %arg4[%get3A_3712] {strides = array<i32>} : memref<8192xf32, #tpu.memory_space<vmem>>, vector<16xf32>,
    %get3A_3714 = vector.shape_cast %get3A_3713 : vector<16xf32> to vector<16xf32>
    %sub3A_3715 = arith.subf %get3A_3714, %min3A_2624 : vector<16xf32>
    %div3A_3716 = arith.divf %sub3A_3715, %add3A_2632 : vector<16xf32>
    %mul3A_3717 = arith.constant 3.99999905 : f32
    %mul3A_3718 = vector.broadcast %mul3A_3717 : f32 to vector<16xf32>
    %mul3A_3719 = arith.mulf %div3A_3716, %mul3A_3718 : vector<16xf32>
    %convert_element_type3A_3720 = arith.fptosi %mul3A_3719 : vector<16xf32> to vector<16xi32>
    %jit3A_3721 = arith.constant 0 : i32
    %jit3A_3722 = arith.constant 3 : i32
    %max3A_3723 = vector.broadcast %jit3A_3721 : i32 to vector<16xi32>
    %max3A_3724 = arith.maxsi %max3A_3723, %convert_element_type3A_3720 : vector<16xi32>
    %min3A_3725 = vector.broadcast %jit3A_3722 : i32 to vector<16xi32>
    %min3A_3726 = arith.minsi %min3A_3725, %max3A_3724 : vector<16xi32>
    %shift_left3A_3727 = arith.constant 1 : i32
    %shift_left3A_3728 = vector.broadcast %shift_left3A_3727 : i32 to vector<16xi32>
    %shift_left3A_3729 = arith.shli %shift_left3A_3728, %min3A_3726 : vector<16xi32>
    %swap3A_3730 = arith.constant 720 : index
    %swap3A_3731 = tpu.vector_load %arg5[%swap3A_3730] {strides = array<i32>} : memref<1024xi32, #tpu.memory_space<vmem>>, vector<16xi32>,
    %swap3A_3732 = vector.shape_cast %swap3A_3731 : vector<16xi32> to vector<16xi32>
    %swap3A_3733 = vector.shape_cast %shift_left3A_3729 : vector<16xi32> to vector<16xi32>
    tpu.vector_store %arg5[%swap3A_3730], %swap3A_3733 {strides = array<i32>} : memref<1024xi32, #tpu.memory_space<vmem>>, vector<16xi32>,
    %add3A_3734 = arith.constant 736 : i32
    %add3A_3735 = arith.addi %mul3A_32, %add3A_3734 : i32
    %get3A_3736 = arith.index_cast %add3A_3735 : i32 to index
    %get3A_3737 = tpu.vector_load %arg4[%get3A_3736] {strides = array<i32>} : memref<8192xf32, #tpu.memory_space<vmem>>, vector<16xf32>,
    %get3A_3738 = vector.shape_cast %get3A_3737 : vector<16xf32> to vector<16xf32>
    %sub3A_3739 = arith.subf %get3A_3738, %min3A_2624 : vector<16xf32>
    %div3A_3740 = arith.divf %sub3A_3739, %add3A_2632 : vector<16xf32>
    %mul3A_3741 = arith.constant 3.99999905 : f32
    %mul3A_3742 = vector.broadcast %mul3A_3741 : f32 to vector<16xf32>
    %mul3A_3743 = arith.mulf %div3A_3740, %mul3A_3742 : vector<16xf32>
    %convert_element_type3A_3744 = arith.fptosi %mul3A_3743 : vector<16xf32> to vector<16xi32>
    %jit3A_3745 = arith.constant 0 : i32
    %jit3A_3746 = arith.constant 3 : i32
    %max3A_3747 = vector.broadcast %jit3A_3745 : i32 to vector<16xi32>
    %max3A_3748 = arith.maxsi %max3A_3747, %convert_element_type3A_3744 : vector<16xi32>
    %min3A_3749 = vector.broadcast %jit3A_3746 : i32 to vector<16xi32>
    %min3A_3750 = arith.minsi %min3A_3749, %max3A_3748 : vector<16xi32>
    %shift_left3A_3751 = arith.constant 1 : i32
    %shift_left3A_3752 = vector.broadcast %shift_left3A_3751 : i32 to vector<16xi32>
    %shift_left3A_3753 = arith.shli %shift_left3A_3752, %min3A_3750 : vector<16xi32>
    %swap3A_3754 = arith.constant 736 : index
    %swap3A_3755 = tpu.vector_load %arg5[%swap3A_3754] {strides = array<i32>} : memref<1024xi32, #tpu.memory_space<vmem>>, vector<16xi32>,
    %swap3A_3756 = vector.shape_cast %swap3A_3755 : vector<16xi32> to vector<16xi32>
    %swap3A_3757 = vector.shape_cast %shift_left3A_3753 : vector<16xi32> to vector<16xi32>
    tpu.vector_store %arg5[%swap3A_3754], %swap3A_3757 {strides = array<i32>} : memref<1024xi32, #tpu.memory_space<vmem>>, vector<16xi32>,
    %add3A_3758 = arith.constant 752 : i32
    %add3A_3759 = arith.addi %mul3A_32, %add3A_3758 : i32
    %get3A_3760 = arith.index_cast %add3A_3759 : i32 to index
    %get3A_3761 = tpu.vector_load %arg4[%get3A_3760] {strides = array<i32>} : memref<8192xf32, #tpu.memory_space<vmem>>, vector<16xf32>,
    %get3A_3762 = vector.shape_cast %get3A_3761 : vector<16xf32> to vector<16xf32>
    %sub3A_3763 = arith.subf %get3A_3762, %min3A_2624 : vector<16xf32>
    %div3A_3764 = arith.divf %sub3A_3763, %add3A_2632 : vector<16xf32>
    %mul3A_3765 = arith.constant 3.99999905 : f32
    %mul3A_3766 = vector.broadcast %mul3A_3765 : f32 to vector<16xf32>
    %mul3A_3767 = arith.mulf %div3A_3764, %mul3A_3766 : vector<16xf32>
    %convert_element_type3A_3768 = arith.fptosi %mul3A_3767 : vector<16xf32> to vector<16xi32>
    %jit3A_3769 = arith.constant 0 : i32
    %jit3A_3770 = arith.constant 3 : i32
    %max3A_3771 = vector.broadcast %jit3A_3769 : i32 to vector<16xi32>
    %max3A_3772 = arith.maxsi %max3A_3771, %convert_element_type3A_3768 : vector<16xi32>
    %min3A_3773 = vector.broadcast %jit3A_3770 : i32 to vector<16xi32>
    %min3A_3774 = arith.minsi %min3A_3773, %max3A_3772 : vector<16xi32>
    %shift_left3A_3775 = arith.constant 1 : i32
    %shift_left3A_3776 = vector.broadcast %shift_left3A_3775 : i32 to vector<16xi32>
    %shift_left3A_3777 = arith.shli %shift_left3A_3776, %min3A_3774 : vector<16xi32>
    %swap3A_3778 = arith.constant 752 : index
    %swap3A_3779 = tpu.vector_load %arg5[%swap3A_3778] {strides = array<i32>} : memref<1024xi32, #tpu.memory_space<vmem>>, vector<16xi32>,
    %swap3A_3780 = vector.shape_cast %swap3A_3779 : vector<16xi32> to vector<16xi32>
    %swap3A_3781 = vector.shape_cast %shift_left3A_3777 : vector<16xi32> to vector<16xi32>
    tpu.vector_store %arg5[%swap3A_3778], %swap3A_3781 {strides = array<i32>} : memref<1024xi32, #tpu.memory_space<vmem>>, vector<16xi32>,
    %add3A_3782 = arith.constant 768 : i32
    %add3A_3783 = arith.addi %mul3A_32, %add3A_3782 : i32
    %get3A_3784 = arith.index_cast %add3A_3783 : i32 to index
    %get3A_3785 = tpu.vector_load %arg4[%get3A_3784] {strides = array<i32>} : memref<8192xf32, #tpu.memory_space<vmem>>, vector<16xf32>,
    %get3A_3786 = vector.shape_cast %get3A_3785 : vector<16xf32> to vector<16xf32>
    %sub3A_3787 = arith.subf %get3A_3786, %min3A_2624 : vector<16xf32>
    %div3A_3788 = arith.divf %sub3A_3787, %add3A_2632 : vector<16xf32>
    %mul3A_3789 = arith.constant 3.99999905 : f32
    %mul3A_3790 = vector.broadcast %mul3A_3789 : f32 to vector<16xf32>
    %mul3A_3791 = arith.mulf %div3A_3788, %mul3A_3790 : vector<16xf32>
    %convert_element_type3A_3792 = arith.fptosi %mul3A_3791 : vector<16xf32> to vector<16xi32>
    %jit3A_3793 = arith.constant 0 : i32
    %jit3A_3794 = arith.constant 3 : i32
    %max3A_3795 = vector.broadcast %jit3A_3793 : i32 to vector<16xi32>
    %max3A_3796 = arith.maxsi %max3A_3795, %convert_element_type3A_3792 : vector<16xi32>
    %min3A_3797 = vector.broadcast %jit3A_3794 : i32 to vector<16xi32>
    %min3A_3798 = arith.minsi %min3A_3797, %max3A_3796 : vector<16xi32>
    %shift_left3A_3799 = arith.constant 1 : i32
    %shift_left3A_3800 = vector.broadcast %shift_left3A_3799 : i32 to vector<16xi32>
    %shift_left3A_3801 = arith.shli %shift_left3A_3800, %min3A_3798 : vector<16xi32>
    %swap3A_3802 = arith.constant 768 : index
    %swap3A_3803 = tpu.vector_load %arg5[%swap3A_3802] {strides = array<i32>} : memref<1024xi32, #tpu.memory_space<vmem>>, vector<16xi32>,
    %swap3A_3804 = vector.shape_cast %swap3A_3803 : vector<16xi32> to vector<16xi32>
    %swap3A_3805 = vector.shape_cast %shift_left3A_3801 : vector<16xi32> to vector<16xi32>
    tpu.vector_store %arg5[%swap3A_3802], %swap3A_3805 {strides = array<i32>} : memref<1024xi32, #tpu.memory_space<vmem>>, vector<16xi32>,
    %add3A_3806 = arith.constant 784 : i32
    %add3A_3807 = arith.addi %mul3A_32, %add3A_3806 : i32
    %get3A_3808 = arith.index_cast %add3A_3807 : i32 to index
    %get3A_3809 = tpu.vector_load %arg4[%get3A_3808] {strides = array<i32>} : memref<8192xf32, #tpu.memory_space<vmem>>, vector<16xf32>,
    %get3A_3810 = vector.shape_cast %get3A_3809 : vector<16xf32> to vector<16xf32>
    %sub3A_3811 = arith.subf %get3A_3810, %min3A_2624 : vector<16xf32>
    %div3A_3812 = arith.divf %sub3A_3811, %add3A_2632 : vector<16xf32>
    %mul3A_3813 = arith.constant 3.99999905 : f32
    %mul3A_3814 = vector.broadcast %mul3A_3813 : f32 to vector<16xf32>
    %mul3A_3815 = arith.mulf %div3A_3812, %mul3A_3814 : vector<16xf32>
    %convert_element_type3A_3816 = arith.fptosi %mul3A_3815 : vector<16xf32> to vector<16xi32>
    %jit3A_3817 = arith.constant 0 : i32
    %jit3A_3818 = arith.constant 3 : i32
    %max3A_3819 = vector.broadcast %jit3A_3817 : i32 to vector<16xi32>
    %max3A_3820 = arith.maxsi %max3A_3819, %convert_element_type3A_3816 : vector<16xi32>
    %min3A_3821 = vector.broadcast %jit3A_3818 : i32 to vector<16xi32>
    %min3A_3822 = arith.minsi %min3A_3821, %max3A_3820 : vector<16xi32>
    %shift_left3A_3823 = arith.constant 1 : i32
    %shift_left3A_3824 = vector.broadcast %shift_left3A_3823 : i32 to vector<16xi32>
    %shift_left3A_3825 = arith.shli %shift_left3A_3824, %min3A_3822 : vector<16xi32>
    %swap3A_3826 = arith.constant 784 : index
    %swap3A_3827 = tpu.vector_load %arg5[%swap3A_3826] {strides = array<i32>} : memref<1024xi32, #tpu.memory_space<vmem>>, vector<16xi32>,
    %swap3A_3828 = vector.shape_cast %swap3A_3827 : vector<16xi32> to vector<16xi32>
    %swap3A_3829 = vector.shape_cast %shift_left3A_3825 : vector<16xi32> to vector<16xi32>
    tpu.vector_store %arg5[%swap3A_3826], %swap3A_3829 {strides = array<i32>} : memref<1024xi32, #tpu.memory_space<vmem>>, vector<16xi32>,
    %add3A_3830 = arith.constant 800 : i32
    %add3A_3831 = arith.addi %mul3A_32, %add3A_3830 : i32
    %get3A_3832 = arith.index_cast %add3A_3831 : i32 to index
    %get3A_3833 = tpu.vector_load %arg4[%get3A_3832] {strides = array<i32>} : memref<8192xf32, #tpu.memory_space<vmem>>, vector<16xf32>,
    %get3A_3834 = vector.shape_cast %get3A_3833 : vector<16xf32> to vector<16xf32>
    %sub3A_3835 = arith.subf %get3A_3834, %min3A_2624 : vector<16xf32>
    %div3A_3836 = arith.divf %sub3A_3835, %add3A_2632 : vector<16xf32>
    %mul3A_3837 = arith.constant 3.99999905 : f32
    %mul3A_3838 = vector.broadcast %mul3A_3837 : f32 to vector<16xf32>
    %mul3A_3839 = arith.mulf %div3A_3836, %mul3A_3838 : vector<16xf32>
    %convert_element_type3A_3840 = arith.fptosi %mul3A_3839 : vector<16xf32> to vector<16xi32>
    %jit3A_3841 = arith.constant 0 : i32
    %jit3A_3842 = arith.constant 3 : i32
    %max3A_3843 = vector.broadcast %jit3A_3841 : i32 to vector<16xi32>
    %max3A_3844 = arith.maxsi %max3A_3843, %convert_element_type3A_3840 : vector<16xi32>
    %min3A_3845 = vector.broadcast %jit3A_3842 : i32 to vector<16xi32>
    %min3A_3846 = arith.minsi %min3A_3845, %max3A_3844 : vector<16xi32>
    %shift_left3A_3847 = arith.constant 1 : i32
    %shift_left3A_3848 = vector.broadcast %shift_left3A_3847 : i32 to vector<16xi32>
    %shift_left3A_3849 = arith.shli %shift_left3A_3848, %min3A_3846 : vector<16xi32>
    %swap3A_3850 = arith.constant 800 : index
    %swap3A_3851 = tpu.vector_load %arg5[%swap3A_3850] {strides = array<i32>} : memref<1024xi32, #tpu.memory_space<vmem>>, vector<16xi32>,
    %swap3A_3852 = vector.shape_cast %swap3A_3851 : vector<16xi32> to vector<16xi32>
    %swap3A_3853 = vector.shape_cast %shift_left3A_3849 : vector<16xi32> to vector<16xi32>
    tpu.vector_store %arg5[%swap3A_3850], %swap3A_3853 {strides = array<i32>} : memref<1024xi32, #tpu.memory_space<vmem>>, vector<16xi32>,
    %add3A_3854 = arith.constant 816 : i32
    %add3A_3855 = arith.addi %mul3A_32, %add3A_3854 : i32
    %get3A_3856 = arith.index_cast %add3A_3855 : i32 to index
    %get3A_3857 = tpu.vector_load %arg4[%get3A_3856] {strides = array<i32>} : memref<8192xf32, #tpu.memory_space<vmem>>, vector<16xf32>,
    %get3A_3858 = vector.shape_cast %get3A_3857 : vector<16xf32> to vector<16xf32>
    %sub3A_3859 = arith.subf %get3A_3858, %min3A_2624 : vector<16xf32>
    %div3A_3860 = arith.divf %sub3A_3859, %add3A_2632 : vector<16xf32>
    %mul3A_3861 = arith.constant 3.99999905 : f32
    %mul3A_3862 = vector.broadcast %mul3A_3861 : f32 to vector<16xf32>
    %mul3A_3863 = arith.mulf %div3A_3860, %mul3A_3862 : vector<16xf32>
    %convert_element_type3A_3864 = arith.fptosi %mul3A_3863 : vector<16xf32> to vector<16xi32>
    %jit3A_3865 = arith.constant 0 : i32
    %jit3A_3866 = arith.constant 3 : i32
    %max3A_3867 = vector.broadcast %jit3A_3865 : i32 to vector<16xi32>
    %max3A_3868 = arith.maxsi %max3A_3867, %convert_element_type3A_3864 : vector<16xi32>
    %min3A_3869 = vector.broadcast %jit3A_3866 : i32 to vector<16xi32>
    %min3A_3870 = arith.minsi %min3A_3869, %max3A_3868 : vector<16xi32>
    %shift_left3A_3871 = arith.constant 1 : i32
    %shift_left3A_3872 = vector.broadcast %shift_left3A_3871 : i32 to vector<16xi32>
    %shift_left3A_3873 = arith.shli %shift_left3A_3872, %min3A_3870 : vector<16xi32>
    %swap3A_3874 = arith.constant 816 : index
    %swap3A_3875 = tpu.vector_load %arg5[%swap3A_3874] {strides = array<i32>} : memref<1024xi32, #tpu.memory_space<vmem>>, vector<16xi32>,
    %swap3A_3876 = vector.shape_cast %swap3A_3875 : vector<16xi32> to vector<16xi32>
    %swap3A_3877 = vector.shape_cast %shift_left3A_3873 : vector<16xi32> to vector<16xi32>
    tpu.vector_store %arg5[%swap3A_3874], %swap3A_3877 {strides = array<i32>} : memref<1024xi32, #tpu.memory_space<vmem>>, vector<16xi32>,
    %add3A_3878 = arith.constant 832 : i32
    %add3A_3879 = arith.addi %mul3A_32, %add3A_3878 : i32
    %get3A_3880 = arith.index_cast %add3A_3879 : i32 to index
    %get3A_3881 = tpu.vector_load %arg4[%get3A_3880] {strides = array<i32>} : memref<8192xf32, #tpu.memory_space<vmem>>, vector<16xf32>,
    %get3A_3882 = vector.shape_cast %get3A_3881 : vector<16xf32> to vector<16xf32>
    %sub3A_3883 = arith.subf %get3A_3882, %min3A_2624 : vector<16xf32>
    %div3A_3884 = arith.divf %sub3A_3883, %add3A_2632 : vector<16xf32>
    %mul3A_3885 = arith.constant 3.99999905 : f32
    %mul3A_3886 = vector.broadcast %mul3A_3885 : f32 to vector<16xf32>
    %mul3A_3887 = arith.mulf %div3A_3884, %mul3A_3886 : vector<16xf32>
    %convert_element_type3A_3888 = arith.fptosi %mul3A_3887 : vector<16xf32> to vector<16xi32>
    %jit3A_3889 = arith.constant 0 : i32
    %jit3A_3890 = arith.constant 3 : i32
    %max3A_3891 = vector.broadcast %jit3A_3889 : i32 to vector<16xi32>
    %max3A_3892 = arith.maxsi %max3A_3891, %convert_element_type3A_3888 : vector<16xi32>
    %min3A_3893 = vector.broadcast %jit3A_3890 : i32 to vector<16xi32>
    %min3A_3894 = arith.minsi %min3A_3893, %max3A_3892 : vector<16xi32>
    %shift_left3A_3895 = arith.constant 1 : i32
    %shift_left3A_3896 = vector.broadcast %shift_left3A_3895 : i32 to vector<16xi32>
    %shift_left3A_3897 = arith.shli %shift_left3A_3896, %min3A_3894 : vector<16xi32>
    %swap3A_3898 = arith.constant 832 : index
    %swap3A_3899 = tpu.vector_load %arg5[%swap3A_3898] {strides = array<i32>} : memref<1024xi32, #tpu.memory_space<vmem>>, vector<16xi32>,
    %swap3A_3900 = vector.shape_cast %swap3A_3899 : vector<16xi32> to vector<16xi32>
    %swap3A_3901 = vector.shape_cast %shift_left3A_3897 : vector<16xi32> to vector<16xi32>
    tpu.vector_store %arg5[%swap3A_3898], %swap3A_3901 {strides = array<i32>} : memref<1024xi32, #tpu.memory_space<vmem>>, vector<16xi32>,
    %add3A_3902 = arith.constant 848 : i32
    %add3A_3903 = arith.addi %mul3A_32, %add3A_3902 : i32
    %get3A_3904 = arith.index_cast %add3A_3903 : i32 to index
    %get3A_3905 = tpu.vector_load %arg4[%get3A_3904] {strides = array<i32>} : memref<8192xf32, #tpu.memory_space<vmem>>, vector<16xf32>,
    %get3A_3906 = vector.shape_cast %get3A_3905 : vector<16xf32> to vector<16xf32>
    %sub3A_3907 = arith.subf %get3A_3906, %min3A_2624 : vector<16xf32>
    %div3A_3908 = arith.divf %sub3A_3907, %add3A_2632 : vector<16xf32>
    %mul3A_3909 = arith.constant 3.99999905 : f32
    %mul3A_3910 = vector.broadcast %mul3A_3909 : f32 to vector<16xf32>
    %mul3A_3911 = arith.mulf %div3A_3908, %mul3A_3910 : vector<16xf32>
    %convert_element_type3A_3912 = arith.fptosi %mul3A_3911 : vector<16xf32> to vector<16xi32>
    %jit3A_3913 = arith.constant 0 : i32
    %jit3A_3914 = arith.constant 3 : i32
    %max3A_3915 = vector.broadcast %jit3A_3913 : i32 to vector<16xi32>
    %max3A_3916 = arith.maxsi %max3A_3915, %convert_element_type3A_3912 : vector<16xi32>
    %min3A_3917 = vector.broadcast %jit3A_3914 : i32 to vector<16xi32>
    %min3A_3918 = arith.minsi %min3A_3917, %max3A_3916 : vector<16xi32>
    %shift_left3A_3919 = arith.constant 1 : i32
    %shift_left3A_3920 = vector.broadcast %shift_left3A_3919 : i32 to vector<16xi32>
    %shift_left3A_3921 = arith.shli %shift_left3A_3920, %min3A_3918 : vector<16xi32>
    %swap3A_3922 = arith.constant 848 : index
    %swap3A_3923 = tpu.vector_load %arg5[%swap3A_3922] {strides = array<i32>} : memref<1024xi32, #tpu.memory_space<vmem>>, vector<16xi32>,
    %swap3A_3924 = vector.shape_cast %swap3A_3923 : vector<16xi32> to vector<16xi32>
    %swap3A_3925 = vector.shape_cast %shift_left3A_3921 : vector<16xi32> to vector<16xi32>
    tpu.vector_store %arg5[%swap3A_3922], %swap3A_3925 {strides = array<i32>} : memref<1024xi32, #tpu.memory_space<vmem>>, vector<16xi32>,
    %add3A_3926 = arith.constant 864 : i32
    %add3A_3927 = arith.addi %mul3A_32, %add3A_3926 : i32
    %get3A_3928 = arith.index_cast %add3A_3927 : i32 to index
    %get3A_3929 = tpu.vector_load %arg4[%get3A_3928] {strides = array<i32>} : memref<8192xf32, #tpu.memory_space<vmem>>, vector<16xf32>,
    %get3A_3930 = vector.shape_cast %get3A_3929 : vector<16xf32> to vector<16xf32>
    %sub3A_3931 = arith.subf %get3A_3930, %min3A_2624 : vector<16xf32>
    %div3A_3932 = arith.divf %sub3A_3931, %add3A_2632 : vector<16xf32>
    %mul3A_3933 = arith.constant 3.99999905 : f32
    %mul3A_3934 = vector.broadcast %mul3A_3933 : f32 to vector<16xf32>
    %mul3A_3935 = arith.mulf %div3A_3932, %mul3A_3934 : vector<16xf32>
    %convert_element_type3A_3936 = arith.fptosi %mul3A_3935 : vector<16xf32> to vector<16xi32>
    %jit3A_3937 = arith.constant 0 : i32
    %jit3A_3938 = arith.constant 3 : i32
    %max3A_3939 = vector.broadcast %jit3A_3937 : i32 to vector<16xi32>
    %max3A_3940 = arith.maxsi %max3A_3939, %convert_element_type3A_3936 : vector<16xi32>
    %min3A_3941 = vector.broadcast %jit3A_3938 : i32 to vector<16xi32>
    %min3A_3942 = arith.minsi %min3A_3941, %max3A_3940 : vector<16xi32>
    %shift_left3A_3943 = arith.constant 1 : i32
    %shift_left3A_3944 = vector.broadcast %shift_left3A_3943 : i32 to vector<16xi32>
    %shift_left3A_3945 = arith.shli %shift_left3A_3944, %min3A_3942 : vector<16xi32>
    %swap3A_3946 = arith.constant 864 : index
    %swap3A_3947 = tpu.vector_load %arg5[%swap3A_3946] {strides = array<i32>} : memref<1024xi32, #tpu.memory_space<vmem>>, vector<16xi32>,
    %swap3A_3948 = vector.shape_cast %swap3A_3947 : vector<16xi32> to vector<16xi32>
    %swap3A_3949 = vector.shape_cast %shift_left3A_3945 : vector<16xi32> to vector<16xi32>
    tpu.vector_store %arg5[%swap3A_3946], %swap3A_3949 {strides = array<i32>} : memref<1024xi32, #tpu.memory_space<vmem>>, vector<16xi32>,
    %add3A_3950 = arith.constant 880 : i32
    %add3A_3951 = arith.addi %mul3A_32, %add3A_3950 : i32
    %get3A_3952 = arith.index_cast %add3A_3951 : i32 to index
    %get3A_3953 = tpu.vector_load %arg4[%get3A_3952] {strides = array<i32>} : memref<8192xf32, #tpu.memory_space<vmem>>, vector<16xf32>,
    %get3A_3954 = vector.shape_cast %get3A_3953 : vector<16xf32> to vector<16xf32>
    %sub3A_3955 = arith.subf %get3A_3954, %min3A_2624 : vector<16xf32>
    %div3A_3956 = arith.divf %sub3A_3955, %add3A_2632 : vector<16xf32>
    %mul3A_3957 = arith.constant 3.99999905 : f32
    %mul3A_3958 = vector.broadcast %mul3A_3957 : f32 to vector<16xf32>
    %mul3A_3959 = arith.mulf %div3A_3956, %mul3A_3958 : vector<16xf32>
    %convert_element_type3A_3960 = arith.fptosi %mul3A_3959 : vector<16xf32> to vector<16xi32>
    %jit3A_3961 = arith.constant 0 : i32
    %jit3A_3962 = arith.constant 3 : i32
    %max3A_3963 = vector.broadcast %jit3A_3961 : i32 to vector<16xi32>
    %max3A_3964 = arith.maxsi %max3A_3963, %convert_element_type3A_3960 : vector<16xi32>
    %min3A_3965 = vector.broadcast %jit3A_3962 : i32 to vector<16xi32>
    %min3A_3966 = arith.minsi %min3A_3965, %max3A_3964 : vector<16xi32>
    %shift_left3A_3967 = arith.constant 1 : i32
    %shift_left3A_3968 = vector.broadcast %shift_left3A_3967 : i32 to vector<16xi32>
    %shift_left3A_3969 = arith.shli %shift_left3A_3968, %min3A_3966 : vector<16xi32>
    %swap3A_3970 = arith.constant 880 : index
    %swap3A_3971 = tpu.vector_load %arg5[%swap3A_3970] {strides = array<i32>} : memref<1024xi32, #tpu.memory_space<vmem>>, vector<16xi32>,
    %swap3A_3972 = vector.shape_cast %swap3A_3971 : vector<16xi32> to vector<16xi32>
    %swap3A_3973 = vector.shape_cast %shift_left3A_3969 : vector<16xi32> to vector<16xi32>
    tpu.vector_store %arg5[%swap3A_3970], %swap3A_3973 {strides = array<i32>} : memref<1024xi32, #tpu.memory_space<vmem>>, vector<16xi32>,
    %add3A_3974 = arith.constant 896 : i32
    %add3A_3975 = arith.addi %mul3A_32, %add3A_3974 : i32
    %get3A_3976 = arith.index_cast %add3A_3975 : i32 to index
    %get3A_3977 = tpu.vector_load %arg4[%get3A_3976] {strides = array<i32>} : memref<8192xf32, #tpu.memory_space<vmem>>, vector<16xf32>,
    %get3A_3978 = vector.shape_cast %get3A_3977 : vector<16xf32> to vector<16xf32>
    %sub3A_3979 = arith.subf %get3A_3978, %min3A_2624 : vector<16xf32>
    %div3A_3980 = arith.divf %sub3A_3979, %add3A_2632 : vector<16xf32>
    %mul3A_3981 = arith.constant 3.99999905 : f32
    %mul3A_3982 = vector.broadcast %mul3A_3981 : f32 to vector<16xf32>
    %mul3A_3983 = arith.mulf %div3A_3980, %mul3A_3982 : vector<16xf32>
    %convert_element_type3A_3984 = arith.fptosi %mul3A_3983 : vector<16xf32> to vector<16xi32>
    %jit3A_3985 = arith.constant 0 : i32
    %jit3A_3986 = arith.constant 3 : i32
    %max3A_3987 = vector.broadcast %jit3A_3985 : i32 to vector<16xi32>
    %max3A_3988 = arith.maxsi %max3A_3987, %convert_element_type3A_3984 : vector<16xi32>
    %min3A_3989 = vector.broadcast %jit3A_3986 : i32 to vector<16xi32>
    %min3A_3990 = arith.minsi %min3A_3989, %max3A_3988 : vector<16xi32>
    %shift_left3A_3991 = arith.constant 1 : i32
    %shift_left3A_3992 = vector.broadcast %shift_left3A_3991 : i32 to vector<16xi32>
    %shift_left3A_3993 = arith.shli %shift_left3A_3992, %min3A_3990 : vector<16xi32>
    %swap3A_3994 = arith.constant 896 : index
    %swap3A_3995 = tpu.vector_load %arg5[%swap3A_3994] {strides = array<i32>} : memref<1024xi32, #tpu.memory_space<vmem>>, vector<16xi32>,
    %swap3A_3996 = vector.shape_cast %swap3A_3995 : vector<16xi32> to vector<16xi32>
    %swap3A_3997 = vector.shape_cast %shift_left3A_3993 : vector<16xi32> to vector<16xi32>
    tpu.vector_store %arg5[%swap3A_3994], %swap3A_3997 {strides = array<i32>} : memref<1024xi32, #tpu.memory_space<vmem>>, vector<16xi32>,
    %add3A_3998 = arith.constant 912 : i32
    %add3A_3999 = arith.addi %mul3A_32, %add3A_3998 : i32
    %get3A_4000 = arith.index_cast %add3A_3999 : i32 to index
    %get3A_4001 = tpu.vector_load %arg4[%get3A_4000] {strides = array<i32>} : memref<8192xf32, #tpu.memory_space<vmem>>, vector<16xf32>,
    %get3A_4002 = vector.shape_cast %get3A_4001 : vector<16xf32> to vector<16xf32>
    %sub3A_4003 = arith.subf %get3A_4002, %min3A_2624 : vector<16xf32>
    %div3A_4004 = arith.divf %sub3A_4003, %add3A_2632 : vector<16xf32>
    %mul3A_4005 = arith.constant 3.99999905 : f32
    %mul3A_4006 = vector.broadcast %mul3A_4005 : f32 to vector<16xf32>
    %mul3A_4007 = arith.mulf %div3A_4004, %mul3A_4006 : vector<16xf32>
    %convert_element_type3A_4008 = arith.fptosi %mul3A_4007 : vector<16xf32> to vector<16xi32>
    %jit3A_4009 = arith.constant 0 : i32
    %jit3A_4010 = arith.constant 3 : i32
    %max3A_4011 = vector.broadcast %jit3A_4009 : i32 to vector<16xi32>
    %max3A_4012 = arith.maxsi %max3A_4011, %convert_element_type3A_4008 : vector<16xi32>
    %min3A_4013 = vector.broadcast %jit3A_4010 : i32 to vector<16xi32>
    %min3A_4014 = arith.minsi %min3A_4013, %max3A_4012 : vector<16xi32>
    %shift_left3A_4015 = arith.constant 1 : i32
    %shift_left3A_4016 = vector.broadcast %shift_left3A_4015 : i32 to vector<16xi32>
    %shift_left3A_4017 = arith.shli %shift_left3A_4016, %min3A_4014 : vector<16xi32>
    %swap3A_4018 = arith.constant 912 : index
    %swap3A_4019 = tpu.vector_load %arg5[%swap3A_4018] {strides = array<i32>} : memref<1024xi32, #tpu.memory_space<vmem>>, vector<16xi32>,
    %swap3A_4020 = vector.shape_cast %swap3A_4019 : vector<16xi32> to vector<16xi32>
    %swap3A_4021 = vector.shape_cast %shift_left3A_4017 : vector<16xi32> to vector<16xi32>
    tpu.vector_store %arg5[%swap3A_4018], %swap3A_4021 {strides = array<i32>} : memref<1024xi32, #tpu.memory_space<vmem>>, vector<16xi32>,
    %add3A_4022 = arith.constant 928 : i32
    %add3A_4023 = arith.addi %mul3A_32, %add3A_4022 : i32
    %get3A_4024 = arith.index_cast %add3A_4023 : i32 to index
    %get3A_4025 = tpu.vector_load %arg4[%get3A_4024] {strides = array<i32>} : memref<8192xf32, #tpu.memory_space<vmem>>, vector<16xf32>,
    %get3A_4026 = vector.shape_cast %get3A_4025 : vector<16xf32> to vector<16xf32>
    %sub3A_4027 = arith.subf %get3A_4026, %min3A_2624 : vector<16xf32>
    %div3A_4028 = arith.divf %sub3A_4027, %add3A_2632 : vector<16xf32>
    %mul3A_4029 = arith.constant 3.99999905 : f32
    %mul3A_4030 = vector.broadcast %mul3A_4029 : f32 to vector<16xf32>
    %mul3A_4031 = arith.mulf %div3A_4028, %mul3A_4030 : vector<16xf32>
    %convert_element_type3A_4032 = arith.fptosi %mul3A_4031 : vector<16xf32> to vector<16xi32>
    %jit3A_4033 = arith.constant 0 : i32
    %jit3A_4034 = arith.constant 3 : i32
    %max3A_4035 = vector.broadcast %jit3A_4033 : i32 to vector<16xi32>
    %max3A_4036 = arith.maxsi %max3A_4035, %convert_element_type3A_4032 : vector<16xi32>
    %min3A_4037 = vector.broadcast %jit3A_4034 : i32 to vector<16xi32>
    %min3A_4038 = arith.minsi %min3A_4037, %max3A_4036 : vector<16xi32>
    %shift_left3A_4039 = arith.constant 1 : i32
    %shift_left3A_4040 = vector.broadcast %shift_left3A_4039 : i32 to vector<16xi32>
    %shift_left3A_4041 = arith.shli %shift_left3A_4040, %min3A_4038 : vector<16xi32>
    %swap3A_4042 = arith.constant 928 : index
    %swap3A_4043 = tpu.vector_load %arg5[%swap3A_4042] {strides = array<i32>} : memref<1024xi32, #tpu.memory_space<vmem>>, vector<16xi32>,
    %swap3A_4044 = vector.shape_cast %swap3A_4043 : vector<16xi32> to vector<16xi32>
    %swap3A_4045 = vector.shape_cast %shift_left3A_4041 : vector<16xi32> to vector<16xi32>
    tpu.vector_store %arg5[%swap3A_4042], %swap3A_4045 {strides = array<i32>} : memref<1024xi32, #tpu.memory_space<vmem>>, vector<16xi32>,
    %add3A_4046 = arith.constant 944 : i32
    %add3A_4047 = arith.addi %mul3A_32, %add3A_4046 : i32
    %get3A_4048 = arith.index_cast %add3A_4047 : i32 to index
    %get3A_4049 = tpu.vector_load %arg4[%get3A_4048] {strides = array<i32>} : memref<8192xf32, #tpu.memory_space<vmem>>, vector<16xf32>,
    %get3A_4050 = vector.shape_cast %get3A_4049 : vector<16xf32> to vector<16xf32>
    %sub3A_4051 = arith.subf %get3A_4050, %min3A_2624 : vector<16xf32>
    %div3A_4052 = arith.divf %sub3A_4051, %add3A_2632 : vector<16xf32>
    %mul3A_4053 = arith.constant 3.99999905 : f32
    %mul3A_4054 = vector.broadcast %mul3A_4053 : f32 to vector<16xf32>
    %mul3A_4055 = arith.mulf %div3A_4052, %mul3A_4054 : vector<16xf32>
    %convert_element_type3A_4056 = arith.fptosi %mul3A_4055 : vector<16xf32> to vector<16xi32>
    %jit3A_4057 = arith.constant 0 : i32
    %jit3A_4058 = arith.constant 3 : i32
    %max3A_4059 = vector.broadcast %jit3A_4057 : i32 to vector<16xi32>
    %max3A_4060 = arith.maxsi %max3A_4059, %convert_element_type3A_4056 : vector<16xi32>
    %min3A_4061 = vector.broadcast %jit3A_4058 : i32 to vector<16xi32>
    %min3A_4062 = arith.minsi %min3A_4061, %max3A_4060 : vector<16xi32>
    %shift_left3A_4063 = arith.constant 1 : i32
    %shift_left3A_4064 = vector.broadcast %shift_left3A_4063 : i32 to vector<16xi32>
    %shift_left3A_4065 = arith.shli %shift_left3A_4064, %min3A_4062 : vector<16xi32>
    %swap3A_4066 = arith.constant 944 : index
    %swap3A_4067 = tpu.vector_load %arg5[%swap3A_4066] {strides = array<i32>} : memref<1024xi32, #tpu.memory_space<vmem>>, vector<16xi32>,
    %swap3A_4068 = vector.shape_cast %swap3A_4067 : vector<16xi32> to vector<16xi32>
    %swap3A_4069 = vector.shape_cast %shift_left3A_4065 : vector<16xi32> to vector<16xi32>
    tpu.vector_store %arg5[%swap3A_4066], %swap3A_4069 {strides = array<i32>} : memref<1024xi32, #tpu.memory_space<vmem>>, vector<16xi32>,
    %add3A_4070 = arith.constant 960 : i32
    %add3A_4071 = arith.addi %mul3A_32, %add3A_4070 : i32
    %get3A_4072 = arith.index_cast %add3A_4071 : i32 to index
    %get3A_4073 = tpu.vector_load %arg4[%get3A_4072] {strides = array<i32>} : memref<8192xf32, #tpu.memory_space<vmem>>, vector<16xf32>,
    %get3A_4074 = vector.shape_cast %get3A_4073 : vector<16xf32> to vector<16xf32>
    %sub3A_4075 = arith.subf %get3A_4074, %min3A_2624 : vector<16xf32>
    %div3A_4076 = arith.divf %sub3A_4075, %add3A_2632 : vector<16xf32>
    %mul3A_4077 = arith.constant 3.99999905 : f32
    %mul3A_4078 = vector.broadcast %mul3A_4077 : f32 to vector<16xf32>
    %mul3A_4079 = arith.mulf %div3A_4076, %mul3A_4078 : vector<16xf32>
    %convert_element_type3A_4080 = arith.fptosi %mul3A_4079 : vector<16xf32> to vector<16xi32>
    %jit3A_4081 = arith.constant 0 : i32
    %jit3A_4082 = arith.constant 3 : i32
    %max3A_4083 = vector.broadcast %jit3A_4081 : i32 to vector<16xi32>
    %max3A_4084 = arith.maxsi %max3A_4083, %convert_element_type3A_4080 : vector<16xi32>
    %min3A_4085 = vector.broadcast %jit3A_4082 : i32 to vector<16xi32>
    %min3A_4086 = arith.minsi %min3A_4085, %max3A_4084 : vector<16xi32>
    %shift_left3A_4087 = arith.constant 1 : i32
    %shift_left3A_4088 = vector.broadcast %shift_left3A_4087 : i32 to vector<16xi32>
    %shift_left3A_4089 = arith.shli %shift_left3A_4088, %min3A_4086 : vector<16xi32>
    %swap3A_4090 = arith.constant 960 : index
    %swap3A_4091 = tpu.vector_load %arg5[%swap3A_4090] {strides = array<i32>} : memref<1024xi32, #tpu.memory_space<vmem>>, vector<16xi32>,
    %swap3A_4092 = vector.shape_cast %swap3A_4091 : vector<16xi32> to vector<16xi32>
    %swap3A_4093 = vector.shape_cast %shift_left3A_4089 : vector<16xi32> to vector<16xi32>
    tpu.vector_store %arg5[%swap3A_4090], %swap3A_4093 {strides = array<i32>} : memref<1024xi32, #tpu.memory_space<vmem>>, vector<16xi32>,
    %add3A_4094 = arith.constant 976 : i32
    %add3A_4095 = arith.addi %mul3A_32, %add3A_4094 : i32
    %get3A_4096 = arith.index_cast %add3A_4095 : i32 to index
    %get3A_4097 = tpu.vector_load %arg4[%get3A_4096] {strides = array<i32>} : memref<8192xf32, #tpu.memory_space<vmem>>, vector<16xf32>,
    %get3A_4098 = vector.shape_cast %get3A_4097 : vector<16xf32> to vector<16xf32>
    %sub3A_4099 = arith.subf %get3A_4098, %min3A_2624 : vector<16xf32>
    %div3A_4100 = arith.divf %sub3A_4099, %add3A_2632 : vector<16xf32>
    %mul3A_4101 = arith.constant 3.99999905 : f32
    %mul3A_4102 = vector.broadcast %mul3A_4101 : f32 to vector<16xf32>
    %mul3A_4103 = arith.mulf %div3A_4100, %mul3A_4102 : vector<16xf32>
    %convert_element_type3A_4104 = arith.fptosi %mul3A_4103 : vector<16xf32> to vector<16xi32>
    %jit3A_4105 = arith.constant 0 : i32
    %jit3A_4106 = arith.constant 3 : i32
    %max3A_4107 = vector.broadcast %jit3A_4105 : i32 to vector<16xi32>
    %max3A_4108 = arith.maxsi %max3A_4107, %convert_element_type3A_4104 : vector<16xi32>
    %min3A_4109 = vector.broadcast %jit3A_4106 : i32 to vector<16xi32>
    %min3A_4110 = arith.minsi %min3A_4109, %max3A_4108 : vector<16xi32>
    %shift_left3A_4111 = arith.constant 1 : i32
    %shift_left3A_4112 = vector.broadcast %shift_left3A_4111 : i32 to vector<16xi32>
    %shift_left3A_4113 = arith.shli %shift_left3A_4112, %min3A_4110 : vector<16xi32>
    %swap3A_4114 = arith.constant 976 : index
    %swap3A_4115 = tpu.vector_load %arg5[%swap3A_4114] {strides = array<i32>} : memref<1024xi32, #tpu.memory_space<vmem>>, vector<16xi32>,
    %swap3A_4116 = vector.shape_cast %swap3A_4115 : vector<16xi32> to vector<16xi32>
    %swap3A_4117 = vector.shape_cast %shift_left3A_4113 : vector<16xi32> to vector<16xi32>
    tpu.vector_store %arg5[%swap3A_4114], %swap3A_4117 {strides = array<i32>} : memref<1024xi32, #tpu.memory_space<vmem>>, vector<16xi32>,
    %add3A_4118 = arith.constant 992 : i32
    %add3A_4119 = arith.addi %mul3A_32, %add3A_4118 : i32
    %get3A_4120 = arith.index_cast %add3A_4119 : i32 to index
    %get3A_4121 = tpu.vector_load %arg4[%get3A_4120] {strides = array<i32>} : memref<8192xf32, #tpu.memory_space<vmem>>, vector<16xf32>,
    %get3A_4122 = vector.shape_cast %get3A_4121 : vector<16xf32> to vector<16xf32>
    %sub3A_4123 = arith.subf %get3A_4122, %min3A_2624 : vector<16xf32>
    %div3A_4124 = arith.divf %sub3A_4123, %add3A_2632 : vector<16xf32>
    %mul3A_4125 = arith.constant 3.99999905 : f32
    %mul3A_4126 = vector.broadcast %mul3A_4125 : f32 to vector<16xf32>
    %mul3A_4127 = arith.mulf %div3A_4124, %mul3A_4126 : vector<16xf32>
    %convert_element_type3A_4128 = arith.fptosi %mul3A_4127 : vector<16xf32> to vector<16xi32>
    %jit3A_4129 = arith.constant 0 : i32
    %jit3A_4130 = arith.constant 3 : i32
    %max3A_4131 = vector.broadcast %jit3A_4129 : i32 to vector<16xi32>
    %max3A_4132 = arith.maxsi %max3A_4131, %convert_element_type3A_4128 : vector<16xi32>
    %min3A_4133 = vector.broadcast %jit3A_4130 : i32 to vector<16xi32>
    %min3A_4134 = arith.minsi %min3A_4133, %max3A_4132 : vector<16xi32>
    %shift_left3A_4135 = arith.constant 1 : i32
    %shift_left3A_4136 = vector.broadcast %shift_left3A_4135 : i32 to vector<16xi32>
    %shift_left3A_4137 = arith.shli %shift_left3A_4136, %min3A_4134 : vector<16xi32>
    %swap3A_4138 = arith.constant 992 : index
    %swap3A_4139 = tpu.vector_load %arg5[%swap3A_4138] {strides = array<i32>} : memref<1024xi32, #tpu.memory_space<vmem>>, vector<16xi32>,
    %swap3A_4140 = vector.shape_cast %swap3A_4139 : vector<16xi32> to vector<16xi32>
    %swap3A_4141 = vector.shape_cast %shift_left3A_4137 : vector<16xi32> to vector<16xi32>
    tpu.vector_store %arg5[%swap3A_4138], %swap3A_4141 {strides = array<i32>} : memref<1024xi32, #tpu.memory_space<vmem>>, vector<16xi32>,
    %add3A_4142 = arith.constant 1008 : i32
    %add3A_4143 = arith.addi %mul3A_32, %add3A_4142 : i32
    %get3A_4144 = arith.index_cast %add3A_4143 : i32 to index
    %get3A_4145 = tpu.vector_load %arg4[%get3A_4144] {strides = array<i32>} : memref<8192xf32, #tpu.memory_space<vmem>>, vector<16xf32>,
    %get3A_4146 = vector.shape_cast %get3A_4145 : vector<16xf32> to vector<16xf32>
    %sub3A_4147 = arith.subf %get3A_4146, %min3A_2624 : vector<16xf32>
    %div3A_4148 = arith.divf %sub3A_4147, %add3A_2632 : vector<16xf32>
    %mul3A_4149 = arith.constant 3.99999905 : f32
    %mul3A_4150 = vector.broadcast %mul3A_4149 : f32 to vector<16xf32>
    %mul3A_4151 = arith.mulf %div3A_4148, %mul3A_4150 : vector<16xf32>
    %convert_element_type3A_4152 = arith.fptosi %mul3A_4151 : vector<16xf32> to vector<16xi32>
    %jit3A_4153 = arith.constant 0 : i32
    %jit3A_4154 = arith.constant 3 : i32
    %max3A_4155 = vector.broadcast %jit3A_4153 : i32 to vector<16xi32>
    %max3A_4156 = arith.maxsi %max3A_4155, %convert_element_type3A_4152 : vector<16xi32>
    %min3A_4157 = vector.broadcast %jit3A_4154 : i32 to vector<16xi32>
    %min3A_4158 = arith.minsi %min3A_4157, %max3A_4156 : vector<16xi32>
    %shift_left3A_4159 = arith.constant 1 : i32
    %shift_left3A_4160 = vector.broadcast %shift_left3A_4159 : i32 to vector<16xi32>
    %shift_left3A_4161 = arith.shli %shift_left3A_4160, %min3A_4158 : vector<16xi32>
    %swap3A_4162 = arith.constant 1008 : index
    %swap3A_4163 = tpu.vector_load %arg5[%swap3A_4162] {strides = array<i32>} : memref<1024xi32, #tpu.memory_space<vmem>>, vector<16xi32>,
    %swap3A_4164 = vector.shape_cast %swap3A_4163 : vector<16xi32> to vector<16xi32>
    %swap3A_4165 = vector.shape_cast %shift_left3A_4161 : vector<16xi32> to vector<16xi32>
    tpu.vector_store %arg5[%swap3A_4162], %swap3A_4165 {strides = array<i32>} : memref<1024xi32, #tpu.memory_space<vmem>>, vector<16xi32>,
    "tpu.region"() ({
      %run_scoped3A = tpu.sem_alloc : memref<!tpu.dma_semaphore, #tpu.memory_space<semaphore_mem>>
      %dma_start3A = tpu.memref_slice %arg3[%select_n3A, %mul3A_32] : memref<4x8192xi32, #tpu.memory_space<hbm>> -> memref<1x1024xi32, #tpu.memory_space<hbm>>
      %dma_start3A_4166 = tpu.memref_squeeze %dma_start3A : memref<1x1024xi32, #tpu.memory_space<hbm>> -> memref<1024xi32, #tpu.memory_space<hbm>>
      %dma_start3A_4167 = tpu.memref_slice %arg3[%select_n3A, %mul3A_32] : memref<4x8192xi32, #tpu.memory_space<hbm>> -> memref<1x1024xi32, #tpu.memory_space<hbm>>
      %dma_start3A_4168 = tpu.memref_squeeze %dma_start3A_4167 : memref<1x1024xi32, #tpu.memory_space<hbm>> -> memref<1024xi32, #tpu.memory_space<hbm>>
      tpu.enqueue_dma source(%arg5 : memref<1024xi32, #tpu.memory_space<vmem>>) target(%dma_start3A_4168 : memref<1024xi32, #tpu.memory_space<hbm>>) target_semaphore(%run_scoped3A : memref<!tpu.dma_semaphore, #tpu.memory_space<semaphore_mem>>)
      %dma_wait3A = tpu.memref_slice %arg3[%select_n3A, %mul3A_32] : memref<4x8192xi32, #tpu.memory_space<hbm>> -> memref<1x1024xi32, #tpu.memory_space<hbm>>
      %dma_wait3A_4169 = tpu.memref_squeeze %dma_wait3A : memref<1x1024xi32, #tpu.memory_space<hbm>> -> memref<1024xi32, #tpu.memory_space<hbm>>
      %dma_wait3A_4170 = tpu.memref_slice %arg3[%select_n3A, %mul3A_32] : memref<4x8192xi32, #tpu.memory_space<hbm>> -> memref<1x1024xi32, #tpu.memory_space<hbm>>
      %dma_wait3A_4171 = tpu.memref_squeeze %dma_wait3A_4170 : memref<1x1024xi32, #tpu.memory_space<hbm>> -> memref<1024xi32, #tpu.memory_space<hbm>>
      tpu.wait_dma2 semaphore(%run_scoped3A : memref<!tpu.dma_semaphore, #tpu.memory_space<semaphore_mem>>) src(%arg5 : memref<1024xi32, #tpu.memory_space<vmem>>) dst(%dma_wait3A_4171 : memref<1024xi32, #tpu.memory_space<hbm>>)
      tpu.yield
    }) : () -> ()
    return
  }
}

module attributes {stable_mosaic.version = 14 : i64} {
  func.func @_norm_kernel(%arg0: i32, %arg1: memref<4x256x2048xf32, #tpu.memory_space<vmem>>, %arg2: memref<4x8192xf32, #tpu.memory_space<vmem>>) attributes {dimension_semantics = [#tpu.dimension_semantics<arbitrary>], iteration_bounds = array<i64: 32>, scalar_prefetch = 0 : i64, scratch_operands = 0 : i64, tpu.core_type = #tpu.core_type<tc>, window_params = [{transform_indices = @transform_0, window_bounds = array<i64: 4, 256, 2048>}, {pipeline_mode = #tpu.pipeline_mode<synchronous>, transform_indices = @transform_1, window_bounds = array<i64: 4, 8192>}]} {
    %get3A = arith.constant 0 : index
    %get3A_0 = arith.constant 0 : index
    %get3A_1 = arith.constant 0 : index
    %get3A_2 = vector.load %arg1[%get3A, %get3A_0, %get3A_1] : memref<4x256x2048xf32, #tpu.memory_space<vmem>>, vector<4x256x2048xf32>
    %mul3A = arith.mulf %get3A_2, %get3A_2 : vector<4x256x2048xf32>
    %reduce_sum3A = arith.constant dense<0.000000e+00> : vector<4x256xf32>
    %reduce_sum3A_3 = vector.multi_reduction <add>, %mul3A, %reduce_sum3A [2] : vector<4x256x2048xf32> to vector<4x256xf32>
    %sqrt3A = math.sqrt %reduce_sum3A_3 : vector<4x256xf32>
    %mul3A_4 = arith.constant 256 : i32
    %mul3A_5 = arith.muli %arg0, %mul3A_4 : i32
    %swap3A = arith.constant 0 : index
    %swap3A_6 = arith.index_cast %mul3A_5 : i32 to index
    %swap3A_7 = vector.load %arg2[%swap3A, %swap3A_6] : memref<4x8192xf32, #tpu.memory_space<vmem>>, vector<4x256xf32>
    tpu.vector_store %arg2[%swap3A, %swap3A_6], %sqrt3A {strides = array<i32>} : memref<4x8192xf32, #tpu.memory_space<vmem>>, vector<4x256xf32>,
    return
  }
  func.func @transform_0(%arg0: i32) -> (i32, i32, i32) {
    %c0_i32 = arith.constant 0 : i32
    %c0_i32_0 = arith.constant 0 : i32
    %c0_i32_1 = arith.constant 0 : i32
    return %c0_i32, %arg0, %c0_i32_0 : i32, i32, i32
  }
  func.func @transform_1(%arg0: i32) -> (i32, i32) {
    %c0_i32 = arith.constant 0 : i32
    %c0_i32_0 = arith.constant 0 : i32
    %c0_i32_1 = arith.constant 0 : i32
    return %c0_i32, %c0_i32_0 : i32, i32
  }
}

</mosaic_0001>

<sc_bundles>
// kernel: kernel.4.cloned.1.call-start
scs
__scs_entry_jumppad:
0x0: {  	(pc) =	sbr.rel $0x88, $3  }
0x1: {  	(tag) =	ssettag $0x0;
	lr =	simm.s32 $0x1  }
0x2: {  	[smem:$0x3FA0] =	sst lr;
	_ =	strace $0xD0000000  }
0x3: {  	_ = 	snop  }
0x4: {  	_ = 	snop  }
0x5: {  	_ = 	snop  }
0x6: {  	_ = 	snop  }
0x7: {  	_ = 	snop  }
__scs_overlays_trampoline_lowered:
0x8: {  	[smem:$0x3FAF] =	sst s0  }
0x9: {  	[smem:$0x3FB0] =	sst s1  }
0xa: {  	[smem:$0x3FB1] =	sst s2  }
0xb: {  	[smem:$0x3FB2] =	sst s3  }
0xc: {  	[smem:$0x3FB3] =	sst s4  }
0xd: {  	[smem:$0x3FB4] =	sst s5  }
0xe: {  	[smem:$0x3FB5] =	sst s6  }
0xf: {  	[smem:$0x3FB6] =	sst s7  }
0x10: {  	[smem:$0x3FB7] =	sst s8  }
0x11: {  	[smem:$0x3FB8] =	sst s9;
	s0 =	simm.s32 @!p0 $0x0  }
0x12: {  	s1 =	sld [smem:$0x3F9E];
	s0 =	simm.s32 @p0 $0x1  }
0x13: {  	[smem:$0x3FB9] =	sst s0;
	s0 =	simm.s32 @!p1 $0x0  }
0x14: {  	s2 =	sld [smem:$0x3F9D];
	s0 =	simm.s32 @p1 $0x1  }
0x15: {  	[smem:$0x3FBA] =	sst s0;
	s0 =	simm.s32 @!p2 $0x0  }
0x16: {  	s3 =	sld [smem:$0x3FDB];
	s0 =	simm.s32 @p2 $0x1  }
0x17: {  	s4 =	simm.s32 $0x1BF5;
	[smem:$0x3FBC] =	sst s0  }
0x18: {  	s0 =	sld [smem:$0x3F9F];
	_ =	swait.ge [sflag:s4], $0x0  }
0x19: {  	s7 =	sld [smem:$0x3FA0]  }
0x1a: {  	s8 =	sadd.s32 $0xFFFFE003, lr  }
0x1b: {  	s9 =	sadd.s32 $0xFFFFFEF7, lr;
	s5 =	simm.s32 $0xFFFFFFFF;
	p2 =	slt.u32 s8, $0xFFFFF086  }
0x1c: {  	p1 =	slt.u32 s9, $0xF7A;
	s5 =	simm.s32 @!p2 $0x0  }
0x1d: {  	s5 =	simm.s32 @p1 $0x1;
	p0 =	seq.s32 s7, s2  }
0x1e: {  	s7 =	smul.u32 @!p0 $0xF7A, s2;
	p2 =	seq.s32 @!p0 s5, $0x0  }
0x1f: {  	s9 =	smul.u32 $0xF7A, s1;
	s8 =	simm.s32 @!p0 $0x1BF5;
	p2 =	por !p2, p0  }
0x20: {  	[sflag:s8] =	ssyncset.s32 @!p0 $0xFFFFF086;
	s6 =	sadd.s32 @!p0 s3, s7;
	s7 =	simm.s32 @!p0 $0x108  }
0x21: {  	s3 =	sadd.s32 s3, s9;
	s6 =	sadd.s32 @!p0 $0x88, s6;
	s7 =	simm.s32 @p2 $0x1082  }
0x22: {  	[simem:s7], [sflag:s8] =	dma.local @!p0 [hbm:s6], $0xF7A  }
0x23: {  	s9 =	sor.u32 $0xD0000000, s2;
	s6 =	simm.s32 $0x108;
	_ =	swait.ge @!p0 [sflag:s8], $0x0  }
0x24: {  	s3 =	sadd.s32 $0x88, s3;
	s6 =	simm.s32 @!p1 $0x1082;
	[sflag:s4] =	ssyncset.s32 $0xFFFFF086  }
0x25: {  	[simem:s6], [sflag:s4] =	dma.local [hbm:s3], $0xF7A  }
0x26: {  	[smem:$0x3FA0] =	sst s1;
	(tag) =	ssettag s2;
	_ =	strace s9  }
0x27: {  	s1 =	sld [smem:$0x3FB0]  }
0x28: {  	s2 =	sld [smem:$0x3FB1]  }
0x29: {  	s4 =	sld [smem:$0x3FB3]  }
0x2a: {  	p0 =	seq.s32 s5, $0x0;
	s5 =	sld [smem:$0x3FB4]  }
0x2b: {  	s6 =	sld [smem:$0x3FB5]  }
0x2c: {  	s7 =	sld [smem:$0x3FB6]  }
0x2d: {  	s3 =	simm.s32 $0x108;
	s8 =	sld [smem:$0x3FB7]  }
0x2e: {  	s3 =	simm.s32 @!p0 $0x1082;
	s9 =	sld [smem:$0x3FB8]  }
0x2f: {  	lr =	sadd.s32 s0, s3;
	s0 =	sld [smem:$0x3FAF]  }
0x30: {  	s3 =	sld [smem:$0x3FB2]  }
0x31: {  	[smem:$0x3FBB] =	sst s10  }
0x32: {  	s10 =	sld [smem:$0x3FB9];
	_ =	sdelay $0x3  }
0x33: {  	p0 =	seq.s32 s10, $0x1;
	s10 =	sld [smem:$0x3FBB];
	_ =	sdelay $0x3  }
0x34: {  	[smem:$0x3FBB] =	sst s10  }
0x35: {  	s10 =	sld [smem:$0x3FBA];
	_ =	sdelay $0x3  }
0x36: {  	p1 =	seq.s32 s10, $0x1;
	s10 =	sld [smem:$0x3FBB];
	_ =	sdelay $0x3  }
0x37: {  	[smem:$0x3FBB] =	sst s10  }
0x38: {  	s10 =	sld [smem:$0x3FBC]  }
0x39: {  	_ = 	snop;
	(pc) =	sbr.ind lr, $3  }
0x3a: {  	_ = 	snop  }
0x3b: {  	_ = 	snop  }
0x3c: {  	p2 =	seq.s32 s10, $0x1;
	s10 =	sld [smem:$0x3FBB]  }
0x3d: {  	_ =	shalt  }
0x3e: {  	_ =	shalt  }
0x3f: {  	_ =	shalt  }
0x40: {  	_ =	shalt  }
0x41: {  	_ =	shalt  }
0x42: {  	_ =	shalt  }
0x43: {  	_ =	shalt  }
0x44: {  	_ =	shalt  }
0x45: {  	_ =	shalt  }
0x46: {  	_ =	shalt  }
0x47: {  	_ =	shalt  }
0x48: {  	_ =	shalt  }
0x49: {  	_ =	shalt  }
0x4a: {  	_ =	shalt  }
0x4b: {  	_ =	shalt  }
0x4c: {  	_ =	shalt  }
0x4d: {  	_ =	shalt  }
0x4e: {  	_ =	shalt  }
0x4f: {  	_ =	shalt  }
0x50: {  	_ =	shalt  }
0x51: {  	_ =	shalt  }
0x52: {  	_ =	shalt  }
0x53: {  	_ =	shalt  }
0x54: {  	_ =	shalt  }
0x55: {  	_ =	shalt  }
0x56: {  	_ =	shalt  }
0x57: {  	_ =	shalt  }
0x58: {  	_ =	shalt  }
0x59: {  	_ =	shalt  }
0x5a: {  	_ =	shalt  }
0x5b: {  	_ =	shalt  }
0x5c: {  	_ =	shalt  }
0x5d: {  	_ =	shalt  }
0x5e: {  	_ =	shalt  }
0x5f: {  	_ =	shalt  }
0x60: {  	_ =	shalt  }
0x61: {  	_ =	shalt  }
0x62: {  	_ =	shalt  }
0x63: {  	_ =	shalt  }
0x64: {  	_ =	shalt  }
0x65: {  	_ =	shalt  }
0x66: {  	_ =	shalt  }
0x67: {  	_ =	shalt  }
0x68: {  	_ =	shalt  }
0x69: {  	_ =	shalt  }
0x6a: {  	_ =	shalt  }
0x6b: {  	_ =	shalt  }
0x6c: {  	_ =	shalt  }
0x6d: {  	_ =	shalt  }
0x6e: {  	_ =	shalt  }
0x6f: {  	_ =	shalt  }
0x70: {  	_ =	shalt  }
0x71: {  	_ =	shalt  }
0x72: {  	_ =	shalt  }
0x73: {  	_ =	shalt  }
0x74: {  	_ =	shalt  }
0x75: {  	_ =	shalt  }
0x76: {  	_ =	shalt  }
0x77: {  	_ =	shalt  }
0x78: {  	_ =	shalt  }
0x79: {  	_ =	shalt  }
0x7a: {  	_ =	shalt  }
0x7b: {  	_ =	shalt  }
0x7c: {  	_ =	shalt  }
0x7d: {  	_ =	shalt  }
0x7e: {  	_ =	shalt  }
0x7f: {  	_ =	shalt  }
0x80: {  	_ =	shalt  }
0x81: {  	_ =	shalt  }
0x82: {  	_ =	shalt  }
0x83: {  	_ =	shalt  }
0x84: {  	_ =	shalt  }
0x85: {  	_ =	shalt  }
0x86: {  	_ =	shalt  }
0x87: {  	_ =	shalt  }
.Lfunc_end0:
.L_simem_size_0:
called_computation_lowered:
.L_overlay_start_0:
0x88: {  	s2 =	sld [smem:$0x3FD9]  }
0x89: {  	s3 =	sld [smem:$0x3FFE];
	_ =	sdelay $0x1  }
0x8a: {  	s1 =	srdreg.scid  }
0x8b: {  	s0 =	sand.u32 $0x1, s1  }
0x8c: {  	s17 =	sshll.u32 s0, $0xA;
	s2 =	sadd.s32 s3, s2  }
0x8d: {  	s2 =	sadd.s32 s2, s17  }
0x8e: {  	[smem:$0x3FC7] =	sst s2  }
0x8f: {  	_ = 	snop  }
0x90: {  	s2 =	sld [smem:$0x3FD0];
	(tm) =	ssettm $0x1  }
0x91: {  	s18 =	sld [smem:$0x3FFB];
	_ =	sdelay $0x3  }
0x92: {  	_ =	strace s18  }
0x93: {  	s3 =	sld [smem:$0x3FFC];
	_ =	sdelay $0x3  }
0x94: {  	_ =	strace s3  }
0x95: {  	s3 =	sld [smem:$0x3FFD];
	_ =	sdelay $0x3  }
0x96: {  	_ =	strace s3  }
0x97: {  	_ =	strace $0x8FFFFFFF  }
0x98: {  	s19 =	sld [smem:$0x3FDB];
	_ =	sdelay $0x1  }
0x99: {  	s4 =	simm.s32 $_scs_section_size  }
0x9a: {  	s5 =	simm.s32 $_size__tile_overlayer_lowered;
	s6 =	simm.s32 $_tile_overlayer_lowered  }
0x9b: {  	s22 =	simm.s32 $0x1BFF;
	s21 =	sshll.u32 s6, $0x1;
	s3 =	sadd.s32 s4, s19  }
0x9c: {  	s7 =	simm.s32 $0x0;
	s20 =	sshll.u32 s5, $0x1;
	s5 =	sadd.s32 s21, s3  }
0x9d: {  	[timem:s7], [sflag:s22] =	dma.local [hbm:s5], s20  }
0x9e: {  	_ =	swait.ge [sflag:s22], s20  }
0x9f: {  	s4 =	ssub.s32 $0x0, s20;
	[sflag:s22] =	ssyncset.done $0x0  }
0xa0: {  	[sflag:s22] =	ssyncadd.s32 s4;
	_ =	sdelay $0x1  }
0xa1: {  	s23 =	simm.s32 $0x1B8B  }
0xa2: {  	_ =	swait.ge [sflag:s23], $0x1  }
0xa3: {  	[sflag:s23] =	ssyncset.done $0x0  }
0xa4: {  	s25 =	simm.s32 $0x1B8E;
	s24 =	sld [smem:$0x3FFE];
	[sflag:s23] =	ssyncadd.s32 $0xFFFFFFFF  }
0xa5: {  	s26 =	simm.s32 $execute0_lowered;
	[smem:$0x3FD2] =	sst s25  }
0xa6: {  	s5 =	sshll.u32 s26, $0x1;
	_ =	strace $0x80000046;
	[dreg:$0x1] =	wrdreg $0xFFFFFFFF  }
0xa7: {  	s28 =	simm.s32 $_size_execute0_lowered;
	s3 =	sadd.s32 s3, s5;
	[dreg:$0x0] =	wrdreg $0x0  }
0xa8: {  	s5 =	sshll.u32 s28, $0x1;
	[dreg:$0x2] =	wrdreg s3  }
0xa9: {  	[dreg:$0x3] =	wrdreg s5  }
0xaa: {  	[dreg:$0x4] =	wrdreg $0xC0  }
0xab: {  	_ =	task [dreg:s7], $0x5FFFF  }
0xac: {  	[dreg:$0x1] =	wrdreg $0xFFFFFFFF  }
0xad: {  	[dreg:$0x0] =	wrdreg $0x60  }
0xae: {  	[dreg:$0x2] =	wrdreg s24  }
0xaf: {  	[dreg:$0x3] =	wrdreg s2  }
0xb0: {  	[dreg:$0x4] =	wrdreg $0x9  }
0xb1: {  	_ =	task.clear_ibuf [dreg:s7], $0x5FFFF;
	_ =	strace $0x90000046  }
0xb2: {  	s29 =	simm.s32 $0x9;
	_ =	strace $0x80000048  }
0xb3: {  	_ =	swait.ge [sflag:s29], $0x1  }
0xb4: {  	[sflag:s29] =	ssyncadd.s32 $0xFFFFFFFF  }
0xb5: {  	_ =	strace $0x90000048  }
0xb6: {  	_ =	sfence  }
0xb7: {  	s30 =	sld [smem:$0x0];
	_ =	sdelay $0x2  }
0xb8: {  	s31 =	sshll.u32 s1, $0xD;
	s1 =	sshrl.u32 s1, $0x2  }
0xb9: {  	s3 =	sand.u32 $0x4000, s31;
	s1 =	sadd.s32 s1, s30  }
0xba: {  	s0 =	sor.u32 s3, s0;
	s1 =	sshll.u32 s1, $0x11  }
0xbb: {  	s0 =	sor.u32 s1, s0  }
0xbc: {  	s0 =	sadd.s32 $0x8F2B, s0  }
0xbd: {  	[sflag:s0] =	ssyncadd.remote.s32 $0x1  }
0xbe: {  	_ =	sfence.sel $0xFFFF  }
0xbf: {  	[dreg:$0x0] =	wrdreg $0xFFFFFFFF;
	(pc) =	sbr.abs _section_cstart, $3  }
0xc0: {  	[dreg:$0x1] =	wrdreg $0xFFFFFFFF  }
0xc1: {  	_ =	task.clear_ibuf [dreg:s7], $0x2FFFF;
	_ =	strace $0x9FFFFFFF  }
0xc2: {  	(tm) =	ssettm $0x7FFFFFFF  }
0xc3: {  	_ =	shalt  }
tec
execute0_lowered:
.L_overlay_start_1:
0x0: {  	(tag) =	ssettag $0x1  }
0x1: {  	v0 =	vimm.s32 $0xFEDCBA98;
	s3 =	rddreg [dreg:$0x0];
	v1 =	vimm.s32 $0x76543210  }
0x2: {  	s5 =	rddreg [dreg:$0x1];
	v2 =	vimm.s32 $0xBA98FEDC;
	v3 =	vimm.s32 $0x32107654;
	v4 =	vimm.s32 $0xDCFE98BA  }
0x3: {  	s0 =	rddreg [dreg:$0x2];
	v5 =	vimm.s32 $0x54761032;
	v6 =	vimm.s32 $0xEFCDAB89;
	v7 =	vimm.s32 $0x67452301  }
0x4: {  	s1 =	simm.s32 $0x0;
	s2 =	stileid.u32;
	s4 =	srdreg.scid;
	v0 =	vunpack.c.l.s4.s8 v0;
	v1 =	vunpack.c.l.s4.s8 v1;
	v2 =	vunpack.c.l.s4.s8 v2  }
0x5: {  	s10 =	simm.s32 $0x2000;
	[smem:$0x7FF] =	sst s1;
	v3 =	vunpack.c.l.s4.s8 v3;
	v4 =	vunpack.c.l.s4.s8 v4;
	s6 =	sshll.u32 s2, $0x1;
	v5 =	vunpack.c.l.s4.s8 v5  }
0x6: {  	s7 =	sshll.u32 s2, $0x5;
	s4 =	sand.u32 $0x1, s4;
	v6 =	vunpack.c.l.s4.s8 v6;
	v7 =	vunpack.c.l.s4.s8 v7;
	_ =	strace $0x80000047;
	v0 =	vunpack.c.0.s8.s32 v0  }
0x7: {  	s6 =	sand.u32 $0x6, s6;
	s7 =	sand.u32 $0x180, s7;
	s8 =	ssub.s32 $0x2, s4;
	v2 =	vunpack.c.0.s8.s32 v2;
	v3 =	vunpack.c.0.s8.s32 v3;
	v4 =	vunpack.c.0.s8.s32 v4  }
0x8: {  	s4 =	sor.u32 s4, s6;
	s30 =	sshrl.u32 s7, $0x3;
	s9 =	sshrl.u32 s8, $0x1;
	v5 =	vunpack.c.0.s8.s32 v5;
	v6 =	vunpack.c.0.s8.s32 v6;
	v7 =	vunpack.c.0.s8.s32 v7  }
0x9: {  	v1 =	vunpack.c.0.s8.s32 v1;
	s4 =	sshll.u32 s4, $0xC;
	s3 =	sadd.s32 s30, s3;
	s31 =	ssub.s32 s8, s9;
	v2 =	vcombine.low v3, v2  }
0xa: {  	s8 =	simm.s32 $0x200;
	s9 =	simm.s32 $0x1;
	s7 =	sor.u32 s7, s4;
	v3 =	vcombine.low v5, v4;
	v4 =	vcombine.low v7, v6;
	v0 =	vand.u32 $0xF, v0  }
0xb: {  	s3 =	sadd.s32 $0x600, s3;
	s4 =	sshrl.u32 s4, $0x2;
	s7 =	sshrl.u32 s7, $0x3;
	v0 =	vcombine.low v0, v1;
	v1 =	vand.u32 $0xF, v2  }
0xc: {  	s6 =	smax.u32 s31, $0x1;
	s5 =	sadd.s32 s5, s7;
	s7 =	simm.s32 $0x80;
	v2 =	vand.u32 $0xF, v3;
	v3 =	vand.u32 $0xF, v4;
	v4 =	vimm.s32 $0x1  }
.LBB2_1:
0xd: {  	[tilespmem:s1], [sflag:$0x1] =	stream.strided.gather [hbm4b:s3+s7], $0x2000, s8, s7, $0x38;
	[tilespmem:$0x2400] =	vst v63  }
0xe: {  	_ =	swait.ge [sflag:s9], $0x2000  }
0xf: {  	[sflag:s9] =	ssyncset.done $0x0  }
0x10: {  	[sflag:s9] =	ssyncadd.s32 $0xFFFFE000  }
0x11: {  	v5 =	vld [tilespmem:$0x0]  }
0x12: {  	v6 =	vld [tilespmem:$0x10]  }
0x13: {  	v7 =	vld [tilespmem:$0x20]  }
0x14: {  	v8 =	vld [tilespmem:$0x30]  }
0x15: {  	v9 =	vld [tilespmem:$0x40]  }
0x16: {  	v10 =	vld [tilespmem:$0x50]  }
0x17: {  	v11 =	vmin.f32 v5, v6;
	v5 =	vmax.f32 v5, v6;
	v6 =	vld [tilespmem:$0x60]  }
0x18: {  	v11 =	vmin.f32 v11, v7;
	v5 =	vmax.f32 v5, v7;
	v7 =	vld [tilespmem:$0x70]  }
0x19: {  	v20 =	vld [tilespmem:$0x80];
	v11 =	vmin.f32 v11, v8;
	v5 =	vmax.f32 v5, v8  }
0x1a: {  	v21 =	vld [tilespmem:$0x90];
	v11 =	vmin.f32 v11, v9;
	v5 =	vmax.f32 v5, v9  }
0x1b: {  	v22 =	vld [tilespmem:$0xA0];
	v11 =	vmin.f32 v11, v10;
	v5 =	vmax.f32 v5, v10  }
0x1c: {  	v11 =	vmin.f32 v11, v6;
	v5 =	vmax.f32 v5, v6;
	v6 =	vld [tilespmem:$0xB0]  }
0x1d: {  	v11 =	vmin.f32 v11, v7;
	v5 =	vmax.f32 v5, v7;
	v7 =	vld [tilespmem:$0xC0]  }
0x1e: {  	v23 =	vld [tilespmem:$0xD0];
	v11 =	vmin.f32 v11, v20;
	v5 =	vmax.f32 v5, v20  }
0x1f: {  	v24 =	vld [tilespmem:$0xE0];
	v11 =	vmin.f32 v11, v21;
	v5 =	vmax.f32 v5, v21  }
0x20: {  	v25 =	vld [tilespmem:$0xF0];
	v11 =	vmin.f32 v11, v22;
	v5 =	vmax.f32 v5, v22  }
0x21: {  	v11 =	vmin.f32 v11, v6;
	v5 =	vmax.f32 v5, v6;
	v6 =	vld [tilespmem:$0x100]  }
0x22: {  	v11 =	vmin.f32 v11, v7;
	v5 =	vmax.f32 v5, v7;
	v7 =	vld [tilespmem:$0x110]  }
0x23: {  	v26 =	vld [tilespmem:$0x120];
	v11 =	vmin.f32 v11, v23;
	v5 =	vmax.f32 v5, v23  }
0x24: {  	v27 =	vld [tilespmem:$0x130];
	v11 =	vmin.f32 v11, v24;
	v5 =	vmax.f32 v5, v24  }
0x25: {  	v28 =	vld [tilespmem:$0x140];
	v11 =	vmin.f32 v11, v25;
	v5 =	vmax.f32 v5, v25  }
0x26: {  	v11 =	vmin.f32 v11, v6;
	v5 =	vmax.f32 v5, v6;
	v6 =	vld [tilespmem:$0x150]  }
0x27: {  	v11 =	vmin.f32 v11, v7;
	v5 =	vmax.f32 v5, v7;
	v7 =	vld [tilespmem:$0x160]  }
0x28: {  	v29 =	vld [tilespmem:$0x170];
	v11 =	vmin.f32 v11, v26;
	v5 =	vmax.f32 v5, v26  }
0x29: {  	v30 =	vld [tilespmem:$0x180];
	v11 =	vmin.f32 v11, v27;
	v5 =	vmax.f32 v5, v27  }
0x2a: {  	v31 =	vld [tilespmem:$0x190];
	v11 =	vmin.f32 v11, v28;
	v5 =	vmax.f32 v5, v28  }
0x2b: {  	v11 =	vmin.f32 v11, v6;
	v5 =	vmax.f32 v5, v6;
	v6 =	vld [tilespmem:$0x1A0]  }
0x2c: {  	v11 =	vmin.f32 v11, v7;
	v5 =	vmax.f32 v5, v7;
	v7 =	vld [tilespmem:$0x1B0]  }
0x2d: {  	v32 =	vld [tilespmem:$0x1C0];
	v11 =	vmin.f32 v11, v29;
	v5 =	vmax.f32 v5, v29  }
0x2e: {  	v33 =	vld [tilespmem:$0x1D0];
	v11 =	vmin.f32 v11, v30;
	v5 =	vmax.f32 v5, v30  }
0x2f: {  	v34 =	vld [tilespmem:$0x1E0];
	v11 =	vmin.f32 v11, v31;
	v5 =	vmax.f32 v5, v31  }
0x30: {  	v11 =	vmin.f32 v11, v6;
	v5 =	vmax.f32 v5, v6;
	v6 =	vld [tilespmem:$0x1F0]  }
0x31: {  	v11 =	vmin.f32 v11, v7;
	v5 =	vmax.f32 v5, v7;
	v7 =	vld [tilespmem:$0x200]  }
0x32: {  	v35 =	vld [tilespmem:$0x210];
	v11 =	vmin.f32 v11, v32;
	v5 =	vmax.f32 v5, v32  }
0x33: {  	v36 =	vld [tilespmem:$0x220];
	v11 =	vmin.f32 v11, v33;
	v5 =	vmax.f32 v5, v33  }
0x34: {  	v37 =	vld [tilespmem:$0x230];
	v11 =	vmin.f32 v11, v34;
	v5 =	vmax.f32 v5, v34  }
0x35: {  	v11 =	vmin.f32 v11, v6;
	v5 =	vmax.f32 v5, v6;
	v6 =	vld [tilespmem:$0x240]  }
0x36: {  	v11 =	vmin.f32 v11, v7;
	v5 =	vmax.f32 v5, v7;
	v7 =	vld [tilespmem:$0x250]  }
0x37: {  	v38 =	vld [tilespmem:$0x260];
	v11 =	vmin.f32 v11, v35;
	v5 =	vmax.f32 v5, v35  }
0x38: {  	v39 =	vld [tilespmem:$0x270];
	v11 =	vmin.f32 v11, v36;
	v5 =	vmax.f32 v5, v36  }
0x39: {  	v40 =	vld [tilespmem:$0x280];
	v11 =	vmin.f32 v11, v37;
	v5 =	vmax.f32 v5, v37  }
0x3a: {  	v11 =	vmin.f32 v11, v6;
	v5 =	vmax.f32 v5, v6;
	v6 =	vld [tilespmem:$0x290]  }
0x3b: {  	v11 =	vmin.f32 v11, v7;
	v5 =	vmax.f32 v5, v7;
	v7 =	vld [tilespmem:$0x2A0]  }
0x3c: {  	v41 =	vld [tilespmem:$0x2B0];
	v11 =	vmin.f32 v11, v38;
	v5 =	vmax.f32 v5, v38  }
0x3d: {  	v42 =	vld [tilespmem:$0x2C0];
	v11 =	vmin.f32 v11, v39;
	v5 =	vmax.f32 v5, v39  }
0x3e: {  	v43 =	vld [tilespmem:$0x2D0];
	v11 =	vmin.f32 v11, v40;
	v5 =	vmax.f32 v5, v40  }
0x3f: {  	v11 =	vmin.f32 v11, v6;
	v5 =	vmax.f32 v5, v6;
	v6 =	vld [tilespmem:$0x2E0]  }
0x40: {  	v11 =	vmin.f32 v11, v7;
	v5 =	vmax.f32 v5, v7;
	v7 =	vld [tilespmem:$0x2F0]  }
0x41: {  	v44 =	vld [tilespmem:$0x300];
	v11 =	vmin.f32 v11, v41;
	v5 =	vmax.f32 v5, v41  }
0x42: {  	v45 =	vld [tilespmem:$0x310];
	v11 =	vmin.f32 v11, v42;
	v5 =	vmax.f32 v5, v42  }
0x43: {  	v46 =	vld [tilespmem:$0x320];
	v11 =	vmin.f32 v11, v43;
	v5 =	vmax.f32 v5, v43  }
0x44: {  	v11 =	vmin.f32 v11, v6;
	v5 =	vmax.f32 v5, v6;
	v6 =	vld [tilespmem:$0x330]  }
0x45: {  	v11 =	vmin.f32 v11, v7;
	v5 =	vmax.f32 v5, v7;
	v7 =	vld [tilespmem:$0x340]  }
0x46: {  	v47 =	vld [tilespmem:$0x350];
	v11 =	vmin.f32 v11, v44;
	v5 =	vmax.f32 v5, v44  }
0x47: {  	v48 =	vld [tilespmem:$0x360];
	v11 =	vmin.f32 v11, v45;
	v5 =	vmax.f32 v5, v45  }
0x48: {  	v49 =	vld [tilespmem:$0x370];
	v11 =	vmin.f32 v11, v46;
	v5 =	vmax.f32 v5, v46  }
0x49: {  	v11 =	vmin.f32 v11, v6;
	v5 =	vmax.f32 v5, v6;
	v6 =	vld [tilespmem:$0x380]  }
0x4a: {  	v11 =	vmin.f32 v11, v7;
	v5 =	vmax.f32 v5, v7;
	v7 =	vld [tilespmem:$0x390]  }
0x4b: {  	v50 =	vld [tilespmem:$0x3A0];
	v11 =	vmin.f32 v11, v47;
	v5 =	vmax.f32 v5, v47  }
0x4c: {  	v51 =	vld [tilespmem:$0x3B0];
	v11 =	vmin.f32 v11, v48;
	v5 =	vmax.f32 v5, v48  }
0x4d: {  	v52 =	vld [tilespmem:$0x3C0];
	v11 =	vmin.f32 v11, v49;
	v5 =	vmax.f32 v5, v49  }
0x4e: {  	v11 =	vmin.f32 v11, v6;
	v5 =	vmax.f32 v5, v6;
	v6 =	vld [tilespmem:$0x3D0]  }
0x4f: {  	v11 =	vmin.f32 v11, v7;
	v5 =	vmax.f32 v5, v7;
	v7 =	vld [tilespmem:$0x3E0]  }
0x50: {  	v53 =	vld [tilespmem:$0x3F0];
	v11 =	vmin.f32 v11, v50;
	v5 =	vmax.f32 v5, v50  }
0x51: {  	v54 =	vld [tilespmem:$0x400];
	v11 =	vmin.f32 v11, v51;
	v5 =	vmax.f32 v5, v51  }
0x52: {  	v55 =	vld [tilespmem:$0x410];
	v11 =	vmin.f32 v11, v52;
	v5 =	vmax.f32 v5, v52  }
0x53: {  	v11 =	vmin.f32 v11, v6;
	v5 =	vmax.f32 v5, v6;
	v6 =	vld [tilespmem:$0x420]  }
0x54: {  	v11 =	vmin.f32 v11, v7;
	v5 =	vmax.f32 v5, v7;
	v7 =	vld [tilespmem:$0x430]  }
0x55: {  	v56 =	vld [tilespmem:$0x440];
	v11 =	vmin.f32 v11, v53;
	v5 =	vmax.f32 v5, v53  }
0x56: {  	v57 =	vld [tilespmem:$0x450];
	v11 =	vmin.f32 v11, v54;
	v5 =	vmax.f32 v5, v54  }
0x57: {  	v58 =	vld [tilespmem:$0x460];
	v11 =	vmin.f32 v11, v55;
	v5 =	vmax.f32 v5, v55  }
0x58: {  	v11 =	vmin.f32 v11, v6;
	v5 =	vmax.f32 v5, v6;
	v6 =	vld [tilespmem:$0x470]  }
0x59: {  	v11 =	vmin.f32 v11, v7;
	v5 =	vmax.f32 v5, v7;
	v7 =	vld [tilespmem:$0x480]  }
0x5a: {  	v59 =	vld [tilespmem:$0x490];
	v11 =	vmin.f32 v11, v56;
	v5 =	vmax.f32 v5, v56  }
0x5b: {  	v60 =	vld [tilespmem:$0x4A0];
	v11 =	vmin.f32 v11, v57;
	v5 =	vmax.f32 v5, v57  }
0x5c: {  	v61 =	vld [tilespmem:$0x4B0];
	v11 =	vmin.f32 v11, v58;
	v5 =	vmax.f32 v5, v58  }
0x5d: {  	v11 =	vmin.f32 v11, v6;
	v5 =	vmax.f32 v5, v6;
	v6 =	vld [tilespmem:$0x4C0]  }
0x5e: {  	v11 =	vmin.f32 v11, v7;
	v5 =	vmax.f32 v5, v7;
	v7 =	vld [tilespmem:$0x4D0]  }
0x5f: {  	v62 =	vld [tilespmem:$0x4E0];
	v11 =	vmin.f32 v11, v59;
	v5 =	vmax.f32 v5, v59  }
0x60: {  	v63 =	vld [tilespmem:$0x4F0];
	v11 =	vmin.f32 v11, v60;
	v5 =	vmax.f32 v5, v60  }
0x61: {  	v12 =	vld [tilespmem:$0x500];
	v11 =	vmin.f32 v11, v61;
	v5 =	vmax.f32 v5, v61  }
0x62: {  	v11 =	vmin.f32 v11, v6;
	v5 =	vmax.f32 v5, v6;
	v6 =	vld [tilespmem:$0x510]  }
0x63: {  	v11 =	vmin.f32 v11, v7;
	v5 =	vmax.f32 v5, v7;
	v7 =	vld [tilespmem:$0x520]  }
0x64: {  	v13 =	vld [tilespmem:$0x530];
	v11 =	vmin.f32 v11, v62;
	v5 =	vmax.f32 v5, v62  }
0x65: {  	v14 =	vld [tilespmem:$0x540];
	v11 =	vmin.f32 v11, v63;
	v5 =	vmax.f32 v5, v63  }
0x66: {  	v15 =	vld [tilespmem:$0x550];
	v11 =	vmin.f32 v11, v12;
	v5 =	vmax.f32 v5, v12  }
0x67: {  	v11 =	vmin.f32 v11, v6;
	v5 =	vmax.f32 v5, v6;
	v6 =	vld [tilespmem:$0x560]  }
0x68: {  	v11 =	vmin.f32 v11, v7;
	v5 =	vmax.f32 v5, v7;
	v7 =	vld [tilespmem:$0x570]  }
0x69: {  	v16 =	vld [tilespmem:$0x580];
	v11 =	vmin.f32 v11, v13;
	v5 =	vmax.f32 v5, v13  }
0x6a: {  	v17 =	vld [tilespmem:$0x590];
	v11 =	vmin.f32 v11, v14;
	v5 =	vmax.f32 v5, v14  }
0x6b: {  	v18 =	vld [tilespmem:$0x5A0];
	v11 =	vmin.f32 v11, v15;
	v5 =	vmax.f32 v5, v15  }
0x6c: {  	v11 =	vmin.f32 v11, v6;
	v5 =	vmax.f32 v5, v6;
	v6 =	vld [tilespmem:$0x5B0]  }
0x6d: {  	v11 =	vmin.f32 v11, v7;
	v5 =	vmax.f32 v5, v7;
	v7 =	vld [tilespmem:$0x5C0]  }
0x6e: {  	v19 =	vld [tilespmem:$0x5D0];
	v11 =	vmin.f32 v11, v16;
	v5 =	vmax.f32 v5, v16  }
0x6f: {  	v20 =	vld [tilespmem:$0x5E0];
	v11 =	vmin.f32 v11, v17;
	v5 =	vmax.f32 v5, v17  }
0x70: {  	v21 =	vld [tilespmem:$0x5F0];
	v11 =	vmin.f32 v11, v18;
	v5 =	vmax.f32 v5, v18  }
0x71: {  	v11 =	vmin.f32 v11, v6;
	v5 =	vmax.f32 v5, v6;
	v6 =	vld [tilespmem:$0x600]  }
0x72: {  	v11 =	vmin.f32 v11, v7;
	v5 =	vmax.f32 v5, v7;
	v7 =	vld [tilespmem:$0x610]  }
0x73: {  	v22 =	vld [tilespmem:$0x620];
	v11 =	vmin.f32 v11, v19;
	v5 =	vmax.f32 v5, v19  }
0x74: {  	v23 =	vld [tilespmem:$0x630];
	v11 =	vmin.f32 v11, v20;
	v5 =	vmax.f32 v5, v20  }
0x75: {  	v24 =	vld [tilespmem:$0x640];
	v11 =	vmin.f32 v11, v21;
	v5 =	vmax.f32 v5, v21  }
0x76: {  	v11 =	vmin.f32 v11, v6;
	v5 =	vmax.f32 v5, v6;
	v6 =	vld [tilespmem:$0x650]  }
0x77: {  	v11 =	vmin.f32 v11, v7;
	v5 =	vmax.f32 v5, v7;
	v7 =	vld [tilespmem:$0x660]  }
0x78: {  	v25 =	vld [tilespmem:$0x670];
	v11 =	vmin.f32 v11, v22;
	v5 =	vmax.f32 v5, v22  }
0x79: {  	v26 =	vld [tilespmem:$0x680];
	v11 =	vmin.f32 v11, v23;
	v5 =	vmax.f32 v5, v23  }
0x7a: {  	v27 =	vld [tilespmem:$0x690];
	v11 =	vmin.f32 v11, v24;
	v5 =	vmax.f32 v5, v24  }
0x7b: {  	v11 =	vmin.f32 v11, v6;
	v5 =	vmax.f32 v5, v6;
	v6 =	vld [tilespmem:$0x6A0]  }
0x7c: {  	v11 =	vmin.f32 v11, v7;
	v5 =	vmax.f32 v5, v7;
	v7 =	vld [tilespmem:$0x6B0]  }
0x7d: {  	v28 =	vld [tilespmem:$0x6C0];
	v11 =	vmin.f32 v11, v25;
	v5 =	vmax.f32 v5, v25  }
0x7e: {  	v29 =	vld [tilespmem:$0x6D0];
	v11 =	vmin.f32 v11, v26;
	v5 =	vmax.f32 v5, v26  }
0x7f: {  	v30 =	vld [tilespmem:$0x6E0];
	v11 =	vmin.f32 v11, v27;
	v5 =	vmax.f32 v5, v27  }
0x80: {  	v11 =	vmin.f32 v11, v6;
	v5 =	vmax.f32 v5, v6;
	v6 =	vld [tilespmem:$0x6F0]  }
0x81: {  	v11 =	vmin.f32 v11, v7;
	v5 =	vmax.f32 v5, v7;
	v7 =	vld [tilespmem:$0x700]  }
0x82: {  	v31 =	vld [tilespmem:$0x710];
	v11 =	vmin.f32 v11, v28;
	v5 =	vmax.f32 v5, v28  }
0x83: {  	v32 =	vld [tilespmem:$0x720];
	v11 =	vmin.f32 v11, v29;
	v5 =	vmax.f32 v5, v29  }
0x84: {  	v33 =	vld [tilespmem:$0x730];
	v11 =	vmin.f32 v11, v30;
	v5 =	vmax.f32 v5, v30  }
0x85: {  	v11 =	vmin.f32 v11, v6;
	v5 =	vmax.f32 v5, v6;
	v6 =	vld [tilespmem:$0x740]  }
0x86: {  	v11 =	vmin.f32 v11, v7;
	v5 =	vmax.f32 v5, v7;
	v7 =	vld [tilespmem:$0x750]  }
0x87: {  	v34 =	vld [tilespmem:$0x760];
	v11 =	vmin.f32 v11, v31;
	v5 =	vmax.f32 v5, v31  }
0x88: {  	v35 =	vld [tilespmem:$0x770];
	v11 =	vmin.f32 v11, v32;
	v5 =	vmax.f32 v5, v32  }
0x89: {  	v36 =	vld [tilespmem:$0x780];
	v11 =	vmin.f32 v11, v33;
	v5 =	vmax.f32 v5, v33  }
0x8a: {  	v11 =	vmin.f32 v11, v6;
	v5 =	vmax.f32 v5, v6;
	v6 =	vld [tilespmem:$0x790]  }
0x8b: {  	v11 =	vmin.f32 v11, v7;
	v5 =	vmax.f32 v5, v7;
	v7 =	vld [tilespmem:$0x7A0]  }
0x8c: {  	v37 =	vld [tilespmem:$0x7B0];
	v11 =	vmin.f32 v11, v34;
	v5 =	vmax.f32 v5, v34  }
0x8d: {  	v38 =	vld [tilespmem:$0x7C0];
	v11 =	vmin.f32 v11, v35;
	v5 =	vmax.f32 v5, v35  }
0x8e: {  	v39 =	vld [tilespmem:$0x7D0];
	v11 =	vmin.f32 v11, v36;
	v5 =	vmax.f32 v5, v36  }
0x8f: {  	v11 =	vmin.f32 v11, v6;
	v5 =	vmax.f32 v5, v6;
	v6 =	vld [tilespmem:$0x7E0]  }
0x90: {  	v11 =	vmin.f32 v11, v7;
	v5 =	vmax.f32 v5, v7;
	v7 =	vld [tilespmem:$0x7F0]  }
0x91: {  	v40 =	vld [tilespmem:$0x800];
	v11 =	vmin.f32 v11, v37;
	v5 =	vmax.f32 v5, v37  }
0x92: {  	v41 =	vld [tilespmem:$0x810];
	v11 =	vmin.f32 v11, v38;
	v5 =	vmax.f32 v5, v38  }
0x93: {  	v42 =	vld [tilespmem:$0x820];
	v11 =	vmin.f32 v11, v39;
	v5 =	vmax.f32 v5, v39  }
0x94: {  	v11 =	vmin.f32 v11, v6;
	v5 =	vmax.f32 v5, v6;
	v6 =	vld [tilespmem:$0x830]  }
0x95: {  	v11 =	vmin.f32 v11, v7;
	v5 =	vmax.f32 v5, v7;
	v7 =	vld [tilespmem:$0x840]  }
0x96: {  	v43 =	vld [tilespmem:$0x850];
	v11 =	vmin.f32 v11, v40;
	v5 =	vmax.f32 v5, v40  }
0x97: {  	v44 =	vld [tilespmem:$0x860];
	v11 =	vmin.f32 v11, v41;
	v5 =	vmax.f32 v5, v41  }
0x98: {  	v45 =	vld [tilespmem:$0x870];
	v11 =	vmin.f32 v11, v42;
	v5 =	vmax.f32 v5, v42  }
0x99: {  	v11 =	vmin.f32 v11, v6;
	v5 =	vmax.f32 v5, v6;
	v6 =	vld [tilespmem:$0x880]  }
0x9a: {  	v11 =	vmin.f32 v11, v7;
	v5 =	vmax.f32 v5, v7;
	v7 =	vld [tilespmem:$0x890]  }
0x9b: {  	v46 =	vld [tilespmem:$0x8A0];
	v11 =	vmin.f32 v11, v43;
	v5 =	vmax.f32 v5, v43  }
0x9c: {  	v47 =	vld [tilespmem:$0x8B0];
	v11 =	vmin.f32 v11, v44;
	v5 =	vmax.f32 v5, v44  }
0x9d: {  	v48 =	vld [tilespmem:$0x8C0];
	v11 =	vmin.f32 v11, v45;
	v5 =	vmax.f32 v5, v45  }
0x9e: {  	v11 =	vmin.f32 v11, v6;
	v5 =	vmax.f32 v5, v6;
	v6 =	vld [tilespmem:$0x8D0]  }
0x9f: {  	v11 =	vmin.f32 v11, v7;
	v5 =	vmax.f32 v5, v7;
	v7 =	vld [tilespmem:$0x8E0]  }
0xa0: {  	v49 =	vld [tilespmem:$0x8F0];
	v11 =	vmin.f32 v11, v46;
	v5 =	vmax.f32 v5, v46  }
0xa1: {  	v50 =	vld [tilespmem:$0x900];
	v11 =	vmin.f32 v11, v47;
	v5 =	vmax.f32 v5, v47  }
0xa2: {  	v51 =	vld [tilespmem:$0x910];
	v11 =	vmin.f32 v11, v48;
	v5 =	vmax.f32 v5, v48  }
0xa3: {  	v11 =	vmin.f32 v11, v6;
	v5 =	vmax.f32 v5, v6;
	v6 =	vld [tilespmem:$0x920]  }
0xa4: {  	v11 =	vmin.f32 v11, v7;
	v5 =	vmax.f32 v5, v7;
	v7 =	vld [tilespmem:$0x930]  }
0xa5: {  	v52 =	vld [tilespmem:$0x940];
	v11 =	vmin.f32 v11, v49;
	v5 =	vmax.f32 v5, v49  }
0xa6: {  	v53 =	vld [tilespmem:$0x950];
	v11 =	vmin.f32 v11, v50;
	v5 =	vmax.f32 v5, v50  }
0xa7: {  	v54 =	vld [tilespmem:$0x960];
	v11 =	vmin.f32 v11, v51;
	v5 =	vmax.f32 v5, v51  }
0xa8: {  	v11 =	vmin.f32 v11, v6;
	v5 =	vmax.f32 v5, v6;
	v6 =	vld [tilespmem:$0x970]  }
0xa9: {  	v11 =	vmin.f32 v11, v7;
	v5 =	vmax.f32 v5, v7;
	v7 =	vld [tilespmem:$0x980]  }
0xaa: {  	v55 =	vld [tilespmem:$0x990];
	v11 =	vmin.f32 v11, v52;
	v5 =	vmax.f32 v5, v52  }
0xab: {  	v56 =	vld [tilespmem:$0x9A0];
	v11 =	vmin.f32 v11, v53;
	v5 =	vmax.f32 v5, v53  }
0xac: {  	v57 =	vld [tilespmem:$0x9B0];
	v11 =	vmin.f32 v11, v54;
	v5 =	vmax.f32 v5, v54  }
0xad: {  	v11 =	vmin.f32 v11, v6;
	v5 =	vmax.f32 v5, v6;
	v6 =	vld [tilespmem:$0x9C0]  }
0xae: {  	v11 =	vmin.f32 v11, v7;
	v5 =	vmax.f32 v5, v7;
	v7 =	vld [tilespmem:$0x9D0]  }
0xaf: {  	v58 =	vld [tilespmem:$0x9E0];
	v11 =	vmin.f32 v11, v55;
	v5 =	vmax.f32 v5, v55  }
0xb0: {  	v59 =	vld [tilespmem:$0x9F0];
	v11 =	vmin.f32 v11, v56;
	v5 =	vmax.f32 v5, v56  }
0xb1: {  	v60 =	vld [tilespmem:$0xA00];
	v11 =	vmin.f32 v11, v57;
	v5 =	vmax.f32 v5, v57  }
0xb2: {  	v11 =	vmin.f32 v11, v6;
	v5 =	vmax.f32 v5, v6;
	v6 =	vld [tilespmem:$0xA10]  }
0xb3: {  	v11 =	vmin.f32 v11, v7;
	v5 =	vmax.f32 v5, v7;
	v7 =	vld [tilespmem:$0xA20]  }
0xb4: {  	v61 =	vld [tilespmem:$0xA30];
	v11 =	vmin.f32 v11, v58;
	v5 =	vmax.f32 v5, v58  }
0xb5: {  	v62 =	vld [tilespmem:$0xA40];
	v11 =	vmin.f32 v11, v59;
	v5 =	vmax.f32 v5, v59  }
0xb6: {  	v63 =	vld [tilespmem:$0xA50];
	v11 =	vmin.f32 v11, v60;
	v5 =	vmax.f32 v5, v60  }
0xb7: {  	v11 =	vmin.f32 v11, v6;
	v5 =	vmax.f32 v5, v6;
	v6 =	vld [tilespmem:$0xA60]  }
0xb8: {  	v11 =	vmin.f32 v11, v7;
	v5 =	vmax.f32 v5, v7;
	v7 =	vld [tilespmem:$0xA70]  }
0xb9: {  	v12 =	vld [tilespmem:$0xA80];
	v11 =	vmin.f32 v11, v61;
	v5 =	vmax.f32 v5, v61  }
0xba: {  	v13 =	vld [tilespmem:$0xA90];
	v11 =	vmin.f32 v11, v62;
	v5 =	vmax.f32 v5, v62  }
0xbb: {  	v14 =	vld [tilespmem:$0xAA0];
	v11 =	vmin.f32 v11, v63;
	v5 =	vmax.f32 v5, v63  }
0xbc: {  	v11 =	vmin.f32 v11, v6;
	v5 =	vmax.f32 v5, v6;
	v6 =	vld [tilespmem:$0xAB0]  }
0xbd: {  	v11 =	vmin.f32 v11, v7;
	v5 =	vmax.f32 v5, v7;
	v7 =	vld [tilespmem:$0xAC0]  }
0xbe: {  	v15 =	vld [tilespmem:$0xAD0];
	v11 =	vmin.f32 v11, v12;
	v5 =	vmax.f32 v5, v12  }
0xbf: {  	v16 =	vld [tilespmem:$0xAE0];
	v11 =	vmin.f32 v11, v13;
	v5 =	vmax.f32 v5, v13  }
0xc0: {  	v17 =	vld [tilespmem:$0xAF0];
	v11 =	vmin.f32 v11, v14;
	v5 =	vmax.f32 v5, v14  }
0xc1: {  	v11 =	vmin.f32 v11, v6;
	v5 =	vmax.f32 v5, v6;
	v6 =	vld [tilespmem:$0xB00]  }
0xc2: {  	v11 =	vmin.f32 v11, v7;
	v5 =	vmax.f32 v5, v7;
	v7 =	vld [tilespmem:$0xB10]  }
0xc3: {  	v18 =	vld [tilespmem:$0xB20];
	v11 =	vmin.f32 v11, v15;
	v5 =	vmax.f32 v5, v15  }
0xc4: {  	v19 =	vld [tilespmem:$0xB30];
	v11 =	vmin.f32 v11, v16;
	v5 =	vmax.f32 v5, v16  }
0xc5: {  	v20 =	vld [tilespmem:$0xB40];
	v11 =	vmin.f32 v11, v17;
	v5 =	vmax.f32 v5, v17  }
0xc6: {  	v11 =	vmin.f32 v11, v6;
	v5 =	vmax.f32 v5, v6;
	v6 =	vld [tilespmem:$0xB50]  }
0xc7: {  	v11 =	vmin.f32 v11, v7;
	v5 =	vmax.f32 v5, v7;
	v7 =	vld [tilespmem:$0xB60]  }
0xc8: {  	v21 =	vld [tilespmem:$0xB70];
	v11 =	vmin.f32 v11, v18;
	v5 =	vmax.f32 v5, v18  }
0xc9: {  	v22 =	vld [tilespmem:$0xB80];
	v11 =	vmin.f32 v11, v19;
	v5 =	vmax.f32 v5, v19  }
0xca: {  	v23 =	vld [tilespmem:$0xB90];
	v11 =	vmin.f32 v11, v20;
	v5 =	vmax.f32 v5, v20  }
0xcb: {  	v11 =	vmin.f32 v11, v6;
	v5 =	vmax.f32 v5, v6;
	v6 =	vld [tilespmem:$0xBA0]  }
0xcc: {  	v11 =	vmin.f32 v11, v7;
	v5 =	vmax.f32 v5, v7;
	v7 =	vld [tilespmem:$0xBB0]  }
0xcd: {  	v24 =	vld [tilespmem:$0xBC0];
	v11 =	vmin.f32 v11, v21;
	v5 =	vmax.f32 v5, v21  }
0xce: {  	v25 =	vld [tilespmem:$0xBD0];
	v11 =	vmin.f32 v11, v22;
	v5 =	vmax.f32 v5, v22  }
0xcf: {  	v26 =	vld [tilespmem:$0xBE0];
	v11 =	vmin.f32 v11, v23;
	v5 =	vmax.f32 v5, v23  }
0xd0: {  	v11 =	vmin.f32 v11, v6;
	v5 =	vmax.f32 v5, v6;
	v6 =	vld [tilespmem:$0xBF0]  }
0xd1: {  	v11 =	vmin.f32 v11, v7;
	v5 =	vmax.f32 v5, v7;
	v7 =	vld [tilespmem:$0xC00]  }
0xd2: {  	v27 =	vld [tilespmem:$0xC10];
	v11 =	vmin.f32 v11, v24;
	v5 =	vmax.f32 v5, v24  }
0xd3: {  	v28 =	vld [tilespmem:$0xC20];
	v11 =	vmin.f32 v11, v25;
	v5 =	vmax.f32 v5, v25  }
0xd4: {  	v29 =	vld [tilespmem:$0xC30];
	v11 =	vmin.f32 v11, v26;
	v5 =	vmax.f32 v5, v26  }
0xd5: {  	v11 =	vmin.f32 v11, v6;
	v5 =	vmax.f32 v5, v6;
	v6 =	vld [tilespmem:$0xC40]  }
0xd6: {  	v11 =	vmin.f32 v11, v7;
	v5 =	vmax.f32 v5, v7;
	v7 =	vld [tilespmem:$0xC50]  }
0xd7: {  	v30 =	vld [tilespmem:$0xC60];
	v11 =	vmin.f32 v11, v27;
	v5 =	vmax.f32 v5, v27  }
0xd8: {  	v31 =	vld [tilespmem:$0xC70];
	v11 =	vmin.f32 v11, v28;
	v5 =	vmax.f32 v5, v28  }
0xd9: {  	v32 =	vld [tilespmem:$0xC80];
	v11 =	vmin.f32 v11, v29;
	v5 =	vmax.f32 v5, v29  }
0xda: {  	v11 =	vmin.f32 v11, v6;
	v5 =	vmax.f32 v5, v6;
	v6 =	vld [tilespmem:$0xC90]  }
0xdb: {  	v11 =	vmin.f32 v11, v7;
	v5 =	vmax.f32 v5, v7;
	v7 =	vld [tilespmem:$0xCA0]  }
0xdc: {  	v33 =	vld [tilespmem:$0xCB0];
	v11 =	vmin.f32 v11, v30;
	v5 =	vmax.f32 v5, v30  }
0xdd: {  	v34 =	vld [tilespmem:$0xCC0];
	v11 =	vmin.f32 v11, v31;
	v5 =	vmax.f32 v5, v31  }
0xde: {  	v35 =	vld [tilespmem:$0xCD0];
	v11 =	vmin.f32 v11, v32;
	v5 =	vmax.f32 v5, v32  }
0xdf: {  	v11 =	vmin.f32 v11, v6;
	v5 =	vmax.f32 v5, v6;
	v6 =	vld [tilespmem:$0xCE0]  }
0xe0: {  	v11 =	vmin.f32 v11, v7;
	v5 =	vmax.f32 v5, v7;
	v7 =	vld [tilespmem:$0xCF0]  }
0xe1: {  	v36 =	vld [tilespmem:$0xD00];
	v11 =	vmin.f32 v11, v33;
	v5 =	vmax.f32 v5, v33  }
0xe2: {  	v37 =	vld [tilespmem:$0xD10];
	v11 =	vmin.f32 v11, v34;
	v5 =	vmax.f32 v5, v34  }
0xe3: {  	v38 =	vld [tilespmem:$0xD20];
	v11 =	vmin.f32 v11, v35;
	v5 =	vmax.f32 v5, v35  }
0xe4: {  	v11 =	vmin.f32 v11, v6;
	v5 =	vmax.f32 v5, v6;
	v6 =	vld [tilespmem:$0xD30]  }
0xe5: {  	v11 =	vmin.f32 v11, v7;
	v5 =	vmax.f32 v5, v7;
	v7 =	vld [tilespmem:$0xD40]  }
0xe6: {  	v39 =	vld [tilespmem:$0xD50];
	v11 =	vmin.f32 v11, v36;
	v5 =	vmax.f32 v5, v36  }
0xe7: {  	v40 =	vld [tilespmem:$0xD60];
	v11 =	vmin.f32 v11, v37;
	v5 =	vmax.f32 v5, v37  }
0xe8: {  	v41 =	vld [tilespmem:$0xD70];
	v11 =	vmin.f32 v11, v38;
	v5 =	vmax.f32 v5, v38  }
0xe9: {  	v11 =	vmin.f32 v11, v6;
	v5 =	vmax.f32 v5, v6;
	v6 =	vld [tilespmem:$0xD80]  }
0xea: {  	v11 =	vmin.f32 v11, v7;
	v5 =	vmax.f32 v5, v7;
	v7 =	vld [tilespmem:$0xD90]  }
0xeb: {  	v42 =	vld [tilespmem:$0xDA0];
	v11 =	vmin.f32 v11, v39;
	v5 =	vmax.f32 v5, v39  }
0xec: {  	v43 =	vld [tilespmem:$0xDB0];
	v11 =	vmin.f32 v11, v40;
	v5 =	vmax.f32 v5, v40  }
0xed: {  	v44 =	vld [tilespmem:$0xDC0];
	v11 =	vmin.f32 v11, v41;
	v5 =	vmax.f32 v5, v41  }
0xee: {  	v11 =	vmin.f32 v11, v6;
	v5 =	vmax.f32 v5, v6;
	v6 =	vld [tilespmem:$0xDD0]  }
0xef: {  	v11 =	vmin.f32 v11, v7;
	v5 =	vmax.f32 v5, v7;
	v7 =	vld [tilespmem:$0xDE0]  }
0xf0: {  	v45 =	vld [tilespmem:$0xDF0];
	v11 =	vmin.f32 v11, v42;
	v5 =	vmax.f32 v5, v42  }
0xf1: {  	v46 =	vld [tilespmem:$0xE00];
	v11 =	vmin.f32 v11, v43;
	v5 =	vmax.f32 v5, v43  }
0xf2: {  	v47 =	vld [tilespmem:$0xE10];
	v11 =	vmin.f32 v11, v44;
	v5 =	vmax.f32 v5, v44  }
0xf3: {  	v11 =	vmin.f32 v11, v6;
	v5 =	vmax.f32 v5, v6;
	v6 =	vld [tilespmem:$0xE20]  }
0xf4: {  	v11 =	vmin.f32 v11, v7;
	v5 =	vmax.f32 v5, v7;
	v7 =	vld [tilespmem:$0xE30]  }
0xf5: {  	v48 =	vld [tilespmem:$0xE40];
	v11 =	vmin.f32 v11, v45;
	v5 =	vmax.f32 v5, v45  }
0xf6: {  	v49 =	vld [tilespmem:$0xE50];
	v11 =	vmin.f32 v11, v46;
	v5 =	vmax.f32 v5, v46  }
0xf7: {  	v50 =	vld [tilespmem:$0xE60];
	v11 =	vmin.f32 v11, v47;
	v5 =	vmax.f32 v5, v47  }
0xf8: {  	v11 =	vmin.f32 v11, v6;
	v5 =	vmax.f32 v5, v6;
	v6 =	vld [tilespmem:$0xE70]  }
0xf9: {  	v11 =	vmin.f32 v11, v7;
	v5 =	vmax.f32 v5, v7;
	v7 =	vld [tilespmem:$0xE80]  }
0xfa: {  	v51 =	vld [tilespmem:$0xE90];
	v11 =	vmin.f32 v11, v48;
	v5 =	vmax.f32 v5, v48  }
0xfb: {  	v52 =	vld [tilespmem:$0xEA0];
	v11 =	vmin.f32 v11, v49;
	v5 =	vmax.f32 v5, v49  }
0xfc: {  	v53 =	vld [tilespmem:$0xEB0];
	v11 =	vmin.f32 v11, v50;
	v5 =	vmax.f32 v5, v50  }
0xfd: {  	v11 =	vmin.f32 v11, v6;
	v5 =	vmax.f32 v5, v6;
	v6 =	vld [tilespmem:$0xEC0]  }
0xfe: {  	v11 =	vmin.f32 v11, v7;
	v5 =	vmax.f32 v5, v7;
	v7 =	vld [tilespmem:$0xED0]  }
0xff: {  	v54 =	vld [tilespmem:$0xEE0];
	v11 =	vmin.f32 v11, v51;
	v5 =	vmax.f32 v5, v51  }
0x100: {  	v55 =	vld [tilespmem:$0xEF0];
	v11 =	vmin.f32 v11, v52;
	v5 =	vmax.f32 v5, v52  }
0x101: {  	v56 =	vld [tilespmem:$0xF00];
	v11 =	vmin.f32 v11, v53;
	v5 =	vmax.f32 v5, v53  }
0x102: {  	v11 =	vmin.f32 v11, v6;
	v5 =	vmax.f32 v5, v6;
	v6 =	vld [tilespmem:$0xF10]  }
0x103: {  	v11 =	vmin.f32 v11, v7;
	v5 =	vmax.f32 v5, v7;
	v7 =	vld [tilespmem:$0xF20]  }
0x104: {  	v57 =	vld [tilespmem:$0xF30];
	v11 =	vmin.f32 v11, v54;
	v5 =	vmax.f32 v5, v54  }
0x105: {  	v58 =	vld [tilespmem:$0xF40];
	v11 =	vmin.f32 v11, v55;
	v5 =	vmax.f32 v5, v55  }
0x106: {  	v59 =	vld [tilespmem:$0xF50];
	v11 =	vmin.f32 v11, v56;
	v5 =	vmax.f32 v5, v56  }
0x107: {  	v11 =	vmin.f32 v11, v6;
	v5 =	vmax.f32 v5, v6;
	v6 =	vld [tilespmem:$0xF60]  }
0x108: {  	v11 =	vmin.f32 v11, v7;
	v5 =	vmax.f32 v5, v7;
	v7 =	vld [tilespmem:$0xF70]  }
0x109: {  	v60 =	vld [tilespmem:$0xF80];
	v11 =	vmin.f32 v11, v57;
	v5 =	vmax.f32 v5, v57  }
0x10a: {  	v61 =	vld [tilespmem:$0xF90];
	v11 =	vmin.f32 v11, v58;
	v5 =	vmax.f32 v5, v58  }
0x10b: {  	v62 =	vld [tilespmem:$0xFA0];
	v11 =	vmin.f32 v11, v59;
	v5 =	vmax.f32 v5, v59  }
0x10c: {  	v11 =	vmin.f32 v11, v6;
	v5 =	vmax.f32 v5, v6;
	v6 =	vld [tilespmem:$0xFB0]  }
0x10d: {  	v11 =	vmin.f32 v11, v7;
	v5 =	vmax.f32 v5, v7;
	v7 =	vld [tilespmem:$0xFC0]  }
0x10e: {  	v63 =	vld [tilespmem:$0xFD0];
	v11 =	vmin.f32 v11, v60;
	v5 =	vmax.f32 v5, v60  }
0x10f: {  	v12 =	vld [tilespmem:$0xFE0];
	v11 =	vmin.f32 v11, v61;
	v5 =	vmax.f32 v5, v61  }
0x110: {  	v13 =	vld [tilespmem:$0xFF0];
	v11 =	vmin.f32 v11, v62;
	v5 =	vmax.f32 v5, v62  }
0x111: {  	v11 =	vmin.f32 v11, v6;
	v5 =	vmax.f32 v5, v6;
	v6 =	vld [tilespmem:$0x1000]  }
0x112: {  	v11 =	vmin.f32 v11, v7;
	v5 =	vmax.f32 v5, v7;
	v7 =	vld [tilespmem:$0x1010]  }
0x113: {  	v14 =	vld [tilespmem:$0x1020];
	v11 =	vmin.f32 v11, v63;
	v5 =	vmax.f32 v5, v63  }
0x114: {  	v15 =	vld [tilespmem:$0x1030];
	v11 =	vmin.f32 v11, v12;
	v5 =	vmax.f32 v5, v12  }
0x115: {  	v16 =	vld [tilespmem:$0x1040];
	v11 =	vmin.f32 v11, v13;
	v5 =	vmax.f32 v5, v13  }
0x116: {  	v11 =	vmin.f32 v11, v6;
	v5 =	vmax.f32 v5, v6;
	v6 =	vld [tilespmem:$0x1050]  }
0x117: {  	v11 =	vmin.f32 v11, v7;
	v5 =	vmax.f32 v5, v7;
	v7 =	vld [tilespmem:$0x1060]  }
0x118: {  	v17 =	vld [tilespmem:$0x1070];
	v11 =	vmin.f32 v11, v14;
	v5 =	vmax.f32 v5, v14  }
0x119: {  	v18 =	vld [tilespmem:$0x1080];
	v11 =	vmin.f32 v11, v15;
	v5 =	vmax.f32 v5, v15  }
0x11a: {  	v19 =	vld [tilespmem:$0x1090];
	v11 =	vmin.f32 v11, v16;
	v5 =	vmax.f32 v5, v16  }
0x11b: {  	v11 =	vmin.f32 v11, v6;
	v5 =	vmax.f32 v5, v6;
	v6 =	vld [tilespmem:$0x10A0]  }
0x11c: {  	v11 =	vmin.f32 v11, v7;
	v5 =	vmax.f32 v5, v7;
	v7 =	vld [tilespmem:$0x10B0]  }
0x11d: {  	v20 =	vld [tilespmem:$0x10C0];
	v11 =	vmin.f32 v11, v17;
	v5 =	vmax.f32 v5, v17  }
0x11e: {  	v21 =	vld [tilespmem:$0x10D0];
	v11 =	vmin.f32 v11, v18;
	v5 =	vmax.f32 v5, v18  }
0x11f: {  	v22 =	vld [tilespmem:$0x10E0];
	v11 =	vmin.f32 v11, v19;
	v5 =	vmax.f32 v5, v19  }
0x120: {  	v11 =	vmin.f32 v11, v6;
	v5 =	vmax.f32 v5, v6;
	v6 =	vld [tilespmem:$0x10F0]  }
0x121: {  	v11 =	vmin.f32 v11, v7;
	v5 =	vmax.f32 v5, v7;
	v7 =	vld [tilespmem:$0x1100]  }
0x122: {  	v23 =	vld [tilespmem:$0x1110];
	v11 =	vmin.f32 v11, v20;
	v5 =	vmax.f32 v5, v20  }
0x123: {  	v24 =	vld [tilespmem:$0x1120];
	v11 =	vmin.f32 v11, v21;
	v5 =	vmax.f32 v5, v21  }
0x124: {  	v25 =	vld [tilespmem:$0x1130];
	v11 =	vmin.f32 v11, v22;
	v5 =	vmax.f32 v5, v22  }
0x125: {  	v11 =	vmin.f32 v11, v6;
	v5 =	vmax.f32 v5, v6;
	v6 =	vld [tilespmem:$0x1140]  }
0x126: {  	v11 =	vmin.f32 v11, v7;
	v5 =	vmax.f32 v5, v7;
	v7 =	vld [tilespmem:$0x1150]  }
0x127: {  	v26 =	vld [tilespmem:$0x1160];
	v11 =	vmin.f32 v11, v23;
	v5 =	vmax.f32 v5, v23  }
0x128: {  	v27 =	vld [tilespmem:$0x1170];
	v11 =	vmin.f32 v11, v24;
	v5 =	vmax.f32 v5, v24  }
0x129: {  	v28 =	vld [tilespmem:$0x1180];
	v11 =	vmin.f32 v11, v25;
	v5 =	vmax.f32 v5, v25  }
0x12a: {  	v11 =	vmin.f32 v11, v6;
	v5 =	vmax.f32 v5, v6;
	v6 =	vld [tilespmem:$0x1190]  }
0x12b: {  	v11 =	vmin.f32 v11, v7;
	v5 =	vmax.f32 v5, v7;
	v7 =	vld [tilespmem:$0x11A0]  }
0x12c: {  	v29 =	vld [tilespmem:$0x11B0];
	v11 =	vmin.f32 v11, v26;
	v5 =	vmax.f32 v5, v26  }
0x12d: {  	v30 =	vld [tilespmem:$0x11C0];
	v11 =	vmin.f32 v11, v27;
	v5 =	vmax.f32 v5, v27  }
0x12e: {  	v31 =	vld [tilespmem:$0x11D0];
	v11 =	vmin.f32 v11, v28;
	v5 =	vmax.f32 v5, v28  }
0x12f: {  	v11 =	vmin.f32 v11, v6;
	v5 =	vmax.f32 v5, v6;
	v6 =	vld [tilespmem:$0x11E0]  }
0x130: {  	v11 =	vmin.f32 v11, v7;
	v5 =	vmax.f32 v5, v7;
	v7 =	vld [tilespmem:$0x11F0]  }
0x131: {  	v32 =	vld [tilespmem:$0x1200];
	v11 =	vmin.f32 v11, v29;
	v5 =	vmax.f32 v5, v29  }
0x132: {  	v33 =	vld [tilespmem:$0x1210];
	v11 =	vmin.f32 v11, v30;
	v5 =	vmax.f32 v5, v30  }
0x133: {  	v34 =	vld [tilespmem:$0x1220];
	v11 =	vmin.f32 v11, v31;
	v5 =	vmax.f32 v5, v31  }
0x134: {  	v11 =	vmin.f32 v11, v6;
	v5 =	vmax.f32 v5, v6;
	v6 =	vld [tilespmem:$0x1230]  }
0x135: {  	v11 =	vmin.f32 v11, v7;
	v5 =	vmax.f32 v5, v7;
	v7 =	vld [tilespmem:$0x1240]  }
0x136: {  	v35 =	vld [tilespmem:$0x1250];
	v11 =	vmin.f32 v11, v32;
	v5 =	vmax.f32 v5, v32  }
0x137: {  	v36 =	vld [tilespmem:$0x1260];
	v11 =	vmin.f32 v11, v33;
	v5 =	vmax.f32 v5, v33  }
0x138: {  	v37 =	vld [tilespmem:$0x1270];
	v11 =	vmin.f32 v11, v34;
	v5 =	vmax.f32 v5, v34  }
0x139: {  	v11 =	vmin.f32 v11, v6;
	v5 =	vmax.f32 v5, v6;
	v6 =	vld [tilespmem:$0x1280]  }
0x13a: {  	v11 =	vmin.f32 v11, v7;
	v5 =	vmax.f32 v5, v7;
	v7 =	vld [tilespmem:$0x1290]  }
0x13b: {  	v38 =	vld [tilespmem:$0x12A0];
	v11 =	vmin.f32 v11, v35;
	v5 =	vmax.f32 v5, v35  }
0x13c: {  	v39 =	vld [tilespmem:$0x12B0];
	v11 =	vmin.f32 v11, v36;
	v5 =	vmax.f32 v5, v36  }
0x13d: {  	v40 =	vld [tilespmem:$0x12C0];
	v11 =	vmin.f32 v11, v37;
	v5 =	vmax.f32 v5, v37  }
0x13e: {  	v11 =	vmin.f32 v11, v6;
	v5 =	vmax.f32 v5, v6;
	v6 =	vld [tilespmem:$0x12D0]  }
0x13f: {  	v11 =	vmin.f32 v11, v7;
	v5 =	vmax.f32 v5, v7;
	v7 =	vld [tilespmem:$0x12E0]  }
0x140: {  	v41 =	vld [tilespmem:$0x12F0];
	v11 =	vmin.f32 v11, v38;
	v5 =	vmax.f32 v5, v38  }
0x141: {  	v42 =	vld [tilespmem:$0x1300];
	v11 =	vmin.f32 v11, v39;
	v5 =	vmax.f32 v5, v39  }
0x142: {  	v43 =	vld [tilespmem:$0x1310];
	v11 =	vmin.f32 v11, v40;
	v5 =	vmax.f32 v5, v40  }
0x143: {  	v11 =	vmin.f32 v11, v6;
	v5 =	vmax.f32 v5, v6;
	v6 =	vld [tilespmem:$0x1320]  }
0x144: {  	v11 =	vmin.f32 v11, v7;
	v5 =	vmax.f32 v5, v7;
	v7 =	vld [tilespmem:$0x1330]  }
0x145: {  	v44 =	vld [tilespmem:$0x1340];
	v11 =	vmin.f32 v11, v41;
	v5 =	vmax.f32 v5, v41  }
0x146: {  	v45 =	vld [tilespmem:$0x1350];
	v11 =	vmin.f32 v11, v42;
	v5 =	vmax.f32 v5, v42  }
0x147: {  	v46 =	vld [tilespmem:$0x1360];
	v11 =	vmin.f32 v11, v43;
	v5 =	vmax.f32 v5, v43  }
0x148: {  	v11 =	vmin.f32 v11, v6;
	v5 =	vmax.f32 v5, v6;
	v6 =	vld [tilespmem:$0x1370]  }
0x149: {  	v11 =	vmin.f32 v11, v7;
	v5 =	vmax.f32 v5, v7;
	v7 =	vld [tilespmem:$0x1380]  }
0x14a: {  	v47 =	vld [tilespmem:$0x1390];
	v11 =	vmin.f32 v11, v44;
	v5 =	vmax.f32 v5, v44  }
0x14b: {  	v48 =	vld [tilespmem:$0x13A0];
	v11 =	vmin.f32 v11, v45;
	v5 =	vmax.f32 v5, v45  }
0x14c: {  	v49 =	vld [tilespmem:$0x13B0];
	v11 =	vmin.f32 v11, v46;
	v5 =	vmax.f32 v5, v46  }
0x14d: {  	v11 =	vmin.f32 v11, v6;
	v5 =	vmax.f32 v5, v6;
	v6 =	vld [tilespmem:$0x13C0]  }
0x14e: {  	v11 =	vmin.f32 v11, v7;
	v5 =	vmax.f32 v5, v7;
	v7 =	vld [tilespmem:$0x13D0]  }
0x14f: {  	v50 =	vld [tilespmem:$0x13E0];
	v11 =	vmin.f32 v11, v47;
	v5 =	vmax.f32 v5, v47  }
0x150: {  	v51 =	vld [tilespmem:$0x13F0];
	v11 =	vmin.f32 v11, v48;
	v5 =	vmax.f32 v5, v48  }
0x151: {  	v52 =	vld [tilespmem:$0x1400];
	v11 =	vmin.f32 v11, v49;
	v5 =	vmax.f32 v5, v49  }
0x152: {  	v11 =	vmin.f32 v11, v6;
	v5 =	vmax.f32 v5, v6;
	v6 =	vld [tilespmem:$0x1410]  }
0x153: {  	v11 =	vmin.f32 v11, v7;
	v5 =	vmax.f32 v5, v7;
	v7 =	vld [tilespmem:$0x1420]  }
0x154: {  	v53 =	vld [tilespmem:$0x1430];
	v11 =	vmin.f32 v11, v50;
	v5 =	vmax.f32 v5, v50  }
0x155: {  	v54 =	vld [tilespmem:$0x1440];
	v11 =	vmin.f32 v11, v51;
	v5 =	vmax.f32 v5, v51  }
0x156: {  	v55 =	vld [tilespmem:$0x1450];
	v11 =	vmin.f32 v11, v52;
	v5 =	vmax.f32 v5, v52  }
0x157: {  	v11 =	vmin.f32 v11, v6;
	v5 =	vmax.f32 v5, v6;
	v6 =	vld [tilespmem:$0x1460]  }
0x158: {  	v11 =	vmin.f32 v11, v7;
	v5 =	vmax.f32 v5, v7;
	v7 =	vld [tilespmem:$0x1470]  }
0x159: {  	v56 =	vld [tilespmem:$0x1480];
	v11 =	vmin.f32 v11, v53;
	v5 =	vmax.f32 v5, v53  }
0x15a: {  	v57 =	vld [tilespmem:$0x1490];
	v11 =	vmin.f32 v11, v54;
	v5 =	vmax.f32 v5, v54  }
0x15b: {  	v58 =	vld [tilespmem:$0x14A0];
	v11 =	vmin.f32 v11, v55;
	v5 =	vmax.f32 v5, v55  }
0x15c: {  	v11 =	vmin.f32 v11, v6;
	v5 =	vmax.f32 v5, v6;
	v6 =	vld [tilespmem:$0x14B0]  }
0x15d: {  	v11 =	vmin.f32 v11, v7;
	v5 =	vmax.f32 v5, v7;
	v7 =	vld [tilespmem:$0x14C0]  }
0x15e: {  	v59 =	vld [tilespmem:$0x14D0];
	v11 =	vmin.f32 v11, v56;
	v5 =	vmax.f32 v5, v56  }
0x15f: {  	v60 =	vld [tilespmem:$0x14E0];
	v11 =	vmin.f32 v11, v57;
	v5 =	vmax.f32 v5, v57  }
0x160: {  	v61 =	vld [tilespmem:$0x14F0];
	v11 =	vmin.f32 v11, v58;
	v5 =	vmax.f32 v5, v58  }
0x161: {  	v11 =	vmin.f32 v11, v6;
	v5 =	vmax.f32 v5, v6;
	v6 =	vld [tilespmem:$0x1500]  }
0x162: {  	v11 =	vmin.f32 v11, v7;
	v5 =	vmax.f32 v5, v7;
	v7 =	vld [tilespmem:$0x1510]  }
0x163: {  	v62 =	vld [tilespmem:$0x1520];
	v11 =	vmin.f32 v11, v59;
	v5 =	vmax.f32 v5, v59  }
0x164: {  	v63 =	vld [tilespmem:$0x1530];
	v11 =	vmin.f32 v11, v60;
	v5 =	vmax.f32 v5, v60  }
0x165: {  	v12 =	vld [tilespmem:$0x1540];
	v11 =	vmin.f32 v11, v61;
	v5 =	vmax.f32 v5, v61  }
0x166: {  	v11 =	vmin.f32 v11, v6;
	v5 =	vmax.f32 v5, v6;
	v6 =	vld [tilespmem:$0x1550]  }
0x167: {  	v11 =	vmin.f32 v11, v7;
	v5 =	vmax.f32 v5, v7;
	v7 =	vld [tilespmem:$0x1560]  }
0x168: {  	v13 =	vld [tilespmem:$0x1570];
	v11 =	vmin.f32 v11, v62;
	v5 =	vmax.f32 v5, v62  }
0x169: {  	v14 =	vld [tilespmem:$0x1580];
	v11 =	vmin.f32 v11, v63;
	v5 =	vmax.f32 v5, v63  }
0x16a: {  	v15 =	vld [tilespmem:$0x1590];
	v11 =	vmin.f32 v11, v12;
	v5 =	vmax.f32 v5, v12  }
0x16b: {  	v11 =	vmin.f32 v11, v6;
	v5 =	vmax.f32 v5, v6;
	v6 =	vld [tilespmem:$0x15A0]  }
0x16c: {  	v11 =	vmin.f32 v11, v7;
	v5 =	vmax.f32 v5, v7;
	v7 =	vld [tilespmem:$0x15B0]  }
0x16d: {  	v16 =	vld [tilespmem:$0x15C0];
	v11 =	vmin.f32 v11, v13;
	v5 =	vmax.f32 v5, v13  }
0x16e: {  	v17 =	vld [tilespmem:$0x15D0];
	v11 =	vmin.f32 v11, v14;
	v5 =	vmax.f32 v5, v14  }
0x16f: {  	v18 =	vld [tilespmem:$0x15E0];
	v11 =	vmin.f32 v11, v15;
	v5 =	vmax.f32 v5, v15  }
0x170: {  	v11 =	vmin.f32 v11, v6;
	v5 =	vmax.f32 v5, v6;
	v6 =	vld [tilespmem:$0x15F0]  }
0x171: {  	v11 =	vmin.f32 v11, v7;
	v5 =	vmax.f32 v5, v7;
	v7 =	vld [tilespmem:$0x1600]  }
0x172: {  	v19 =	vld [tilespmem:$0x1610];
	v11 =	vmin.f32 v11, v16;
	v5 =	vmax.f32 v5, v16  }
0x173: {  	v20 =	vld [tilespmem:$0x1620];
	v11 =	vmin.f32 v11, v17;
	v5 =	vmax.f32 v5, v17  }
0x174: {  	v21 =	vld [tilespmem:$0x1630];
	v11 =	vmin.f32 v11, v18;
	v5 =	vmax.f32 v5, v18  }
0x175: {  	v11 =	vmin.f32 v11, v6;
	v5 =	vmax.f32 v5, v6;
	v6 =	vld [tilespmem:$0x1640]  }
0x176: {  	v11 =	vmin.f32 v11, v7;
	v5 =	vmax.f32 v5, v7;
	v7 =	vld [tilespmem:$0x1650]  }
0x177: {  	v22 =	vld [tilespmem:$0x1660];
	v11 =	vmin.f32 v11, v19;
	v5 =	vmax.f32 v5, v19  }
0x178: {  	v23 =	vld [tilespmem:$0x1670];
	v11 =	vmin.f32 v11, v20;
	v5 =	vmax.f32 v5, v20  }
0x179: {  	v24 =	vld [tilespmem:$0x1680];
	v11 =	vmin.f32 v11, v21;
	v5 =	vmax.f32 v5, v21  }
0x17a: {  	v11 =	vmin.f32 v11, v6;
	v5 =	vmax.f32 v5, v6;
	v6 =	vld [tilespmem:$0x1690]  }
0x17b: {  	v11 =	vmin.f32 v11, v7;
	v5 =	vmax.f32 v5, v7;
	v7 =	vld [tilespmem:$0x16A0]  }
0x17c: {  	v25 =	vld [tilespmem:$0x16B0];
	v11 =	vmin.f32 v11, v22;
	v5 =	vmax.f32 v5, v22  }
0x17d: {  	v26 =	vld [tilespmem:$0x16C0];
	v11 =	vmin.f32 v11, v23;
	v5 =	vmax.f32 v5, v23  }
0x17e: {  	v27 =	vld [tilespmem:$0x16D0];
	v11 =	vmin.f32 v11, v24;
	v5 =	vmax.f32 v5, v24  }
0x17f: {  	v11 =	vmin.f32 v11, v6;
	v5 =	vmax.f32 v5, v6;
	v6 =	vld [tilespmem:$0x16E0]  }
0x180: {  	v11 =	vmin.f32 v11, v7;
	v5 =	vmax.f32 v5, v7;
	v7 =	vld [tilespmem:$0x16F0]  }
0x181: {  	v28 =	vld [tilespmem:$0x1700];
	v11 =	vmin.f32 v11, v25;
	v5 =	vmax.f32 v5, v25  }
0x182: {  	v29 =	vld [tilespmem:$0x1710];
	v11 =	vmin.f32 v11, v26;
	v5 =	vmax.f32 v5, v26  }
0x183: {  	v30 =	vld [tilespmem:$0x1720];
	v11 =	vmin.f32 v11, v27;
	v5 =	vmax.f32 v5, v27  }
0x184: {  	v11 =	vmin.f32 v11, v6;
	v5 =	vmax.f32 v5, v6;
	v6 =	vld [tilespmem:$0x1730]  }
0x185: {  	v11 =	vmin.f32 v11, v7;
	v5 =	vmax.f32 v5, v7;
	v7 =	vld [tilespmem:$0x1740]  }
0x186: {  	v31 =	vld [tilespmem:$0x1750];
	v11 =	vmin.f32 v11, v28;
	v5 =	vmax.f32 v5, v28  }
0x187: {  	v32 =	vld [tilespmem:$0x1760];
	v11 =	vmin.f32 v11, v29;
	v5 =	vmax.f32 v5, v29  }
0x188: {  	v33 =	vld [tilespmem:$0x1770];
	v11 =	vmin.f32 v11, v30;
	v5 =	vmax.f32 v5, v30  }
0x189: {  	v11 =	vmin.f32 v11, v6;
	v5 =	vmax.f32 v5, v6;
	v6 =	vld [tilespmem:$0x1780]  }
0x18a: {  	v11 =	vmin.f32 v11, v7;
	v5 =	vmax.f32 v5, v7;
	v7 =	vld [tilespmem:$0x1790]  }
0x18b: {  	v34 =	vld [tilespmem:$0x17A0];
	v11 =	vmin.f32 v11, v31;
	v5 =	vmax.f32 v5, v31  }
0x18c: {  	v35 =	vld [tilespmem:$0x17B0];
	v11 =	vmin.f32 v11, v32;
	v5 =	vmax.f32 v5, v32  }
0x18d: {  	v36 =	vld [tilespmem:$0x17C0];
	v11 =	vmin.f32 v11, v33;
	v5 =	vmax.f32 v5, v33  }
0x18e: {  	v11 =	vmin.f32 v11, v6;
	v5 =	vmax.f32 v5, v6;
	v6 =	vld [tilespmem:$0x17D0]  }
0x18f: {  	v11 =	vmin.f32 v11, v7;
	v5 =	vmax.f32 v5, v7;
	v7 =	vld [tilespmem:$0x17E0]  }
0x190: {  	v37 =	vld [tilespmem:$0x17F0];
	v11 =	vmin.f32 v11, v34;
	v5 =	vmax.f32 v5, v34  }
0x191: {  	v38 =	vld [tilespmem:$0x1800];
	v11 =	vmin.f32 v11, v35;
	v5 =	vmax.f32 v5, v35  }
0x192: {  	v39 =	vld [tilespmem:$0x1810];
	v11 =	vmin.f32 v11, v36;
	v5 =	vmax.f32 v5, v36  }
0x193: {  	v11 =	vmin.f32 v11, v6;
	v5 =	vmax.f32 v5, v6;
	v6 =	vld [tilespmem:$0x1820]  }
0x194: {  	v11 =	vmin.f32 v11, v7;
	v5 =	vmax.f32 v5, v7;
	v7 =	vld [tilespmem:$0x1830]  }
0x195: {  	v40 =	vld [tilespmem:$0x1840];
	v11 =	vmin.f32 v11, v37;
	v5 =	vmax.f32 v5, v37  }
0x196: {  	v41 =	vld [tilespmem:$0x1850];
	v11 =	vmin.f32 v11, v38;
	v5 =	vmax.f32 v5, v38  }
0x197: {  	v42 =	vld [tilespmem:$0x1860];
	v11 =	vmin.f32 v11, v39;
	v5 =	vmax.f32 v5, v39  }
0x198: {  	v11 =	vmin.f32 v11, v6;
	v5 =	vmax.f32 v5, v6;
	v6 =	vld [tilespmem:$0x1870]  }
0x199: {  	v11 =	vmin.f32 v11, v7;
	v5 =	vmax.f32 v5, v7;
	v7 =	vld [tilespmem:$0x1880]  }
0x19a: {  	v43 =	vld [tilespmem:$0x1890];
	v11 =	vmin.f32 v11, v40;
	v5 =	vmax.f32 v5, v40  }
0x19b: {  	v44 =	vld [tilespmem:$0x18A0];
	v11 =	vmin.f32 v11, v41;
	v5 =	vmax.f32 v5, v41  }
0x19c: {  	v45 =	vld [tilespmem:$0x18B0];
	v11 =	vmin.f32 v11, v42;
	v5 =	vmax.f32 v5, v42  }
0x19d: {  	v11 =	vmin.f32 v11, v6;
	v5 =	vmax.f32 v5, v6;
	v6 =	vld [tilespmem:$0x18C0]  }
0x19e: {  	v11 =	vmin.f32 v11, v7;
	v5 =	vmax.f32 v5, v7;
	v7 =	vld [tilespmem:$0x18D0]  }
0x19f: {  	v46 =	vld [tilespmem:$0x18E0];
	v11 =	vmin.f32 v11, v43;
	v5 =	vmax.f32 v5, v43  }
0x1a0: {  	v47 =	vld [tilespmem:$0x18F0];
	v11 =	vmin.f32 v11, v44;
	v5 =	vmax.f32 v5, v44  }
0x1a1: {  	v48 =	vld [tilespmem:$0x1900];
	v11 =	vmin.f32 v11, v45;
	v5 =	vmax.f32 v5, v45  }
0x1a2: {  	v11 =	vmin.f32 v11, v6;
	v5 =	vmax.f32 v5, v6;
	v6 =	vld [tilespmem:$0x1910]  }
0x1a3: {  	v11 =	vmin.f32 v11, v7;
	v5 =	vmax.f32 v5, v7;
	v7 =	vld [tilespmem:$0x1920]  }
0x1a4: {  	v49 =	vld [tilespmem:$0x1930];
	v11 =	vmin.f32 v11, v46;
	v5 =	vmax.f32 v5, v46  }
0x1a5: {  	v50 =	vld [tilespmem:$0x1940];
	v11 =	vmin.f32 v11, v47;
	v5 =	vmax.f32 v5, v47  }
0x1a6: {  	v51 =	vld [tilespmem:$0x1950];
	v11 =	vmin.f32 v11, v48;
	v5 =	vmax.f32 v5, v48  }
0x1a7: {  	v11 =	vmin.f32 v11, v6;
	v5 =	vmax.f32 v5, v6;
	v6 =	vld [tilespmem:$0x1960]  }
0x1a8: {  	v11 =	vmin.f32 v11, v7;
	v5 =	vmax.f32 v5, v7;
	v7 =	vld [tilespmem:$0x1970]  }
0x1a9: {  	v52 =	vld [tilespmem:$0x1980];
	v11 =	vmin.f32 v11, v49;
	v5 =	vmax.f32 v5, v49  }
0x1aa: {  	v53 =	vld [tilespmem:$0x1990];
	v11 =	vmin.f32 v11, v50;
	v5 =	vmax.f32 v5, v50  }
0x1ab: {  	v54 =	vld [tilespmem:$0x19A0];
	v11 =	vmin.f32 v11, v51;
	v5 =	vmax.f32 v5, v51  }
0x1ac: {  	v11 =	vmin.f32 v11, v6;
	v5 =	vmax.f32 v5, v6;
	v6 =	vld [tilespmem:$0x19B0]  }
0x1ad: {  	v11 =	vmin.f32 v11, v7;
	v5 =	vmax.f32 v5, v7;
	v7 =	vld [tilespmem:$0x19C0]  }
0x1ae: {  	v55 =	vld [tilespmem:$0x19D0];
	v11 =	vmin.f32 v11, v52;
	v5 =	vmax.f32 v5, v52  }
0x1af: {  	v56 =	vld [tilespmem:$0x19E0];
	v11 =	vmin.f32 v11, v53;
	v5 =	vmax.f32 v5, v53  }
0x1b0: {  	v57 =	vld [tilespmem:$0x19F0];
	v11 =	vmin.f32 v11, v54;
	v5 =	vmax.f32 v5, v54  }
0x1b1: {  	v11 =	vmin.f32 v11, v6;
	v5 =	vmax.f32 v5, v6;
	v6 =	vld [tilespmem:$0x1A00]  }
0x1b2: {  	v11 =	vmin.f32 v11, v7;
	v5 =	vmax.f32 v5, v7;
	v7 =	vld [tilespmem:$0x1A10]  }
0x1b3: {  	v58 =	vld [tilespmem:$0x1A20];
	v11 =	vmin.f32 v11, v55;
	v5 =	vmax.f32 v5, v55  }
0x1b4: {  	v59 =	vld [tilespmem:$0x1A30];
	v11 =	vmin.f32 v11, v56;
	v5 =	vmax.f32 v5, v56  }
0x1b5: {  	v60 =	vld [tilespmem:$0x1A40];
	v11 =	vmin.f32 v11, v57;
	v5 =	vmax.f32 v5, v57  }
0x1b6: {  	v11 =	vmin.f32 v11, v6;
	v5 =	vmax.f32 v5, v6;
	v6 =	vld [tilespmem:$0x1A50]  }
0x1b7: {  	v11 =	vmin.f32 v11, v7;
	v5 =	vmax.f32 v5, v7;
	v7 =	vld [tilespmem:$0x1A60]  }
0x1b8: {  	v61 =	vld [tilespmem:$0x1A70];
	v11 =	vmin.f32 v11, v58;
	v5 =	vmax.f32 v5, v58  }
0x1b9: {  	v62 =	vld [tilespmem:$0x1A80];
	v11 =	vmin.f32 v11, v59;
	v5 =	vmax.f32 v5, v59  }
0x1ba: {  	v63 =	vld [tilespmem:$0x1A90];
	v11 =	vmin.f32 v11, v60;
	v5 =	vmax.f32 v5, v60  }
0x1bb: {  	v11 =	vmin.f32 v11, v6;
	v5 =	vmax.f32 v5, v6;
	v6 =	vld [tilespmem:$0x1AA0]  }
0x1bc: {  	v11 =	vmin.f32 v11, v7;
	v5 =	vmax.f32 v5, v7;
	v7 =	vld [tilespmem:$0x1AB0]  }
0x1bd: {  	v12 =	vld [tilespmem:$0x1AC0];
	v11 =	vmin.f32 v11, v61;
	v5 =	vmax.f32 v5, v61  }
0x1be: {  	v13 =	vld [tilespmem:$0x1AD0];
	v11 =	vmin.f32 v11, v62;
	v5 =	vmax.f32 v5, v62  }
0x1bf: {  	v14 =	vld [tilespmem:$0x1AE0];
	v11 =	vmin.f32 v11, v63;
	v5 =	vmax.f32 v5, v63  }
0x1c0: {  	v11 =	vmin.f32 v11, v6;
	v5 =	vmax.f32 v5, v6;
	v6 =	vld [tilespmem:$0x1AF0]  }
0x1c1: {  	v11 =	vmin.f32 v11, v7;
	v5 =	vmax.f32 v5, v7;
	v7 =	vld [tilespmem:$0x1B00]  }
0x1c2: {  	v15 =	vld [tilespmem:$0x1B10];
	v11 =	vmin.f32 v11, v12;
	v5 =	vmax.f32 v5, v12  }
0x1c3: {  	v16 =	vld [tilespmem:$0x1B20];
	v11 =	vmin.f32 v11, v13;
	v5 =	vmax.f32 v5, v13  }
0x1c4: {  	v17 =	vld [tilespmem:$0x1B30];
	v11 =	vmin.f32 v11, v14;
	v5 =	vmax.f32 v5, v14  }
0x1c5: {  	v11 =	vmin.f32 v11, v6;
	v5 =	vmax.f32 v5, v6;
	v6 =	vld [tilespmem:$0x1B40]  }
0x1c6: {  	v11 =	vmin.f32 v11, v7;
	v5 =	vmax.f32 v5, v7;
	v7 =	vld [tilespmem:$0x1B50]  }
0x1c7: {  	v18 =	vld [tilespmem:$0x1B60];
	v11 =	vmin.f32 v11, v15;
	v5 =	vmax.f32 v5, v15  }
0x1c8: {  	v19 =	vld [tilespmem:$0x1B70];
	v11 =	vmin.f32 v11, v16;
	v5 =	vmax.f32 v5, v16  }
0x1c9: {  	v20 =	vld [tilespmem:$0x1B80];
	v11 =	vmin.f32 v11, v17;
	v5 =	vmax.f32 v5, v17  }
0x1ca: {  	v11 =	vmin.f32 v11, v6;
	v5 =	vmax.f32 v5, v6;
	v6 =	vld [tilespmem:$0x1B90]  }
0x1cb: {  	v11 =	vmin.f32 v11, v7;
	v5 =	vmax.f32 v5, v7;
	v7 =	vld [tilespmem:$0x1BA0]  }
0x1cc: {  	v21 =	vld [tilespmem:$0x1BB0];
	v11 =	vmin.f32 v11, v18;
	v5 =	vmax.f32 v5, v18  }
0x1cd: {  	v22 =	vld [tilespmem:$0x1BC0];
	v11 =	vmin.f32 v11, v19;
	v5 =	vmax.f32 v5, v19  }
0x1ce: {  	v23 =	vld [tilespmem:$0x1BD0];
	v11 =	vmin.f32 v11, v20;
	v5 =	vmax.f32 v5, v20  }
0x1cf: {  	v11 =	vmin.f32 v11, v6;
	v5 =	vmax.f32 v5, v6;
	v6 =	vld [tilespmem:$0x1BE0]  }
0x1d0: {  	v11 =	vmin.f32 v11, v7;
	v5 =	vmax.f32 v5, v7;
	v7 =	vld [tilespmem:$0x1BF0]  }
0x1d1: {  	v24 =	vld [tilespmem:$0x1C00];
	v11 =	vmin.f32 v11, v21;
	v5 =	vmax.f32 v5, v21  }
0x1d2: {  	v25 =	vld [tilespmem:$0x1C10];
	v11 =	vmin.f32 v11, v22;
	v5 =	vmax.f32 v5, v22  }
0x1d3: {  	v26 =	vld [tilespmem:$0x1C20];
	v11 =	vmin.f32 v11, v23;
	v5 =	vmax.f32 v5, v23  }
0x1d4: {  	v11 =	vmin.f32 v11, v6;
	v5 =	vmax.f32 v5, v6;
	v6 =	vld [tilespmem:$0x1C30]  }
0x1d5: {  	v11 =	vmin.f32 v11, v7;
	v5 =	vmax.f32 v5, v7;
	v7 =	vld [tilespmem:$0x1C40]  }
0x1d6: {  	v27 =	vld [tilespmem:$0x1C50];
	v11 =	vmin.f32 v11, v24;
	v5 =	vmax.f32 v5, v24  }
0x1d7: {  	v28 =	vld [tilespmem:$0x1C60];
	v11 =	vmin.f32 v11, v25;
	v5 =	vmax.f32 v5, v25  }
0x1d8: {  	v29 =	vld [tilespmem:$0x1C70];
	v11 =	vmin.f32 v11, v26;
	v5 =	vmax.f32 v5, v26  }
0x1d9: {  	v11 =	vmin.f32 v11, v6;
	v5 =	vmax.f32 v5, v6;
	v6 =	vld [tilespmem:$0x1C80]  }
0x1da: {  	v11 =	vmin.f32 v11, v7;
	v5 =	vmax.f32 v5, v7;
	v7 =	vld [tilespmem:$0x1C90]  }
0x1db: {  	v30 =	vld [tilespmem:$0x1CA0];
	v11 =	vmin.f32 v11, v27;
	v5 =	vmax.f32 v5, v27  }
0x1dc: {  	v31 =	vld [tilespmem:$0x1CB0];
	v11 =	vmin.f32 v11, v28;
	v5 =	vmax.f32 v5, v28  }
0x1dd: {  	v32 =	vld [tilespmem:$0x1CC0];
	v11 =	vmin.f32 v11, v29;
	v5 =	vmax.f32 v5, v29  }
0x1de: {  	v11 =	vmin.f32 v11, v6;
	v5 =	vmax.f32 v5, v6;
	v6 =	vld [tilespmem:$0x1CD0]  }
0x1df: {  	v11 =	vmin.f32 v11, v7;
	v5 =	vmax.f32 v5, v7;
	v7 =	vld [tilespmem:$0x1CE0]  }
0x1e0: {  	v33 =	vld [tilespmem:$0x1CF0];
	v11 =	vmin.f32 v11, v30;
	v5 =	vmax.f32 v5, v30  }
0x1e1: {  	v34 =	vld [tilespmem:$0x1D00];
	v11 =	vmin.f32 v11, v31;
	v5 =	vmax.f32 v5, v31  }
0x1e2: {  	v35 =	vld [tilespmem:$0x1D10];
	v11 =	vmin.f32 v11, v32;
	v5 =	vmax.f32 v5, v32  }
0x1e3: {  	v11 =	vmin.f32 v11, v6;
	v5 =	vmax.f32 v5, v6;
	v6 =	vld [tilespmem:$0x1D20]  }
0x1e4: {  	v11 =	vmin.f32 v11, v7;
	v5 =	vmax.f32 v5, v7;
	v7 =	vld [tilespmem:$0x1D30]  }
0x1e5: {  	v36 =	vld [tilespmem:$0x1D40];
	v11 =	vmin.f32 v11, v33;
	v5 =	vmax.f32 v5, v33  }
0x1e6: {  	v37 =	vld [tilespmem:$0x1D50];
	v11 =	vmin.f32 v11, v34;
	v5 =	vmax.f32 v5, v34  }
0x1e7: {  	v38 =	vld [tilespmem:$0x1D60];
	v11 =	vmin.f32 v11, v35;
	v5 =	vmax.f32 v5, v35  }
0x1e8: {  	v11 =	vmin.f32 v11, v6;
	v5 =	vmax.f32 v5, v6;
	v6 =	vld [tilespmem:$0x1D70]  }
0x1e9: {  	v11 =	vmin.f32 v11, v7;
	v5 =	vmax.f32 v5, v7;
	v7 =	vld [tilespmem:$0x1D80]  }
0x1ea: {  	v39 =	vld [tilespmem:$0x1D90];
	v11 =	vmin.f32 v11, v36;
	v5 =	vmax.f32 v5, v36  }
0x1eb: {  	v40 =	vld [tilespmem:$0x1DA0];
	v11 =	vmin.f32 v11, v37;
	v5 =	vmax.f32 v5, v37  }
0x1ec: {  	v41 =	vld [tilespmem:$0x1DB0];
	v11 =	vmin.f32 v11, v38;
	v5 =	vmax.f32 v5, v38  }
0x1ed: {  	v11 =	vmin.f32 v11, v6;
	v5 =	vmax.f32 v5, v6;
	v6 =	vld [tilespmem:$0x1DC0]  }
0x1ee: {  	v11 =	vmin.f32 v11, v7;
	v5 =	vmax.f32 v5, v7;
	v7 =	vld [tilespmem:$0x1DD0]  }
0x1ef: {  	v42 =	vld [tilespmem:$0x1DE0];
	v11 =	vmin.f32 v11, v39;
	v5 =	vmax.f32 v5, v39  }
0x1f0: {  	v43 =	vld [tilespmem:$0x1DF0];
	v11 =	vmin.f32 v11, v40;
	v5 =	vmax.f32 v5, v40  }
0x1f1: {  	v44 =	vld [tilespmem:$0x1E00];
	v11 =	vmin.f32 v11, v41;
	v5 =	vmax.f32 v5, v41  }
0x1f2: {  	v11 =	vmin.f32 v11, v6;
	v5 =	vmax.f32 v5, v6;
	v6 =	vld [tilespmem:$0x1E10]  }
0x1f3: {  	v11 =	vmin.f32 v11, v7;
	v5 =	vmax.f32 v5, v7;
	v7 =	vld [tilespmem:$0x1E20]  }
0x1f4: {  	v45 =	vld [tilespmem:$0x1E30];
	v11 =	vmin.f32 v11, v42;
	v5 =	vmax.f32 v5, v42  }
0x1f5: {  	v46 =	vld [tilespmem:$0x1E40];
	v11 =	vmin.f32 v11, v43;
	v5 =	vmax.f32 v5, v43  }
0x1f6: {  	v47 =	vld [tilespmem:$0x1E50];
	v11 =	vmin.f32 v11, v44;
	v5 =	vmax.f32 v5, v44  }
0x1f7: {  	v11 =	vmin.f32 v11, v6;
	v5 =	vmax.f32 v5, v6;
	v6 =	vld [tilespmem:$0x1E60]  }
0x1f8: {  	v11 =	vmin.f32 v11, v7;
	v5 =	vmax.f32 v5, v7;
	v7 =	vld [tilespmem:$0x1E70]  }
0x1f9: {  	v48 =	vld [tilespmem:$0x1E80];
	v11 =	vmin.f32 v11, v45;
	v5 =	vmax.f32 v5, v45  }
0x1fa: {  	v49 =	vld [tilespmem:$0x1E90];
	v11 =	vmin.f32 v11, v46;
	v5 =	vmax.f32 v5, v46  }
0x1fb: {  	v50 =	vld [tilespmem:$0x1EA0];
	v11 =	vmin.f32 v11, v47;
	v5 =	vmax.f32 v5, v47  }
0x1fc: {  	v11 =	vmin.f32 v11, v6;
	v5 =	vmax.f32 v5, v6;
	v6 =	vld [tilespmem:$0x1EB0]  }
0x1fd: {  	v11 =	vmin.f32 v11, v7;
	v5 =	vmax.f32 v5, v7;
	v7 =	vld [tilespmem:$0x1EC0]  }
0x1fe: {  	v51 =	vld [tilespmem:$0x1ED0];
	v11 =	vmin.f32 v11, v48;
	v5 =	vmax.f32 v5, v48  }
0x1ff: {  	v52 =	vld [tilespmem:$0x1EE0];
	v11 =	vmin.f32 v11, v49;
	v5 =	vmax.f32 v5, v49  }
0x200: {  	v53 =	vld [tilespmem:$0x1EF0];
	v11 =	vmin.f32 v11, v50;
	v5 =	vmax.f32 v5, v50  }
0x201: {  	v11 =	vmin.f32 v11, v6;
	v5 =	vmax.f32 v5, v6;
	v6 =	vld [tilespmem:$0x1F00]  }
0x202: {  	v11 =	vmin.f32 v11, v7;
	v5 =	vmax.f32 v5, v7;
	v7 =	vld [tilespmem:$0x1F10]  }
0x203: {  	v54 =	vld [tilespmem:$0x1F20];
	v11 =	vmin.f32 v11, v51;
	v5 =	vmax.f32 v5, v51  }
0x204: {  	v55 =	vld [tilespmem:$0x1F30];
	v11 =	vmin.f32 v11, v52;
	v5 =	vmax.f32 v5, v52  }
0x205: {  	v56 =	vld [tilespmem:$0x1F40];
	v11 =	vmin.f32 v11, v53;
	v5 =	vmax.f32 v5, v53  }
0x206: {  	v11 =	vmin.f32 v11, v6;
	v5 =	vmax.f32 v5, v6;
	v6 =	vld [tilespmem:$0x1F50]  }
0x207: {  	v11 =	vmin.f32 v11, v7;
	v5 =	vmax.f32 v5, v7;
	v7 =	vld [tilespmem:$0x1F60]  }
0x208: {  	v57 =	vld [tilespmem:$0x1F70];
	v11 =	vmin.f32 v11, v54;
	v5 =	vmax.f32 v5, v54  }
0x209: {  	v58 =	vld [tilespmem:$0x1F80];
	v11 =	vmin.f32 v11, v55;
	v5 =	vmax.f32 v5, v55  }
0x20a: {  	v59 =	vld [tilespmem:$0x1F90];
	v11 =	vmin.f32 v11, v56;
	v5 =	vmax.f32 v5, v56  }
0x20b: {  	v11 =	vmin.f32 v11, v6;
	v5 =	vmax.f32 v5, v6;
	v6 =	vld [tilespmem:$0x1FA0]  }
0x20c: {  	v11 =	vmin.f32 v11, v7;
	v5 =	vmax.f32 v5, v7;
	v7 =	vld [tilespmem:$0x1FB0]  }
0x20d: {  	v60 =	vld [tilespmem:$0x1FC0];
	v11 =	vmin.f32 v11, v57;
	v5 =	vmax.f32 v5, v57  }
0x20e: {  	v61 =	vld [tilespmem:$0x1FD0];
	v11 =	vmin.f32 v11, v58;
	v5 =	vmax.f32 v5, v58  }
0x20f: {  	v62 =	vld [tilespmem:$0x1FE0];
	v11 =	vmin.f32 v11, v59;
	v5 =	vmax.f32 v5, v59  }
0x210: {  	v11 =	vmin.f32 v11, v6;
	v5 =	vmax.f32 v5, v6;
	v6 =	vld [tilespmem:$0x1FF0]  }
0x211: {  	v11 =	vmin.f32 v11, v7;
	v5 =	vmax.f32 v5, v7  }
0x212: {  	v7 =	vmin.f32 v11, v60;
	v5 =	vmax.f32 v5, v60  }
0x213: {  	v7 =	vmin.f32 v7, v61;
	v5 =	vmax.f32 v5, v61  }
0x214: {  	v7 =	vmin.f32 v7, v62;
	v5 =	vmax.f32 v5, v62  }
0x215: {  	v7 =	vmin.f32 v7, v6;
	v5 =	vmax.f32 v5, v6  }
0x216: {  	v6 =	vperm.xlane v7, v0;
	v63 =	vperm.xlane v5, v0;
	_ =	sdelay $0x1  }
0x217: {  	v6 =	vmin.f32 v7, v6;
	v5 =	vmax.f32 v5, v63  }
0x218: {  	v7 =	vperm.xlane v6, v1;
	v8 =	vperm.xlane v5, v1;
	_ =	sdelay $0x1  }
0x219: {  	v6 =	vmin.f32 v6, v7;
	v5 =	vmax.f32 v5, v8  }
0x21a: {  	v7 =	vperm.xlane v6, v2;
	v8 =	vperm.xlane v5, v2;
	_ =	sdelay $0x1  }
0x21b: {  	v6 =	vmin.f32 v6, v7;
	v7 =	vmax.f32 v5, v8  }
0x21c: {  	v5 =	vperm.xlane v6, v3;
	v8 =	vperm.xlane v7, v3;
	_ =	sdelay $0x1  }
0x21d: {  	v5 =	vmin.f32 v6, v5;
	v6 =	vmax.f32 v7, v8  }
0x21e: {  	v6 =	vsub.f32 v6, v5;
	_ =	sdelay $0x1  }
0x21f: {  	v6 =	vadd.f32 $9.999999930e-09, v6;
	_ =	sdelay $0x1  }
0x220: {  	(erf) = vrcp.f32 v6;
	_ =	sdelay $0x2  }
0x221: {  	v6 =	vld [tilespmem:s4+$0x0];
	_ =	sdelay $0x4  }
0x222: {  	v7 =	vsub.f32 v6, v5  }
0x223: {  	v6 =	vpop (erf)  }
0x224: {  	v7 =	vmul.f32 v6, v7;
	_ =	sdelay $0x1  }
0x225: {  	v7 =	vmul.f32 $3.999999050e+00, v7;
	_ =	sdelay $0x1  }
0x226: {  	v7 =	vtrunc.f32 v7  }
0x227: {  	v7 =	vcvt.f32.s32 v7;
	_ =	sdelay $0x1  }
0x228: {  	vm0 =	vgt.s32 v7, $0x0  }
0x229: {  	v7 =	vnsel vm0, $0x0, v7  }
0x22a: {  	v7 =	vmin.u32 v7, $0x3  }
0x22b: {  	v7 =	vshll.u32 v4, v7  }
0x22c: {  	[tilespmem:$0x2000] =	vst v7  }
0x22d: {  	v7 =	vld [tilespmem:s4+$0x10];
	_ =	sdelay $0x4  }
0x22e: {  	v7 =	vsub.f32 v7, v5;
	_ =	sdelay $0x1  }
0x22f: {  	v7 =	vmul.f32 v6, v7;
	_ =	sdelay $0x1  }
0x230: {  	v7 =	vmul.f32 $3.999999050e+00, v7;
	_ =	sdelay $0x1  }
0x231: {  	v7 =	vtrunc.f32 v7  }
0x232: {  	v7 =	vcvt.f32.s32 v7;
	_ =	sdelay $0x1  }
0x233: {  	vm13 =	vgt.s32 v7, $0x0  }
0x234: {  	v7 =	vnsel vm13, $0x0, v7  }
0x235: {  	v7 =	vmin.u32 v7, $0x3  }
0x236: {  	v7 =	vshll.u32 v4, v7  }
0x237: {  	[tilespmem:$0x2010] =	vst v7  }
0x238: {  	v7 =	vld [tilespmem:s4+$0x20];
	_ =	sdelay $0x4  }
0x239: {  	v7 =	vsub.f32 v7, v5;
	_ =	sdelay $0x1  }
0x23a: {  	v7 =	vmul.f32 v7, v6;
	_ =	sdelay $0x1  }
0x23b: {  	v7 =	vmul.f32 $3.999999050e+00, v7;
	_ =	sdelay $0x1  }
0x23c: {  	v7 =	vtrunc.f32 v7  }
0x23d: {  	v7 =	vcvt.f32.s32 v7;
	_ =	sdelay $0x1  }
0x23e: {  	vm14 =	vgt.s32 v7, $0x0  }
0x23f: {  	v7 =	vnsel vm14, $0x0, v7  }
0x240: {  	v7 =	vmin.u32 v7, $0x3  }
0x241: {  	v7 =	vshll.u32 v4, v7  }
0x242: {  	[tilespmem:$0x2020] =	vst v7  }
0x243: {  	v7 =	vld [tilespmem:s4+$0x30];
	_ =	sdelay $0x4  }
0x244: {  	v7 =	vsub.f32 v7, v5;
	_ =	sdelay $0x1  }
0x245: {  	v7 =	vmul.f32 v7, v6;
	_ =	sdelay $0x1  }
0x246: {  	v7 =	vmul.f32 $3.999999050e+00, v7;
	_ =	sdelay $0x1  }
0x247: {  	v7 =	vtrunc.f32 v7  }
0x248: {  	v7 =	vcvt.f32.s32 v7;
	_ =	sdelay $0x1  }
0x249: {  	vm15 =	vgt.s32 v7, $0x0  }
0x24a: {  	v7 =	vnsel vm15, $0x0, v7  }
0x24b: {  	v7 =	vmin.u32 v7, $0x3  }
0x24c: {  	v7 =	vshll.u32 v4, v7  }
0x24d: {  	[tilespmem:$0x2030] =	vst v7  }
0x24e: {  	v7 =	vld [tilespmem:s4+$0x40];
	_ =	sdelay $0x4  }
0x24f: {  	v7 =	vsub.f32 v7, v5;
	_ =	sdelay $0x1  }
0x250: {  	v7 =	vmul.f32 v7, v6;
	_ =	sdelay $0x1  }
0x251: {  	v7 =	vmul.f32 $3.999999050e+00, v7;
	_ =	sdelay $0x1  }
0x252: {  	v7 =	vtrunc.f32 v7  }
0x253: {  	v7 =	vcvt.f32.s32 v7;
	_ =	sdelay $0x1  }
0x254: {  	vm4 =	vgt.s32 v7, $0x0  }
0x255: {  	v7 =	vnsel vm4, $0x0, v7  }
0x256: {  	v7 =	vmin.u32 v7, $0x3  }
0x257: {  	v7 =	vshll.u32 v4, v7  }
0x258: {  	[tilespmem:$0x2040] =	vst v7  }
0x259: {  	v7 =	vld [tilespmem:s4+$0x50];
	_ =	sdelay $0x4  }
0x25a: {  	v7 =	vsub.f32 v7, v5;
	_ =	sdelay $0x1  }
0x25b: {  	v7 =	vmul.f32 v7, v6;
	_ =	sdelay $0x1  }
0x25c: {  	v7 =	vmul.f32 $3.999999050e+00, v7;
	_ =	sdelay $0x1  }
0x25d: {  	v7 =	vtrunc.f32 v7  }
0x25e: {  	v7 =	vcvt.f32.s32 v7;
	_ =	sdelay $0x1  }
0x25f: {  	vm5 =	vgt.s32 v7, $0x0  }
0x260: {  	v7 =	vnsel vm5, $0x0, v7  }
0x261: {  	v7 =	vmin.u32 v7, $0x3  }
0x262: {  	v7 =	vshll.u32 v4, v7  }
0x263: {  	[tilespmem:$0x2050] =	vst v7  }
0x264: {  	v7 =	vld [tilespmem:s4+$0x60];
	_ =	sdelay $0x4  }
0x265: {  	v7 =	vsub.f32 v7, v5;
	_ =	sdelay $0x1  }
0x266: {  	v7 =	vmul.f32 v7, v6;
	_ =	sdelay $0x1  }
0x267: {  	v7 =	vmul.f32 $3.999999050e+00, v7;
	_ =	sdelay $0x1  }
0x268: {  	v7 =	vtrunc.f32 v7  }
0x269: {  	v7 =	vcvt.f32.s32 v7;
	_ =	sdelay $0x1  }
0x26a: {  	vm6 =	vgt.s32 v7, $0x0  }
0x26b: {  	v7 =	vnsel vm6, $0x0, v7  }
0x26c: {  	v7 =	vmin.u32 v7, $0x3  }
0x26d: {  	v7 =	vshll.u32 v4, v7  }
0x26e: {  	[tilespmem:$0x2060] =	vst v7  }
0x26f: {  	v7 =	vld [tilespmem:s4+$0x70];
	_ =	sdelay $0x4  }
0x270: {  	v7 =	vsub.f32 v7, v5;
	_ =	sdelay $0x1  }
0x271: {  	v7 =	vmul.f32 v7, v6;
	_ =	sdelay $0x1  }
0x272: {  	v7 =	vmul.f32 $3.999999050e+00, v7;
	_ =	sdelay $0x1  }
0x273: {  	v7 =	vtrunc.f32 v7  }
0x274: {  	v7 =	vcvt.f32.s32 v7;
	_ =	sdelay $0x1  }
0x275: {  	vm7 =	vgt.s32 v7, $0x0  }
0x276: {  	v7 =	vnsel vm7, $0x0, v7  }
0x277: {  	v7 =	vmin.u32 v7, $0x3  }
0x278: {  	v7 =	vshll.u32 v4, v7  }
0x279: {  	[tilespmem:$0x2070] =	vst v7  }
0x27a: {  	v7 =	vld [tilespmem:s4+$0x80];
	_ =	sdelay $0x4  }
0x27b: {  	v7 =	vsub.f32 v7, v5;
	_ =	sdelay $0x1  }
0x27c: {  	v7 =	vmul.f32 v7, v6;
	_ =	sdelay $0x1  }
0x27d: {  	v7 =	vmul.f32 $3.999999050e+00, v7;
	_ =	sdelay $0x1  }
0x27e: {  	v7 =	vtrunc.f32 v7  }
0x27f: {  	v7 =	vcvt.f32.s32 v7;
	_ =	sdelay $0x1  }
0x280: {  	vm8 =	vgt.s32 v7, $0x0  }
0x281: {  	v7 =	vnsel vm8, $0x0, v7  }
0x282: {  	v7 =	vmin.u32 v7, $0x3  }
0x283: {  	v7 =	vshll.u32 v4, v7  }
0x284: {  	[tilespmem:$0x2080] =	vst v7  }
0x285: {  	v7 =	vld [tilespmem:s4+$0x90];
	_ =	sdelay $0x4  }
0x286: {  	v7 =	vsub.f32 v7, v5;
	_ =	sdelay $0x1  }
0x287: {  	v7 =	vmul.f32 v7, v6;
	_ =	sdelay $0x1  }
0x288: {  	v7 =	vmul.f32 $3.999999050e+00, v7;
	_ =	sdelay $0x1  }
0x289: {  	v7 =	vtrunc.f32 v7  }
0x28a: {  	v7 =	vcvt.f32.s32 v7;
	_ =	sdelay $0x1  }
0x28b: {  	vm9 =	vgt.s32 v7, $0x0  }
0x28c: {  	v7 =	vnsel vm9, $0x0, v7  }
0x28d: {  	v7 =	vmin.u32 v7, $0x3  }
0x28e: {  	v7 =	vshll.u32 v4, v7  }
0x28f: {  	[tilespmem:$0x2090] =	vst v7  }
0x290: {  	v7 =	vld [tilespmem:s4+$0xA0];
	_ =	sdelay $0x4  }
0x291: {  	v7 =	vsub.f32 v7, v5;
	_ =	sdelay $0x1  }
0x292: {  	v7 =	vmul.f32 v7, v6;
	_ =	sdelay $0x1  }
0x293: {  	v7 =	vmul.f32 $3.999999050e+00, v7;
	_ =	sdelay $0x1  }
0x294: {  	v7 =	vtrunc.f32 v7  }
0x295: {  	v7 =	vcvt.f32.s32 v7;
	_ =	sdelay $0x1  }
0x296: {  	vm10 =	vgt.s32 v7, $0x0  }
0x297: {  	v7 =	vnsel vm10, $0x0, v7  }
0x298: {  	v7 =	vmin.u32 v7, $0x3  }
0x299: {  	v7 =	vshll.u32 v4, v7  }
0x29a: {  	[tilespmem:$0x20A0] =	vst v7  }
0x29b: {  	v7 =	vld [tilespmem:s4+$0xB0];
	_ =	sdelay $0x4  }
0x29c: {  	v7 =	vsub.f32 v7, v5;
	_ =	sdelay $0x1  }
0x29d: {  	v7 =	vmul.f32 v7, v6;
	_ =	sdelay $0x1  }
0x29e: {  	v7 =	vmul.f32 $3.999999050e+00, v7;
	_ =	sdelay $0x1  }
0x29f: {  	v7 =	vtrunc.f32 v7  }
0x2a0: {  	v7 =	vcvt.f32.s32 v7;
	_ =	sdelay $0x1  }
0x2a1: {  	vm11 =	vgt.s32 v7, $0x0  }
0x2a2: {  	v7 =	vnsel vm11, $0x0, v7  }
0x2a3: {  	v7 =	vmin.u32 v7, $0x3  }
0x2a4: {  	v7 =	vshll.u32 v4, v7  }
0x2a5: {  	[tilespmem:$0x20B0] =	vst v7  }
0x2a6: {  	v7 =	vld [tilespmem:s4+$0xC0];
	_ =	sdelay $0x4  }
0x2a7: {  	v7 =	vsub.f32 v7, v5;
	_ =	sdelay $0x1  }
0x2a8: {  	v7 =	vmul.f32 v7, v6;
	_ =	sdelay $0x1  }
0x2a9: {  	v7 =	vmul.f32 $3.999999050e+00, v7;
	_ =	sdelay $0x1  }
0x2aa: {  	v7 =	vtrunc.f32 v7  }
0x2ab: {  	v7 =	vcvt.f32.s32 v7;
	_ =	sdelay $0x1  }
0x2ac: {  	vm12 =	vgt.s32 v7, $0x0  }
0x2ad: {  	v7 =	vnsel vm12, $0x0, v7  }
0x2ae: {  	v7 =	vmin.u32 v7, $0x3  }
0x2af: {  	v7 =	vshll.u32 v4, v7  }
0x2b0: {  	[tilespmem:$0x20C0] =	vst v7  }
0x2b1: {  	v7 =	vld [tilespmem:s4+$0xD0];
	_ =	sdelay $0x4  }
0x2b2: {  	v7 =	vsub.f32 v7, v5;
	_ =	sdelay $0x1  }
0x2b3: {  	v7 =	vmul.f32 v7, v6;
	_ =	sdelay $0x1  }
0x2b4: {  	v7 =	vmul.f32 $3.999999050e+00, v7;
	_ =	sdelay $0x1  }
0x2b5: {  	v7 =	vtrunc.f32 v7  }
0x2b6: {  	v7 =	vcvt.f32.s32 v7;
	_ =	sdelay $0x1  }
0x2b7: {  	vm13 =	vgt.s32 v7, $0x0  }
0x2b8: {  	v7 =	vnsel vm13, $0x0, v7  }
0x2b9: {  	v7 =	vmin.u32 v7, $0x3  }
0x2ba: {  	v7 =	vshll.u32 v4, v7  }
0x2bb: {  	[tilespmem:$0x20D0] =	vst v7  }
0x2bc: {  	v7 =	vld [tilespmem:s4+$0xE0];
	_ =	sdelay $0x4  }
0x2bd: {  	v7 =	vsub.f32 v7, v5;
	_ =	sdelay $0x1  }
0x2be: {  	v7 =	vmul.f32 v7, v6;
	_ =	sdelay $0x1  }
0x2bf: {  	v7 =	vmul.f32 $3.999999050e+00, v7;
	_ =	sdelay $0x1  }
0x2c0: {  	v7 =	vtrunc.f32 v7  }
0x2c1: {  	v7 =	vcvt.f32.s32 v7;
	_ =	sdelay $0x1  }
0x2c2: {  	vm14 =	vgt.s32 v7, $0x0  }
0x2c3: {  	v7 =	vnsel vm14, $0x0, v7  }
0x2c4: {  	v7 =	vmin.u32 v7, $0x3  }
0x2c5: {  	v7 =	vshll.u32 v4, v7  }
0x2c6: {  	[tilespmem:$0x20E0] =	vst v7  }
0x2c7: {  	v7 =	vld [tilespmem:s4+$0xF0];
	_ =	sdelay $0x4  }
0x2c8: {  	v7 =	vsub.f32 v7, v5;
	_ =	sdelay $0x1  }
0x2c9: {  	v7 =	vmul.f32 v7, v6;
	_ =	sdelay $0x1  }
0x2ca: {  	v7 =	vmul.f32 $3.999999050e+00, v7;
	_ =	sdelay $0x1  }
0x2cb: {  	v7 =	vtrunc.f32 v7  }
0x2cc: {  	v7 =	vcvt.f32.s32 v7;
	_ =	sdelay $0x1  }
0x2cd: {  	vm15 =	vgt.s32 v7, $0x0  }
0x2ce: {  	v7 =	vnsel vm15, $0x0, v7  }
0x2cf: {  	v7 =	vmin.u32 v7, $0x3  }
0x2d0: {  	v7 =	vshll.u32 v4, v7  }
0x2d1: {  	[tilespmem:$0x20F0] =	vst v7  }
0x2d2: {  	v7 =	vld [tilespmem:s4+$0x100];
	_ =	sdelay $0x4  }
0x2d3: {  	v7 =	vsub.f32 v7, v5;
	_ =	sdelay $0x1  }
0x2d4: {  	v7 =	vmul.f32 v7, v6;
	_ =	sdelay $0x1  }
0x2d5: {  	v7 =	vmul.f32 $3.999999050e+00, v7;
	_ =	sdelay $0x1  }
0x2d6: {  	v7 =	vtrunc.f32 v7  }
0x2d7: {  	v7 =	vcvt.f32.s32 v7;
	_ =	sdelay $0x1  }
0x2d8: {  	vm4 =	vgt.s32 v7, $0x0  }
0x2d9: {  	v7 =	vnsel vm4, $0x0, v7  }
0x2da: {  	v7 =	vmin.u32 v7, $0x3  }
0x2db: {  	v7 =	vshll.u32 v4, v7  }
0x2dc: {  	[tilespmem:$0x2100] =	vst v7  }
0x2dd: {  	v7 =	vld [tilespmem:s4+$0x110];
	_ =	sdelay $0x4  }
0x2de: {  	v7 =	vsub.f32 v7, v5;
	_ =	sdelay $0x1  }
0x2df: {  	v7 =	vmul.f32 v7, v6;
	_ =	sdelay $0x1  }
0x2e0: {  	v7 =	vmul.f32 $3.999999050e+00, v7;
	_ =	sdelay $0x1  }
0x2e1: {  	v7 =	vtrunc.f32 v7  }
0x2e2: {  	v7 =	vcvt.f32.s32 v7;
	_ =	sdelay $0x1  }
0x2e3: {  	vm5 =	vgt.s32 v7, $0x0  }
0x2e4: {  	v7 =	vnsel vm5, $0x0, v7  }
0x2e5: {  	v7 =	vmin.u32 v7, $0x3  }
0x2e6: {  	v7 =	vshll.u32 v4, v7  }
0x2e7: {  	[tilespmem:$0x2110] =	vst v7  }
0x2e8: {  	v7 =	vld [tilespmem:s4+$0x120];
	_ =	sdelay $0x4  }
0x2e9: {  	v7 =	vsub.f32 v7, v5;
	_ =	sdelay $0x1  }
0x2ea: {  	v7 =	vmul.f32 v7, v6;
	_ =	sdelay $0x1  }
0x2eb: {  	v7 =	vmul.f32 $3.999999050e+00, v7;
	_ =	sdelay $0x1  }
0x2ec: {  	v7 =	vtrunc.f32 v7  }
0x2ed: {  	v7 =	vcvt.f32.s32 v7;
	_ =	sdelay $0x1  }
0x2ee: {  	vm6 =	vgt.s32 v7, $0x0  }
0x2ef: {  	v7 =	vnsel vm6, $0x0, v7  }
0x2f0: {  	v7 =	vmin.u32 v7, $0x3  }
0x2f1: {  	v7 =	vshll.u32 v4, v7  }
0x2f2: {  	[tilespmem:$0x2120] =	vst v7  }
0x2f3: {  	v7 =	vld [tilespmem:s4+$0x130];
	_ =	sdelay $0x4  }
0x2f4: {  	v7 =	vsub.f32 v7, v5;
	_ =	sdelay $0x1  }
0x2f5: {  	v7 =	vmul.f32 v7, v6;
	_ =	sdelay $0x1  }
0x2f6: {  	v7 =	vmul.f32 $3.999999050e+00, v7;
	_ =	sdelay $0x1  }
0x2f7: {  	v7 =	vtrunc.f32 v7  }
0x2f8: {  	v7 =	vcvt.f32.s32 v7;
	_ =	sdelay $0x1  }
0x2f9: {  	vm7 =	vgt.s32 v7, $0x0  }
0x2fa: {  	v7 =	vnsel vm7, $0x0, v7  }
0x2fb: {  	v7 =	vmin.u32 v7, $0x3  }
0x2fc: {  	v7 =	vshll.u32 v4, v7  }
0x2fd: {  	[tilespmem:$0x2130] =	vst v7  }
0x2fe: {  	v7 =	vld [tilespmem:s4+$0x140];
	_ =	sdelay $0x4  }
0x2ff: {  	v7 =	vsub.f32 v7, v5;
	_ =	sdelay $0x1  }
0x300: {  	v7 =	vmul.f32 v7, v6;
	_ =	sdelay $0x1  }
0x301: {  	v7 =	vmul.f32 $3.999999050e+00, v7;
	_ =	sdelay $0x1  }
0x302: {  	v7 =	vtrunc.f32 v7  }
0x303: {  	v7 =	vcvt.f32.s32 v7;
	_ =	sdelay $0x1  }
0x304: {  	vm8 =	vgt.s32 v7, $0x0  }
0x305: {  	v7 =	vnsel vm8, $0x0, v7  }
0x306: {  	v7 =	vmin.u32 v7, $0x3  }
0x307: {  	v7 =	vshll.u32 v4, v7  }
0x308: {  	[tilespmem:$0x2140] =	vst v7  }
0x309: {  	v7 =	vld [tilespmem:s4+$0x150];
	_ =	sdelay $0x4  }
0x30a: {  	v7 =	vsub.f32 v7, v5;
	_ =	sdelay $0x1  }
0x30b: {  	v7 =	vmul.f32 v7, v6;
	_ =	sdelay $0x1  }
0x30c: {  	v7 =	vmul.f32 $3.999999050e+00, v7;
	_ =	sdelay $0x1  }
0x30d: {  	v7 =	vtrunc.f32 v7  }
0x30e: {  	v7 =	vcvt.f32.s32 v7;
	_ =	sdelay $0x1  }
0x30f: {  	vm9 =	vgt.s32 v7, $0x0  }
0x310: {  	v7 =	vnsel vm9, $0x0, v7  }
0x311: {  	v7 =	vmin.u32 v7, $0x3  }
0x312: {  	v7 =	vshll.u32 v4, v7  }
0x313: {  	[tilespmem:$0x2150] =	vst v7  }
0x314: {  	v7 =	vld [tilespmem:s4+$0x160];
	_ =	sdelay $0x4  }
0x315: {  	v7 =	vsub.f32 v7, v5;
	_ =	sdelay $0x1  }
0x316: {  	v7 =	vmul.f32 v7, v6;
	_ =	sdelay $0x1  }
0x317: {  	v7 =	vmul.f32 $3.999999050e+00, v7;
	_ =	sdelay $0x1  }
0x318: {  	v7 =	vtrunc.f32 v7  }
0x319: {  	v7 =	vcvt.f32.s32 v7;
	_ =	sdelay $0x1  }
0x31a: {  	vm10 =	vgt.s32 v7, $0x0  }
0x31b: {  	v7 =	vnsel vm10, $0x0, v7  }
0x31c: {  	v7 =	vmin.u32 v7, $0x3  }
0x31d: {  	v7 =	vshll.u32 v4, v7  }
0x31e: {  	[tilespmem:$0x2160] =	vst v7  }
0x31f: {  	v7 =	vld [tilespmem:s4+$0x170];
	_ =	sdelay $0x4  }
0x320: {  	v7 =	vsub.f32 v7, v5;
	_ =	sdelay $0x1  }
0x321: {  	v7 =	vmul.f32 v7, v6;
	_ =	sdelay $0x1  }
0x322: {  	v7 =	vmul.f32 $3.999999050e+00, v7;
	_ =	sdelay $0x1  }
0x323: {  	v7 =	vtrunc.f32 v7  }
0x324: {  	v7 =	vcvt.f32.s32 v7;
	_ =	sdelay $0x1  }
0x325: {  	vm11 =	vgt.s32 v7, $0x0  }
0x326: {  	v7 =	vnsel vm11, $0x0, v7  }
0x327: {  	v7 =	vmin.u32 v7, $0x3  }
0x328: {  	v7 =	vshll.u32 v4, v7  }
0x329: {  	[tilespmem:$0x2170] =	vst v7  }
0x32a: {  	v7 =	vld [tilespmem:s4+$0x180];
	_ =	sdelay $0x4  }
0x32b: {  	v7 =	vsub.f32 v7, v5;
	_ =	sdelay $0x1  }
0x32c: {  	v7 =	vmul.f32 v7, v6;
	_ =	sdelay $0x1  }
0x32d: {  	v7 =	vmul.f32 $3.999999050e+00, v7;
	_ =	sdelay $0x1  }
0x32e: {  	v7 =	vtrunc.f32 v7  }
0x32f: {  	v7 =	vcvt.f32.s32 v7;
	_ =	sdelay $0x1  }
0x330: {  	vm12 =	vgt.s32 v7, $0x0  }
0x331: {  	v7 =	vnsel vm12, $0x0, v7  }
0x332: {  	v7 =	vmin.u32 v7, $0x3  }
0x333: {  	v7 =	vshll.u32 v4, v7  }
0x334: {  	[tilespmem:$0x2180] =	vst v7  }
0x335: {  	v7 =	vld [tilespmem:s4+$0x190];
	_ =	sdelay $0x4  }
0x336: {  	v7 =	vsub.f32 v7, v5;
	_ =	sdelay $0x1  }
0x337: {  	v7 =	vmul.f32 v7, v6;
	_ =	sdelay $0x1  }
0x338: {  	v7 =	vmul.f32 $3.999999050e+00, v7;
	_ =	sdelay $0x1  }
0x339: {  	v7 =	vtrunc.f32 v7  }
0x33a: {  	v7 =	vcvt.f32.s32 v7;
	_ =	sdelay $0x1  }
0x33b: {  	vm13 =	vgt.s32 v7, $0x0  }
0x33c: {  	v7 =	vnsel vm13, $0x0, v7  }
0x33d: {  	v7 =	vmin.u32 v7, $0x3  }
0x33e: {  	v7 =	vshll.u32 v4, v7  }
0x33f: {  	[tilespmem:$0x2190] =	vst v7  }
0x340: {  	v7 =	vld [tilespmem:s4+$0x1A0];
	_ =	sdelay $0x4  }
0x341: {  	v7 =	vsub.f32 v7, v5;
	_ =	sdelay $0x1  }
0x342: {  	v7 =	vmul.f32 v7, v6;
	_ =	sdelay $0x1  }
0x343: {  	v7 =	vmul.f32 $3.999999050e+00, v7;
	_ =	sdelay $0x1  }
0x344: {  	v7 =	vtrunc.f32 v7  }
0x345: {  	v7 =	vcvt.f32.s32 v7;
	_ =	sdelay $0x1  }
0x346: {  	vm14 =	vgt.s32 v7, $0x0  }
0x347: {  	v7 =	vnsel vm14, $0x0, v7  }
0x348: {  	v7 =	vmin.u32 v7, $0x3  }
0x349: {  	v7 =	vshll.u32 v4, v7  }
0x34a: {  	[tilespmem:$0x21A0] =	vst v7  }
0x34b: {  	v7 =	vld [tilespmem:s4+$0x1B0];
	_ =	sdelay $0x4  }
0x34c: {  	v7 =	vsub.f32 v7, v5;
	_ =	sdelay $0x1  }
0x34d: {  	v7 =	vmul.f32 v7, v6;
	_ =	sdelay $0x1  }
0x34e: {  	v7 =	vmul.f32 $3.999999050e+00, v7;
	_ =	sdelay $0x1  }
0x34f: {  	v7 =	vtrunc.f32 v7  }
0x350: {  	v7 =	vcvt.f32.s32 v7;
	_ =	sdelay $0x1  }
0x351: {  	vm15 =	vgt.s32 v7, $0x0  }
0x352: {  	v7 =	vnsel vm15, $0x0, v7  }
0x353: {  	v7 =	vmin.u32 v7, $0x3  }
0x354: {  	v7 =	vshll.u32 v4, v7  }
0x355: {  	[tilespmem:$0x21B0] =	vst v7  }
0x356: {  	v7 =	vld [tilespmem:s4+$0x1C0];
	_ =	sdelay $0x4  }
0x357: {  	v7 =	vsub.f32 v7, v5;
	_ =	sdelay $0x1  }
0x358: {  	v7 =	vmul.f32 v7, v6;
	_ =	sdelay $0x1  }
0x359: {  	v7 =	vmul.f32 $3.999999050e+00, v7;
	_ =	sdelay $0x1  }
0x35a: {  	v7 =	vtrunc.f32 v7  }
0x35b: {  	v7 =	vcvt.f32.s32 v7;
	_ =	sdelay $0x1  }
0x35c: {  	vm4 =	vgt.s32 v7, $0x0  }
0x35d: {  	v7 =	vnsel vm4, $0x0, v7  }
0x35e: {  	v7 =	vmin.u32 v7, $0x3  }
0x35f: {  	v7 =	vshll.u32 v4, v7  }
0x360: {  	[tilespmem:$0x21C0] =	vst v7  }
0x361: {  	v7 =	vld [tilespmem:s4+$0x1D0];
	_ =	sdelay $0x4  }
0x362: {  	v7 =	vsub.f32 v7, v5;
	_ =	sdelay $0x1  }
0x363: {  	v7 =	vmul.f32 v7, v6;
	_ =	sdelay $0x1  }
0x364: {  	v7 =	vmul.f32 $3.999999050e+00, v7;
	_ =	sdelay $0x1  }
0x365: {  	v7 =	vtrunc.f32 v7  }
0x366: {  	v7 =	vcvt.f32.s32 v7;
	_ =	sdelay $0x1  }
0x367: {  	vm5 =	vgt.s32 v7, $0x0  }
0x368: {  	v7 =	vnsel vm5, $0x0, v7  }
0x369: {  	v7 =	vmin.u32 v7, $0x3  }
0x36a: {  	v7 =	vshll.u32 v4, v7  }
0x36b: {  	[tilespmem:$0x21D0] =	vst v7  }
0x36c: {  	v7 =	vld [tilespmem:s4+$0x1E0];
	_ =	sdelay $0x4  }
0x36d: {  	v7 =	vsub.f32 v7, v5;
	_ =	sdelay $0x1  }
0x36e: {  	v7 =	vmul.f32 v7, v6;
	_ =	sdelay $0x1  }
0x36f: {  	v7 =	vmul.f32 $3.999999050e+00, v7;
	_ =	sdelay $0x1  }
0x370: {  	v7 =	vtrunc.f32 v7  }
0x371: {  	v7 =	vcvt.f32.s32 v7;
	_ =	sdelay $0x1  }
0x372: {  	vm6 =	vgt.s32 v7, $0x0  }
0x373: {  	v7 =	vnsel vm6, $0x0, v7  }
0x374: {  	v7 =	vmin.u32 v7, $0x3  }
0x375: {  	v7 =	vshll.u32 v4, v7  }
0x376: {  	[tilespmem:$0x21E0] =	vst v7  }
0x377: {  	v7 =	vld [tilespmem:s4+$0x1F0];
	_ =	sdelay $0x4  }
0x378: {  	v7 =	vsub.f32 v7, v5;
	_ =	sdelay $0x1  }
0x379: {  	v7 =	vmul.f32 v7, v6;
	_ =	sdelay $0x1  }
0x37a: {  	v7 =	vmul.f32 $3.999999050e+00, v7;
	_ =	sdelay $0x1  }
0x37b: {  	v7 =	vtrunc.f32 v7  }
0x37c: {  	v7 =	vcvt.f32.s32 v7;
	_ =	sdelay $0x1  }
0x37d: {  	vm7 =	vgt.s32 v7, $0x0  }
0x37e: {  	v7 =	vnsel vm7, $0x0, v7  }
0x37f: {  	v7 =	vmin.u32 v7, $0x3  }
0x380: {  	v7 =	vshll.u32 v4, v7  }
0x381: {  	[tilespmem:$0x21F0] =	vst v7  }
0x382: {  	v7 =	vld [tilespmem:s4+$0x200];
	_ =	sdelay $0x4  }
0x383: {  	v7 =	vsub.f32 v7, v5;
	_ =	sdelay $0x1  }
0x384: {  	v7 =	vmul.f32 v7, v6;
	_ =	sdelay $0x1  }
0x385: {  	v7 =	vmul.f32 $3.999999050e+00, v7;
	_ =	sdelay $0x1  }
0x386: {  	v7 =	vtrunc.f32 v7  }
0x387: {  	v7 =	vcvt.f32.s32 v7;
	_ =	sdelay $0x1  }
0x388: {  	vm8 =	vgt.s32 v7, $0x0  }
0x389: {  	v7 =	vnsel vm8, $0x0, v7  }
0x38a: {  	v7 =	vmin.u32 v7, $0x3  }
0x38b: {  	v7 =	vshll.u32 v4, v7  }
0x38c: {  	[tilespmem:$0x2200] =	vst v7  }
0x38d: {  	v7 =	vld [tilespmem:s4+$0x210];
	_ =	sdelay $0x4  }
0x38e: {  	v7 =	vsub.f32 v7, v5;
	_ =	sdelay $0x1  }
0x38f: {  	v7 =	vmul.f32 v7, v6;
	_ =	sdelay $0x1  }
0x390: {  	v7 =	vmul.f32 $3.999999050e+00, v7;
	_ =	sdelay $0x1  }
0x391: {  	v7 =	vtrunc.f32 v7  }
0x392: {  	v7 =	vcvt.f32.s32 v7;
	_ =	sdelay $0x1  }
0x393: {  	vm9 =	vgt.s32 v7, $0x0  }
0x394: {  	v7 =	vnsel vm9, $0x0, v7  }
0x395: {  	v7 =	vmin.u32 v7, $0x3  }
0x396: {  	v7 =	vshll.u32 v4, v7  }
0x397: {  	[tilespmem:$0x2210] =	vst v7  }
0x398: {  	v7 =	vld [tilespmem:s4+$0x220];
	_ =	sdelay $0x4  }
0x399: {  	v7 =	vsub.f32 v7, v5;
	_ =	sdelay $0x1  }
0x39a: {  	v7 =	vmul.f32 v7, v6;
	_ =	sdelay $0x1  }
0x39b: {  	v7 =	vmul.f32 $3.999999050e+00, v7;
	_ =	sdelay $0x1  }
0x39c: {  	v7 =	vtrunc.f32 v7  }
0x39d: {  	v7 =	vcvt.f32.s32 v7;
	_ =	sdelay $0x1  }
0x39e: {  	vm10 =	vgt.s32 v7, $0x0  }
0x39f: {  	v7 =	vnsel vm10, $0x0, v7  }
0x3a0: {  	v7 =	vmin.u32 v7, $0x3  }
0x3a1: {  	v7 =	vshll.u32 v4, v7  }
0x3a2: {  	[tilespmem:$0x2220] =	vst v7  }
0x3a3: {  	v7 =	vld [tilespmem:s4+$0x230];
	_ =	sdelay $0x4  }
0x3a4: {  	v7 =	vsub.f32 v7, v5;
	_ =	sdelay $0x1  }
0x3a5: {  	v7 =	vmul.f32 v7, v6;
	_ =	sdelay $0x1  }
0x3a6: {  	v7 =	vmul.f32 $3.999999050e+00, v7;
	_ =	sdelay $0x1  }
0x3a7: {  	v7 =	vtrunc.f32 v7  }
0x3a8: {  	v7 =	vcvt.f32.s32 v7;
	_ =	sdelay $0x1  }
0x3a9: {  	vm11 =	vgt.s32 v7, $0x0  }
0x3aa: {  	v7 =	vnsel vm11, $0x0, v7  }
0x3ab: {  	v7 =	vmin.u32 v7, $0x3  }
0x3ac: {  	v7 =	vshll.u32 v4, v7  }
0x3ad: {  	[tilespmem:$0x2230] =	vst v7  }
0x3ae: {  	v7 =	vld [tilespmem:s4+$0x240];
	_ =	sdelay $0x4  }
0x3af: {  	v7 =	vsub.f32 v7, v5;
	_ =	sdelay $0x1  }
0x3b0: {  	v7 =	vmul.f32 v7, v6;
	_ =	sdelay $0x1  }
0x3b1: {  	v7 =	vmul.f32 $3.999999050e+00, v7;
	_ =	sdelay $0x1  }
0x3b2: {  	v7 =	vtrunc.f32 v7  }
0x3b3: {  	v7 =	vcvt.f32.s32 v7;
	_ =	sdelay $0x1  }
0x3b4: {  	vm12 =	vgt.s32 v7, $0x0  }
0x3b5: {  	v7 =	vnsel vm12, $0x0, v7  }
0x3b6: {  	v7 =	vmin.u32 v7, $0x3  }
0x3b7: {  	v7 =	vshll.u32 v4, v7  }
0x3b8: {  	[tilespmem:$0x2240] =	vst v7  }
0x3b9: {  	v7 =	vld [tilespmem:s4+$0x250];
	_ =	sdelay $0x4  }
0x3ba: {  	v7 =	vsub.f32 v7, v5;
	_ =	sdelay $0x1  }
0x3bb: {  	v7 =	vmul.f32 v7, v6;
	_ =	sdelay $0x1  }
0x3bc: {  	v7 =	vmul.f32 $3.999999050e+00, v7;
	_ =	sdelay $0x1  }
0x3bd: {  	v7 =	vtrunc.f32 v7  }
0x3be: {  	v7 =	vcvt.f32.s32 v7;
	_ =	sdelay $0x1  }
0x3bf: {  	vm13 =	vgt.s32 v7, $0x0  }
0x3c0: {  	v7 =	vnsel vm13, $0x0, v7  }
0x3c1: {  	v7 =	vmin.u32 v7, $0x3  }
0x3c2: {  	v7 =	vshll.u32 v4, v7  }
0x3c3: {  	[tilespmem:$0x2250] =	vst v7  }
0x3c4: {  	v7 =	vld [tilespmem:s4+$0x260];
	_ =	sdelay $0x4  }
0x3c5: {  	v7 =	vsub.f32 v7, v5;
	_ =	sdelay $0x1  }
0x3c6: {  	v7 =	vmul.f32 v7, v6;
	_ =	sdelay $0x1  }
0x3c7: {  	v7 =	vmul.f32 $3.999999050e+00, v7;
	_ =	sdelay $0x1  }
0x3c8: {  	v7 =	vtrunc.f32 v7  }
0x3c9: {  	v7 =	vcvt.f32.s32 v7;
	_ =	sdelay $0x1  }
0x3ca: {  	vm14 =	vgt.s32 v7, $0x0  }
0x3cb: {  	v7 =	vnsel vm14, $0x0, v7  }
0x3cc: {  	v7 =	vmin.u32 v7, $0x3  }
0x3cd: {  	v7 =	vshll.u32 v4, v7  }
0x3ce: {  	[tilespmem:$0x2260] =	vst v7  }
0x3cf: {  	v7 =	vld [tilespmem:s4+$0x270];
	_ =	sdelay $0x4  }
0x3d0: {  	v7 =	vsub.f32 v7, v5;
	_ =	sdelay $0x1  }
0x3d1: {  	v7 =	vmul.f32 v7, v6;
	_ =	sdelay $0x1  }
0x3d2: {  	v7 =	vmul.f32 $3.999999050e+00, v7;
	_ =	sdelay $0x1  }
0x3d3: {  	v7 =	vtrunc.f32 v7  }
0x3d4: {  	v7 =	vcvt.f32.s32 v7;
	_ =	sdelay $0x1  }
0x3d5: {  	vm15 =	vgt.s32 v7, $0x0  }
0x3d6: {  	v7 =	vnsel vm15, $0x0, v7  }
0x3d7: {  	v7 =	vmin.u32 v7, $0x3  }
0x3d8: {  	v7 =	vshll.u32 v4, v7  }
0x3d9: {  	[tilespmem:$0x2270] =	vst v7  }
0x3da: {  	v7 =	vld [tilespmem:s4+$0x280];
	_ =	sdelay $0x4  }
0x3db: {  	v7 =	vsub.f32 v7, v5;
	_ =	sdelay $0x1  }
0x3dc: {  	v7 =	vmul.f32 v7, v6;
	_ =	sdelay $0x1  }
0x3dd: {  	v7 =	vmul.f32 $3.999999050e+00, v7;
	_ =	sdelay $0x1  }
0x3de: {  	v7 =	vtrunc.f32 v7  }
0x3df: {  	v7 =	vcvt.f32.s32 v7;
	_ =	sdelay $0x1  }
0x3e0: {  	vm4 =	vgt.s32 v7, $0x0  }
0x3e1: {  	v7 =	vnsel vm4, $0x0, v7  }
0x3e2: {  	v7 =	vmin.u32 v7, $0x3  }
0x3e3: {  	v7 =	vshll.u32 v4, v7  }
0x3e4: {  	[tilespmem:$0x2280] =	vst v7  }
0x3e5: {  	v7 =	vld [tilespmem:s4+$0x290];
	_ =	sdelay $0x4  }
0x3e6: {  	v7 =	vsub.f32 v7, v5;
	_ =	sdelay $0x1  }
0x3e7: {  	v7 =	vmul.f32 v7, v6;
	_ =	sdelay $0x1  }
0x3e8: {  	v7 =	vmul.f32 $3.999999050e+00, v7;
	_ =	sdelay $0x1  }
0x3e9: {  	v7 =	vtrunc.f32 v7  }
0x3ea: {  	v7 =	vcvt.f32.s32 v7;
	_ =	sdelay $0x1  }
0x3eb: {  	vm5 =	vgt.s32 v7, $0x0  }
0x3ec: {  	v7 =	vnsel vm5, $0x0, v7  }
0x3ed: {  	v7 =	vmin.u32 v7, $0x3  }
0x3ee: {  	v7 =	vshll.u32 v4, v7  }
0x3ef: {  	[tilespmem:$0x2290] =	vst v7  }
0x3f0: {  	v7 =	vld [tilespmem:s4+$0x2A0];
	_ =	sdelay $0x4  }
0x3f1: {  	v7 =	vsub.f32 v7, v5;
	_ =	sdelay $0x1  }
0x3f2: {  	v7 =	vmul.f32 v7, v6;
	_ =	sdelay $0x1  }
0x3f3: {  	v7 =	vmul.f32 $3.999999050e+00, v7;
	_ =	sdelay $0x1  }
0x3f4: {  	v7 =	vtrunc.f32 v7  }
0x3f5: {  	v7 =	vcvt.f32.s32 v7;
	_ =	sdelay $0x1  }
0x3f6: {  	vm6 =	vgt.s32 v7, $0x0  }
0x3f7: {  	v7 =	vnsel vm6, $0x0, v7  }
0x3f8: {  	v7 =	vmin.u32 v7, $0x3  }
0x3f9: {  	v7 =	vshll.u32 v4, v7  }
0x3fa: {  	[tilespmem:$0x22A0] =	vst v7  }
0x3fb: {  	v7 =	vld [tilespmem:s4+$0x2B0];
	_ =	sdelay $0x4  }
0x3fc: {  	v7 =	vsub.f32 v7, v5;
	_ =	sdelay $0x1  }
0x3fd: {  	v7 =	vmul.f32 v7, v6;
	_ =	sdelay $0x1  }
0x3fe: {  	v7 =	vmul.f32 $3.999999050e+00, v7;
	_ =	sdelay $0x1  }
0x3ff: {  	v7 =	vtrunc.f32 v7  }
0x400: {  	v7 =	vcvt.f32.s32 v7;
	_ =	sdelay $0x1  }
0x401: {  	vm7 =	vgt.s32 v7, $0x0  }
0x402: {  	v7 =	vnsel vm7, $0x0, v7  }
0x403: {  	v7 =	vmin.u32 v7, $0x3  }
0x404: {  	v7 =	vshll.u32 v4, v7  }
0x405: {  	[tilespmem:$0x22B0] =	vst v7  }
0x406: {  	v7 =	vld [tilespmem:s4+$0x2C0];
	_ =	sdelay $0x4  }
0x407: {  	v7 =	vsub.f32 v7, v5;
	_ =	sdelay $0x1  }
0x408: {  	v7 =	vmul.f32 v7, v6;
	_ =	sdelay $0x1  }
0x409: {  	v7 =	vmul.f32 $3.999999050e+00, v7;
	_ =	sdelay $0x1  }
0x40a: {  	v7 =	vtrunc.f32 v7  }
0x40b: {  	v7 =	vcvt.f32.s32 v7;
	_ =	sdelay $0x1  }
0x40c: {  	vm8 =	vgt.s32 v7, $0x0  }
0x40d: {  	v7 =	vnsel vm8, $0x0, v7  }
0x40e: {  	v7 =	vmin.u32 v7, $0x3  }
0x40f: {  	v7 =	vshll.u32 v4, v7  }
0x410: {  	[tilespmem:$0x22C0] =	vst v7  }
0x411: {  	v7 =	vld [tilespmem:s4+$0x2D0];
	_ =	sdelay $0x4  }
0x412: {  	v7 =	vsub.f32 v7, v5;
	_ =	sdelay $0x1  }
0x413: {  	v7 =	vmul.f32 v7, v6;
	_ =	sdelay $0x1  }
0x414: {  	v7 =	vmul.f32 $3.999999050e+00, v7;
	_ =	sdelay $0x1  }
0x415: {  	v7 =	vtrunc.f32 v7  }
0x416: {  	v7 =	vcvt.f32.s32 v7;
	_ =	sdelay $0x1  }
0x417: {  	vm9 =	vgt.s32 v7, $0x0  }
0x418: {  	v7 =	vnsel vm9, $0x0, v7  }
0x419: {  	v7 =	vmin.u32 v7, $0x3  }
0x41a: {  	v7 =	vshll.u32 v4, v7  }
0x41b: {  	[tilespmem:$0x22D0] =	vst v7  }
0x41c: {  	v7 =	vld [tilespmem:s4+$0x2E0];
	_ =	sdelay $0x4  }
0x41d: {  	v7 =	vsub.f32 v7, v5;
	_ =	sdelay $0x1  }
0x41e: {  	v7 =	vmul.f32 v7, v6;
	_ =	sdelay $0x1  }
0x41f: {  	v7 =	vmul.f32 $3.999999050e+00, v7;
	_ =	sdelay $0x1  }
0x420: {  	v7 =	vtrunc.f32 v7  }
0x421: {  	v7 =	vcvt.f32.s32 v7;
	_ =	sdelay $0x1  }
0x422: {  	vm10 =	vgt.s32 v7, $0x0  }
0x423: {  	v7 =	vnsel vm10, $0x0, v7  }
0x424: {  	v7 =	vmin.u32 v7, $0x3  }
0x425: {  	v7 =	vshll.u32 v4, v7  }
0x426: {  	[tilespmem:$0x22E0] =	vst v7  }
0x427: {  	v7 =	vld [tilespmem:s4+$0x2F0];
	_ =	sdelay $0x4  }
0x428: {  	v7 =	vsub.f32 v7, v5;
	_ =	sdelay $0x1  }
0x429: {  	v7 =	vmul.f32 v7, v6;
	_ =	sdelay $0x1  }
0x42a: {  	v7 =	vmul.f32 $3.999999050e+00, v7;
	_ =	sdelay $0x1  }
0x42b: {  	v7 =	vtrunc.f32 v7  }
0x42c: {  	v7 =	vcvt.f32.s32 v7;
	_ =	sdelay $0x1  }
0x42d: {  	vm11 =	vgt.s32 v7, $0x0  }
0x42e: {  	v7 =	vnsel vm11, $0x0, v7  }
0x42f: {  	v7 =	vmin.u32 v7, $0x3  }
0x430: {  	v7 =	vshll.u32 v4, v7  }
0x431: {  	[tilespmem:$0x22F0] =	vst v7  }
0x432: {  	v7 =	vld [tilespmem:s4+$0x300];
	_ =	sdelay $0x4  }
0x433: {  	v7 =	vsub.f32 v7, v5;
	_ =	sdelay $0x1  }
0x434: {  	v7 =	vmul.f32 v7, v6;
	_ =	sdelay $0x1  }
0x435: {  	v7 =	vmul.f32 $3.999999050e+00, v7;
	_ =	sdelay $0x1  }
0x436: {  	v7 =	vtrunc.f32 v7  }
0x437: {  	v7 =	vcvt.f32.s32 v7;
	_ =	sdelay $0x1  }
0x438: {  	vm12 =	vgt.s32 v7, $0x0  }
0x439: {  	v7 =	vnsel vm12, $0x0, v7  }
0x43a: {  	v7 =	vmin.u32 v7, $0x3  }
0x43b: {  	v7 =	vshll.u32 v4, v7  }
0x43c: {  	[tilespmem:$0x2300] =	vst v7  }
0x43d: {  	v7 =	vld [tilespmem:s4+$0x310];
	_ =	sdelay $0x4  }
0x43e: {  	v7 =	vsub.f32 v7, v5;
	_ =	sdelay $0x1  }
0x43f: {  	v7 =	vmul.f32 v7, v6;
	_ =	sdelay $0x1  }
0x440: {  	v7 =	vmul.f32 $3.999999050e+00, v7;
	_ =	sdelay $0x1  }
0x441: {  	v7 =	vtrunc.f32 v7  }
0x442: {  	v7 =	vcvt.f32.s32 v7;
	_ =	sdelay $0x1  }
0x443: {  	vm13 =	vgt.s32 v7, $0x0  }
0x444: {  	v7 =	vnsel vm13, $0x0, v7  }
0x445: {  	v7 =	vmin.u32 v7, $0x3  }
0x446: {  	v7 =	vshll.u32 v4, v7  }
0x447: {  	[tilespmem:$0x2310] =	vst v7  }
0x448: {  	v7 =	vld [tilespmem:s4+$0x320];
	_ =	sdelay $0x4  }
0x449: {  	v7 =	vsub.f32 v7, v5;
	_ =	sdelay $0x1  }
0x44a: {  	v7 =	vmul.f32 v7, v6;
	_ =	sdelay $0x1  }
0x44b: {  	v7 =	vmul.f32 $3.999999050e+00, v7;
	_ =	sdelay $0x1  }
0x44c: {  	v7 =	vtrunc.f32 v7  }
0x44d: {  	v7 =	vcvt.f32.s32 v7;
	_ =	sdelay $0x1  }
0x44e: {  	vm14 =	vgt.s32 v7, $0x0  }
0x44f: {  	v7 =	vnsel vm14, $0x0, v7  }
0x450: {  	v7 =	vmin.u32 v7, $0x3  }
0x451: {  	v7 =	vshll.u32 v4, v7  }
0x452: {  	[tilespmem:$0x2320] =	vst v7  }
0x453: {  	v7 =	vld [tilespmem:s4+$0x330];
	_ =	sdelay $0x4  }
0x454: {  	v7 =	vsub.f32 v7, v5;
	_ =	sdelay $0x1  }
0x455: {  	v7 =	vmul.f32 v7, v6;
	_ =	sdelay $0x1  }
0x456: {  	v7 =	vmul.f32 $3.999999050e+00, v7;
	_ =	sdelay $0x1  }
0x457: {  	v7 =	vtrunc.f32 v7  }
0x458: {  	v7 =	vcvt.f32.s32 v7;
	_ =	sdelay $0x1  }
0x459: {  	vm15 =	vgt.s32 v7, $0x0  }
0x45a: {  	v7 =	vnsel vm15, $0x0, v7  }
0x45b: {  	v7 =	vmin.u32 v7, $0x3  }
0x45c: {  	v7 =	vshll.u32 v4, v7  }
0x45d: {  	[tilespmem:$0x2330] =	vst v7  }
0x45e: {  	v7 =	vld [tilespmem:s4+$0x340];
	_ =	sdelay $0x4  }
0x45f: {  	v7 =	vsub.f32 v7, v5;
	_ =	sdelay $0x1  }
0x460: {  	v7 =	vmul.f32 v7, v6;
	_ =	sdelay $0x1  }
0x461: {  	v7 =	vmul.f32 $3.999999050e+00, v7;
	_ =	sdelay $0x1  }
0x462: {  	v7 =	vtrunc.f32 v7  }
0x463: {  	v7 =	vcvt.f32.s32 v7;
	_ =	sdelay $0x1  }
0x464: {  	vm4 =	vgt.s32 v7, $0x0  }
0x465: {  	v7 =	vnsel vm4, $0x0, v7  }
0x466: {  	v7 =	vmin.u32 v7, $0x3  }
0x467: {  	v7 =	vshll.u32 v4, v7  }
0x468: {  	[tilespmem:$0x2340] =	vst v7  }
0x469: {  	v7 =	vld [tilespmem:s4+$0x350];
	_ =	sdelay $0x4  }
0x46a: {  	v7 =	vsub.f32 v7, v5;
	_ =	sdelay $0x1  }
0x46b: {  	v7 =	vmul.f32 v7, v6;
	_ =	sdelay $0x1  }
0x46c: {  	v7 =	vmul.f32 $3.999999050e+00, v7;
	_ =	sdelay $0x1  }
0x46d: {  	v7 =	vtrunc.f32 v7  }
0x46e: {  	v7 =	vcvt.f32.s32 v7;
	_ =	sdelay $0x1  }
0x46f: {  	vm5 =	vgt.s32 v7, $0x0  }
0x470: {  	v7 =	vnsel vm5, $0x0, v7  }
0x471: {  	v7 =	vmin.u32 v7, $0x3  }
0x472: {  	v7 =	vshll.u32 v4, v7  }
0x473: {  	[tilespmem:$0x2350] =	vst v7  }
0x474: {  	v7 =	vld [tilespmem:s4+$0x360];
	_ =	sdelay $0x4  }
0x475: {  	v7 =	vsub.f32 v7, v5;
	_ =	sdelay $0x1  }
0x476: {  	v7 =	vmul.f32 v7, v6;
	_ =	sdelay $0x1  }
0x477: {  	v7 =	vmul.f32 $3.999999050e+00, v7;
	_ =	sdelay $0x1  }
0x478: {  	v7 =	vtrunc.f32 v7  }
0x479: {  	v7 =	vcvt.f32.s32 v7;
	_ =	sdelay $0x1  }
0x47a: {  	vm6 =	vgt.s32 v7, $0x0  }
0x47b: {  	v7 =	vnsel vm6, $0x0, v7  }
0x47c: {  	v7 =	vmin.u32 v7, $0x3  }
0x47d: {  	v7 =	vshll.u32 v4, v7  }
0x47e: {  	[tilespmem:$0x2360] =	vst v7  }
0x47f: {  	v7 =	vld [tilespmem:s4+$0x370];
	_ =	sdelay $0x4  }
0x480: {  	v7 =	vsub.f32 v7, v5;
	_ =	sdelay $0x1  }
0x481: {  	v7 =	vmul.f32 v7, v6;
	_ =	sdelay $0x1  }
0x482: {  	v7 =	vmul.f32 $3.999999050e+00, v7;
	_ =	sdelay $0x1  }
0x483: {  	v7 =	vtrunc.f32 v7  }
0x484: {  	v7 =	vcvt.f32.s32 v7;
	_ =	sdelay $0x1  }
0x485: {  	vm7 =	vgt.s32 v7, $0x0  }
0x486: {  	v7 =	vnsel vm7, $0x0, v7  }
0x487: {  	v7 =	vmin.u32 v7, $0x3  }
0x488: {  	v7 =	vshll.u32 v4, v7  }
0x489: {  	[tilespmem:$0x2370] =	vst v7  }
0x48a: {  	v7 =	vld [tilespmem:s4+$0x380];
	_ =	sdelay $0x4  }
0x48b: {  	v7 =	vsub.f32 v7, v5;
	_ =	sdelay $0x1  }
0x48c: {  	v7 =	vmul.f32 v7, v6;
	_ =	sdelay $0x1  }
0x48d: {  	v7 =	vmul.f32 $3.999999050e+00, v7;
	_ =	sdelay $0x1  }
0x48e: {  	v7 =	vtrunc.f32 v7  }
0x48f: {  	v7 =	vcvt.f32.s32 v7;
	_ =	sdelay $0x1  }
0x490: {  	vm8 =	vgt.s32 v7, $0x0  }
0x491: {  	v7 =	vnsel vm8, $0x0, v7  }
0x492: {  	v7 =	vmin.u32 v7, $0x3  }
0x493: {  	v7 =	vshll.u32 v4, v7  }
0x494: {  	[tilespmem:$0x2380] =	vst v7  }
0x495: {  	v7 =	vld [tilespmem:s4+$0x390];
	_ =	sdelay $0x4  }
0x496: {  	v7 =	vsub.f32 v7, v5;
	_ =	sdelay $0x1  }
0x497: {  	v7 =	vmul.f32 v7, v6;
	_ =	sdelay $0x1  }
0x498: {  	v7 =	vmul.f32 $3.999999050e+00, v7;
	_ =	sdelay $0x1  }
0x499: {  	v7 =	vtrunc.f32 v7  }
0x49a: {  	v7 =	vcvt.f32.s32 v7;
	_ =	sdelay $0x1  }
0x49b: {  	vm9 =	vgt.s32 v7, $0x0  }
0x49c: {  	v7 =	vnsel vm9, $0x0, v7  }
0x49d: {  	v7 =	vmin.u32 v7, $0x3  }
0x49e: {  	v7 =	vshll.u32 v4, v7  }
0x49f: {  	[tilespmem:$0x2390] =	vst v7  }
0x4a0: {  	v7 =	vld [tilespmem:s4+$0x3A0];
	_ =	sdelay $0x4  }
0x4a1: {  	v7 =	vsub.f32 v7, v5;
	_ =	sdelay $0x1  }
0x4a2: {  	v7 =	vmul.f32 v7, v6;
	_ =	sdelay $0x1  }
0x4a3: {  	v7 =	vmul.f32 $3.999999050e+00, v7;
	_ =	sdelay $0x1  }
0x4a4: {  	v7 =	vtrunc.f32 v7  }
0x4a5: {  	v7 =	vcvt.f32.s32 v7;
	_ =	sdelay $0x1  }
0x4a6: {  	vm10 =	vgt.s32 v7, $0x0  }
0x4a7: {  	v7 =	vnsel vm10, $0x0, v7  }
0x4a8: {  	v7 =	vmin.u32 v7, $0x3  }
0x4a9: {  	v7 =	vshll.u32 v4, v7  }
0x4aa: {  	[tilespmem:$0x23A0] =	vst v7  }
0x4ab: {  	v7 =	vld [tilespmem:s4+$0x3B0];
	_ =	sdelay $0x4  }
0x4ac: {  	v7 =	vsub.f32 v7, v5;
	_ =	sdelay $0x1  }
0x4ad: {  	v7 =	vmul.f32 v7, v6;
	_ =	sdelay $0x1  }
0x4ae: {  	v7 =	vmul.f32 $3.999999050e+00, v7;
	_ =	sdelay $0x1  }
0x4af: {  	v7 =	vtrunc.f32 v7  }
0x4b0: {  	v7 =	vcvt.f32.s32 v7;
	_ =	sdelay $0x1  }
0x4b1: {  	vm11 =	vgt.s32 v7, $0x0  }
0x4b2: {  	v7 =	vnsel vm11, $0x0, v7  }
0x4b3: {  	v7 =	vmin.u32 v7, $0x3  }
0x4b4: {  	v7 =	vshll.u32 v4, v7  }
0x4b5: {  	[tilespmem:$0x23B0] =	vst v7  }
0x4b6: {  	v7 =	vld [tilespmem:s4+$0x3C0];
	_ =	sdelay $0x4  }
0x4b7: {  	v7 =	vsub.f32 v7, v5;
	_ =	sdelay $0x1  }
0x4b8: {  	v7 =	vmul.f32 v7, v6;
	_ =	sdelay $0x1  }
0x4b9: {  	v7 =	vmul.f32 $3.999999050e+00, v7;
	_ =	sdelay $0x1  }
0x4ba: {  	v7 =	vtrunc.f32 v7  }
0x4bb: {  	v7 =	vcvt.f32.s32 v7;
	_ =	sdelay $0x1  }
0x4bc: {  	vm12 =	vgt.s32 v7, $0x0  }
0x4bd: {  	v7 =	vnsel vm12, $0x0, v7  }
0x4be: {  	v7 =	vmin.u32 v7, $0x3  }
0x4bf: {  	v7 =	vshll.u32 v4, v7  }
0x4c0: {  	[tilespmem:$0x23C0] =	vst v7  }
0x4c1: {  	v7 =	vld [tilespmem:s4+$0x3D0];
	_ =	sdelay $0x4  }
0x4c2: {  	v7 =	vsub.f32 v7, v5;
	_ =	sdelay $0x1  }
0x4c3: {  	v7 =	vmul.f32 v7, v6;
	_ =	sdelay $0x1  }
0x4c4: {  	v7 =	vmul.f32 $3.999999050e+00, v7;
	_ =	sdelay $0x1  }
0x4c5: {  	v7 =	vtrunc.f32 v7  }
0x4c6: {  	v7 =	vcvt.f32.s32 v7;
	_ =	sdelay $0x1  }
0x4c7: {  	vm13 =	vgt.s32 v7, $0x0  }
0x4c8: {  	v7 =	vnsel vm13, $0x0, v7  }
0x4c9: {  	v7 =	vmin.u32 v7, $0x3  }
0x4ca: {  	v7 =	vshll.u32 v4, v7  }
0x4cb: {  	[tilespmem:$0x23D0] =	vst v7  }
0x4cc: {  	v7 =	vld [tilespmem:s4+$0x3E0];
	_ =	sdelay $0x4  }
0x4cd: {  	v7 =	vsub.f32 v7, v5;
	_ =	sdelay $0x1  }
0x4ce: {  	v7 =	vmul.f32 v7, v6;
	_ =	sdelay $0x1  }
0x4cf: {  	v7 =	vmul.f32 $3.999999050e+00, v7;
	_ =	sdelay $0x1  }
0x4d0: {  	v7 =	vtrunc.f32 v7  }
0x4d1: {  	v7 =	vcvt.f32.s32 v7;
	_ =	sdelay $0x1  }
0x4d2: {  	vm14 =	vgt.s32 v7, $0x0  }
0x4d3: {  	v7 =	vnsel vm14, $0x0, v7  }
0x4d4: {  	v7 =	vmin.u32 v7, $0x3  }
0x4d5: {  	v7 =	vshll.u32 v4, v7  }
0x4d6: {  	[tilespmem:$0x23E0] =	vst v7  }
0x4d7: {  	v7 =	vld [tilespmem:s4+$0x3F0];
	_ =	sdelay $0x4  }
0x4d8: {  	v5 =	vsub.f32 v7, v5;
	_ =	sdelay $0x1  }
0x4d9: {  	v5 =	vmul.f32 v5, v6;
	_ =	sdelay $0x1  }
0x4da: {  	v5 =	vmul.f32 $3.999999050e+00, v5;
	_ =	sdelay $0x1  }
0x4db: {  	v5 =	vtrunc.f32 v5  }
0x4dc: {  	v5 =	vcvt.f32.s32 v5;
	_ =	sdelay $0x1  }
0x4dd: {  	vm15 =	vgt.s32 v5, $0x0  }
0x4de: {  	v5 =	vnsel vm15, $0x0, v5  }
0x4df: {  	v5 =	vmin.u32 v5, $0x3  }
0x4e0: {  	p0 =	sne.s32 s6, $0x1;
	v5 =	vshll.u32 v4, v5  }
.Ltmp0:
0x4e1: {  	[tilespmem:$0x23F0] =	vst v5;
	(pc) =	sbr.rel @p0 .LBB2_1-.Ltmp0, $4  }
0x4e2: {  	[hbm4b:s5+s7] =	stream.strided.scatter [tilespmem:s10], [sflag:$0x1], $0x400, s8, s7, $0x38;
	[tilespmem:$0x2400] =	vst v63  }
0x4e3: {  	_ =	swait.ge [sflag:s9], $0x400  }
0x4e4: {  	[sflag:s9] =	ssyncset.done $0x0  }
0x4e5: {  	s6 =	sadd.s32 $0xFFFFFFFF, s6;
	[sflag:s9] =	ssyncadd.s32 $0xFFFFFC00  }
0x4e6: {  	_ =	sfence.sel $0x180000  }
0x4e7: {  	[bflag:$0x0] =	sbarrier.arrive $0xFFFF  }
0x4e8: {  	p0 =	sne.s32 s2, $0x0;
	_ =	strace $0x90000047  }
0x4e9: {  	s0 =	sadd.s32 @!p0 $0x100000, s0;
	[bflag:$0x2] =	sbarrier.arrive $0xFFFF  }
0x4ea: {  	[sflag:s0] =	ssyncadd.tile.s32 @!p0 $0x1;
	_ =	shalt  }
.Lfunc_end2:
_tile_overlayer_lowered:
.L_overlay_start_2:
0x4eb: {  	(tag) =	ssettag $0x2  }
0x4ec: {  	s0 =	rddreg [dreg:$0x0];
	s2 =	stileid.u32  }
0x4ed: {  	s1 =	rddreg [dreg:$0x1];
	p0 =	sne.s32 s2, $0x0  }
0x4ee: {  	s3 =	rddreg [dreg:$0x2];
	[bflag:$0x3] =	sbarrier.arrive $0xFFFF;
	s2 =	simm.s32 @!p0 $0x1C01  }
0x4ef: {  	[timem:s3], [sflag:s2] =	dma.local @!p0 [hbm:s0], s1  }
0x4f0: {  	s0 =	simm.s32 @!p0 $0x1  }
0x4f1: {  	_ =	swait.ge @!p0 [sflag:s0], s1  }
0x4f2: {  	s1 =	ssub.s32 @!p0 $0x0, s1;
	[sflag:s0] =	ssyncset.done @!p0 $0x0  }
0x4f3: {  	[sflag:s0] =	ssyncadd.s32 @!p0 s1  }
0x4f4: {  	[bflag:$0x3] =	sbarrier.arrive $0xFFFF  }
0x4f5: {  	_ =	shalt  }

</sc_bundles>
